<compile_context>
chip_gen: v7x
topology: tpu7x:2x2x1
jax: 0.10.2.dev20260603
libtpu: 0.0.44.dev20260713+nightly
codegen_flags: <defaults>
</compile_context>

<pallas_src>
import jax
import jax.numpy as jnp
from jax import lax
from jax.experimental import pallas as pl
from jax.experimental.pallas import tpu as pltpu
from jax.experimental.pallas import tpu_sc as plsc

K = 32
BATCH = 16384
NC = 2
NS = 16
NW = NC * NS
BPW = BATCH // NW
L = 16
SB = 8
NBAT = BPW // SB
GROUPS = BPW // L


def _sc_body(uidx_hbm, vidx_hbm, w3_hbm, h3_hbm, dot_hbm, emb_hbm,
             idx_u, idx_v, bufs, cat, dvec, sems, sem_out):
    wid = lax.axis_index("s") * NC + lax.axis_index("c")
    base = wid * BPW

    pltpu.sync_copy(uidx_hbm.at[pl.ds(base, BPW)], idx_u)
    pltpu.sync_copy(vidx_hbm.at[pl.ds(base, BPW)], idx_v)

    def fire(uv, vv, lane0, p):
        for j in range(SB):
            u = uv[lane0 + j] >> 3
            v = vv[lane0 + j] >> 3
            pltpu.async_copy(
                w3_hbm.at[u], bufs.at[p, 0, pl.ds(j * 8, 8)], sems.at[p, 0])
            pltpu.async_copy(
                h3_hbm.at[v], bufs.at[p, 1, pl.ds(j * 8, 8)], sems.at[p, 1])

    def drain(p):
        pltpu.make_async_copy(
            w3_hbm.at[pl.ds(0, SB)], bufs.at[p, 0], sems.at[p, 0]).wait()
        pltpu.make_async_copy(
            h3_hbm.at[pl.ds(0, SB)], bufs.at[p, 1], sems.at[p, 1]).wait()

    def process(n, uv, vv, lane0, p):
        for j in range(SB):
            r = n * SB + j
            s = j * 8 + (uv[lane0 + j] & 7)
            t = j * 8 + (vv[lane0 + j] & 7)
            for half in range(2):
                cat[r, pl.ds(half * L, L)] = bufs[p, 0, s, pl.ds(half * L, L)]
                cat[r, pl.ds(K + half * L, L)] = bufs[p, 1, t, pl.ds(half * L, L)]

    uv0 = idx_u[pl.ds(0, L)]
    vv0 = idx_v[pl.ds(0, L)]
    fire(uv0, vv0, 0, 0)

    def body(it, carry):
        uv = idx_u[pl.ds(it * L, L)]
        vv = idx_v[pl.ds(it * L, L)]
        fire(uv, vv, SB, 1)
        drain(0)
        process(2 * it, uv, vv, 0, 0)

        @pl.when(2 * it + 2 < NBAT)
        def _():
            uvn = idx_u[pl.ds((it + 1) * L, L)]
            vvn = idx_v[pl.ds((it + 1) * L, L)]
            fire(uvn, vvn, 0, 0)

        drain(1)
        process(2 * it + 1, uv, vv, SB, 1)
        return carry

    lax.fori_loop(0, NBAT // 2, body, 0)

    iota16 = lax.iota(jnp.int32, L)

    def grp(g, carry):
        rows = g * L + iota16
        acc = jnp.zeros((L,), jnp.float32)
        for k in range(K):
            kv = jnp.full((L,), k, jnp.int32)
            kv2 = jnp.full((L,), K + k, jnp.int32)
            u = plsc.load_gather(cat, [rows, kv])
            v = plsc.load_gather(cat, [rows, kv2])
            acc = acc + u * v
        dvec[pl.ds(g * L, L)] = acc
        return carry

    lax.fori_loop(0, GROUPS, grp, 0)

    pltpu.async_copy(cat, emb_hbm.at[pl.ds(base, BPW)], sem_out).wait()
    pltpu.sync_copy(dvec, dot_hbm.at[pl.ds(base, BPW)])


@jax.jit
def _mf_dr(uidx, vidx, w3, h3):
    mesh = plsc.VectorSubcoreMesh(core_axis_name="c", subcore_axis_name="s")
    return pl.kernel(
        _sc_body,
        out_type=(
            jax.ShapeDtypeStruct((BATCH,), jnp.float32),
            jax.ShapeDtypeStruct((BATCH, 2 * K), jnp.float32),
        ),
        mesh=mesh,
        compiler_params=pltpu.CompilerParams(needs_layout_passes=False),
        scratch_types=[
            pltpu.VMEM((BPW,), jnp.int32),
            pltpu.VMEM((BPW,), jnp.int32),
            pltpu.VMEM((2, 2, SB * 8, K), jnp.float32),
            pltpu.VMEM((BPW, 2 * K), jnp.float32),
            pltpu.VMEM((BPW,), jnp.float32),
            pltpu.SemaphoreType.DMA((2, 2)),
            pltpu.SemaphoreType.DMA,
        ],
        name="mf_dr_sc",
    )(uidx, vidx, w3, h3)


def kernel(x, W, H):
    uidx = x[:, 0].astype(jnp.int32)
    vidx = x[:, 1].astype(jnp.int32)
    w3 = W.reshape(W.shape[0] // 8, 8, K)
    h3 = H.reshape(H.shape[0] // 8, 8, K)
    out, emb = _mf_dr(uidx, vidx, w3, h3)
    return (out, emb)

# --- scband reference (transcript-rebuilt; emitter-appended) ---
"""Pipeline reference for scband-mf-dr-25752623907463 (READ-ONLY COPY).

The authoritative reference and input builder live on the scoring server;
editing this copy changes nothing except your own understanding.
"""

import jax, jax.numpy as jnp
import numpy as np

NUM_USERS = 1000000
NUM_ITEMS = 1000000
EMBEDDING_K = 32
BATCH = 16384


def setup_inputs(seed: int = 0) -> dict:
    key = jax.random.key(seed)
    k_x, k_w, k_h = jax.random.split(key, 3)
    x = jax.random.randint(k_x, (BATCH, 2), 0, NUM_USERS, dtype=jnp.int64) if jax.config.jax_enable_x64 else jax.random.randint(k_x, (BATCH, 2), 0, NUM_USERS, dtype=jnp.int32)
    W = jax.random.normal(k_w, (NUM_USERS, EMBEDDING_K), dtype=jnp.float32)
    H = jax.random.normal(k_h, (NUM_ITEMS, EMBEDDING_K), dtype=jnp.float32)
    return {"x": x, "W": W, "H": H}


def reference(x, W, H):
    # Faithful translation of MF_DR.forward (inherits MF.forward), is_training=False path
    user_idx = x[:, 0]
    item_idx = x[:, 1]
    U_emb = jnp.take(W, user_idx, axis=0)
    V_emb = jnp.take(H, item_idx, axis=0)
    out = jnp.sum(U_emb * V_emb, axis=1)
    return (out, jnp.concatenate((U_emb, V_emb), axis=1))

if __name__ == "__main__":
    import jax
    _d = setup_inputs()
    print(jax.jit(kernel)(*tuple(_d.values())))

</pallas_src>

<mosaic_0001>
#map = affine_map<(d0, d1) -> (0)>
#map1 = affine_map<(d0, d1) -> (0, 0, 0)>
#map2 = affine_map<(d0, d1) -> (0, 0)>
module attributes {stable_mosaic.version = 14 : i64} {
  func.func @mf_dr_sc(%arg0: i32, %arg1: i32, %arg2: memref<16384xi32, #tpu.memory_space<hbm>>, %arg3: memref<16384xi32, #tpu.memory_space<hbm>>, %arg4: memref<125000x8x32xf32, #tpu.memory_space<hbm>>, %arg5: memref<125000x8x32xf32, #tpu.memory_space<hbm>>, %arg6: memref<16384xf32, #tpu.memory_space<hbm>>, %arg7: memref<16384x64xf32, #tpu.memory_space<hbm>>, %arg8: memref<512xi32, #tpu.memory_space<vmem>>, %arg9: memref<512xi32, #tpu.memory_space<vmem>>, %arg10: memref<2x2x64x32xf32, #tpu.memory_space<vmem>>, %arg11: memref<512x64xf32, #tpu.memory_space<vmem>>, %arg12: memref<512xf32, #tpu.memory_space<vmem>>, %arg13: memref<2x2x!tpu.dma_semaphore, #tpu.memory_space<semaphore_mem>>, %arg14: memref<!tpu.dma_semaphore, #tpu.memory_space<semaphore_mem>>) attributes {dimension_semantics = [#tpu.dimension_semantics<core_parallel>, #tpu.dimension_semantics<subcore_parallel>], iteration_bounds = array<i64: 2, 16>, scalar_prefetch = 0 : i64, scratch_operands = 7 : i64, tpu.core_type = #tpu.core_type<sc_vector_subcore>, window_params = [{transform_indices = #map}, {transform_indices = #map}, {transform_indices = #map1}, {transform_indices = #map1}, {transform_indices = #map}, {transform_indices = #map2}]} {
    %mul3A = arith.constant 2 : i32
    %mul3A_0 = arith.muli %arg1, %mul3A : i32
    %add3A = arith.addi %mul3A_0, %arg0 : i32
    %mul3A_1 = arith.constant 512 : i32
    %mul3A_2 = arith.muli %add3A, %mul3A_1 : i32
    "tpu.region"() ({
      %run_scoped3A = tpu.sem_alloc : memref<!tpu.dma_semaphore, #tpu.memory_space<semaphore_mem>>
      %dma_start3A_436 = tpu.memref_slice %arg2[%mul3A_2] : memref<16384xi32, #tpu.memory_space<hbm>> -> memref<512xi32, #tpu.memory_space<hbm>>
      %dma_start3A_437 = tpu.memref_slice %arg2[%mul3A_2] : memref<16384xi32, #tpu.memory_space<hbm>> -> memref<512xi32, #tpu.memory_space<hbm>>
      tpu.enqueue_dma source(%dma_start3A_437 : memref<512xi32, #tpu.memory_space<hbm>>) target(%arg8 : memref<512xi32, #tpu.memory_space<vmem>>) target_semaphore(%run_scoped3A : memref<!tpu.dma_semaphore, #tpu.memory_space<semaphore_mem>>)
      %dma_wait3A_438 = tpu.memref_slice %arg2[%mul3A_2] : memref<16384xi32, #tpu.memory_space<hbm>> -> memref<512xi32, #tpu.memory_space<hbm>>
      %dma_wait3A_439 = tpu.memref_slice %arg2[%mul3A_2] : memref<16384xi32, #tpu.memory_space<hbm>> -> memref<512xi32, #tpu.memory_space<hbm>>
      tpu.wait_dma2 semaphore(%run_scoped3A : memref<!tpu.dma_semaphore, #tpu.memory_space<semaphore_mem>>) src(%dma_wait3A_439 : memref<512xi32, #tpu.memory_space<hbm>>) dst(%arg8 : memref<512xi32, #tpu.memory_space<vmem>>)
      tpu.yield
    }) : () -> ()
    "tpu.region"() ({
      %run_scoped3A = tpu.sem_alloc : memref<!tpu.dma_semaphore, #tpu.memory_space<semaphore_mem>>
      %dma_start3A_436 = tpu.memref_slice %arg3[%mul3A_2] : memref<16384xi32, #tpu.memory_space<hbm>> -> memref<512xi32, #tpu.memory_space<hbm>>
      %dma_start3A_437 = tpu.memref_slice %arg3[%mul3A_2] : memref<16384xi32, #tpu.memory_space<hbm>> -> memref<512xi32, #tpu.memory_space<hbm>>
      tpu.enqueue_dma source(%dma_start3A_437 : memref<512xi32, #tpu.memory_space<hbm>>) target(%arg9 : memref<512xi32, #tpu.memory_space<vmem>>) target_semaphore(%run_scoped3A : memref<!tpu.dma_semaphore, #tpu.memory_space<semaphore_mem>>)
      %dma_wait3A_438 = tpu.memref_slice %arg3[%mul3A_2] : memref<16384xi32, #tpu.memory_space<hbm>> -> memref<512xi32, #tpu.memory_space<hbm>>
      %dma_wait3A_439 = tpu.memref_slice %arg3[%mul3A_2] : memref<16384xi32, #tpu.memory_space<hbm>> -> memref<512xi32, #tpu.memory_space<hbm>>
      tpu.wait_dma2 semaphore(%run_scoped3A : memref<!tpu.dma_semaphore, #tpu.memory_space<semaphore_mem>>) src(%dma_wait3A_439 : memref<512xi32, #tpu.memory_space<hbm>>) dst(%arg9 : memref<512xi32, #tpu.memory_space<vmem>>)
      tpu.yield
    }) : () -> ()
    %get3A = arith.constant 0 : index
    %get3A_3 = tpu.vector_load %arg8[%get3A] {strides = array<i32>} : memref<512xi32, #tpu.memory_space<vmem>>, vector<16xi32>,
    %get3A_4 = arith.constant 0 : index
    %get3A_5 = tpu.vector_load %arg9[%get3A_4] {strides = array<i32>} : memref<512xi32, #tpu.memory_space<vmem>>, vector<16xi32>,
    %slice3A = vector.extract_strided_slice %get3A_3 {offsets = [0], sizes = [1], strides = [1]} : vector<16xi32> to vector<1xi32>
    %squeeze3A = vector.extract %slice3A[0] : i32 from vector<1xi32>
    %shift_right_arithmetic3A = arith.constant 3 : i32
    %shift_right_arithmetic3A_6 = arith.shrsi %squeeze3A, %shift_right_arithmetic3A : i32
    %slice3A_7 = vector.extract_strided_slice %get3A_5 {offsets = [0], sizes = [1], strides = [1]} : vector<16xi32> to vector<1xi32>
    %squeeze3A_8 = vector.extract %slice3A_7[0] : i32 from vector<1xi32>
    %shift_right_arithmetic3A_9 = arith.constant 3 : i32
    %shift_right_arithmetic3A_10 = arith.shrsi %squeeze3A_8, %shift_right_arithmetic3A_9 : i32
    %dma_start3A = arith.constant 0 : i32
    %dma_start3A_11 = arith.constant 0 : i32
    %dma_start3A_12 = arith.constant 0 : i32
    %dma_start3A_13 = arith.constant 0 : i32
    %dma_start3A_14 = arith.constant 0 : i32
    %dma_start3A_15 = arith.constant 0 : i32
    %dma_start3A_16 = tpu.memref_slice %arg10[%dma_start3A, %dma_start3A_11, %dma_start3A_14, %dma_start3A_15] : memref<2x2x64x32xf32, #tpu.memory_space<vmem>> -> memref<1x1x8x32xf32, #tpu.memory_space<vmem>>
    %dma_start3A_17 = tpu.memref_squeeze %dma_start3A_16 : memref<1x1x8x32xf32, #tpu.memory_space<vmem>> -> memref<8x32xf32, #tpu.memory_space<vmem>>
    %dma_start3A_18 = arith.constant 0 : i32
    %dma_start3A_19 = arith.constant 0 : i32
    %dma_start3A_20 = tpu.memref_slice %arg4[%shift_right_arithmetic3A_6, %dma_start3A_18, %dma_start3A_19] : memref<125000x8x32xf32, #tpu.memory_space<hbm>> -> memref<1x8x32xf32, #tpu.memory_space<hbm>>
    %dma_start3A_21 = tpu.memref_squeeze %dma_start3A_20 : memref<1x8x32xf32, #tpu.memory_space<hbm>> -> memref<8x32xf32, #tpu.memory_space<hbm>>
    %dma_start3A_22 = tpu.memref_slice %arg13[%dma_start3A_12, %dma_start3A_13] : memref<2x2x!tpu.dma_semaphore, #tpu.memory_space<semaphore_mem>> -> memref<1x1x!tpu.dma_semaphore, #tpu.memory_space<semaphore_mem>>
    %dma_start3A_23 = tpu.memref_squeeze %dma_start3A_22 : memref<1x1x!tpu.dma_semaphore, #tpu.memory_space<semaphore_mem>> -> memref<!tpu.dma_semaphore, #tpu.memory_space<semaphore_mem>>
    %dma_start3A_24 = arith.constant 0 : i32
    %dma_start3A_25 = arith.constant 0 : i32
    %dma_start3A_26 = tpu.memref_slice %arg10[%dma_start3A, %dma_start3A_11, %dma_start3A_24, %dma_start3A_25] : memref<2x2x64x32xf32, #tpu.memory_space<vmem>> -> memref<1x1x8x32xf32, #tpu.memory_space<vmem>>
    %dma_start3A_27 = tpu.memref_squeeze %dma_start3A_26 : memref<1x1x8x32xf32, #tpu.memory_space<vmem>> -> memref<8x32xf32, #tpu.memory_space<vmem>>
    %dma_start3A_28 = arith.constant 0 : i32
    %dma_start3A_29 = arith.constant 0 : i32
    %dma_start3A_30 = tpu.memref_slice %arg4[%shift_right_arithmetic3A_6, %dma_start3A_28, %dma_start3A_29] : memref<125000x8x32xf32, #tpu.memory_space<hbm>> -> memref<1x8x32xf32, #tpu.memory_space<hbm>>
    %dma_start3A_31 = tpu.memref_squeeze %dma_start3A_30 : memref<1x8x32xf32, #tpu.memory_space<hbm>> -> memref<8x32xf32, #tpu.memory_space<hbm>>
    tpu.enqueue_dma source(%dma_start3A_31 : memref<8x32xf32, #tpu.memory_space<hbm>>) target(%dma_start3A_27 : memref<8x32xf32, #tpu.memory_space<vmem>>) target_semaphore(%dma_start3A_23 : memref<!tpu.dma_semaphore, #tpu.memory_space<semaphore_mem>>)
    %dma_start3A_32 = arith.constant 0 : i32
    %dma_start3A_33 = arith.constant 1 : i32
    %dma_start3A_34 = arith.constant 0 : i32
    %dma_start3A_35 = arith.constant 1 : i32
    %dma_start3A_36 = arith.constant 0 : i32
    %dma_start3A_37 = arith.constant 0 : i32
    %dma_start3A_38 = tpu.memref_slice %arg10[%dma_start3A_32, %dma_start3A_33, %dma_start3A_36, %dma_start3A_37] : memref<2x2x64x32xf32, #tpu.memory_space<vmem>> -> memref<1x1x8x32xf32, #tpu.memory_space<vmem>>
    %dma_start3A_39 = tpu.memref_squeeze %dma_start3A_38 : memref<1x1x8x32xf32, #tpu.memory_space<vmem>> -> memref<8x32xf32, #tpu.memory_space<vmem>>
    %dma_start3A_40 = arith.constant 0 : i32
    %dma_start3A_41 = arith.constant 0 : i32
    %dma_start3A_42 = tpu.memref_slice %arg5[%shift_right_arithmetic3A_10, %dma_start3A_40, %dma_start3A_41] : memref<125000x8x32xf32, #tpu.memory_space<hbm>> -> memref<1x8x32xf32, #tpu.memory_space<hbm>>
    %dma_start3A_43 = tpu.memref_squeeze %dma_start3A_42 : memref<1x8x32xf32, #tpu.memory_space<hbm>> -> memref<8x32xf32, #tpu.memory_space<hbm>>
    %dma_start3A_44 = tpu.memref_slice %arg13[%dma_start3A_34, %dma_start3A_35] : memref<2x2x!tpu.dma_semaphore, #tpu.memory_space<semaphore_mem>> -> memref<1x1x!tpu.dma_semaphore, #tpu.memory_space<semaphore_mem>>
    %dma_start3A_45 = tpu.memref_squeeze %dma_start3A_44 : memref<1x1x!tpu.dma_semaphore, #tpu.memory_space<semaphore_mem>> -> memref<!tpu.dma_semaphore, #tpu.memory_space<semaphore_mem>>
    %dma_start3A_46 = arith.constant 0 : i32
    %dma_start3A_47 = arith.constant 0 : i32
    %dma_start3A_48 = tpu.memref_slice %arg10[%dma_start3A_32, %dma_start3A_33, %dma_start3A_46, %dma_start3A_47] : memref<2x2x64x32xf32, #tpu.memory_space<vmem>> -> memref<1x1x8x32xf32, #tpu.memory_space<vmem>>
    %dma_start3A_49 = tpu.memref_squeeze %dma_start3A_48 : memref<1x1x8x32xf32, #tpu.memory_space<vmem>> -> memref<8x32xf32, #tpu.memory_space<vmem>>
    %dma_start3A_50 = arith.constant 0 : i32
    %dma_start3A_51 = arith.constant 0 : i32
    %dma_start3A_52 = tpu.memref_slice %arg5[%shift_right_arithmetic3A_10, %dma_start3A_50, %dma_start3A_51] : memref<125000x8x32xf32, #tpu.memory_space<hbm>> -> memref<1x8x32xf32, #tpu.memory_space<hbm>>
    %dma_start3A_53 = tpu.memref_squeeze %dma_start3A_52 : memref<1x8x32xf32, #tpu.memory_space<hbm>> -> memref<8x32xf32, #tpu.memory_space<hbm>>
    tpu.enqueue_dma source(%dma_start3A_53 : memref<8x32xf32, #tpu.memory_space<hbm>>) target(%dma_start3A_49 : memref<8x32xf32, #tpu.memory_space<vmem>>) target_semaphore(%dma_start3A_45 : memref<!tpu.dma_semaphore, #tpu.memory_space<semaphore_mem>>)
    %slice3A_54 = vector.extract_strided_slice %get3A_3 {offsets = [1], sizes = [1], strides = [1]} : vector<16xi32> to vector<1xi32>
    %squeeze3A_55 = vector.extract %slice3A_54[0] : i32 from vector<1xi32>
    %shift_right_arithmetic3A_56 = arith.constant 3 : i32
    %shift_right_arithmetic3A_57 = arith.shrsi %squeeze3A_55, %shift_right_arithmetic3A_56 : i32
    %slice3A_58 = vector.extract_strided_slice %get3A_5 {offsets = [1], sizes = [1], strides = [1]} : vector<16xi32> to vector<1xi32>
    %squeeze3A_59 = vector.extract %slice3A_58[0] : i32 from vector<1xi32>
    %shift_right_arithmetic3A_60 = arith.constant 3 : i32
    %shift_right_arithmetic3A_61 = arith.shrsi %squeeze3A_59, %shift_right_arithmetic3A_60 : i32
    %dma_start3A_62 = arith.constant 0 : i32
    %dma_start3A_63 = arith.constant 0 : i32
    %dma_start3A_64 = arith.constant 0 : i32
    %dma_start3A_65 = arith.constant 0 : i32
    %dma_start3A_66 = arith.constant 8 : i32
    %dma_start3A_67 = arith.constant 0 : i32
    %dma_start3A_68 = tpu.memref_slice %arg10[%dma_start3A_62, %dma_start3A_63, %dma_start3A_66, %dma_start3A_67] : memref<2x2x64x32xf32, #tpu.memory_space<vmem>> -> memref<1x1x8x32xf32, #tpu.memory_space<vmem>>
    %dma_start3A_69 = tpu.memref_squeeze %dma_start3A_68 : memref<1x1x8x32xf32, #tpu.memory_space<vmem>> -> memref<8x32xf32, #tpu.memory_space<vmem>>
    %dma_start3A_70 = arith.constant 0 : i32
    %dma_start3A_71 = arith.constant 0 : i32
    %dma_start3A_72 = tpu.memref_slice %arg4[%shift_right_arithmetic3A_57, %dma_start3A_70, %dma_start3A_71] : memref<125000x8x32xf32, #tpu.memory_space<hbm>> -> memref<1x8x32xf32, #tpu.memory_space<hbm>>
    %dma_start3A_73 = tpu.memref_squeeze %dma_start3A_72 : memref<1x8x32xf32, #tpu.memory_space<hbm>> -> memref<8x32xf32, #tpu.memory_space<hbm>>
    %dma_start3A_74 = tpu.memref_slice %arg13[%dma_start3A_64, %dma_start3A_65] : memref<2x2x!tpu.dma_semaphore, #tpu.memory_space<semaphore_mem>> -> memref<1x1x!tpu.dma_semaphore, #tpu.memory_space<semaphore_mem>>
    %dma_start3A_75 = tpu.memref_squeeze %dma_start3A_74 : memref<1x1x!tpu.dma_semaphore, #tpu.memory_space<semaphore_mem>> -> memref<!tpu.dma_semaphore, #tpu.memory_space<semaphore_mem>>
    %dma_start3A_76 = arith.constant 8 : i32
    %dma_start3A_77 = arith.constant 0 : i32
    %dma_start3A_78 = tpu.memref_slice %arg10[%dma_start3A_62, %dma_start3A_63, %dma_start3A_76, %dma_start3A_77] : memref<2x2x64x32xf32, #tpu.memory_space<vmem>> -> memref<1x1x8x32xf32, #tpu.memory_space<vmem>>
    %dma_start3A_79 = tpu.memref_squeeze %dma_start3A_78 : memref<1x1x8x32xf32, #tpu.memory_space<vmem>> -> memref<8x32xf32, #tpu.memory_space<vmem>>
    %dma_start3A_80 = arith.constant 0 : i32
    %dma_start3A_81 = arith.constant 0 : i32
    %dma_start3A_82 = tpu.memref_slice %arg4[%shift_right_arithmetic3A_57, %dma_start3A_80, %dma_start3A_81] : memref<125000x8x32xf32, #tpu.memory_space<hbm>> -> memref<1x8x32xf32, #tpu.memory_space<hbm>>
    %dma_start3A_83 = tpu.memref_squeeze %dma_start3A_82 : memref<1x8x32xf32, #tpu.memory_space<hbm>> -> memref<8x32xf32, #tpu.memory_space<hbm>>
    tpu.enqueue_dma source(%dma_start3A_83 : memref<8x32xf32, #tpu.memory_space<hbm>>) target(%dma_start3A_79 : memref<8x32xf32, #tpu.memory_space<vmem>>) target_semaphore(%dma_start3A_75 : memref<!tpu.dma_semaphore, #tpu.memory_space<semaphore_mem>>)
    %dma_start3A_84 = arith.constant 0 : i32
    %dma_start3A_85 = arith.constant 1 : i32
    %dma_start3A_86 = arith.constant 0 : i32
    %dma_start3A_87 = arith.constant 1 : i32
    %dma_start3A_88 = arith.constant 8 : i32
    %dma_start3A_89 = arith.constant 0 : i32
    %dma_start3A_90 = tpu.memref_slice %arg10[%dma_start3A_84, %dma_start3A_85, %dma_start3A_88, %dma_start3A_89] : memref<2x2x64x32xf32, #tpu.memory_space<vmem>> -> memref<1x1x8x32xf32, #tpu.memory_space<vmem>>
    %dma_start3A_91 = tpu.memref_squeeze %dma_start3A_90 : memref<1x1x8x32xf32, #tpu.memory_space<vmem>> -> memref<8x32xf32, #tpu.memory_space<vmem>>
    %dma_start3A_92 = arith.constant 0 : i32
    %dma_start3A_93 = arith.constant 0 : i32
    %dma_start3A_94 = tpu.memref_slice %arg5[%shift_right_arithmetic3A_61, %dma_start3A_92, %dma_start3A_93] : memref<125000x8x32xf32, #tpu.memory_space<hbm>> -> memref<1x8x32xf32, #tpu.memory_space<hbm>>
    %dma_start3A_95 = tpu.memref_squeeze %dma_start3A_94 : memref<1x8x32xf32, #tpu.memory_space<hbm>> -> memref<8x32xf32, #tpu.memory_space<hbm>>
    %dma_start3A_96 = tpu.memref_slice %arg13[%dma_start3A_86, %dma_start3A_87] : memref<2x2x!tpu.dma_semaphore, #tpu.memory_space<semaphore_mem>> -> memref<1x1x!tpu.dma_semaphore, #tpu.memory_space<semaphore_mem>>
    %dma_start3A_97 = tpu.memref_squeeze %dma_start3A_96 : memref<1x1x!tpu.dma_semaphore, #tpu.memory_space<semaphore_mem>> -> memref<!tpu.dma_semaphore, #tpu.memory_space<semaphore_mem>>
    %dma_start3A_98 = arith.constant 8 : i32
    %dma_start3A_99 = arith.constant 0 : i32
    %dma_start3A_100 = tpu.memref_slice %arg10[%dma_start3A_84, %dma_start3A_85, %dma_start3A_98, %dma_start3A_99] : memref<2x2x64x32xf32, #tpu.memory_space<vmem>> -> memref<1x1x8x32xf32, #tpu.memory_space<vmem>>
    %dma_start3A_101 = tpu.memref_squeeze %dma_start3A_100 : memref<1x1x8x32xf32, #tpu.memory_space<vmem>> -> memref<8x32xf32, #tpu.memory_space<vmem>>
    %dma_start3A_102 = arith.constant 0 : i32
    %dma_start3A_103 = arith.constant 0 : i32
    %dma_start3A_104 = tpu.memref_slice %arg5[%shift_right_arithmetic3A_61, %dma_start3A_102, %dma_start3A_103] : memref<125000x8x32xf32, #tpu.memory_space<hbm>> -> memref<1x8x32xf32, #tpu.memory_space<hbm>>
    %dma_start3A_105 = tpu.memref_squeeze %dma_start3A_104 : memref<1x8x32xf32, #tpu.memory_space<hbm>> -> memref<8x32xf32, #tpu.memory_space<hbm>>
    tpu.enqueue_dma source(%dma_start3A_105 : memref<8x32xf32, #tpu.memory_space<hbm>>) target(%dma_start3A_101 : memref<8x32xf32, #tpu.memory_space<vmem>>) target_semaphore(%dma_start3A_97 : memref<!tpu.dma_semaphore, #tpu.memory_space<semaphore_mem>>)
    %slice3A_106 = vector.extract_strided_slice %get3A_3 {offsets = [2], sizes = [1], strides = [1]} : vector<16xi32> to vector<1xi32>
    %squeeze3A_107 = vector.extract %slice3A_106[0] : i32 from vector<1xi32>
    %shift_right_arithmetic3A_108 = arith.constant 3 : i32
    %shift_right_arithmetic3A_109 = arith.shrsi %squeeze3A_107, %shift_right_arithmetic3A_108 : i32
    %slice3A_110 = vector.extract_strided_slice %get3A_5 {offsets = [2], sizes = [1], strides = [1]} : vector<16xi32> to vector<1xi32>
    %squeeze3A_111 = vector.extract %slice3A_110[0] : i32 from vector<1xi32>
    %shift_right_arithmetic3A_112 = arith.constant 3 : i32
    %shift_right_arithmetic3A_113 = arith.shrsi %squeeze3A_111, %shift_right_arithmetic3A_112 : i32
    %dma_start3A_114 = arith.constant 0 : i32
    %dma_start3A_115 = arith.constant 0 : i32
    %dma_start3A_116 = arith.constant 0 : i32
    %dma_start3A_117 = arith.constant 0 : i32
    %dma_start3A_118 = arith.constant 16 : i32
    %dma_start3A_119 = arith.constant 0 : i32
    %dma_start3A_120 = tpu.memref_slice %arg10[%dma_start3A_114, %dma_start3A_115, %dma_start3A_118, %dma_start3A_119] : memref<2x2x64x32xf32, #tpu.memory_space<vmem>> -> memref<1x1x8x32xf32, #tpu.memory_space<vmem>>
    %dma_start3A_121 = tpu.memref_squeeze %dma_start3A_120 : memref<1x1x8x32xf32, #tpu.memory_space<vmem>> -> memref<8x32xf32, #tpu.memory_space<vmem>>
    %dma_start3A_122 = arith.constant 0 : i32
    %dma_start3A_123 = arith.constant 0 : i32
    %dma_start3A_124 = tpu.memref_slice %arg4[%shift_right_arithmetic3A_109, %dma_start3A_122, %dma_start3A_123] : memref<125000x8x32xf32, #tpu.memory_space<hbm>> -> memref<1x8x32xf32, #tpu.memory_space<hbm>>
    %dma_start3A_125 = tpu.memref_squeeze %dma_start3A_124 : memref<1x8x32xf32, #tpu.memory_space<hbm>> -> memref<8x32xf32, #tpu.memory_space<hbm>>
    %dma_start3A_126 = tpu.memref_slice %arg13[%dma_start3A_116, %dma_start3A_117] : memref<2x2x!tpu.dma_semaphore, #tpu.memory_space<semaphore_mem>> -> memref<1x1x!tpu.dma_semaphore, #tpu.memory_space<semaphore_mem>>
    %dma_start3A_127 = tpu.memref_squeeze %dma_start3A_126 : memref<1x1x!tpu.dma_semaphore, #tpu.memory_space<semaphore_mem>> -> memref<!tpu.dma_semaphore, #tpu.memory_space<semaphore_mem>>
    %dma_start3A_128 = arith.constant 16 : i32
    %dma_start3A_129 = arith.constant 0 : i32
    %dma_start3A_130 = tpu.memref_slice %arg10[%dma_start3A_114, %dma_start3A_115, %dma_start3A_128, %dma_start3A_129] : memref<2x2x64x32xf32, #tpu.memory_space<vmem>> -> memref<1x1x8x32xf32, #tpu.memory_space<vmem>>
    %dma_start3A_131 = tpu.memref_squeeze %dma_start3A_130 : memref<1x1x8x32xf32, #tpu.memory_space<vmem>> -> memref<8x32xf32, #tpu.memory_space<vmem>>
    %dma_start3A_132 = arith.constant 0 : i32
    %dma_start3A_133 = arith.constant 0 : i32
    %dma_start3A_134 = tpu.memref_slice %arg4[%shift_right_arithmetic3A_109, %dma_start3A_132, %dma_start3A_133] : memref<125000x8x32xf32, #tpu.memory_space<hbm>> -> memref<1x8x32xf32, #tpu.memory_space<hbm>>
    %dma_start3A_135 = tpu.memref_squeeze %dma_start3A_134 : memref<1x8x32xf32, #tpu.memory_space<hbm>> -> memref<8x32xf32, #tpu.memory_space<hbm>>
    tpu.enqueue_dma source(%dma_start3A_135 : memref<8x32xf32, #tpu.memory_space<hbm>>) target(%dma_start3A_131 : memref<8x32xf32, #tpu.memory_space<vmem>>) target_semaphore(%dma_start3A_127 : memref<!tpu.dma_semaphore, #tpu.memory_space<semaphore_mem>>)
    %dma_start3A_136 = arith.constant 0 : i32
    %dma_start3A_137 = arith.constant 1 : i32
    %dma_start3A_138 = arith.constant 0 : i32
    %dma_start3A_139 = arith.constant 1 : i32
    %dma_start3A_140 = arith.constant 16 : i32
    %dma_start3A_141 = arith.constant 0 : i32
    %dma_start3A_142 = tpu.memref_slice %arg10[%dma_start3A_136, %dma_start3A_137, %dma_start3A_140, %dma_start3A_141] : memref<2x2x64x32xf32, #tpu.memory_space<vmem>> -> memref<1x1x8x32xf32, #tpu.memory_space<vmem>>
    %dma_start3A_143 = tpu.memref_squeeze %dma_start3A_142 : memref<1x1x8x32xf32, #tpu.memory_space<vmem>> -> memref<8x32xf32, #tpu.memory_space<vmem>>
    %dma_start3A_144 = arith.constant 0 : i32
    %dma_start3A_145 = arith.constant 0 : i32
    %dma_start3A_146 = tpu.memref_slice %arg5[%shift_right_arithmetic3A_113, %dma_start3A_144, %dma_start3A_145] : memref<125000x8x32xf32, #tpu.memory_space<hbm>> -> memref<1x8x32xf32, #tpu.memory_space<hbm>>
    %dma_start3A_147 = tpu.memref_squeeze %dma_start3A_146 : memref<1x8x32xf32, #tpu.memory_space<hbm>> -> memref<8x32xf32, #tpu.memory_space<hbm>>
    %dma_start3A_148 = tpu.memref_slice %arg13[%dma_start3A_138, %dma_start3A_139] : memref<2x2x!tpu.dma_semaphore, #tpu.memory_space<semaphore_mem>> -> memref<1x1x!tpu.dma_semaphore, #tpu.memory_space<semaphore_mem>>
    %dma_start3A_149 = tpu.memref_squeeze %dma_start3A_148 : memref<1x1x!tpu.dma_semaphore, #tpu.memory_space<semaphore_mem>> -> memref<!tpu.dma_semaphore, #tpu.memory_space<semaphore_mem>>
    %dma_start3A_150 = arith.constant 16 : i32
    %dma_start3A_151 = arith.constant 0 : i32
    %dma_start3A_152 = tpu.memref_slice %arg10[%dma_start3A_136, %dma_start3A_137, %dma_start3A_150, %dma_start3A_151] : memref<2x2x64x32xf32, #tpu.memory_space<vmem>> -> memref<1x1x8x32xf32, #tpu.memory_space<vmem>>
    %dma_start3A_153 = tpu.memref_squeeze %dma_start3A_152 : memref<1x1x8x32xf32, #tpu.memory_space<vmem>> -> memref<8x32xf32, #tpu.memory_space<vmem>>
    %dma_start3A_154 = arith.constant 0 : i32
    %dma_start3A_155 = arith.constant 0 : i32
    %dma_start3A_156 = tpu.memref_slice %arg5[%shift_right_arithmetic3A_113, %dma_start3A_154, %dma_start3A_155] : memref<125000x8x32xf32, #tpu.memory_space<hbm>> -> memref<1x8x32xf32, #tpu.memory_space<hbm>>
    %dma_start3A_157 = tpu.memref_squeeze %dma_start3A_156 : memref<1x8x32xf32, #tpu.memory_space<hbm>> -> memref<8x32xf32, #tpu.memory_space<hbm>>
    tpu.enqueue_dma source(%dma_start3A_157 : memref<8x32xf32, #tpu.memory_space<hbm>>) target(%dma_start3A_153 : memref<8x32xf32, #tpu.memory_space<vmem>>) target_semaphore(%dma_start3A_149 : memref<!tpu.dma_semaphore, #tpu.memory_space<semaphore_mem>>)
    %slice3A_158 = vector.extract_strided_slice %get3A_3 {offsets = [3], sizes = [1], strides = [1]} : vector<16xi32> to vector<1xi32>
    %squeeze3A_159 = vector.extract %slice3A_158[0] : i32 from vector<1xi32>
    %shift_right_arithmetic3A_160 = arith.constant 3 : i32
    %shift_right_arithmetic3A_161 = arith.shrsi %squeeze3A_159, %shift_right_arithmetic3A_160 : i32
    %slice3A_162 = vector.extract_strided_slice %get3A_5 {offsets = [3], sizes = [1], strides = [1]} : vector<16xi32> to vector<1xi32>
    %squeeze3A_163 = vector.extract %slice3A_162[0] : i32 from vector<1xi32>
    %shift_right_arithmetic3A_164 = arith.constant 3 : i32
    %shift_right_arithmetic3A_165 = arith.shrsi %squeeze3A_163, %shift_right_arithmetic3A_164 : i32
    %dma_start3A_166 = arith.constant 0 : i32
    %dma_start3A_167 = arith.constant 0 : i32
    %dma_start3A_168 = arith.constant 0 : i32
    %dma_start3A_169 = arith.constant 0 : i32
    %dma_start3A_170 = arith.constant 24 : i32
    %dma_start3A_171 = arith.constant 0 : i32
    %dma_start3A_172 = tpu.memref_slice %arg10[%dma_start3A_166, %dma_start3A_167, %dma_start3A_170, %dma_start3A_171] : memref<2x2x64x32xf32, #tpu.memory_space<vmem>> -> memref<1x1x8x32xf32, #tpu.memory_space<vmem>>
    %dma_start3A_173 = tpu.memref_squeeze %dma_start3A_172 : memref<1x1x8x32xf32, #tpu.memory_space<vmem>> -> memref<8x32xf32, #tpu.memory_space<vmem>>
    %dma_start3A_174 = arith.constant 0 : i32
    %dma_start3A_175 = arith.constant 0 : i32
    %dma_start3A_176 = tpu.memref_slice %arg4[%shift_right_arithmetic3A_161, %dma_start3A_174, %dma_start3A_175] : memref<125000x8x32xf32, #tpu.memory_space<hbm>> -> memref<1x8x32xf32, #tpu.memory_space<hbm>>
    %dma_start3A_177 = tpu.memref_squeeze %dma_start3A_176 : memref<1x8x32xf32, #tpu.memory_space<hbm>> -> memref<8x32xf32, #tpu.memory_space<hbm>>
    %dma_start3A_178 = tpu.memref_slice %arg13[%dma_start3A_168, %dma_start3A_169] : memref<2x2x!tpu.dma_semaphore, #tpu.memory_space<semaphore_mem>> -> memref<1x1x!tpu.dma_semaphore, #tpu.memory_space<semaphore_mem>>
    %dma_start3A_179 = tpu.memref_squeeze %dma_start3A_178 : memref<1x1x!tpu.dma_semaphore, #tpu.memory_space<semaphore_mem>> -> memref<!tpu.dma_semaphore, #tpu.memory_space<semaphore_mem>>
    %dma_start3A_180 = arith.constant 24 : i32
    %dma_start3A_181 = arith.constant 0 : i32
    %dma_start3A_182 = tpu.memref_slice %arg10[%dma_start3A_166, %dma_start3A_167, %dma_start3A_180, %dma_start3A_181] : memref<2x2x64x32xf32, #tpu.memory_space<vmem>> -> memref<1x1x8x32xf32, #tpu.memory_space<vmem>>
    %dma_start3A_183 = tpu.memref_squeeze %dma_start3A_182 : memref<1x1x8x32xf32, #tpu.memory_space<vmem>> -> memref<8x32xf32, #tpu.memory_space<vmem>>
    %dma_start3A_184 = arith.constant 0 : i32
    %dma_start3A_185 = arith.constant 0 : i32
    %dma_start3A_186 = tpu.memref_slice %arg4[%shift_right_arithmetic3A_161, %dma_start3A_184, %dma_start3A_185] : memref<125000x8x32xf32, #tpu.memory_space<hbm>> -> memref<1x8x32xf32, #tpu.memory_space<hbm>>
    %dma_start3A_187 = tpu.memref_squeeze %dma_start3A_186 : memref<1x8x32xf32, #tpu.memory_space<hbm>> -> memref<8x32xf32, #tpu.memory_space<hbm>>
    tpu.enqueue_dma source(%dma_start3A_187 : memref<8x32xf32, #tpu.memory_space<hbm>>) target(%dma_start3A_183 : memref<8x32xf32, #tpu.memory_space<vmem>>) target_semaphore(%dma_start3A_179 : memref<!tpu.dma_semaphore, #tpu.memory_space<semaphore_mem>>)
    %dma_start3A_188 = arith.constant 0 : i32
    %dma_start3A_189 = arith.constant 1 : i32
    %dma_start3A_190 = arith.constant 0 : i32
    %dma_start3A_191 = arith.constant 1 : i32
    %dma_start3A_192 = arith.constant 24 : i32
    %dma_start3A_193 = arith.constant 0 : i32
    %dma_start3A_194 = tpu.memref_slice %arg10[%dma_start3A_188, %dma_start3A_189, %dma_start3A_192, %dma_start3A_193] : memref<2x2x64x32xf32, #tpu.memory_space<vmem>> -> memref<1x1x8x32xf32, #tpu.memory_space<vmem>>
    %dma_start3A_195 = tpu.memref_squeeze %dma_start3A_194 : memref<1x1x8x32xf32, #tpu.memory_space<vmem>> -> memref<8x32xf32, #tpu.memory_space<vmem>>
    %dma_start3A_196 = arith.constant 0 : i32
    %dma_start3A_197 = arith.constant 0 : i32
    %dma_start3A_198 = tpu.memref_slice %arg5[%shift_right_arithmetic3A_165, %dma_start3A_196, %dma_start3A_197] : memref<125000x8x32xf32, #tpu.memory_space<hbm>> -> memref<1x8x32xf32, #tpu.memory_space<hbm>>
    %dma_start3A_199 = tpu.memref_squeeze %dma_start3A_198 : memref<1x8x32xf32, #tpu.memory_space<hbm>> -> memref<8x32xf32, #tpu.memory_space<hbm>>
    %dma_start3A_200 = tpu.memref_slice %arg13[%dma_start3A_190, %dma_start3A_191] : memref<2x2x!tpu.dma_semaphore, #tpu.memory_space<semaphore_mem>> -> memref<1x1x!tpu.dma_semaphore, #tpu.memory_space<semaphore_mem>>
    %dma_start3A_201 = tpu.memref_squeeze %dma_start3A_200 : memref<1x1x!tpu.dma_semaphore, #tpu.memory_space<semaphore_mem>> -> memref<!tpu.dma_semaphore, #tpu.memory_space<semaphore_mem>>
    %dma_start3A_202 = arith.constant 24 : i32
    %dma_start3A_203 = arith.constant 0 : i32
    %dma_start3A_204 = tpu.memref_slice %arg10[%dma_start3A_188, %dma_start3A_189, %dma_start3A_202, %dma_start3A_203] : memref<2x2x64x32xf32, #tpu.memory_space<vmem>> -> memref<1x1x8x32xf32, #tpu.memory_space<vmem>>
    %dma_start3A_205 = tpu.memref_squeeze %dma_start3A_204 : memref<1x1x8x32xf32, #tpu.memory_space<vmem>> -> memref<8x32xf32, #tpu.memory_space<vmem>>
    %dma_start3A_206 = arith.constant 0 : i32
    %dma_start3A_207 = arith.constant 0 : i32
    %dma_start3A_208 = tpu.memref_slice %arg5[%shift_right_arithmetic3A_165, %dma_start3A_206, %dma_start3A_207] : memref<125000x8x32xf32, #tpu.memory_space<hbm>> -> memref<1x8x32xf32, #tpu.memory_space<hbm>>
    %dma_start3A_209 = tpu.memref_squeeze %dma_start3A_208 : memref<1x8x32xf32, #tpu.memory_space<hbm>> -> memref<8x32xf32, #tpu.memory_space<hbm>>
    tpu.enqueue_dma source(%dma_start3A_209 : memref<8x32xf32, #tpu.memory_space<hbm>>) target(%dma_start3A_205 : memref<8x32xf32, #tpu.memory_space<vmem>>) target_semaphore(%dma_start3A_201 : memref<!tpu.dma_semaphore, #tpu.memory_space<semaphore_mem>>)
    %slice3A_210 = vector.extract_strided_slice %get3A_3 {offsets = [4], sizes = [1], strides = [1]} : vector<16xi32> to vector<1xi32>
    %squeeze3A_211 = vector.extract %slice3A_210[0] : i32 from vector<1xi32>
    %shift_right_arithmetic3A_212 = arith.constant 3 : i32
    %shift_right_arithmetic3A_213 = arith.shrsi %squeeze3A_211, %shift_right_arithmetic3A_212 : i32
    %slice3A_214 = vector.extract_strided_slice %get3A_5 {offsets = [4], sizes = [1], strides = [1]} : vector<16xi32> to vector<1xi32>
    %squeeze3A_215 = vector.extract %slice3A_214[0] : i32 from vector<1xi32>
    %shift_right_arithmetic3A_216 = arith.constant 3 : i32
    %shift_right_arithmetic3A_217 = arith.shrsi %squeeze3A_215, %shift_right_arithmetic3A_216 : i32
    %dma_start3A_218 = arith.constant 0 : i32
    %dma_start3A_219 = arith.constant 0 : i32
    %dma_start3A_220 = arith.constant 0 : i32
    %dma_start3A_221 = arith.constant 0 : i32
    %dma_start3A_222 = arith.constant 32 : i32
    %dma_start3A_223 = arith.constant 0 : i32
    %dma_start3A_224 = tpu.memref_slice %arg10[%dma_start3A_218, %dma_start3A_219, %dma_start3A_222, %dma_start3A_223] : memref<2x2x64x32xf32, #tpu.memory_space<vmem>> -> memref<1x1x8x32xf32, #tpu.memory_space<vmem>>
    %dma_start3A_225 = tpu.memref_squeeze %dma_start3A_224 : memref<1x1x8x32xf32, #tpu.memory_space<vmem>> -> memref<8x32xf32, #tpu.memory_space<vmem>>
    %dma_start3A_226 = arith.constant 0 : i32
    %dma_start3A_227 = arith.constant 0 : i32
    %dma_start3A_228 = tpu.memref_slice %arg4[%shift_right_arithmetic3A_213, %dma_start3A_226, %dma_start3A_227] : memref<125000x8x32xf32, #tpu.memory_space<hbm>> -> memref<1x8x32xf32, #tpu.memory_space<hbm>>
    %dma_start3A_229 = tpu.memref_squeeze %dma_start3A_228 : memref<1x8x32xf32, #tpu.memory_space<hbm>> -> memref<8x32xf32, #tpu.memory_space<hbm>>
    %dma_start3A_230 = tpu.memref_slice %arg13[%dma_start3A_220, %dma_start3A_221] : memref<2x2x!tpu.dma_semaphore, #tpu.memory_space<semaphore_mem>> -> memref<1x1x!tpu.dma_semaphore, #tpu.memory_space<semaphore_mem>>
    %dma_start3A_231 = tpu.memref_squeeze %dma_start3A_230 : memref<1x1x!tpu.dma_semaphore, #tpu.memory_space<semaphore_mem>> -> memref<!tpu.dma_semaphore, #tpu.memory_space<semaphore_mem>>
    %dma_start3A_232 = arith.constant 32 : i32
    %dma_start3A_233 = arith.constant 0 : i32
    %dma_start3A_234 = tpu.memref_slice %arg10[%dma_start3A_218, %dma_start3A_219, %dma_start3A_232, %dma_start3A_233] : memref<2x2x64x32xf32, #tpu.memory_space<vmem>> -> memref<1x1x8x32xf32, #tpu.memory_space<vmem>>
    %dma_start3A_235 = tpu.memref_squeeze %dma_start3A_234 : memref<1x1x8x32xf32, #tpu.memory_space<vmem>> -> memref<8x32xf32, #tpu.memory_space<vmem>>
    %dma_start3A_236 = arith.constant 0 : i32
    %dma_start3A_237 = arith.constant 0 : i32
    %dma_start3A_238 = tpu.memref_slice %arg4[%shift_right_arithmetic3A_213, %dma_start3A_236, %dma_start3A_237] : memref<125000x8x32xf32, #tpu.memory_space<hbm>> -> memref<1x8x32xf32, #tpu.memory_space<hbm>>
    %dma_start3A_239 = tpu.memref_squeeze %dma_start3A_238 : memref<1x8x32xf32, #tpu.memory_space<hbm>> -> memref<8x32xf32, #tpu.memory_space<hbm>>
    tpu.enqueue_dma source(%dma_start3A_239 : memref<8x32xf32, #tpu.memory_space<hbm>>) target(%dma_start3A_235 : memref<8x32xf32, #tpu.memory_space<vmem>>) target_semaphore(%dma_start3A_231 : memref<!tpu.dma_semaphore, #tpu.memory_space<semaphore_mem>>)
    %dma_start3A_240 = arith.constant 0 : i32
    %dma_start3A_241 = arith.constant 1 : i32
    %dma_start3A_242 = arith.constant 0 : i32
    %dma_start3A_243 = arith.constant 1 : i32
    %dma_start3A_244 = arith.constant 32 : i32
    %dma_start3A_245 = arith.constant 0 : i32
    %dma_start3A_246 = tpu.memref_slice %arg10[%dma_start3A_240, %dma_start3A_241, %dma_start3A_244, %dma_start3A_245] : memref<2x2x64x32xf32, #tpu.memory_space<vmem>> -> memref<1x1x8x32xf32, #tpu.memory_space<vmem>>
    %dma_start3A_247 = tpu.memref_squeeze %dma_start3A_246 : memref<1x1x8x32xf32, #tpu.memory_space<vmem>> -> memref<8x32xf32, #tpu.memory_space<vmem>>
    %dma_start3A_248 = arith.constant 0 : i32
    %dma_start3A_249 = arith.constant 0 : i32
    %dma_start3A_250 = tpu.memref_slice %arg5[%shift_right_arithmetic3A_217, %dma_start3A_248, %dma_start3A_249] : memref<125000x8x32xf32, #tpu.memory_space<hbm>> -> memref<1x8x32xf32, #tpu.memory_space<hbm>>
    %dma_start3A_251 = tpu.memref_squeeze %dma_start3A_250 : memref<1x8x32xf32, #tpu.memory_space<hbm>> -> memref<8x32xf32, #tpu.memory_space<hbm>>
    %dma_start3A_252 = tpu.memref_slice %arg13[%dma_start3A_242, %dma_start3A_243] : memref<2x2x!tpu.dma_semaphore, #tpu.memory_space<semaphore_mem>> -> memref<1x1x!tpu.dma_semaphore, #tpu.memory_space<semaphore_mem>>
    %dma_start3A_253 = tpu.memref_squeeze %dma_start3A_252 : memref<1x1x!tpu.dma_semaphore, #tpu.memory_space<semaphore_mem>> -> memref<!tpu.dma_semaphore, #tpu.memory_space<semaphore_mem>>
    %dma_start3A_254 = arith.constant 32 : i32
    %dma_start3A_255 = arith.constant 0 : i32
    %dma_start3A_256 = tpu.memref_slice %arg10[%dma_start3A_240, %dma_start3A_241, %dma_start3A_254, %dma_start3A_255] : memref<2x2x64x32xf32, #tpu.memory_space<vmem>> -> memref<1x1x8x32xf32, #tpu.memory_space<vmem>>
    %dma_start3A_257 = tpu.memref_squeeze %dma_start3A_256 : memref<1x1x8x32xf32, #tpu.memory_space<vmem>> -> memref<8x32xf32, #tpu.memory_space<vmem>>
    %dma_start3A_258 = arith.constant 0 : i32
    %dma_start3A_259 = arith.constant 0 : i32
    %dma_start3A_260 = tpu.memref_slice %arg5[%shift_right_arithmetic3A_217, %dma_start3A_258, %dma_start3A_259] : memref<125000x8x32xf32, #tpu.memory_space<hbm>> -> memref<1x8x32xf32, #tpu.memory_space<hbm>>
    %dma_start3A_261 = tpu.memref_squeeze %dma_start3A_260 : memref<1x8x32xf32, #tpu.memory_space<hbm>> -> memref<8x32xf32, #tpu.memory_space<hbm>>
    tpu.enqueue_dma source(%dma_start3A_261 : memref<8x32xf32, #tpu.memory_space<hbm>>) target(%dma_start3A_257 : memref<8x32xf32, #tpu.memory_space<vmem>>) target_semaphore(%dma_start3A_253 : memref<!tpu.dma_semaphore, #tpu.memory_space<semaphore_mem>>)
    %slice3A_262 = vector.extract_strided_slice %get3A_3 {offsets = [5], sizes = [1], strides = [1]} : vector<16xi32> to vector<1xi32>
    %squeeze3A_263 = vector.extract %slice3A_262[0] : i32 from vector<1xi32>
    %shift_right_arithmetic3A_264 = arith.constant 3 : i32
    %shift_right_arithmetic3A_265 = arith.shrsi %squeeze3A_263, %shift_right_arithmetic3A_264 : i32
    %slice3A_266 = vector.extract_strided_slice %get3A_5 {offsets = [5], sizes = [1], strides = [1]} : vector<16xi32> to vector<1xi32>
    %squeeze3A_267 = vector.extract %slice3A_266[0] : i32 from vector<1xi32>
    %shift_right_arithmetic3A_268 = arith.constant 3 : i32
    %shift_right_arithmetic3A_269 = arith.shrsi %squeeze3A_267, %shift_right_arithmetic3A_268 : i32
    %dma_start3A_270 = arith.constant 0 : i32
    %dma_start3A_271 = arith.constant 0 : i32
    %dma_start3A_272 = arith.constant 0 : i32
    %dma_start3A_273 = arith.constant 0 : i32
    %dma_start3A_274 = arith.constant 40 : i32
    %dma_start3A_275 = arith.constant 0 : i32
    %dma_start3A_276 = tpu.memref_slice %arg10[%dma_start3A_270, %dma_start3A_271, %dma_start3A_274, %dma_start3A_275] : memref<2x2x64x32xf32, #tpu.memory_space<vmem>> -> memref<1x1x8x32xf32, #tpu.memory_space<vmem>>
    %dma_start3A_277 = tpu.memref_squeeze %dma_start3A_276 : memref<1x1x8x32xf32, #tpu.memory_space<vmem>> -> memref<8x32xf32, #tpu.memory_space<vmem>>
    %dma_start3A_278 = arith.constant 0 : i32
    %dma_start3A_279 = arith.constant 0 : i32
    %dma_start3A_280 = tpu.memref_slice %arg4[%shift_right_arithmetic3A_265, %dma_start3A_278, %dma_start3A_279] : memref<125000x8x32xf32, #tpu.memory_space<hbm>> -> memref<1x8x32xf32, #tpu.memory_space<hbm>>
    %dma_start3A_281 = tpu.memref_squeeze %dma_start3A_280 : memref<1x8x32xf32, #tpu.memory_space<hbm>> -> memref<8x32xf32, #tpu.memory_space<hbm>>
    %dma_start3A_282 = tpu.memref_slice %arg13[%dma_start3A_272, %dma_start3A_273] : memref<2x2x!tpu.dma_semaphore, #tpu.memory_space<semaphore_mem>> -> memref<1x1x!tpu.dma_semaphore, #tpu.memory_space<semaphore_mem>>
    %dma_start3A_283 = tpu.memref_squeeze %dma_start3A_282 : memref<1x1x!tpu.dma_semaphore, #tpu.memory_space<semaphore_mem>> -> memref<!tpu.dma_semaphore, #tpu.memory_space<semaphore_mem>>
    %dma_start3A_284 = arith.constant 40 : i32
    %dma_start3A_285 = arith.constant 0 : i32
    %dma_start3A_286 = tpu.memref_slice %arg10[%dma_start3A_270, %dma_start3A_271, %dma_start3A_284, %dma_start3A_285] : memref<2x2x64x32xf32, #tpu.memory_space<vmem>> -> memref<1x1x8x32xf32, #tpu.memory_space<vmem>>
    %dma_start3A_287 = tpu.memref_squeeze %dma_start3A_286 : memref<1x1x8x32xf32, #tpu.memory_space<vmem>> -> memref<8x32xf32, #tpu.memory_space<vmem>>
    %dma_start3A_288 = arith.constant 0 : i32
    %dma_start3A_289 = arith.constant 0 : i32
    %dma_start3A_290 = tpu.memref_slice %arg4[%shift_right_arithmetic3A_265, %dma_start3A_288, %dma_start3A_289] : memref<125000x8x32xf32, #tpu.memory_space<hbm>> -> memref<1x8x32xf32, #tpu.memory_space<hbm>>
    %dma_start3A_291 = tpu.memref_squeeze %dma_start3A_290 : memref<1x8x32xf32, #tpu.memory_space<hbm>> -> memref<8x32xf32, #tpu.memory_space<hbm>>
    tpu.enqueue_dma source(%dma_start3A_291 : memref<8x32xf32, #tpu.memory_space<hbm>>) target(%dma_start3A_287 : memref<8x32xf32, #tpu.memory_space<vmem>>) target_semaphore(%dma_start3A_283 : memref<!tpu.dma_semaphore, #tpu.memory_space<semaphore_mem>>)
    %dma_start3A_292 = arith.constant 0 : i32
    %dma_start3A_293 = arith.constant 1 : i32
    %dma_start3A_294 = arith.constant 0 : i32
    %dma_start3A_295 = arith.constant 1 : i32
    %dma_start3A_296 = arith.constant 40 : i32
    %dma_start3A_297 = arith.constant 0 : i32
    %dma_start3A_298 = tpu.memref_slice %arg10[%dma_start3A_292, %dma_start3A_293, %dma_start3A_296, %dma_start3A_297] : memref<2x2x64x32xf32, #tpu.memory_space<vmem>> -> memref<1x1x8x32xf32, #tpu.memory_space<vmem>>
    %dma_start3A_299 = tpu.memref_squeeze %dma_start3A_298 : memref<1x1x8x32xf32, #tpu.memory_space<vmem>> -> memref<8x32xf32, #tpu.memory_space<vmem>>
    %dma_start3A_300 = arith.constant 0 : i32
    %dma_start3A_301 = arith.constant 0 : i32
    %dma_start3A_302 = tpu.memref_slice %arg5[%shift_right_arithmetic3A_269, %dma_start3A_300, %dma_start3A_301] : memref<125000x8x32xf32, #tpu.memory_space<hbm>> -> memref<1x8x32xf32, #tpu.memory_space<hbm>>
    %dma_start3A_303 = tpu.memref_squeeze %dma_start3A_302 : memref<1x8x32xf32, #tpu.memory_space<hbm>> -> memref<8x32xf32, #tpu.memory_space<hbm>>
    %dma_start3A_304 = tpu.memref_slice %arg13[%dma_start3A_294, %dma_start3A_295] : memref<2x2x!tpu.dma_semaphore, #tpu.memory_space<semaphore_mem>> -> memref<1x1x!tpu.dma_semaphore, #tpu.memory_space<semaphore_mem>>
    %dma_start3A_305 = tpu.memref_squeeze %dma_start3A_304 : memref<1x1x!tpu.dma_semaphore, #tpu.memory_space<semaphore_mem>> -> memref<!tpu.dma_semaphore, #tpu.memory_space<semaphore_mem>>
    %dma_start3A_306 = arith.constant 40 : i32
    %dma_start3A_307 = arith.constant 0 : i32
    %dma_start3A_308 = tpu.memref_slice %arg10[%dma_start3A_292, %dma_start3A_293, %dma_start3A_306, %dma_start3A_307] : memref<2x2x64x32xf32, #tpu.memory_space<vmem>> -> memref<1x1x8x32xf32, #tpu.memory_space<vmem>>
    %dma_start3A_309 = tpu.memref_squeeze %dma_start3A_308 : memref<1x1x8x32xf32, #tpu.memory_space<vmem>> -> memref<8x32xf32, #tpu.memory_space<vmem>>
    %dma_start3A_310 = arith.constant 0 : i32
    %dma_start3A_311 = arith.constant 0 : i32
    %dma_start3A_312 = tpu.memref_slice %arg5[%shift_right_arithmetic3A_269, %dma_start3A_310, %dma_start3A_311] : memref<125000x8x32xf32, #tpu.memory_space<hbm>> -> memref<1x8x32xf32, #tpu.memory_space<hbm>>
    %dma_start3A_313 = tpu.memref_squeeze %dma_start3A_312 : memref<1x8x32xf32, #tpu.memory_space<hbm>> -> memref<8x32xf32, #tpu.memory_space<hbm>>
    tpu.enqueue_dma source(%dma_start3A_313 : memref<8x32xf32, #tpu.memory_space<hbm>>) target(%dma_start3A_309 : memref<8x32xf32, #tpu.memory_space<vmem>>) target_semaphore(%dma_start3A_305 : memref<!tpu.dma_semaphore, #tpu.memory_space<semaphore_mem>>)
    %slice3A_314 = vector.extract_strided_slice %get3A_3 {offsets = [6], sizes = [1], strides = [1]} : vector<16xi32> to vector<1xi32>
    %squeeze3A_315 = vector.extract %slice3A_314[0] : i32 from vector<1xi32>
    %shift_right_arithmetic3A_316 = arith.constant 3 : i32
    %shift_right_arithmetic3A_317 = arith.shrsi %squeeze3A_315, %shift_right_arithmetic3A_316 : i32
    %slice3A_318 = vector.extract_strided_slice %get3A_5 {offsets = [6], sizes = [1], strides = [1]} : vector<16xi32> to vector<1xi32>
    %squeeze3A_319 = vector.extract %slice3A_318[0] : i32 from vector<1xi32>
    %shift_right_arithmetic3A_320 = arith.constant 3 : i32
    %shift_right_arithmetic3A_321 = arith.shrsi %squeeze3A_319, %shift_right_arithmetic3A_320 : i32
    %dma_start3A_322 = arith.constant 0 : i32
    %dma_start3A_323 = arith.constant 0 : i32
    %dma_start3A_324 = arith.constant 0 : i32
    %dma_start3A_325 = arith.constant 0 : i32
    %dma_start3A_326 = arith.constant 48 : i32
    %dma_start3A_327 = arith.constant 0 : i32
    %dma_start3A_328 = tpu.memref_slice %arg10[%dma_start3A_322, %dma_start3A_323, %dma_start3A_326, %dma_start3A_327] : memref<2x2x64x32xf32, #tpu.memory_space<vmem>> -> memref<1x1x8x32xf32, #tpu.memory_space<vmem>>
    %dma_start3A_329 = tpu.memref_squeeze %dma_start3A_328 : memref<1x1x8x32xf32, #tpu.memory_space<vmem>> -> memref<8x32xf32, #tpu.memory_space<vmem>>
    %dma_start3A_330 = arith.constant 0 : i32
    %dma_start3A_331 = arith.constant 0 : i32
    %dma_start3A_332 = tpu.memref_slice %arg4[%shift_right_arithmetic3A_317, %dma_start3A_330, %dma_start3A_331] : memref<125000x8x32xf32, #tpu.memory_space<hbm>> -> memref<1x8x32xf32, #tpu.memory_space<hbm>>
    %dma_start3A_333 = tpu.memref_squeeze %dma_start3A_332 : memref<1x8x32xf32, #tpu.memory_space<hbm>> -> memref<8x32xf32, #tpu.memory_space<hbm>>
    %dma_start3A_334 = tpu.memref_slice %arg13[%dma_start3A_324, %dma_start3A_325] : memref<2x2x!tpu.dma_semaphore, #tpu.memory_space<semaphore_mem>> -> memref<1x1x!tpu.dma_semaphore, #tpu.memory_space<semaphore_mem>>
    %dma_start3A_335 = tpu.memref_squeeze %dma_start3A_334 : memref<1x1x!tpu.dma_semaphore, #tpu.memory_space<semaphore_mem>> -> memref<!tpu.dma_semaphore, #tpu.memory_space<semaphore_mem>>
    %dma_start3A_336 = arith.constant 48 : i32
    %dma_start3A_337 = arith.constant 0 : i32
    %dma_start3A_338 = tpu.memref_slice %arg10[%dma_start3A_322, %dma_start3A_323, %dma_start3A_336, %dma_start3A_337] : memref<2x2x64x32xf32, #tpu.memory_space<vmem>> -> memref<1x1x8x32xf32, #tpu.memory_space<vmem>>
    %dma_start3A_339 = tpu.memref_squeeze %dma_start3A_338 : memref<1x1x8x32xf32, #tpu.memory_space<vmem>> -> memref<8x32xf32, #tpu.memory_space<vmem>>
    %dma_start3A_340 = arith.constant 0 : i32
    %dma_start3A_341 = arith.constant 0 : i32
    %dma_start3A_342 = tpu.memref_slice %arg4[%shift_right_arithmetic3A_317, %dma_start3A_340, %dma_start3A_341] : memref<125000x8x32xf32, #tpu.memory_space<hbm>> -> memref<1x8x32xf32, #tpu.memory_space<hbm>>
    %dma_start3A_343 = tpu.memref_squeeze %dma_start3A_342 : memref<1x8x32xf32, #tpu.memory_space<hbm>> -> memref<8x32xf32, #tpu.memory_space<hbm>>
    tpu.enqueue_dma source(%dma_start3A_343 : memref<8x32xf32, #tpu.memory_space<hbm>>) target(%dma_start3A_339 : memref<8x32xf32, #tpu.memory_space<vmem>>) target_semaphore(%dma_start3A_335 : memref<!tpu.dma_semaphore, #tpu.memory_space<semaphore_mem>>)
    %dma_start3A_344 = arith.constant 0 : i32
    %dma_start3A_345 = arith.constant 1 : i32
    %dma_start3A_346 = arith.constant 0 : i32
    %dma_start3A_347 = arith.constant 1 : i32
    %dma_start3A_348 = arith.constant 48 : i32
    %dma_start3A_349 = arith.constant 0 : i32
    %dma_start3A_350 = tpu.memref_slice %arg10[%dma_start3A_344, %dma_start3A_345, %dma_start3A_348, %dma_start3A_349] : memref<2x2x64x32xf32, #tpu.memory_space<vmem>> -> memref<1x1x8x32xf32, #tpu.memory_space<vmem>>
    %dma_start3A_351 = tpu.memref_squeeze %dma_start3A_350 : memref<1x1x8x32xf32, #tpu.memory_space<vmem>> -> memref<8x32xf32, #tpu.memory_space<vmem>>
    %dma_start3A_352 = arith.constant 0 : i32
    %dma_start3A_353 = arith.constant 0 : i32
    %dma_start3A_354 = tpu.memref_slice %arg5[%shift_right_arithmetic3A_321, %dma_start3A_352, %dma_start3A_353] : memref<125000x8x32xf32, #tpu.memory_space<hbm>> -> memref<1x8x32xf32, #tpu.memory_space<hbm>>
    %dma_start3A_355 = tpu.memref_squeeze %dma_start3A_354 : memref<1x8x32xf32, #tpu.memory_space<hbm>> -> memref<8x32xf32, #tpu.memory_space<hbm>>
    %dma_start3A_356 = tpu.memref_slice %arg13[%dma_start3A_346, %dma_start3A_347] : memref<2x2x!tpu.dma_semaphore, #tpu.memory_space<semaphore_mem>> -> memref<1x1x!tpu.dma_semaphore, #tpu.memory_space<semaphore_mem>>
    %dma_start3A_357 = tpu.memref_squeeze %dma_start3A_356 : memref<1x1x!tpu.dma_semaphore, #tpu.memory_space<semaphore_mem>> -> memref<!tpu.dma_semaphore, #tpu.memory_space<semaphore_mem>>
    %dma_start3A_358 = arith.constant 48 : i32
    %dma_start3A_359 = arith.constant 0 : i32
    %dma_start3A_360 = tpu.memref_slice %arg10[%dma_start3A_344, %dma_start3A_345, %dma_start3A_358, %dma_start3A_359] : memref<2x2x64x32xf32, #tpu.memory_space<vmem>> -> memref<1x1x8x32xf32, #tpu.memory_space<vmem>>
    %dma_start3A_361 = tpu.memref_squeeze %dma_start3A_360 : memref<1x1x8x32xf32, #tpu.memory_space<vmem>> -> memref<8x32xf32, #tpu.memory_space<vmem>>
    %dma_start3A_362 = arith.constant 0 : i32
    %dma_start3A_363 = arith.constant 0 : i32
    %dma_start3A_364 = tpu.memref_slice %arg5[%shift_right_arithmetic3A_321, %dma_start3A_362, %dma_start3A_363] : memref<125000x8x32xf32, #tpu.memory_space<hbm>> -> memref<1x8x32xf32, #tpu.memory_space<hbm>>
    %dma_start3A_365 = tpu.memref_squeeze %dma_start3A_364 : memref<1x8x32xf32, #tpu.memory_space<hbm>> -> memref<8x32xf32, #tpu.memory_space<hbm>>
    tpu.enqueue_dma source(%dma_start3A_365 : memref<8x32xf32, #tpu.memory_space<hbm>>) target(%dma_start3A_361 : memref<8x32xf32, #tpu.memory_space<vmem>>) target_semaphore(%dma_start3A_357 : memref<!tpu.dma_semaphore, #tpu.memory_space<semaphore_mem>>)
    %slice3A_366 = vector.extract_strided_slice %get3A_3 {offsets = [7], sizes = [1], strides = [1]} : vector<16xi32> to vector<1xi32>
    %squeeze3A_367 = vector.extract %slice3A_366[0] : i32 from vector<1xi32>
    %shift_right_arithmetic3A_368 = arith.constant 3 : i32
    %shift_right_arithmetic3A_369 = arith.shrsi %squeeze3A_367, %shift_right_arithmetic3A_368 : i32
    %slice3A_370 = vector.extract_strided_slice %get3A_5 {offsets = [7], sizes = [1], strides = [1]} : vector<16xi32> to vector<1xi32>
    %squeeze3A_371 = vector.extract %slice3A_370[0] : i32 from vector<1xi32>
    %shift_right_arithmetic3A_372 = arith.constant 3 : i32
    %shift_right_arithmetic3A_373 = arith.shrsi %squeeze3A_371, %shift_right_arithmetic3A_372 : i32
    %dma_start3A_374 = arith.constant 0 : i32
    %dma_start3A_375 = arith.constant 0 : i32
    %dma_start3A_376 = arith.constant 0 : i32
    %dma_start3A_377 = arith.constant 0 : i32
    %dma_start3A_378 = arith.constant 56 : i32
    %dma_start3A_379 = arith.constant 0 : i32
    %dma_start3A_380 = tpu.memref_slice %arg10[%dma_start3A_374, %dma_start3A_375, %dma_start3A_378, %dma_start3A_379] : memref<2x2x64x32xf32, #tpu.memory_space<vmem>> -> memref<1x1x8x32xf32, #tpu.memory_space<vmem>>
    %dma_start3A_381 = tpu.memref_squeeze %dma_start3A_380 : memref<1x1x8x32xf32, #tpu.memory_space<vmem>> -> memref<8x32xf32, #tpu.memory_space<vmem>>
    %dma_start3A_382 = arith.constant 0 : i32
    %dma_start3A_383 = arith.constant 0 : i32
    %dma_start3A_384 = tpu.memref_slice %arg4[%shift_right_arithmetic3A_369, %dma_start3A_382, %dma_start3A_383] : memref<125000x8x32xf32, #tpu.memory_space<hbm>> -> memref<1x8x32xf32, #tpu.memory_space<hbm>>
    %dma_start3A_385 = tpu.memref_squeeze %dma_start3A_384 : memref<1x8x32xf32, #tpu.memory_space<hbm>> -> memref<8x32xf32, #tpu.memory_space<hbm>>
    %dma_start3A_386 = tpu.memref_slice %arg13[%dma_start3A_376, %dma_start3A_377] : memref<2x2x!tpu.dma_semaphore, #tpu.memory_space<semaphore_mem>> -> memref<1x1x!tpu.dma_semaphore, #tpu.memory_space<semaphore_mem>>
    %dma_start3A_387 = tpu.memref_squeeze %dma_start3A_386 : memref<1x1x!tpu.dma_semaphore, #tpu.memory_space<semaphore_mem>> -> memref<!tpu.dma_semaphore, #tpu.memory_space<semaphore_mem>>
    %dma_start3A_388 = arith.constant 56 : i32
    %dma_start3A_389 = arith.constant 0 : i32
    %dma_start3A_390 = tpu.memref_slice %arg10[%dma_start3A_374, %dma_start3A_375, %dma_start3A_388, %dma_start3A_389] : memref<2x2x64x32xf32, #tpu.memory_space<vmem>> -> memref<1x1x8x32xf32, #tpu.memory_space<vmem>>
    %dma_start3A_391 = tpu.memref_squeeze %dma_start3A_390 : memref<1x1x8x32xf32, #tpu.memory_space<vmem>> -> memref<8x32xf32, #tpu.memory_space<vmem>>
    %dma_start3A_392 = arith.constant 0 : i32
    %dma_start3A_393 = arith.constant 0 : i32
    %dma_start3A_394 = tpu.memref_slice %arg4[%shift_right_arithmetic3A_369, %dma_start3A_392, %dma_start3A_393] : memref<125000x8x32xf32, #tpu.memory_space<hbm>> -> memref<1x8x32xf32, #tpu.memory_space<hbm>>
    %dma_start3A_395 = tpu.memref_squeeze %dma_start3A_394 : memref<1x8x32xf32, #tpu.memory_space<hbm>> -> memref<8x32xf32, #tpu.memory_space<hbm>>
    tpu.enqueue_dma source(%dma_start3A_395 : memref<8x32xf32, #tpu.memory_space<hbm>>) target(%dma_start3A_391 : memref<8x32xf32, #tpu.memory_space<vmem>>) target_semaphore(%dma_start3A_387 : memref<!tpu.dma_semaphore, #tpu.memory_space<semaphore_mem>>)
    %dma_start3A_396 = arith.constant 0 : i32
    %dma_start3A_397 = arith.constant 1 : i32
    %dma_start3A_398 = arith.constant 0 : i32
    %dma_start3A_399 = arith.constant 1 : i32
    %dma_start3A_400 = arith.constant 56 : i32
    %dma_start3A_401 = arith.constant 0 : i32
    %dma_start3A_402 = tpu.memref_slice %arg10[%dma_start3A_396, %dma_start3A_397, %dma_start3A_400, %dma_start3A_401] : memref<2x2x64x32xf32, #tpu.memory_space<vmem>> -> memref<1x1x8x32xf32, #tpu.memory_space<vmem>>
    %dma_start3A_403 = tpu.memref_squeeze %dma_start3A_402 : memref<1x1x8x32xf32, #tpu.memory_space<vmem>> -> memref<8x32xf32, #tpu.memory_space<vmem>>
    %dma_start3A_404 = arith.constant 0 : i32
    %dma_start3A_405 = arith.constant 0 : i32
    %dma_start3A_406 = tpu.memref_slice %arg5[%shift_right_arithmetic3A_373, %dma_start3A_404, %dma_start3A_405] : memref<125000x8x32xf32, #tpu.memory_space<hbm>> -> memref<1x8x32xf32, #tpu.memory_space<hbm>>
    %dma_start3A_407 = tpu.memref_squeeze %dma_start3A_406 : memref<1x8x32xf32, #tpu.memory_space<hbm>> -> memref<8x32xf32, #tpu.memory_space<hbm>>
    %dma_start3A_408 = tpu.memref_slice %arg13[%dma_start3A_398, %dma_start3A_399] : memref<2x2x!tpu.dma_semaphore, #tpu.memory_space<semaphore_mem>> -> memref<1x1x!tpu.dma_semaphore, #tpu.memory_space<semaphore_mem>>
    %dma_start3A_409 = tpu.memref_squeeze %dma_start3A_408 : memref<1x1x!tpu.dma_semaphore, #tpu.memory_space<semaphore_mem>> -> memref<!tpu.dma_semaphore, #tpu.memory_space<semaphore_mem>>
    %dma_start3A_410 = arith.constant 56 : i32
    %dma_start3A_411 = arith.constant 0 : i32
    %dma_start3A_412 = tpu.memref_slice %arg10[%dma_start3A_396, %dma_start3A_397, %dma_start3A_410, %dma_start3A_411] : memref<2x2x64x32xf32, #tpu.memory_space<vmem>> -> memref<1x1x8x32xf32, #tpu.memory_space<vmem>>
    %dma_start3A_413 = tpu.memref_squeeze %dma_start3A_412 : memref<1x1x8x32xf32, #tpu.memory_space<vmem>> -> memref<8x32xf32, #tpu.memory_space<vmem>>
    %dma_start3A_414 = arith.constant 0 : i32
    %dma_start3A_415 = arith.constant 0 : i32
    %dma_start3A_416 = tpu.memref_slice %arg5[%shift_right_arithmetic3A_373, %dma_start3A_414, %dma_start3A_415] : memref<125000x8x32xf32, #tpu.memory_space<hbm>> -> memref<1x8x32xf32, #tpu.memory_space<hbm>>
    %dma_start3A_417 = tpu.memref_squeeze %dma_start3A_416 : memref<1x8x32xf32, #tpu.memory_space<hbm>> -> memref<8x32xf32, #tpu.memory_space<hbm>>
    tpu.enqueue_dma source(%dma_start3A_417 : memref<8x32xf32, #tpu.memory_space<hbm>>) target(%dma_start3A_413 : memref<8x32xf32, #tpu.memory_space<vmem>>) target_semaphore(%dma_start3A_409 : memref<!tpu.dma_semaphore, #tpu.memory_space<semaphore_mem>>)
    %scan3A = arith.constant 0 : i32
    %scan3A_418 = arith.constant 0 : i32
    %scan3A_419 = arith.constant 32 : i32
    %scan3A_420 = arith.addi %scan3A_418, %scan3A_419 : i32
    %scan3A_421 = arith.constant 1 : i32
    scf.for %scan3A_436 = %scan3A_418 to %scan3A_420 step %scan3A_421  : i32 {
      %mul3A_437 = arith.constant 16 : i32
      %mul3A_438 = arith.muli %scan3A_436, %mul3A_437 : i32
      %get3A_439 = arith.index_cast %mul3A_438 : i32 to index
      %get3A_440 = tpu.vector_load %arg8[%get3A_439] {strides = array<i32>} : memref<512xi32, #tpu.memory_space<vmem>>, vector<16xi32>,
      %mul3A_441 = arith.constant 16 : i32
      %mul3A_442 = arith.muli %scan3A_436, %mul3A_441 : i32
      %get3A_443 = arith.index_cast %mul3A_442 : i32 to index
      %get3A_444 = tpu.vector_load %arg9[%get3A_443] {strides = array<i32>} : memref<512xi32, #tpu.memory_space<vmem>>, vector<16xi32>,
      %slice3A_445 = vector.extract_strided_slice %get3A_440 {offsets = [8], sizes = [1], strides = [1]} : vector<16xi32> to vector<1xi32>
      %squeeze3A_446 = vector.extract %slice3A_445[0] : i32 from vector<1xi32>
      %shift_right_arithmetic3A_447 = arith.constant 3 : i32
      %shift_right_arithmetic3A_448 = arith.shrsi %squeeze3A_446, %shift_right_arithmetic3A_447 : i32
      %slice3A_449 = vector.extract_strided_slice %get3A_444 {offsets = [8], sizes = [1], strides = [1]} : vector<16xi32> to vector<1xi32>
      %squeeze3A_450 = vector.extract %slice3A_449[0] : i32 from vector<1xi32>
      %shift_right_arithmetic3A_451 = arith.constant 3 : i32
      %shift_right_arithmetic3A_452 = arith.shrsi %squeeze3A_450, %shift_right_arithmetic3A_451 : i32
      %dma_start3A_453 = arith.constant 1 : i32
      %dma_start3A_454 = arith.constant 0 : i32
      %dma_start3A_455 = arith.constant 1 : i32
      %dma_start3A_456 = arith.constant 0 : i32
      %dma_start3A_457 = arith.constant 0 : i32
      %dma_start3A_458 = arith.constant 0 : i32
      %dma_start3A_459 = tpu.memref_slice %arg10[%dma_start3A_453, %dma_start3A_454, %dma_start3A_457, %dma_start3A_458] : memref<2x2x64x32xf32, #tpu.memory_space<vmem>> -> memref<1x1x8x32xf32, #tpu.memory_space<vmem>>
      %dma_start3A_460 = tpu.memref_squeeze %dma_start3A_459 : memref<1x1x8x32xf32, #tpu.memory_space<vmem>> -> memref<8x32xf32, #tpu.memory_space<vmem>>
      %dma_start3A_461 = arith.constant 0 : i32
      %dma_start3A_462 = arith.constant 0 : i32
      %dma_start3A_463 = tpu.memref_slice %arg4[%shift_right_arithmetic3A_448, %dma_start3A_461, %dma_start3A_462] : memref<125000x8x32xf32, #tpu.memory_space<hbm>> -> memref<1x8x32xf32, #tpu.memory_space<hbm>>
      %dma_start3A_464 = tpu.memref_squeeze %dma_start3A_463 : memref<1x8x32xf32, #tpu.memory_space<hbm>> -> memref<8x32xf32, #tpu.memory_space<hbm>>
      %dma_start3A_465 = tpu.memref_slice %arg13[%dma_start3A_455, %dma_start3A_456] : memref<2x2x!tpu.dma_semaphore, #tpu.memory_space<semaphore_mem>> -> memref<1x1x!tpu.dma_semaphore, #tpu.memory_space<semaphore_mem>>
      %dma_start3A_466 = tpu.memref_squeeze %dma_start3A_465 : memref<1x1x!tpu.dma_semaphore, #tpu.memory_space<semaphore_mem>> -> memref<!tpu.dma_semaphore, #tpu.memory_space<semaphore_mem>>
      %dma_start3A_467 = arith.constant 0 : i32
      %dma_start3A_468 = arith.constant 0 : i32
      %dma_start3A_469 = tpu.memref_slice %arg10[%dma_start3A_453, %dma_start3A_454, %dma_start3A_467, %dma_start3A_468] : memref<2x2x64x32xf32, #tpu.memory_space<vmem>> -> memref<1x1x8x32xf32, #tpu.memory_space<vmem>>
      %dma_start3A_470 = tpu.memref_squeeze %dma_start3A_469 : memref<1x1x8x32xf32, #tpu.memory_space<vmem>> -> memref<8x32xf32, #tpu.memory_space<vmem>>
      %dma_start3A_471 = arith.constant 0 : i32
      %dma_start3A_472 = arith.constant 0 : i32
      %dma_start3A_473 = tpu.memref_slice %arg4[%shift_right_arithmetic3A_448, %dma_start3A_471, %dma_start3A_472] : memref<125000x8x32xf32, #tpu.memory_space<hbm>> -> memref<1x8x32xf32, #tpu.memory_space<hbm>>
      %dma_start3A_474 = tpu.memref_squeeze %dma_start3A_473 : memref<1x8x32xf32, #tpu.memory_space<hbm>> -> memref<8x32xf32, #tpu.memory_space<hbm>>
      tpu.enqueue_dma source(%dma_start3A_474 : memref<8x32xf32, #tpu.memory_space<hbm>>) target(%dma_start3A_470 : memref<8x32xf32, #tpu.memory_space<vmem>>) target_semaphore(%dma_start3A_466 : memref<!tpu.dma_semaphore, #tpu.memory_space<semaphore_mem>>)
      %dma_start3A_475 = arith.constant 1 : i32
      %dma_start3A_476 = arith.constant 1 : i32
      %dma_start3A_477 = arith.constant 1 : i32
      %dma_start3A_478 = arith.constant 1 : i32
      %dma_start3A_479 = arith.constant 0 : i32
      %dma_start3A_480 = arith.constant 0 : i32
      %dma_start3A_481 = tpu.memref_slice %arg10[%dma_start3A_475, %dma_start3A_476, %dma_start3A_479, %dma_start3A_480] : memref<2x2x64x32xf32, #tpu.memory_space<vmem>> -> memref<1x1x8x32xf32, #tpu.memory_space<vmem>>
      %dma_start3A_482 = tpu.memref_squeeze %dma_start3A_481 : memref<1x1x8x32xf32, #tpu.memory_space<vmem>> -> memref<8x32xf32, #tpu.memory_space<vmem>>
      %dma_start3A_483 = arith.constant 0 : i32
      %dma_start3A_484 = arith.constant 0 : i32
      %dma_start3A_485 = tpu.memref_slice %arg5[%shift_right_arithmetic3A_452, %dma_start3A_483, %dma_start3A_484] : memref<125000x8x32xf32, #tpu.memory_space<hbm>> -> memref<1x8x32xf32, #tpu.memory_space<hbm>>
      %dma_start3A_486 = tpu.memref_squeeze %dma_start3A_485 : memref<1x8x32xf32, #tpu.memory_space<hbm>> -> memref<8x32xf32, #tpu.memory_space<hbm>>
      %dma_start3A_487 = tpu.memref_slice %arg13[%dma_start3A_477, %dma_start3A_478] : memref<2x2x!tpu.dma_semaphore, #tpu.memory_space<semaphore_mem>> -> memref<1x1x!tpu.dma_semaphore, #tpu.memory_space<semaphore_mem>>
      %dma_start3A_488 = tpu.memref_squeeze %dma_start3A_487 : memref<1x1x!tpu.dma_semaphore, #tpu.memory_space<semaphore_mem>> -> memref<!tpu.dma_semaphore, #tpu.memory_space<semaphore_mem>>
      %dma_start3A_489 = arith.constant 0 : i32
      %dma_start3A_490 = arith.constant 0 : i32
      %dma_start3A_491 = tpu.memref_slice %arg10[%dma_start3A_475, %dma_start3A_476, %dma_start3A_489, %dma_start3A_490] : memref<2x2x64x32xf32, #tpu.memory_space<vmem>> -> memref<1x1x8x32xf32, #tpu.memory_space<vmem>>
      %dma_start3A_492 = tpu.memref_squeeze %dma_start3A_491 : memref<1x1x8x32xf32, #tpu.memory_space<vmem>> -> memref<8x32xf32, #tpu.memory_space<vmem>>
      %dma_start3A_493 = arith.constant 0 : i32
      %dma_start3A_494 = arith.constant 0 : i32
      %dma_start3A_495 = tpu.memref_slice %arg5[%shift_right_arithmetic3A_452, %dma_start3A_493, %dma_start3A_494] : memref<125000x8x32xf32, #tpu.memory_space<hbm>> -> memref<1x8x32xf32, #tpu.memory_space<hbm>>
      %dma_start3A_496 = tpu.memref_squeeze %dma_start3A_495 : memref<1x8x32xf32, #tpu.memory_space<hbm>> -> memref<8x32xf32, #tpu.memory_space<hbm>>
      tpu.enqueue_dma source(%dma_start3A_496 : memref<8x32xf32, #tpu.memory_space<hbm>>) target(%dma_start3A_492 : memref<8x32xf32, #tpu.memory_space<vmem>>) target_semaphore(%dma_start3A_488 : memref<!tpu.dma_semaphore, #tpu.memory_space<semaphore_mem>>)
      %slice3A_497 = vector.extract_strided_slice %get3A_440 {offsets = [9], sizes = [1], strides = [1]} : vector<16xi32> to vector<1xi32>
      %squeeze3A_498 = vector.extract %slice3A_497[0] : i32 from vector<1xi32>
      %shift_right_arithmetic3A_499 = arith.constant 3 : i32
      %shift_right_arithmetic3A_500 = arith.shrsi %squeeze3A_498, %shift_right_arithmetic3A_499 : i32
      %slice3A_501 = vector.extract_strided_slice %get3A_444 {offsets = [9], sizes = [1], strides = [1]} : vector<16xi32> to vector<1xi32>
      %squeeze3A_502 = vector.extract %slice3A_501[0] : i32 from vector<1xi32>
      %shift_right_arithmetic3A_503 = arith.constant 3 : i32
      %shift_right_arithmetic3A_504 = arith.shrsi %squeeze3A_502, %shift_right_arithmetic3A_503 : i32
      %dma_start3A_505 = arith.constant 1 : i32
      %dma_start3A_506 = arith.constant 0 : i32
      %dma_start3A_507 = arith.constant 1 : i32
      %dma_start3A_508 = arith.constant 0 : i32
      %dma_start3A_509 = arith.constant 8 : i32
      %dma_start3A_510 = arith.constant 0 : i32
      %dma_start3A_511 = tpu.memref_slice %arg10[%dma_start3A_505, %dma_start3A_506, %dma_start3A_509, %dma_start3A_510] : memref<2x2x64x32xf32, #tpu.memory_space<vmem>> -> memref<1x1x8x32xf32, #tpu.memory_space<vmem>>
      %dma_start3A_512 = tpu.memref_squeeze %dma_start3A_511 : memref<1x1x8x32xf32, #tpu.memory_space<vmem>> -> memref<8x32xf32, #tpu.memory_space<vmem>>
      %dma_start3A_513 = arith.constant 0 : i32
      %dma_start3A_514 = arith.constant 0 : i32
      %dma_start3A_515 = tpu.memref_slice %arg4[%shift_right_arithmetic3A_500, %dma_start3A_513, %dma_start3A_514] : memref<125000x8x32xf32, #tpu.memory_space<hbm>> -> memref<1x8x32xf32, #tpu.memory_space<hbm>>
      %dma_start3A_516 = tpu.memref_squeeze %dma_start3A_515 : memref<1x8x32xf32, #tpu.memory_space<hbm>> -> memref<8x32xf32, #tpu.memory_space<hbm>>
      %dma_start3A_517 = tpu.memref_slice %arg13[%dma_start3A_507, %dma_start3A_508] : memref<2x2x!tpu.dma_semaphore, #tpu.memory_space<semaphore_mem>> -> memref<1x1x!tpu.dma_semaphore, #tpu.memory_space<semaphore_mem>>
      %dma_start3A_518 = tpu.memref_squeeze %dma_start3A_517 : memref<1x1x!tpu.dma_semaphore, #tpu.memory_space<semaphore_mem>> -> memref<!tpu.dma_semaphore, #tpu.memory_space<semaphore_mem>>
      %dma_start3A_519 = arith.constant 8 : i32
      %dma_start3A_520 = arith.constant 0 : i32
      %dma_start3A_521 = tpu.memref_slice %arg10[%dma_start3A_505, %dma_start3A_506, %dma_start3A_519, %dma_start3A_520] : memref<2x2x64x32xf32, #tpu.memory_space<vmem>> -> memref<1x1x8x32xf32, #tpu.memory_space<vmem>>
      %dma_start3A_522 = tpu.memref_squeeze %dma_start3A_521 : memref<1x1x8x32xf32, #tpu.memory_space<vmem>> -> memref<8x32xf32, #tpu.memory_space<vmem>>
      %dma_start3A_523 = arith.constant 0 : i32
      %dma_start3A_524 = arith.constant 0 : i32
      %dma_start3A_525 = tpu.memref_slice %arg4[%shift_right_arithmetic3A_500, %dma_start3A_523, %dma_start3A_524] : memref<125000x8x32xf32, #tpu.memory_space<hbm>> -> memref<1x8x32xf32, #tpu.memory_space<hbm>>
      %dma_start3A_526 = tpu.memref_squeeze %dma_start3A_525 : memref<1x8x32xf32, #tpu.memory_space<hbm>> -> memref<8x32xf32, #tpu.memory_space<hbm>>
      tpu.enqueue_dma source(%dma_start3A_526 : memref<8x32xf32, #tpu.memory_space<hbm>>) target(%dma_start3A_522 : memref<8x32xf32, #tpu.memory_space<vmem>>) target_semaphore(%dma_start3A_518 : memref<!tpu.dma_semaphore, #tpu.memory_space<semaphore_mem>>)
      %dma_start3A_527 = arith.constant 1 : i32
      %dma_start3A_528 = arith.constant 1 : i32
      %dma_start3A_529 = arith.constant 1 : i32
      %dma_start3A_530 = arith.constant 1 : i32
      %dma_start3A_531 = arith.constant 8 : i32
      %dma_start3A_532 = arith.constant 0 : i32
      %dma_start3A_533 = tpu.memref_slice %arg10[%dma_start3A_527, %dma_start3A_528, %dma_start3A_531, %dma_start3A_532] : memref<2x2x64x32xf32, #tpu.memory_space<vmem>> -> memref<1x1x8x32xf32, #tpu.memory_space<vmem>>
      %dma_start3A_534 = tpu.memref_squeeze %dma_start3A_533 : memref<1x1x8x32xf32, #tpu.memory_space<vmem>> -> memref<8x32xf32, #tpu.memory_space<vmem>>
      %dma_start3A_535 = arith.constant 0 : i32
      %dma_start3A_536 = arith.constant 0 : i32
      %dma_start3A_537 = tpu.memref_slice %arg5[%shift_right_arithmetic3A_504, %dma_start3A_535, %dma_start3A_536] : memref<125000x8x32xf32, #tpu.memory_space<hbm>> -> memref<1x8x32xf32, #tpu.memory_space<hbm>>
      %dma_start3A_538 = tpu.memref_squeeze %dma_start3A_537 : memref<1x8x32xf32, #tpu.memory_space<hbm>> -> memref<8x32xf32, #tpu.memory_space<hbm>>
      %dma_start3A_539 = tpu.memref_slice %arg13[%dma_start3A_529, %dma_start3A_530] : memref<2x2x!tpu.dma_semaphore, #tpu.memory_space<semaphore_mem>> -> memref<1x1x!tpu.dma_semaphore, #tpu.memory_space<semaphore_mem>>
      %dma_start3A_540 = tpu.memref_squeeze %dma_start3A_539 : memref<1x1x!tpu.dma_semaphore, #tpu.memory_space<semaphore_mem>> -> memref<!tpu.dma_semaphore, #tpu.memory_space<semaphore_mem>>
      %dma_start3A_541 = arith.constant 8 : i32
      %dma_start3A_542 = arith.constant 0 : i32
      %dma_start3A_543 = tpu.memref_slice %arg10[%dma_start3A_527, %dma_start3A_528, %dma_start3A_541, %dma_start3A_542] : memref<2x2x64x32xf32, #tpu.memory_space<vmem>> -> memref<1x1x8x32xf32, #tpu.memory_space<vmem>>
      %dma_start3A_544 = tpu.memref_squeeze %dma_start3A_543 : memref<1x1x8x32xf32, #tpu.memory_space<vmem>> -> memref<8x32xf32, #tpu.memory_space<vmem>>
      %dma_start3A_545 = arith.constant 0 : i32
      %dma_start3A_546 = arith.constant 0 : i32
      %dma_start3A_547 = tpu.memref_slice %arg5[%shift_right_arithmetic3A_504, %dma_start3A_545, %dma_start3A_546] : memref<125000x8x32xf32, #tpu.memory_space<hbm>> -> memref<1x8x32xf32, #tpu.memory_space<hbm>>
      %dma_start3A_548 = tpu.memref_squeeze %dma_start3A_547 : memref<1x8x32xf32, #tpu.memory_space<hbm>> -> memref<8x32xf32, #tpu.memory_space<hbm>>
      tpu.enqueue_dma source(%dma_start3A_548 : memref<8x32xf32, #tpu.memory_space<hbm>>) target(%dma_start3A_544 : memref<8x32xf32, #tpu.memory_space<vmem>>) target_semaphore(%dma_start3A_540 : memref<!tpu.dma_semaphore, #tpu.memory_space<semaphore_mem>>)
      %slice3A_549 = vector.extract_strided_slice %get3A_440 {offsets = [10], sizes = [1], strides = [1]} : vector<16xi32> to vector<1xi32>
      %squeeze3A_550 = vector.extract %slice3A_549[0] : i32 from vector<1xi32>
      %shift_right_arithmetic3A_551 = arith.constant 3 : i32
      %shift_right_arithmetic3A_552 = arith.shrsi %squeeze3A_550, %shift_right_arithmetic3A_551 : i32
      %slice3A_553 = vector.extract_strided_slice %get3A_444 {offsets = [10], sizes = [1], strides = [1]} : vector<16xi32> to vector<1xi32>
      %squeeze3A_554 = vector.extract %slice3A_553[0] : i32 from vector<1xi32>
      %shift_right_arithmetic3A_555 = arith.constant 3 : i32
      %shift_right_arithmetic3A_556 = arith.shrsi %squeeze3A_554, %shift_right_arithmetic3A_555 : i32
      %dma_start3A_557 = arith.constant 1 : i32
      %dma_start3A_558 = arith.constant 0 : i32
      %dma_start3A_559 = arith.constant 1 : i32
      %dma_start3A_560 = arith.constant 0 : i32
      %dma_start3A_561 = arith.constant 16 : i32
      %dma_start3A_562 = arith.constant 0 : i32
      %dma_start3A_563 = tpu.memref_slice %arg10[%dma_start3A_557, %dma_start3A_558, %dma_start3A_561, %dma_start3A_562] : memref<2x2x64x32xf32, #tpu.memory_space<vmem>> -> memref<1x1x8x32xf32, #tpu.memory_space<vmem>>
      %dma_start3A_564 = tpu.memref_squeeze %dma_start3A_563 : memref<1x1x8x32xf32, #tpu.memory_space<vmem>> -> memref<8x32xf32, #tpu.memory_space<vmem>>
      %dma_start3A_565 = arith.constant 0 : i32
      %dma_start3A_566 = arith.constant 0 : i32
      %dma_start3A_567 = tpu.memref_slice %arg4[%shift_right_arithmetic3A_552, %dma_start3A_565, %dma_start3A_566] : memref<125000x8x32xf32, #tpu.memory_space<hbm>> -> memref<1x8x32xf32, #tpu.memory_space<hbm>>
      %dma_start3A_568 = tpu.memref_squeeze %dma_start3A_567 : memref<1x8x32xf32, #tpu.memory_space<hbm>> -> memref<8x32xf32, #tpu.memory_space<hbm>>
      %dma_start3A_569 = tpu.memref_slice %arg13[%dma_start3A_559, %dma_start3A_560] : memref<2x2x!tpu.dma_semaphore, #tpu.memory_space<semaphore_mem>> -> memref<1x1x!tpu.dma_semaphore, #tpu.memory_space<semaphore_mem>>
      %dma_start3A_570 = tpu.memref_squeeze %dma_start3A_569 : memref<1x1x!tpu.dma_semaphore, #tpu.memory_space<semaphore_mem>> -> memref<!tpu.dma_semaphore, #tpu.memory_space<semaphore_mem>>
      %dma_start3A_571 = arith.constant 16 : i32
      %dma_start3A_572 = arith.constant 0 : i32
      %dma_start3A_573 = tpu.memref_slice %arg10[%dma_start3A_557, %dma_start3A_558, %dma_start3A_571, %dma_start3A_572] : memref<2x2x64x32xf32, #tpu.memory_space<vmem>> -> memref<1x1x8x32xf32, #tpu.memory_space<vmem>>
      %dma_start3A_574 = tpu.memref_squeeze %dma_start3A_573 : memref<1x1x8x32xf32, #tpu.memory_space<vmem>> -> memref<8x32xf32, #tpu.memory_space<vmem>>
      %dma_start3A_575 = arith.constant 0 : i32
      %dma_start3A_576 = arith.constant 0 : i32
      %dma_start3A_577 = tpu.memref_slice %arg4[%shift_right_arithmetic3A_552, %dma_start3A_575, %dma_start3A_576] : memref<125000x8x32xf32, #tpu.memory_space<hbm>> -> memref<1x8x32xf32, #tpu.memory_space<hbm>>
      %dma_start3A_578 = tpu.memref_squeeze %dma_start3A_577 : memref<1x8x32xf32, #tpu.memory_space<hbm>> -> memref<8x32xf32, #tpu.memory_space<hbm>>
      tpu.enqueue_dma source(%dma_start3A_578 : memref<8x32xf32, #tpu.memory_space<hbm>>) target(%dma_start3A_574 : memref<8x32xf32, #tpu.memory_space<vmem>>) target_semaphore(%dma_start3A_570 : memref<!tpu.dma_semaphore, #tpu.memory_space<semaphore_mem>>)
      %dma_start3A_579 = arith.constant 1 : i32
      %dma_start3A_580 = arith.constant 1 : i32
      %dma_start3A_581 = arith.constant 1 : i32
      %dma_start3A_582 = arith.constant 1 : i32
      %dma_start3A_583 = arith.constant 16 : i32
      %dma_start3A_584 = arith.constant 0 : i32
      %dma_start3A_585 = tpu.memref_slice %arg10[%dma_start3A_579, %dma_start3A_580, %dma_start3A_583, %dma_start3A_584] : memref<2x2x64x32xf32, #tpu.memory_space<vmem>> -> memref<1x1x8x32xf32, #tpu.memory_space<vmem>>
      %dma_start3A_586 = tpu.memref_squeeze %dma_start3A_585 : memref<1x1x8x32xf32, #tpu.memory_space<vmem>> -> memref<8x32xf32, #tpu.memory_space<vmem>>
      %dma_start3A_587 = arith.constant 0 : i32
      %dma_start3A_588 = arith.constant 0 : i32
      %dma_start3A_589 = tpu.memref_slice %arg5[%shift_right_arithmetic3A_556, %dma_start3A_587, %dma_start3A_588] : memref<125000x8x32xf32, #tpu.memory_space<hbm>> -> memref<1x8x32xf32, #tpu.memory_space<hbm>>
      %dma_start3A_590 = tpu.memref_squeeze %dma_start3A_589 : memref<1x8x32xf32, #tpu.memory_space<hbm>> -> memref<8x32xf32, #tpu.memory_space<hbm>>
      %dma_start3A_591 = tpu.memref_slice %arg13[%dma_start3A_581, %dma_start3A_582] : memref<2x2x!tpu.dma_semaphore, #tpu.memory_space<semaphore_mem>> -> memref<1x1x!tpu.dma_semaphore, #tpu.memory_space<semaphore_mem>>
      %dma_start3A_592 = tpu.memref_squeeze %dma_start3A_591 : memref<1x1x!tpu.dma_semaphore, #tpu.memory_space<semaphore_mem>> -> memref<!tpu.dma_semaphore, #tpu.memory_space<semaphore_mem>>
      %dma_start3A_593 = arith.constant 16 : i32
      %dma_start3A_594 = arith.constant 0 : i32
      %dma_start3A_595 = tpu.memref_slice %arg10[%dma_start3A_579, %dma_start3A_580, %dma_start3A_593, %dma_start3A_594] : memref<2x2x64x32xf32, #tpu.memory_space<vmem>> -> memref<1x1x8x32xf32, #tpu.memory_space<vmem>>
      %dma_start3A_596 = tpu.memref_squeeze %dma_start3A_595 : memref<1x1x8x32xf32, #tpu.memory_space<vmem>> -> memref<8x32xf32, #tpu.memory_space<vmem>>
      %dma_start3A_597 = arith.constant 0 : i32
      %dma_start3A_598 = arith.constant 0 : i32
      %dma_start3A_599 = tpu.memref_slice %arg5[%shift_right_arithmetic3A_556, %dma_start3A_597, %dma_start3A_598] : memref<125000x8x32xf32, #tpu.memory_space<hbm>> -> memref<1x8x32xf32, #tpu.memory_space<hbm>>
      %dma_start3A_600 = tpu.memref_squeeze %dma_start3A_599 : memref<1x8x32xf32, #tpu.memory_space<hbm>> -> memref<8x32xf32, #tpu.memory_space<hbm>>
      tpu.enqueue_dma source(%dma_start3A_600 : memref<8x32xf32, #tpu.memory_space<hbm>>) target(%dma_start3A_596 : memref<8x32xf32, #tpu.memory_space<vmem>>) target_semaphore(%dma_start3A_592 : memref<!tpu.dma_semaphore, #tpu.memory_space<semaphore_mem>>)
      %slice3A_601 = vector.extract_strided_slice %get3A_440 {offsets = [11], sizes = [1], strides = [1]} : vector<16xi32> to vector<1xi32>
      %squeeze3A_602 = vector.extract %slice3A_601[0] : i32 from vector<1xi32>
      %shift_right_arithmetic3A_603 = arith.constant 3 : i32
      %shift_right_arithmetic3A_604 = arith.shrsi %squeeze3A_602, %shift_right_arithmetic3A_603 : i32
      %slice3A_605 = vector.extract_strided_slice %get3A_444 {offsets = [11], sizes = [1], strides = [1]} : vector<16xi32> to vector<1xi32>
      %squeeze3A_606 = vector.extract %slice3A_605[0] : i32 from vector<1xi32>
      %shift_right_arithmetic3A_607 = arith.constant 3 : i32
      %shift_right_arithmetic3A_608 = arith.shrsi %squeeze3A_606, %shift_right_arithmetic3A_607 : i32
      %dma_start3A_609 = arith.constant 1 : i32
      %dma_start3A_610 = arith.constant 0 : i32
      %dma_start3A_611 = arith.constant 1 : i32
      %dma_start3A_612 = arith.constant 0 : i32
      %dma_start3A_613 = arith.constant 24 : i32
      %dma_start3A_614 = arith.constant 0 : i32
      %dma_start3A_615 = tpu.memref_slice %arg10[%dma_start3A_609, %dma_start3A_610, %dma_start3A_613, %dma_start3A_614] : memref<2x2x64x32xf32, #tpu.memory_space<vmem>> -> memref<1x1x8x32xf32, #tpu.memory_space<vmem>>
      %dma_start3A_616 = tpu.memref_squeeze %dma_start3A_615 : memref<1x1x8x32xf32, #tpu.memory_space<vmem>> -> memref<8x32xf32, #tpu.memory_space<vmem>>
      %dma_start3A_617 = arith.constant 0 : i32
      %dma_start3A_618 = arith.constant 0 : i32
      %dma_start3A_619 = tpu.memref_slice %arg4[%shift_right_arithmetic3A_604, %dma_start3A_617, %dma_start3A_618] : memref<125000x8x32xf32, #tpu.memory_space<hbm>> -> memref<1x8x32xf32, #tpu.memory_space<hbm>>
      %dma_start3A_620 = tpu.memref_squeeze %dma_start3A_619 : memref<1x8x32xf32, #tpu.memory_space<hbm>> -> memref<8x32xf32, #tpu.memory_space<hbm>>
      %dma_start3A_621 = tpu.memref_slice %arg13[%dma_start3A_611, %dma_start3A_612] : memref<2x2x!tpu.dma_semaphore, #tpu.memory_space<semaphore_mem>> -> memref<1x1x!tpu.dma_semaphore, #tpu.memory_space<semaphore_mem>>
      %dma_start3A_622 = tpu.memref_squeeze %dma_start3A_621 : memref<1x1x!tpu.dma_semaphore, #tpu.memory_space<semaphore_mem>> -> memref<!tpu.dma_semaphore, #tpu.memory_space<semaphore_mem>>
      %dma_start3A_623 = arith.constant 24 : i32
      %dma_start3A_624 = arith.constant 0 : i32
      %dma_start3A_625 = tpu.memref_slice %arg10[%dma_start3A_609, %dma_start3A_610, %dma_start3A_623, %dma_start3A_624] : memref<2x2x64x32xf32, #tpu.memory_space<vmem>> -> memref<1x1x8x32xf32, #tpu.memory_space<vmem>>
      %dma_start3A_626 = tpu.memref_squeeze %dma_start3A_625 : memref<1x1x8x32xf32, #tpu.memory_space<vmem>> -> memref<8x32xf32, #tpu.memory_space<vmem>>
      %dma_start3A_627 = arith.constant 0 : i32
      %dma_start3A_628 = arith.constant 0 : i32
      %dma_start3A_629 = tpu.memref_slice %arg4[%shift_right_arithmetic3A_604, %dma_start3A_627, %dma_start3A_628] : memref<125000x8x32xf32, #tpu.memory_space<hbm>> -> memref<1x8x32xf32, #tpu.memory_space<hbm>>
      %dma_start3A_630 = tpu.memref_squeeze %dma_start3A_629 : memref<1x8x32xf32, #tpu.memory_space<hbm>> -> memref<8x32xf32, #tpu.memory_space<hbm>>
      tpu.enqueue_dma source(%dma_start3A_630 : memref<8x32xf32, #tpu.memory_space<hbm>>) target(%dma_start3A_626 : memref<8x32xf32, #tpu.memory_space<vmem>>) target_semaphore(%dma_start3A_622 : memref<!tpu.dma_semaphore, #tpu.memory_space<semaphore_mem>>)
      %dma_start3A_631 = arith.constant 1 : i32
      %dma_start3A_632 = arith.constant 1 : i32
      %dma_start3A_633 = arith.constant 1 : i32
      %dma_start3A_634 = arith.constant 1 : i32
      %dma_start3A_635 = arith.constant 24 : i32
      %dma_start3A_636 = arith.constant 0 : i32
      %dma_start3A_637 = tpu.memref_slice %arg10[%dma_start3A_631, %dma_start3A_632, %dma_start3A_635, %dma_start3A_636] : memref<2x2x64x32xf32, #tpu.memory_space<vmem>> -> memref<1x1x8x32xf32, #tpu.memory_space<vmem>>
      %dma_start3A_638 = tpu.memref_squeeze %dma_start3A_637 : memref<1x1x8x32xf32, #tpu.memory_space<vmem>> -> memref<8x32xf32, #tpu.memory_space<vmem>>
      %dma_start3A_639 = arith.constant 0 : i32
      %dma_start3A_640 = arith.constant 0 : i32
      %dma_start3A_641 = tpu.memref_slice %arg5[%shift_right_arithmetic3A_608, %dma_start3A_639, %dma_start3A_640] : memref<125000x8x32xf32, #tpu.memory_space<hbm>> -> memref<1x8x32xf32, #tpu.memory_space<hbm>>
      %dma_start3A_642 = tpu.memref_squeeze %dma_start3A_641 : memref<1x8x32xf32, #tpu.memory_space<hbm>> -> memref<8x32xf32, #tpu.memory_space<hbm>>
      %dma_start3A_643 = tpu.memref_slice %arg13[%dma_start3A_633, %dma_start3A_634] : memref<2x2x!tpu.dma_semaphore, #tpu.memory_space<semaphore_mem>> -> memref<1x1x!tpu.dma_semaphore, #tpu.memory_space<semaphore_mem>>
      %dma_start3A_644 = tpu.memref_squeeze %dma_start3A_643 : memref<1x1x!tpu.dma_semaphore, #tpu.memory_space<semaphore_mem>> -> memref<!tpu.dma_semaphore, #tpu.memory_space<semaphore_mem>>
      %dma_start3A_645 = arith.constant 24 : i32
      %dma_start3A_646 = arith.constant 0 : i32
      %dma_start3A_647 = tpu.memref_slice %arg10[%dma_start3A_631, %dma_start3A_632, %dma_start3A_645, %dma_start3A_646] : memref<2x2x64x32xf32, #tpu.memory_space<vmem>> -> memref<1x1x8x32xf32, #tpu.memory_space<vmem>>
      %dma_start3A_648 = tpu.memref_squeeze %dma_start3A_647 : memref<1x1x8x32xf32, #tpu.memory_space<vmem>> -> memref<8x32xf32, #tpu.memory_space<vmem>>
      %dma_start3A_649 = arith.constant 0 : i32
      %dma_start3A_650 = arith.constant 0 : i32
      %dma_start3A_651 = tpu.memref_slice %arg5[%shift_right_arithmetic3A_608, %dma_start3A_649, %dma_start3A_650] : memref<125000x8x32xf32, #tpu.memory_space<hbm>> -> memref<1x8x32xf32, #tpu.memory_space<hbm>>
      %dma_start3A_652 = tpu.memref_squeeze %dma_start3A_651 : memref<1x8x32xf32, #tpu.memory_space<hbm>> -> memref<8x32xf32, #tpu.memory_space<hbm>>
      tpu.enqueue_dma source(%dma_start3A_652 : memref<8x32xf32, #tpu.memory_space<hbm>>) target(%dma_start3A_648 : memref<8x32xf32, #tpu.memory_space<vmem>>) target_semaphore(%dma_start3A_644 : memref<!tpu.dma_semaphore, #tpu.memory_space<semaphore_mem>>)
      %slice3A_653 = vector.extract_strided_slice %get3A_440 {offsets = [12], sizes = [1], strides = [1]} : vector<16xi32> to vector<1xi32>
      %squeeze3A_654 = vector.extract %slice3A_653[0] : i32 from vector<1xi32>
      %shift_right_arithmetic3A_655 = arith.constant 3 : i32
      %shift_right_arithmetic3A_656 = arith.shrsi %squeeze3A_654, %shift_right_arithmetic3A_655 : i32
      %slice3A_657 = vector.extract_strided_slice %get3A_444 {offsets = [12], sizes = [1], strides = [1]} : vector<16xi32> to vector<1xi32>
      %squeeze3A_658 = vector.extract %slice3A_657[0] : i32 from vector<1xi32>
      %shift_right_arithmetic3A_659 = arith.constant 3 : i32
      %shift_right_arithmetic3A_660 = arith.shrsi %squeeze3A_658, %shift_right_arithmetic3A_659 : i32
      %dma_start3A_661 = arith.constant 1 : i32
      %dma_start3A_662 = arith.constant 0 : i32
      %dma_start3A_663 = arith.constant 1 : i32
      %dma_start3A_664 = arith.constant 0 : i32
      %dma_start3A_665 = arith.constant 32 : i32
      %dma_start3A_666 = arith.constant 0 : i32
      %dma_start3A_667 = tpu.memref_slice %arg10[%dma_start3A_661, %dma_start3A_662, %dma_start3A_665, %dma_start3A_666] : memref<2x2x64x32xf32, #tpu.memory_space<vmem>> -> memref<1x1x8x32xf32, #tpu.memory_space<vmem>>
      %dma_start3A_668 = tpu.memref_squeeze %dma_start3A_667 : memref<1x1x8x32xf32, #tpu.memory_space<vmem>> -> memref<8x32xf32, #tpu.memory_space<vmem>>
      %dma_start3A_669 = arith.constant 0 : i32
      %dma_start3A_670 = arith.constant 0 : i32
      %dma_start3A_671 = tpu.memref_slice %arg4[%shift_right_arithmetic3A_656, %dma_start3A_669, %dma_start3A_670] : memref<125000x8x32xf32, #tpu.memory_space<hbm>> -> memref<1x8x32xf32, #tpu.memory_space<hbm>>
      %dma_start3A_672 = tpu.memref_squeeze %dma_start3A_671 : memref<1x8x32xf32, #tpu.memory_space<hbm>> -> memref<8x32xf32, #tpu.memory_space<hbm>>
      %dma_start3A_673 = tpu.memref_slice %arg13[%dma_start3A_663, %dma_start3A_664] : memref<2x2x!tpu.dma_semaphore, #tpu.memory_space<semaphore_mem>> -> memref<1x1x!tpu.dma_semaphore, #tpu.memory_space<semaphore_mem>>
      %dma_start3A_674 = tpu.memref_squeeze %dma_start3A_673 : memref<1x1x!tpu.dma_semaphore, #tpu.memory_space<semaphore_mem>> -> memref<!tpu.dma_semaphore, #tpu.memory_space<semaphore_mem>>
      %dma_start3A_675 = arith.constant 32 : i32
      %dma_start3A_676 = arith.constant 0 : i32
      %dma_start3A_677 = tpu.memref_slice %arg10[%dma_start3A_661, %dma_start3A_662, %dma_start3A_675, %dma_start3A_676] : memref<2x2x64x32xf32, #tpu.memory_space<vmem>> -> memref<1x1x8x32xf32, #tpu.memory_space<vmem>>
      %dma_start3A_678 = tpu.memref_squeeze %dma_start3A_677 : memref<1x1x8x32xf32, #tpu.memory_space<vmem>> -> memref<8x32xf32, #tpu.memory_space<vmem>>
      %dma_start3A_679 = arith.constant 0 : i32
      %dma_start3A_680 = arith.constant 0 : i32
      %dma_start3A_681 = tpu.memref_slice %arg4[%shift_right_arithmetic3A_656, %dma_start3A_679, %dma_start3A_680] : memref<125000x8x32xf32, #tpu.memory_space<hbm>> -> memref<1x8x32xf32, #tpu.memory_space<hbm>>
      %dma_start3A_682 = tpu.memref_squeeze %dma_start3A_681 : memref<1x8x32xf32, #tpu.memory_space<hbm>> -> memref<8x32xf32, #tpu.memory_space<hbm>>
      tpu.enqueue_dma source(%dma_start3A_682 : memref<8x32xf32, #tpu.memory_space<hbm>>) target(%dma_start3A_678 : memref<8x32xf32, #tpu.memory_space<vmem>>) target_semaphore(%dma_start3A_674 : memref<!tpu.dma_semaphore, #tpu.memory_space<semaphore_mem>>)
      %dma_start3A_683 = arith.constant 1 : i32
      %dma_start3A_684 = arith.constant 1 : i32
      %dma_start3A_685 = arith.constant 1 : i32
      %dma_start3A_686 = arith.constant 1 : i32
      %dma_start3A_687 = arith.constant 32 : i32
      %dma_start3A_688 = arith.constant 0 : i32
      %dma_start3A_689 = tpu.memref_slice %arg10[%dma_start3A_683, %dma_start3A_684, %dma_start3A_687, %dma_start3A_688] : memref<2x2x64x32xf32, #tpu.memory_space<vmem>> -> memref<1x1x8x32xf32, #tpu.memory_space<vmem>>
      %dma_start3A_690 = tpu.memref_squeeze %dma_start3A_689 : memref<1x1x8x32xf32, #tpu.memory_space<vmem>> -> memref<8x32xf32, #tpu.memory_space<vmem>>
      %dma_start3A_691 = arith.constant 0 : i32
      %dma_start3A_692 = arith.constant 0 : i32
      %dma_start3A_693 = tpu.memref_slice %arg5[%shift_right_arithmetic3A_660, %dma_start3A_691, %dma_start3A_692] : memref<125000x8x32xf32, #tpu.memory_space<hbm>> -> memref<1x8x32xf32, #tpu.memory_space<hbm>>
      %dma_start3A_694 = tpu.memref_squeeze %dma_start3A_693 : memref<1x8x32xf32, #tpu.memory_space<hbm>> -> memref<8x32xf32, #tpu.memory_space<hbm>>
      %dma_start3A_695 = tpu.memref_slice %arg13[%dma_start3A_685, %dma_start3A_686] : memref<2x2x!tpu.dma_semaphore, #tpu.memory_space<semaphore_mem>> -> memref<1x1x!tpu.dma_semaphore, #tpu.memory_space<semaphore_mem>>
      %dma_start3A_696 = tpu.memref_squeeze %dma_start3A_695 : memref<1x1x!tpu.dma_semaphore, #tpu.memory_space<semaphore_mem>> -> memref<!tpu.dma_semaphore, #tpu.memory_space<semaphore_mem>>
      %dma_start3A_697 = arith.constant 32 : i32
      %dma_start3A_698 = arith.constant 0 : i32
      %dma_start3A_699 = tpu.memref_slice %arg10[%dma_start3A_683, %dma_start3A_684, %dma_start3A_697, %dma_start3A_698] : memref<2x2x64x32xf32, #tpu.memory_space<vmem>> -> memref<1x1x8x32xf32, #tpu.memory_space<vmem>>
      %dma_start3A_700 = tpu.memref_squeeze %dma_start3A_699 : memref<1x1x8x32xf32, #tpu.memory_space<vmem>> -> memref<8x32xf32, #tpu.memory_space<vmem>>
      %dma_start3A_701 = arith.constant 0 : i32
      %dma_start3A_702 = arith.constant 0 : i32
      %dma_start3A_703 = tpu.memref_slice %arg5[%shift_right_arithmetic3A_660, %dma_start3A_701, %dma_start3A_702] : memref<125000x8x32xf32, #tpu.memory_space<hbm>> -> memref<1x8x32xf32, #tpu.memory_space<hbm>>
      %dma_start3A_704 = tpu.memref_squeeze %dma_start3A_703 : memref<1x8x32xf32, #tpu.memory_space<hbm>> -> memref<8x32xf32, #tpu.memory_space<hbm>>
      tpu.enqueue_dma source(%dma_start3A_704 : memref<8x32xf32, #tpu.memory_space<hbm>>) target(%dma_start3A_700 : memref<8x32xf32, #tpu.memory_space<vmem>>) target_semaphore(%dma_start3A_696 : memref<!tpu.dma_semaphore, #tpu.memory_space<semaphore_mem>>)
      %slice3A_705 = vector.extract_strided_slice %get3A_440 {offsets = [13], sizes = [1], strides = [1]} : vector<16xi32> to vector<1xi32>
      %squeeze3A_706 = vector.extract %slice3A_705[0] : i32 from vector<1xi32>
      %shift_right_arithmetic3A_707 = arith.constant 3 : i32
      %shift_right_arithmetic3A_708 = arith.shrsi %squeeze3A_706, %shift_right_arithmetic3A_707 : i32
      %slice3A_709 = vector.extract_strided_slice %get3A_444 {offsets = [13], sizes = [1], strides = [1]} : vector<16xi32> to vector<1xi32>
      %squeeze3A_710 = vector.extract %slice3A_709[0] : i32 from vector<1xi32>
      %shift_right_arithmetic3A_711 = arith.constant 3 : i32
      %shift_right_arithmetic3A_712 = arith.shrsi %squeeze3A_710, %shift_right_arithmetic3A_711 : i32
      %dma_start3A_713 = arith.constant 1 : i32
      %dma_start3A_714 = arith.constant 0 : i32
      %dma_start3A_715 = arith.constant 1 : i32
      %dma_start3A_716 = arith.constant 0 : i32
      %dma_start3A_717 = arith.constant 40 : i32
      %dma_start3A_718 = arith.constant 0 : i32
      %dma_start3A_719 = tpu.memref_slice %arg10[%dma_start3A_713, %dma_start3A_714, %dma_start3A_717, %dma_start3A_718] : memref<2x2x64x32xf32, #tpu.memory_space<vmem>> -> memref<1x1x8x32xf32, #tpu.memory_space<vmem>>
      %dma_start3A_720 = tpu.memref_squeeze %dma_start3A_719 : memref<1x1x8x32xf32, #tpu.memory_space<vmem>> -> memref<8x32xf32, #tpu.memory_space<vmem>>
      %dma_start3A_721 = arith.constant 0 : i32
      %dma_start3A_722 = arith.constant 0 : i32
      %dma_start3A_723 = tpu.memref_slice %arg4[%shift_right_arithmetic3A_708, %dma_start3A_721, %dma_start3A_722] : memref<125000x8x32xf32, #tpu.memory_space<hbm>> -> memref<1x8x32xf32, #tpu.memory_space<hbm>>
      %dma_start3A_724 = tpu.memref_squeeze %dma_start3A_723 : memref<1x8x32xf32, #tpu.memory_space<hbm>> -> memref<8x32xf32, #tpu.memory_space<hbm>>
      %dma_start3A_725 = tpu.memref_slice %arg13[%dma_start3A_715, %dma_start3A_716] : memref<2x2x!tpu.dma_semaphore, #tpu.memory_space<semaphore_mem>> -> memref<1x1x!tpu.dma_semaphore, #tpu.memory_space<semaphore_mem>>
      %dma_start3A_726 = tpu.memref_squeeze %dma_start3A_725 : memref<1x1x!tpu.dma_semaphore, #tpu.memory_space<semaphore_mem>> -> memref<!tpu.dma_semaphore, #tpu.memory_space<semaphore_mem>>
      %dma_start3A_727 = arith.constant 40 : i32
      %dma_start3A_728 = arith.constant 0 : i32
      %dma_start3A_729 = tpu.memref_slice %arg10[%dma_start3A_713, %dma_start3A_714, %dma_start3A_727, %dma_start3A_728] : memref<2x2x64x32xf32, #tpu.memory_space<vmem>> -> memref<1x1x8x32xf32, #tpu.memory_space<vmem>>
      %dma_start3A_730 = tpu.memref_squeeze %dma_start3A_729 : memref<1x1x8x32xf32, #tpu.memory_space<vmem>> -> memref<8x32xf32, #tpu.memory_space<vmem>>
      %dma_start3A_731 = arith.constant 0 : i32
      %dma_start3A_732 = arith.constant 0 : i32
      %dma_start3A_733 = tpu.memref_slice %arg4[%shift_right_arithmetic3A_708, %dma_start3A_731, %dma_start3A_732] : memref<125000x8x32xf32, #tpu.memory_space<hbm>> -> memref<1x8x32xf32, #tpu.memory_space<hbm>>
      %dma_start3A_734 = tpu.memref_squeeze %dma_start3A_733 : memref<1x8x32xf32, #tpu.memory_space<hbm>> -> memref<8x32xf32, #tpu.memory_space<hbm>>
      tpu.enqueue_dma source(%dma_start3A_734 : memref<8x32xf32, #tpu.memory_space<hbm>>) target(%dma_start3A_730 : memref<8x32xf32, #tpu.memory_space<vmem>>) target_semaphore(%dma_start3A_726 : memref<!tpu.dma_semaphore, #tpu.memory_space<semaphore_mem>>)
      %dma_start3A_735 = arith.constant 1 : i32
      %dma_start3A_736 = arith.constant 1 : i32
      %dma_start3A_737 = arith.constant 1 : i32
      %dma_start3A_738 = arith.constant 1 : i32
      %dma_start3A_739 = arith.constant 40 : i32
      %dma_start3A_740 = arith.constant 0 : i32
      %dma_start3A_741 = tpu.memref_slice %arg10[%dma_start3A_735, %dma_start3A_736, %dma_start3A_739, %dma_start3A_740] : memref<2x2x64x32xf32, #tpu.memory_space<vmem>> -> memref<1x1x8x32xf32, #tpu.memory_space<vmem>>
      %dma_start3A_742 = tpu.memref_squeeze %dma_start3A_741 : memref<1x1x8x32xf32, #tpu.memory_space<vmem>> -> memref<8x32xf32, #tpu.memory_space<vmem>>
      %dma_start3A_743 = arith.constant 0 : i32
      %dma_start3A_744 = arith.constant 0 : i32
      %dma_start3A_745 = tpu.memref_slice %arg5[%shift_right_arithmetic3A_712, %dma_start3A_743, %dma_start3A_744] : memref<125000x8x32xf32, #tpu.memory_space<hbm>> -> memref<1x8x32xf32, #tpu.memory_space<hbm>>
      %dma_start3A_746 = tpu.memref_squeeze %dma_start3A_745 : memref<1x8x32xf32, #tpu.memory_space<hbm>> -> memref<8x32xf32, #tpu.memory_space<hbm>>
      %dma_start3A_747 = tpu.memref_slice %arg13[%dma_start3A_737, %dma_start3A_738] : memref<2x2x!tpu.dma_semaphore, #tpu.memory_space<semaphore_mem>> -> memref<1x1x!tpu.dma_semaphore, #tpu.memory_space<semaphore_mem>>
      %dma_start3A_748 = tpu.memref_squeeze %dma_start3A_747 : memref<1x1x!tpu.dma_semaphore, #tpu.memory_space<semaphore_mem>> -> memref<!tpu.dma_semaphore, #tpu.memory_space<semaphore_mem>>
      %dma_start3A_749 = arith.constant 40 : i32
      %dma_start3A_750 = arith.constant 0 : i32
      %dma_start3A_751 = tpu.memref_slice %arg10[%dma_start3A_735, %dma_start3A_736, %dma_start3A_749, %dma_start3A_750] : memref<2x2x64x32xf32, #tpu.memory_space<vmem>> -> memref<1x1x8x32xf32, #tpu.memory_space<vmem>>
      %dma_start3A_752 = tpu.memref_squeeze %dma_start3A_751 : memref<1x1x8x32xf32, #tpu.memory_space<vmem>> -> memref<8x32xf32, #tpu.memory_space<vmem>>
      %dma_start3A_753 = arith.constant 0 : i32
      %dma_start3A_754 = arith.constant 0 : i32
      %dma_start3A_755 = tpu.memref_slice %arg5[%shift_right_arithmetic3A_712, %dma_start3A_753, %dma_start3A_754] : memref<125000x8x32xf32, #tpu.memory_space<hbm>> -> memref<1x8x32xf32, #tpu.memory_space<hbm>>
      %dma_start3A_756 = tpu.memref_squeeze %dma_start3A_755 : memref<1x8x32xf32, #tpu.memory_space<hbm>> -> memref<8x32xf32, #tpu.memory_space<hbm>>
      tpu.enqueue_dma source(%dma_start3A_756 : memref<8x32xf32, #tpu.memory_space<hbm>>) target(%dma_start3A_752 : memref<8x32xf32, #tpu.memory_space<vmem>>) target_semaphore(%dma_start3A_748 : memref<!tpu.dma_semaphore, #tpu.memory_space<semaphore_mem>>)
      %slice3A_757 = vector.extract_strided_slice %get3A_440 {offsets = [14], sizes = [1], strides = [1]} : vector<16xi32> to vector<1xi32>
      %squeeze3A_758 = vector.extract %slice3A_757[0] : i32 from vector<1xi32>
      %shift_right_arithmetic3A_759 = arith.constant 3 : i32
      %shift_right_arithmetic3A_760 = arith.shrsi %squeeze3A_758, %shift_right_arithmetic3A_759 : i32
      %slice3A_761 = vector.extract_strided_slice %get3A_444 {offsets = [14], sizes = [1], strides = [1]} : vector<16xi32> to vector<1xi32>
      %squeeze3A_762 = vector.extract %slice3A_761[0] : i32 from vector<1xi32>
      %shift_right_arithmetic3A_763 = arith.constant 3 : i32
      %shift_right_arithmetic3A_764 = arith.shrsi %squeeze3A_762, %shift_right_arithmetic3A_763 : i32
      %dma_start3A_765 = arith.constant 1 : i32
      %dma_start3A_766 = arith.constant 0 : i32
      %dma_start3A_767 = arith.constant 1 : i32
      %dma_start3A_768 = arith.constant 0 : i32
      %dma_start3A_769 = arith.constant 48 : i32
      %dma_start3A_770 = arith.constant 0 : i32
      %dma_start3A_771 = tpu.memref_slice %arg10[%dma_start3A_765, %dma_start3A_766, %dma_start3A_769, %dma_start3A_770] : memref<2x2x64x32xf32, #tpu.memory_space<vmem>> -> memref<1x1x8x32xf32, #tpu.memory_space<vmem>>
      %dma_start3A_772 = tpu.memref_squeeze %dma_start3A_771 : memref<1x1x8x32xf32, #tpu.memory_space<vmem>> -> memref<8x32xf32, #tpu.memory_space<vmem>>
      %dma_start3A_773 = arith.constant 0 : i32
      %dma_start3A_774 = arith.constant 0 : i32
      %dma_start3A_775 = tpu.memref_slice %arg4[%shift_right_arithmetic3A_760, %dma_start3A_773, %dma_start3A_774] : memref<125000x8x32xf32, #tpu.memory_space<hbm>> -> memref<1x8x32xf32, #tpu.memory_space<hbm>>
      %dma_start3A_776 = tpu.memref_squeeze %dma_start3A_775 : memref<1x8x32xf32, #tpu.memory_space<hbm>> -> memref<8x32xf32, #tpu.memory_space<hbm>>
      %dma_start3A_777 = tpu.memref_slice %arg13[%dma_start3A_767, %dma_start3A_768] : memref<2x2x!tpu.dma_semaphore, #tpu.memory_space<semaphore_mem>> -> memref<1x1x!tpu.dma_semaphore, #tpu.memory_space<semaphore_mem>>
      %dma_start3A_778 = tpu.memref_squeeze %dma_start3A_777 : memref<1x1x!tpu.dma_semaphore, #tpu.memory_space<semaphore_mem>> -> memref<!tpu.dma_semaphore, #tpu.memory_space<semaphore_mem>>
      %dma_start3A_779 = arith.constant 48 : i32
      %dma_start3A_780 = arith.constant 0 : i32
      %dma_start3A_781 = tpu.memref_slice %arg10[%dma_start3A_765, %dma_start3A_766, %dma_start3A_779, %dma_start3A_780] : memref<2x2x64x32xf32, #tpu.memory_space<vmem>> -> memref<1x1x8x32xf32, #tpu.memory_space<vmem>>
      %dma_start3A_782 = tpu.memref_squeeze %dma_start3A_781 : memref<1x1x8x32xf32, #tpu.memory_space<vmem>> -> memref<8x32xf32, #tpu.memory_space<vmem>>
      %dma_start3A_783 = arith.constant 0 : i32
      %dma_start3A_784 = arith.constant 0 : i32
      %dma_start3A_785 = tpu.memref_slice %arg4[%shift_right_arithmetic3A_760, %dma_start3A_783, %dma_start3A_784] : memref<125000x8x32xf32, #tpu.memory_space<hbm>> -> memref<1x8x32xf32, #tpu.memory_space<hbm>>
      %dma_start3A_786 = tpu.memref_squeeze %dma_start3A_785 : memref<1x8x32xf32, #tpu.memory_space<hbm>> -> memref<8x32xf32, #tpu.memory_space<hbm>>
      tpu.enqueue_dma source(%dma_start3A_786 : memref<8x32xf32, #tpu.memory_space<hbm>>) target(%dma_start3A_782 : memref<8x32xf32, #tpu.memory_space<vmem>>) target_semaphore(%dma_start3A_778 : memref<!tpu.dma_semaphore, #tpu.memory_space<semaphore_mem>>)
      %dma_start3A_787 = arith.constant 1 : i32
      %dma_start3A_788 = arith.constant 1 : i32
      %dma_start3A_789 = arith.constant 1 : i32
      %dma_start3A_790 = arith.constant 1 : i32
      %dma_start3A_791 = arith.constant 48 : i32
      %dma_start3A_792 = arith.constant 0 : i32
      %dma_start3A_793 = tpu.memref_slice %arg10[%dma_start3A_787, %dma_start3A_788, %dma_start3A_791, %dma_start3A_792] : memref<2x2x64x32xf32, #tpu.memory_space<vmem>> -> memref<1x1x8x32xf32, #tpu.memory_space<vmem>>
      %dma_start3A_794 = tpu.memref_squeeze %dma_start3A_793 : memref<1x1x8x32xf32, #tpu.memory_space<vmem>> -> memref<8x32xf32, #tpu.memory_space<vmem>>
      %dma_start3A_795 = arith.constant 0 : i32
      %dma_start3A_796 = arith.constant 0 : i32
      %dma_start3A_797 = tpu.memref_slice %arg5[%shift_right_arithmetic3A_764, %dma_start3A_795, %dma_start3A_796] : memref<125000x8x32xf32, #tpu.memory_space<hbm>> -> memref<1x8x32xf32, #tpu.memory_space<hbm>>
      %dma_start3A_798 = tpu.memref_squeeze %dma_start3A_797 : memref<1x8x32xf32, #tpu.memory_space<hbm>> -> memref<8x32xf32, #tpu.memory_space<hbm>>
      %dma_start3A_799 = tpu.memref_slice %arg13[%dma_start3A_789, %dma_start3A_790] : memref<2x2x!tpu.dma_semaphore, #tpu.memory_space<semaphore_mem>> -> memref<1x1x!tpu.dma_semaphore, #tpu.memory_space<semaphore_mem>>
      %dma_start3A_800 = tpu.memref_squeeze %dma_start3A_799 : memref<1x1x!tpu.dma_semaphore, #tpu.memory_space<semaphore_mem>> -> memref<!tpu.dma_semaphore, #tpu.memory_space<semaphore_mem>>
      %dma_start3A_801 = arith.constant 48 : i32
      %dma_start3A_802 = arith.constant 0 : i32
      %dma_start3A_803 = tpu.memref_slice %arg10[%dma_start3A_787, %dma_start3A_788, %dma_start3A_801, %dma_start3A_802] : memref<2x2x64x32xf32, #tpu.memory_space<vmem>> -> memref<1x1x8x32xf32, #tpu.memory_space<vmem>>
      %dma_start3A_804 = tpu.memref_squeeze %dma_start3A_803 : memref<1x1x8x32xf32, #tpu.memory_space<vmem>> -> memref<8x32xf32, #tpu.memory_space<vmem>>
      %dma_start3A_805 = arith.constant 0 : i32
      %dma_start3A_806 = arith.constant 0 : i32
      %dma_start3A_807 = tpu.memref_slice %arg5[%shift_right_arithmetic3A_764, %dma_start3A_805, %dma_start3A_806] : memref<125000x8x32xf32, #tpu.memory_space<hbm>> -> memref<1x8x32xf32, #tpu.memory_space<hbm>>
      %dma_start3A_808 = tpu.memref_squeeze %dma_start3A_807 : memref<1x8x32xf32, #tpu.memory_space<hbm>> -> memref<8x32xf32, #tpu.memory_space<hbm>>
      tpu.enqueue_dma source(%dma_start3A_808 : memref<8x32xf32, #tpu.memory_space<hbm>>) target(%dma_start3A_804 : memref<8x32xf32, #tpu.memory_space<vmem>>) target_semaphore(%dma_start3A_800 : memref<!tpu.dma_semaphore, #tpu.memory_space<semaphore_mem>>)
      %slice3A_809 = vector.extract_strided_slice %get3A_440 {offsets = [15], sizes = [1], strides = [1]} : vector<16xi32> to vector<1xi32>
      %squeeze3A_810 = vector.extract %slice3A_809[0] : i32 from vector<1xi32>
      %shift_right_arithmetic3A_811 = arith.constant 3 : i32
      %shift_right_arithmetic3A_812 = arith.shrsi %squeeze3A_810, %shift_right_arithmetic3A_811 : i32
      %slice3A_813 = vector.extract_strided_slice %get3A_444 {offsets = [15], sizes = [1], strides = [1]} : vector<16xi32> to vector<1xi32>
      %squeeze3A_814 = vector.extract %slice3A_813[0] : i32 from vector<1xi32>
      %shift_right_arithmetic3A_815 = arith.constant 3 : i32
      %shift_right_arithmetic3A_816 = arith.shrsi %squeeze3A_814, %shift_right_arithmetic3A_815 : i32
      %dma_start3A_817 = arith.constant 1 : i32
      %dma_start3A_818 = arith.constant 0 : i32
      %dma_start3A_819 = arith.constant 1 : i32
      %dma_start3A_820 = arith.constant 0 : i32
      %dma_start3A_821 = arith.constant 56 : i32
      %dma_start3A_822 = arith.constant 0 : i32
      %dma_start3A_823 = tpu.memref_slice %arg10[%dma_start3A_817, %dma_start3A_818, %dma_start3A_821, %dma_start3A_822] : memref<2x2x64x32xf32, #tpu.memory_space<vmem>> -> memref<1x1x8x32xf32, #tpu.memory_space<vmem>>
      %dma_start3A_824 = tpu.memref_squeeze %dma_start3A_823 : memref<1x1x8x32xf32, #tpu.memory_space<vmem>> -> memref<8x32xf32, #tpu.memory_space<vmem>>
      %dma_start3A_825 = arith.constant 0 : i32
      %dma_start3A_826 = arith.constant 0 : i32
      %dma_start3A_827 = tpu.memref_slice %arg4[%shift_right_arithmetic3A_812, %dma_start3A_825, %dma_start3A_826] : memref<125000x8x32xf32, #tpu.memory_space<hbm>> -> memref<1x8x32xf32, #tpu.memory_space<hbm>>
      %dma_start3A_828 = tpu.memref_squeeze %dma_start3A_827 : memref<1x8x32xf32, #tpu.memory_space<hbm>> -> memref<8x32xf32, #tpu.memory_space<hbm>>
      %dma_start3A_829 = tpu.memref_slice %arg13[%dma_start3A_819, %dma_start3A_820] : memref<2x2x!tpu.dma_semaphore, #tpu.memory_space<semaphore_mem>> -> memref<1x1x!tpu.dma_semaphore, #tpu.memory_space<semaphore_mem>>
      %dma_start3A_830 = tpu.memref_squeeze %dma_start3A_829 : memref<1x1x!tpu.dma_semaphore, #tpu.memory_space<semaphore_mem>> -> memref<!tpu.dma_semaphore, #tpu.memory_space<semaphore_mem>>
      %dma_start3A_831 = arith.constant 56 : i32
      %dma_start3A_832 = arith.constant 0 : i32
      %dma_start3A_833 = tpu.memref_slice %arg10[%dma_start3A_817, %dma_start3A_818, %dma_start3A_831, %dma_start3A_832] : memref<2x2x64x32xf32, #tpu.memory_space<vmem>> -> memref<1x1x8x32xf32, #tpu.memory_space<vmem>>
      %dma_start3A_834 = tpu.memref_squeeze %dma_start3A_833 : memref<1x1x8x32xf32, #tpu.memory_space<vmem>> -> memref<8x32xf32, #tpu.memory_space<vmem>>
      %dma_start3A_835 = arith.constant 0 : i32
      %dma_start3A_836 = arith.constant 0 : i32
      %dma_start3A_837 = tpu.memref_slice %arg4[%shift_right_arithmetic3A_812, %dma_start3A_835, %dma_start3A_836] : memref<125000x8x32xf32, #tpu.memory_space<hbm>> -> memref<1x8x32xf32, #tpu.memory_space<hbm>>
      %dma_start3A_838 = tpu.memref_squeeze %dma_start3A_837 : memref<1x8x32xf32, #tpu.memory_space<hbm>> -> memref<8x32xf32, #tpu.memory_space<hbm>>
      tpu.enqueue_dma source(%dma_start3A_838 : memref<8x32xf32, #tpu.memory_space<hbm>>) target(%dma_start3A_834 : memref<8x32xf32, #tpu.memory_space<vmem>>) target_semaphore(%dma_start3A_830 : memref<!tpu.dma_semaphore, #tpu.memory_space<semaphore_mem>>)
      %dma_start3A_839 = arith.constant 1 : i32
      %dma_start3A_840 = arith.constant 1 : i32
      %dma_start3A_841 = arith.constant 1 : i32
      %dma_start3A_842 = arith.constant 1 : i32
      %dma_start3A_843 = arith.constant 56 : i32
      %dma_start3A_844 = arith.constant 0 : i32
      %dma_start3A_845 = tpu.memref_slice %arg10[%dma_start3A_839, %dma_start3A_840, %dma_start3A_843, %dma_start3A_844] : memref<2x2x64x32xf32, #tpu.memory_space<vmem>> -> memref<1x1x8x32xf32, #tpu.memory_space<vmem>>
      %dma_start3A_846 = tpu.memref_squeeze %dma_start3A_845 : memref<1x1x8x32xf32, #tpu.memory_space<vmem>> -> memref<8x32xf32, #tpu.memory_space<vmem>>
      %dma_start3A_847 = arith.constant 0 : i32
      %dma_start3A_848 = arith.constant 0 : i32
      %dma_start3A_849 = tpu.memref_slice %arg5[%shift_right_arithmetic3A_816, %dma_start3A_847, %dma_start3A_848] : memref<125000x8x32xf32, #tpu.memory_space<hbm>> -> memref<1x8x32xf32, #tpu.memory_space<hbm>>
      %dma_start3A_850 = tpu.memref_squeeze %dma_start3A_849 : memref<1x8x32xf32, #tpu.memory_space<hbm>> -> memref<8x32xf32, #tpu.memory_space<hbm>>
      %dma_start3A_851 = tpu.memref_slice %arg13[%dma_start3A_841, %dma_start3A_842] : memref<2x2x!tpu.dma_semaphore, #tpu.memory_space<semaphore_mem>> -> memref<1x1x!tpu.dma_semaphore, #tpu.memory_space<semaphore_mem>>
      %dma_start3A_852 = tpu.memref_squeeze %dma_start3A_851 : memref<1x1x!tpu.dma_semaphore, #tpu.memory_space<semaphore_mem>> -> memref<!tpu.dma_semaphore, #tpu.memory_space<semaphore_mem>>
      %dma_start3A_853 = arith.constant 56 : i32
      %dma_start3A_854 = arith.constant 0 : i32
      %dma_start3A_855 = tpu.memref_slice %arg10[%dma_start3A_839, %dma_start3A_840, %dma_start3A_853, %dma_start3A_854] : memref<2x2x64x32xf32, #tpu.memory_space<vmem>> -> memref<1x1x8x32xf32, #tpu.memory_space<vmem>>
      %dma_start3A_856 = tpu.memref_squeeze %dma_start3A_855 : memref<1x1x8x32xf32, #tpu.memory_space<vmem>> -> memref<8x32xf32, #tpu.memory_space<vmem>>
      %dma_start3A_857 = arith.constant 0 : i32
      %dma_start3A_858 = arith.constant 0 : i32
      %dma_start3A_859 = tpu.memref_slice %arg5[%shift_right_arithmetic3A_816, %dma_start3A_857, %dma_start3A_858] : memref<125000x8x32xf32, #tpu.memory_space<hbm>> -> memref<1x8x32xf32, #tpu.memory_space<hbm>>
      %dma_start3A_860 = tpu.memref_squeeze %dma_start3A_859 : memref<1x8x32xf32, #tpu.memory_space<hbm>> -> memref<8x32xf32, #tpu.memory_space<hbm>>
      tpu.enqueue_dma source(%dma_start3A_860 : memref<8x32xf32, #tpu.memory_space<hbm>>) target(%dma_start3A_856 : memref<8x32xf32, #tpu.memory_space<vmem>>) target_semaphore(%dma_start3A_852 : memref<!tpu.dma_semaphore, #tpu.memory_space<semaphore_mem>>)
      %dma_wait3A_861 = arith.constant 0 : i32
      %dma_wait3A_862 = arith.constant 0 : i32
      %dma_wait3A_863 = arith.constant 0 : i32
      %dma_wait3A_864 = arith.constant 0 : i32
      %dma_wait3A_865 = arith.constant 0 : i32
      %dma_wait3A_866 = arith.constant 0 : i32
      %dma_wait3A_867 = tpu.memref_slice %arg10[%dma_wait3A_861, %dma_wait3A_862, %dma_wait3A_865, %dma_wait3A_866] : memref<2x2x64x32xf32, #tpu.memory_space<vmem>> -> memref<1x1x64x32xf32, #tpu.memory_space<vmem>>
      %dma_wait3A_868 = tpu.memref_squeeze %dma_wait3A_867 : memref<1x1x64x32xf32, #tpu.memory_space<vmem>> -> memref<64x32xf32, #tpu.memory_space<vmem>>
      %dma_wait3A_869 = arith.constant 0 : i32
      %dma_wait3A_870 = arith.constant 0 : i32
      %dma_wait3A_871 = arith.constant 0 : i32
      %dma_wait3A_872 = tpu.memref_slice %arg4[%dma_wait3A_869, %dma_wait3A_870, %dma_wait3A_871] : memref<125000x8x32xf32, #tpu.memory_space<hbm>> -> memref<8x8x32xf32, #tpu.memory_space<hbm>>
      %dma_wait3A_873 = tpu.memref_slice %arg13[%dma_wait3A_863, %dma_wait3A_864] : memref<2x2x!tpu.dma_semaphore, #tpu.memory_space<semaphore_mem>> -> memref<1x1x!tpu.dma_semaphore, #tpu.memory_space<semaphore_mem>>
      %dma_wait3A_874 = tpu.memref_squeeze %dma_wait3A_873 : memref<1x1x!tpu.dma_semaphore, #tpu.memory_space<semaphore_mem>> -> memref<!tpu.dma_semaphore, #tpu.memory_space<semaphore_mem>>
      %dma_wait3A_875 = arith.constant 0 : i32
      %dma_wait3A_876 = arith.constant 0 : i32
      %dma_wait3A_877 = tpu.memref_slice %arg10[%dma_wait3A_861, %dma_wait3A_862, %dma_wait3A_875, %dma_wait3A_876] : memref<2x2x64x32xf32, #tpu.memory_space<vmem>> -> memref<1x1x64x32xf32, #tpu.memory_space<vmem>>
      %dma_wait3A_878 = tpu.memref_squeeze %dma_wait3A_877 : memref<1x1x64x32xf32, #tpu.memory_space<vmem>> -> memref<64x32xf32, #tpu.memory_space<vmem>>
      %dma_wait3A_879 = arith.constant 0 : i32
      %dma_wait3A_880 = arith.constant 0 : i32
      %dma_wait3A_881 = arith.constant 0 : i32
      %dma_wait3A_882 = tpu.memref_slice %arg4[%dma_wait3A_879, %dma_wait3A_880, %dma_wait3A_881] : memref<125000x8x32xf32, #tpu.memory_space<hbm>> -> memref<8x8x32xf32, #tpu.memory_space<hbm>>
      tpu.wait_dma2 semaphore(%dma_wait3A_874 : memref<!tpu.dma_semaphore, #tpu.memory_space<semaphore_mem>>) src(%dma_wait3A_882 : memref<8x8x32xf32, #tpu.memory_space<hbm>>) dst(%dma_wait3A_878 : memref<64x32xf32, #tpu.memory_space<vmem>>)
      %dma_wait3A_883 = arith.constant 0 : i32
      %dma_wait3A_884 = arith.constant 1 : i32
      %dma_wait3A_885 = arith.constant 0 : i32
      %dma_wait3A_886 = arith.constant 1 : i32
      %dma_wait3A_887 = arith.constant 0 : i32
      %dma_wait3A_888 = arith.constant 0 : i32
      %dma_wait3A_889 = tpu.memref_slice %arg10[%dma_wait3A_883, %dma_wait3A_884, %dma_wait3A_887, %dma_wait3A_888] : memref<2x2x64x32xf32, #tpu.memory_space<vmem>> -> memref<1x1x64x32xf32, #tpu.memory_space<vmem>>
      %dma_wait3A_890 = tpu.memref_squeeze %dma_wait3A_889 : memref<1x1x64x32xf32, #tpu.memory_space<vmem>> -> memref<64x32xf32, #tpu.memory_space<vmem>>
      %dma_wait3A_891 = arith.constant 0 : i32
      %dma_wait3A_892 = arith.constant 0 : i32
      %dma_wait3A_893 = arith.constant 0 : i32
      %dma_wait3A_894 = tpu.memref_slice %arg5[%dma_wait3A_891, %dma_wait3A_892, %dma_wait3A_893] : memref<125000x8x32xf32, #tpu.memory_space<hbm>> -> memref<8x8x32xf32, #tpu.memory_space<hbm>>
      %dma_wait3A_895 = tpu.memref_slice %arg13[%dma_wait3A_885, %dma_wait3A_886] : memref<2x2x!tpu.dma_semaphore, #tpu.memory_space<semaphore_mem>> -> memref<1x1x!tpu.dma_semaphore, #tpu.memory_space<semaphore_mem>>
      %dma_wait3A_896 = tpu.memref_squeeze %dma_wait3A_895 : memref<1x1x!tpu.dma_semaphore, #tpu.memory_space<semaphore_mem>> -> memref<!tpu.dma_semaphore, #tpu.memory_space<semaphore_mem>>
      %dma_wait3A_897 = arith.constant 0 : i32
      %dma_wait3A_898 = arith.constant 0 : i32
      %dma_wait3A_899 = tpu.memref_slice %arg10[%dma_wait3A_883, %dma_wait3A_884, %dma_wait3A_897, %dma_wait3A_898] : memref<2x2x64x32xf32, #tpu.memory_space<vmem>> -> memref<1x1x64x32xf32, #tpu.memory_space<vmem>>
      %dma_wait3A_900 = tpu.memref_squeeze %dma_wait3A_899 : memref<1x1x64x32xf32, #tpu.memory_space<vmem>> -> memref<64x32xf32, #tpu.memory_space<vmem>>
      %dma_wait3A_901 = arith.constant 0 : i32
      %dma_wait3A_902 = arith.constant 0 : i32
      %dma_wait3A_903 = arith.constant 0 : i32
      %dma_wait3A_904 = tpu.memref_slice %arg5[%dma_wait3A_901, %dma_wait3A_902, %dma_wait3A_903] : memref<125000x8x32xf32, #tpu.memory_space<hbm>> -> memref<8x8x32xf32, #tpu.memory_space<hbm>>
      tpu.wait_dma2 semaphore(%dma_wait3A_896 : memref<!tpu.dma_semaphore, #tpu.memory_space<semaphore_mem>>) src(%dma_wait3A_904 : memref<8x8x32xf32, #tpu.memory_space<hbm>>) dst(%dma_wait3A_900 : memref<64x32xf32, #tpu.memory_space<vmem>>)
      %mul3A_905 = arith.constant 2 : i32
      %mul3A_906 = arith.muli %mul3A_905, %scan3A_436 : i32
      %mul3A_907 = arith.constant 8 : i32
      %mul3A_908 = arith.muli %mul3A_906, %mul3A_907 : i32
      %add3A_909 = arith.constant 0 : i32
      %add3A_910 = arith.addi %mul3A_908, %add3A_909 : i32
      %slice3A_911 = vector.extract_strided_slice %get3A_440 {offsets = [0], sizes = [1], strides = [1]} : vector<16xi32> to vector<1xi32>
      %squeeze3A_912 = vector.extract %slice3A_911[0] : i32 from vector<1xi32>
      %and3A = arith.constant 7 : i32
      %and3A_913 = arith.andi %squeeze3A_912, %and3A : i32
      %add3A_914 = arith.constant 0 : i32
      %add3A_915 = arith.addi %add3A_914, %and3A_913 : i32
      %slice3A_916 = vector.extract_strided_slice %get3A_444 {offsets = [0], sizes = [1], strides = [1]} : vector<16xi32> to vector<1xi32>
      %squeeze3A_917 = vector.extract %slice3A_916[0] : i32 from vector<1xi32>
      %and3A_918 = arith.constant 7 : i32
      %and3A_919 = arith.andi %squeeze3A_917, %and3A_918 : i32
      %add3A_920 = arith.constant 0 : i32
      %add3A_921 = arith.addi %add3A_920, %and3A_919 : i32
      %get3A_922 = arith.constant 0 : i32
      %get3A_923 = arith.constant 0 : i32
      %get3A_924 = arith.index_cast %get3A_922 : i32 to index
      %get3A_925 = arith.index_cast %get3A_923 : i32 to index
      %get3A_926 = arith.index_cast %add3A_915 : i32 to index
      %get3A_927 = arith.constant 0 : index
      %get3A_928 = tpu.vector_load %arg10[%get3A_924, %get3A_925, %get3A_926, %get3A_927] {strides = array<i32>} : memref<2x2x64x32xf32, #tpu.memory_space<vmem>>, vector<16xf32>,
      %swap3A = arith.index_cast %add3A_910 : i32 to index
      %swap3A_929 = arith.constant 0 : index
      %swap3A_930 = tpu.vector_load %arg11[%swap3A, %swap3A_929] {strides = array<i32>} : memref<512x64xf32, #tpu.memory_space<vmem>>, vector<16xf32>,
      tpu.vector_store %arg11[%swap3A, %swap3A_929], %get3A_928 {strides = array<i32>} : memref<512x64xf32, #tpu.memory_space<vmem>>, vector<16xf32>,
      %get3A_931 = arith.constant 0 : i32
      %get3A_932 = arith.constant 1 : i32
      %get3A_933 = arith.index_cast %get3A_931 : i32 to index
      %get3A_934 = arith.index_cast %get3A_932 : i32 to index
      %get3A_935 = arith.index_cast %add3A_921 : i32 to index
      %get3A_936 = arith.constant 0 : index
      %get3A_937 = tpu.vector_load %arg10[%get3A_933, %get3A_934, %get3A_935, %get3A_936] {strides = array<i32>} : memref<2x2x64x32xf32, #tpu.memory_space<vmem>>, vector<16xf32>,
      %swap3A_938 = arith.index_cast %add3A_910 : i32 to index
      %swap3A_939 = arith.constant 32 : index
      %swap3A_940 = tpu.vector_load %arg11[%swap3A_938, %swap3A_939] {strides = array<i32>} : memref<512x64xf32, #tpu.memory_space<vmem>>, vector<16xf32>,
      tpu.vector_store %arg11[%swap3A_938, %swap3A_939], %get3A_937 {strides = array<i32>} : memref<512x64xf32, #tpu.memory_space<vmem>>, vector<16xf32>,
      %get3A_941 = arith.constant 0 : i32
      %get3A_942 = arith.constant 0 : i32
      %get3A_943 = arith.index_cast %get3A_941 : i32 to index
      %get3A_944 = arith.index_cast %get3A_942 : i32 to index
      %get3A_945 = arith.index_cast %add3A_915 : i32 to index
      %get3A_946 = arith.constant 16 : index
      %get3A_947 = tpu.vector_load %arg10[%get3A_943, %get3A_944, %get3A_945, %get3A_946] {strides = array<i32>} : memref<2x2x64x32xf32, #tpu.memory_space<vmem>>, vector<16xf32>,
      %swap3A_948 = arith.index_cast %add3A_910 : i32 to index
      %swap3A_949 = arith.constant 16 : index
      %swap3A_950 = tpu.vector_load %arg11[%swap3A_948, %swap3A_949] {strides = array<i32>} : memref<512x64xf32, #tpu.memory_space<vmem>>, vector<16xf32>,
      tpu.vector_store %arg11[%swap3A_948, %swap3A_949], %get3A_947 {strides = array<i32>} : memref<512x64xf32, #tpu.memory_space<vmem>>, vector<16xf32>,
      %get3A_951 = arith.constant 0 : i32
      %get3A_952 = arith.constant 1 : i32
      %get3A_953 = arith.index_cast %get3A_951 : i32 to index
      %get3A_954 = arith.index_cast %get3A_952 : i32 to index
      %get3A_955 = arith.index_cast %add3A_921 : i32 to index
      %get3A_956 = arith.constant 16 : index
      %get3A_957 = tpu.vector_load %arg10[%get3A_953, %get3A_954, %get3A_955, %get3A_956] {strides = array<i32>} : memref<2x2x64x32xf32, #tpu.memory_space<vmem>>, vector<16xf32>,
      %swap3A_958 = arith.index_cast %add3A_910 : i32 to index
      %swap3A_959 = arith.constant 48 : index
      %swap3A_960 = tpu.vector_load %arg11[%swap3A_958, %swap3A_959] {strides = array<i32>} : memref<512x64xf32, #tpu.memory_space<vmem>>, vector<16xf32>,
      tpu.vector_store %arg11[%swap3A_958, %swap3A_959], %get3A_957 {strides = array<i32>} : memref<512x64xf32, #tpu.memory_space<vmem>>, vector<16xf32>,
      %mul3A_961 = arith.constant 8 : i32
      %mul3A_962 = arith.muli %mul3A_906, %mul3A_961 : i32
      %add3A_963 = arith.constant 1 : i32
      %add3A_964 = arith.addi %mul3A_962, %add3A_963 : i32
      %slice3A_965 = vector.extract_strided_slice %get3A_440 {offsets = [1], sizes = [1], strides = [1]} : vector<16xi32> to vector<1xi32>
      %squeeze3A_966 = vector.extract %slice3A_965[0] : i32 from vector<1xi32>
      %and3A_967 = arith.constant 7 : i32
      %and3A_968 = arith.andi %squeeze3A_966, %and3A_967 : i32
      %add3A_969 = arith.constant 8 : i32
      %add3A_970 = arith.addi %add3A_969, %and3A_968 : i32
      %slice3A_971 = vector.extract_strided_slice %get3A_444 {offsets = [1], sizes = [1], strides = [1]} : vector<16xi32> to vector<1xi32>
      %squeeze3A_972 = vector.extract %slice3A_971[0] : i32 from vector<1xi32>
      %and3A_973 = arith.constant 7 : i32
      %and3A_974 = arith.andi %squeeze3A_972, %and3A_973 : i32
      %add3A_975 = arith.constant 8 : i32
      %add3A_976 = arith.addi %add3A_975, %and3A_974 : i32
      %get3A_977 = arith.constant 0 : i32
      %get3A_978 = arith.constant 0 : i32
      %get3A_979 = arith.index_cast %get3A_977 : i32 to index
      %get3A_980 = arith.index_cast %get3A_978 : i32 to index
      %get3A_981 = arith.index_cast %add3A_970 : i32 to index
      %get3A_982 = arith.constant 0 : index
      %get3A_983 = tpu.vector_load %arg10[%get3A_979, %get3A_980, %get3A_981, %get3A_982] {strides = array<i32>} : memref<2x2x64x32xf32, #tpu.memory_space<vmem>>, vector<16xf32>,
      %swap3A_984 = arith.index_cast %add3A_964 : i32 to index
      %swap3A_985 = arith.constant 0 : index
      %swap3A_986 = tpu.vector_load %arg11[%swap3A_984, %swap3A_985] {strides = array<i32>} : memref<512x64xf32, #tpu.memory_space<vmem>>, vector<16xf32>,
      tpu.vector_store %arg11[%swap3A_984, %swap3A_985], %get3A_983 {strides = array<i32>} : memref<512x64xf32, #tpu.memory_space<vmem>>, vector<16xf32>,
      %get3A_987 = arith.constant 0 : i32
      %get3A_988 = arith.constant 1 : i32
      %get3A_989 = arith.index_cast %get3A_987 : i32 to index
      %get3A_990 = arith.index_cast %get3A_988 : i32 to index
      %get3A_991 = arith.index_cast %add3A_976 : i32 to index
      %get3A_992 = arith.constant 0 : index
      %get3A_993 = tpu.vector_load %arg10[%get3A_989, %get3A_990, %get3A_991, %get3A_992] {strides = array<i32>} : memref<2x2x64x32xf32, #tpu.memory_space<vmem>>, vector<16xf32>,
      %swap3A_994 = arith.index_cast %add3A_964 : i32 to index
      %swap3A_995 = arith.constant 32 : index
      %swap3A_996 = tpu.vector_load %arg11[%swap3A_994, %swap3A_995] {strides = array<i32>} : memref<512x64xf32, #tpu.memory_space<vmem>>, vector<16xf32>,
      tpu.vector_store %arg11[%swap3A_994, %swap3A_995], %get3A_993 {strides = array<i32>} : memref<512x64xf32, #tpu.memory_space<vmem>>, vector<16xf32>,
      %get3A_997 = arith.constant 0 : i32
      %get3A_998 = arith.constant 0 : i32
      %get3A_999 = arith.index_cast %get3A_997 : i32 to index
      %get3A_1000 = arith.index_cast %get3A_998 : i32 to index
      %get3A_1001 = arith.index_cast %add3A_970 : i32 to index
      %get3A_1002 = arith.constant 16 : index
      %get3A_1003 = tpu.vector_load %arg10[%get3A_999, %get3A_1000, %get3A_1001, %get3A_1002] {strides = array<i32>} : memref<2x2x64x32xf32, #tpu.memory_space<vmem>>, vector<16xf32>,
      %swap3A_1004 = arith.index_cast %add3A_964 : i32 to index
      %swap3A_1005 = arith.constant 16 : index
      %swap3A_1006 = tpu.vector_load %arg11[%swap3A_1004, %swap3A_1005] {strides = array<i32>} : memref<512x64xf32, #tpu.memory_space<vmem>>, vector<16xf32>,
      tpu.vector_store %arg11[%swap3A_1004, %swap3A_1005], %get3A_1003 {strides = array<i32>} : memref<512x64xf32, #tpu.memory_space<vmem>>, vector<16xf32>,
      %get3A_1007 = arith.constant 0 : i32
      %get3A_1008 = arith.constant 1 : i32
      %get3A_1009 = arith.index_cast %get3A_1007 : i32 to index
      %get3A_1010 = arith.index_cast %get3A_1008 : i32 to index
      %get3A_1011 = arith.index_cast %add3A_976 : i32 to index
      %get3A_1012 = arith.constant 16 : index
      %get3A_1013 = tpu.vector_load %arg10[%get3A_1009, %get3A_1010, %get3A_1011, %get3A_1012] {strides = array<i32>} : memref<2x2x64x32xf32, #tpu.memory_space<vmem>>, vector<16xf32>,
      %swap3A_1014 = arith.index_cast %add3A_964 : i32 to index
      %swap3A_1015 = arith.constant 48 : index
      %swap3A_1016 = tpu.vector_load %arg11[%swap3A_1014, %swap3A_1015] {strides = array<i32>} : memref<512x64xf32, #tpu.memory_space<vmem>>, vector<16xf32>,
      tpu.vector_store %arg11[%swap3A_1014, %swap3A_1015], %get3A_1013 {strides = array<i32>} : memref<512x64xf32, #tpu.memory_space<vmem>>, vector<16xf32>,
      %mul3A_1017 = arith.constant 8 : i32
      %mul3A_1018 = arith.muli %mul3A_906, %mul3A_1017 : i32
      %add3A_1019 = arith.constant 2 : i32
      %add3A_1020 = arith.addi %mul3A_1018, %add3A_1019 : i32
      %slice3A_1021 = vector.extract_strided_slice %get3A_440 {offsets = [2], sizes = [1], strides = [1]} : vector<16xi32> to vector<1xi32>
      %squeeze3A_1022 = vector.extract %slice3A_1021[0] : i32 from vector<1xi32>
      %and3A_1023 = arith.constant 7 : i32
      %and3A_1024 = arith.andi %squeeze3A_1022, %and3A_1023 : i32
      %add3A_1025 = arith.constant 16 : i32
      %add3A_1026 = arith.addi %add3A_1025, %and3A_1024 : i32
      %slice3A_1027 = vector.extract_strided_slice %get3A_444 {offsets = [2], sizes = [1], strides = [1]} : vector<16xi32> to vector<1xi32>
      %squeeze3A_1028 = vector.extract %slice3A_1027[0] : i32 from vector<1xi32>
      %and3A_1029 = arith.constant 7 : i32
      %and3A_1030 = arith.andi %squeeze3A_1028, %and3A_1029 : i32
      %add3A_1031 = arith.constant 16 : i32
      %add3A_1032 = arith.addi %add3A_1031, %and3A_1030 : i32
      %get3A_1033 = arith.constant 0 : i32
      %get3A_1034 = arith.constant 0 : i32
      %get3A_1035 = arith.index_cast %get3A_1033 : i32 to index
      %get3A_1036 = arith.index_cast %get3A_1034 : i32 to index
      %get3A_1037 = arith.index_cast %add3A_1026 : i32 to index
      %get3A_1038 = arith.constant 0 : index
      %get3A_1039 = tpu.vector_load %arg10[%get3A_1035, %get3A_1036, %get3A_1037, %get3A_1038] {strides = array<i32>} : memref<2x2x64x32xf32, #tpu.memory_space<vmem>>, vector<16xf32>,
      %swap3A_1040 = arith.index_cast %add3A_1020 : i32 to index
      %swap3A_1041 = arith.constant 0 : index
      %swap3A_1042 = tpu.vector_load %arg11[%swap3A_1040, %swap3A_1041] {strides = array<i32>} : memref<512x64xf32, #tpu.memory_space<vmem>>, vector<16xf32>,
      tpu.vector_store %arg11[%swap3A_1040, %swap3A_1041], %get3A_1039 {strides = array<i32>} : memref<512x64xf32, #tpu.memory_space<vmem>>, vector<16xf32>,
      %get3A_1043 = arith.constant 0 : i32
      %get3A_1044 = arith.constant 1 : i32
      %get3A_1045 = arith.index_cast %get3A_1043 : i32 to index
      %get3A_1046 = arith.index_cast %get3A_1044 : i32 to index
      %get3A_1047 = arith.index_cast %add3A_1032 : i32 to index
      %get3A_1048 = arith.constant 0 : index
      %get3A_1049 = tpu.vector_load %arg10[%get3A_1045, %get3A_1046, %get3A_1047, %get3A_1048] {strides = array<i32>} : memref<2x2x64x32xf32, #tpu.memory_space<vmem>>, vector<16xf32>,
      %swap3A_1050 = arith.index_cast %add3A_1020 : i32 to index
      %swap3A_1051 = arith.constant 32 : index
      %swap3A_1052 = tpu.vector_load %arg11[%swap3A_1050, %swap3A_1051] {strides = array<i32>} : memref<512x64xf32, #tpu.memory_space<vmem>>, vector<16xf32>,
      tpu.vector_store %arg11[%swap3A_1050, %swap3A_1051], %get3A_1049 {strides = array<i32>} : memref<512x64xf32, #tpu.memory_space<vmem>>, vector<16xf32>,
      %get3A_1053 = arith.constant 0 : i32
      %get3A_1054 = arith.constant 0 : i32
      %get3A_1055 = arith.index_cast %get3A_1053 : i32 to index
      %get3A_1056 = arith.index_cast %get3A_1054 : i32 to index
      %get3A_1057 = arith.index_cast %add3A_1026 : i32 to index
      %get3A_1058 = arith.constant 16 : index
      %get3A_1059 = tpu.vector_load %arg10[%get3A_1055, %get3A_1056, %get3A_1057, %get3A_1058] {strides = array<i32>} : memref<2x2x64x32xf32, #tpu.memory_space<vmem>>, vector<16xf32>,
      %swap3A_1060 = arith.index_cast %add3A_1020 : i32 to index
      %swap3A_1061 = arith.constant 16 : index
      %swap3A_1062 = tpu.vector_load %arg11[%swap3A_1060, %swap3A_1061] {strides = array<i32>} : memref<512x64xf32, #tpu.memory_space<vmem>>, vector<16xf32>,
      tpu.vector_store %arg11[%swap3A_1060, %swap3A_1061], %get3A_1059 {strides = array<i32>} : memref<512x64xf32, #tpu.memory_space<vmem>>, vector<16xf32>,
      %get3A_1063 = arith.constant 0 : i32
      %get3A_1064 = arith.constant 1 : i32
      %get3A_1065 = arith.index_cast %get3A_1063 : i32 to index
      %get3A_1066 = arith.index_cast %get3A_1064 : i32 to index
      %get3A_1067 = arith.index_cast %add3A_1032 : i32 to index
      %get3A_1068 = arith.constant 16 : index
      %get3A_1069 = tpu.vector_load %arg10[%get3A_1065, %get3A_1066, %get3A_1067, %get3A_1068] {strides = array<i32>} : memref<2x2x64x32xf32, #tpu.memory_space<vmem>>, vector<16xf32>,
      %swap3A_1070 = arith.index_cast %add3A_1020 : i32 to index
      %swap3A_1071 = arith.constant 48 : index
      %swap3A_1072 = tpu.vector_load %arg11[%swap3A_1070, %swap3A_1071] {strides = array<i32>} : memref<512x64xf32, #tpu.memory_space<vmem>>, vector<16xf32>,
      tpu.vector_store %arg11[%swap3A_1070, %swap3A_1071], %get3A_1069 {strides = array<i32>} : memref<512x64xf32, #tpu.memory_space<vmem>>, vector<16xf32>,
      %mul3A_1073 = arith.constant 8 : i32
      %mul3A_1074 = arith.muli %mul3A_906, %mul3A_1073 : i32
      %add3A_1075 = arith.constant 3 : i32
      %add3A_1076 = arith.addi %mul3A_1074, %add3A_1075 : i32
      %slice3A_1077 = vector.extract_strided_slice %get3A_440 {offsets = [3], sizes = [1], strides = [1]} : vector<16xi32> to vector<1xi32>
      %squeeze3A_1078 = vector.extract %slice3A_1077[0] : i32 from vector<1xi32>
      %and3A_1079 = arith.constant 7 : i32
      %and3A_1080 = arith.andi %squeeze3A_1078, %and3A_1079 : i32
      %add3A_1081 = arith.constant 24 : i32
      %add3A_1082 = arith.addi %add3A_1081, %and3A_1080 : i32
      %slice3A_1083 = vector.extract_strided_slice %get3A_444 {offsets = [3], sizes = [1], strides = [1]} : vector<16xi32> to vector<1xi32>
      %squeeze3A_1084 = vector.extract %slice3A_1083[0] : i32 from vector<1xi32>
      %and3A_1085 = arith.constant 7 : i32
      %and3A_1086 = arith.andi %squeeze3A_1084, %and3A_1085 : i32
      %add3A_1087 = arith.constant 24 : i32
      %add3A_1088 = arith.addi %add3A_1087, %and3A_1086 : i32
      %get3A_1089 = arith.constant 0 : i32
      %get3A_1090 = arith.constant 0 : i32
      %get3A_1091 = arith.index_cast %get3A_1089 : i32 to index
      %get3A_1092 = arith.index_cast %get3A_1090 : i32 to index
      %get3A_1093 = arith.index_cast %add3A_1082 : i32 to index
      %get3A_1094 = arith.constant 0 : index
      %get3A_1095 = tpu.vector_load %arg10[%get3A_1091, %get3A_1092, %get3A_1093, %get3A_1094] {strides = array<i32>} : memref<2x2x64x32xf32, #tpu.memory_space<vmem>>, vector<16xf32>,
      %swap3A_1096 = arith.index_cast %add3A_1076 : i32 to index
      %swap3A_1097 = arith.constant 0 : index
      %swap3A_1098 = tpu.vector_load %arg11[%swap3A_1096, %swap3A_1097] {strides = array<i32>} : memref<512x64xf32, #tpu.memory_space<vmem>>, vector<16xf32>,
      tpu.vector_store %arg11[%swap3A_1096, %swap3A_1097], %get3A_1095 {strides = array<i32>} : memref<512x64xf32, #tpu.memory_space<vmem>>, vector<16xf32>,
      %get3A_1099 = arith.constant 0 : i32
      %get3A_1100 = arith.constant 1 : i32
      %get3A_1101 = arith.index_cast %get3A_1099 : i32 to index
      %get3A_1102 = arith.index_cast %get3A_1100 : i32 to index
      %get3A_1103 = arith.index_cast %add3A_1088 : i32 to index
      %get3A_1104 = arith.constant 0 : index
      %get3A_1105 = tpu.vector_load %arg10[%get3A_1101, %get3A_1102, %get3A_1103, %get3A_1104] {strides = array<i32>} : memref<2x2x64x32xf32, #tpu.memory_space<vmem>>, vector<16xf32>,
      %swap3A_1106 = arith.index_cast %add3A_1076 : i32 to index
      %swap3A_1107 = arith.constant 32 : index
      %swap3A_1108 = tpu.vector_load %arg11[%swap3A_1106, %swap3A_1107] {strides = array<i32>} : memref<512x64xf32, #tpu.memory_space<vmem>>, vector<16xf32>,
      tpu.vector_store %arg11[%swap3A_1106, %swap3A_1107], %get3A_1105 {strides = array<i32>} : memref<512x64xf32, #tpu.memory_space<vmem>>, vector<16xf32>,
      %get3A_1109 = arith.constant 0 : i32
      %get3A_1110 = arith.constant 0 : i32
      %get3A_1111 = arith.index_cast %get3A_1109 : i32 to index
      %get3A_1112 = arith.index_cast %get3A_1110 : i32 to index
      %get3A_1113 = arith.index_cast %add3A_1082 : i32 to index
      %get3A_1114 = arith.constant 16 : index
      %get3A_1115 = tpu.vector_load %arg10[%get3A_1111, %get3A_1112, %get3A_1113, %get3A_1114] {strides = array<i32>} : memref<2x2x64x32xf32, #tpu.memory_space<vmem>>, vector<16xf32>,
      %swap3A_1116 = arith.index_cast %add3A_1076 : i32 to index
      %swap3A_1117 = arith.constant 16 : index
      %swap3A_1118 = tpu.vector_load %arg11[%swap3A_1116, %swap3A_1117] {strides = array<i32>} : memref<512x64xf32, #tpu.memory_space<vmem>>, vector<16xf32>,
      tpu.vector_store %arg11[%swap3A_1116, %swap3A_1117], %get3A_1115 {strides = array<i32>} : memref<512x64xf32, #tpu.memory_space<vmem>>, vector<16xf32>,
      %get3A_1119 = arith.constant 0 : i32
      %get3A_1120 = arith.constant 1 : i32
      %get3A_1121 = arith.index_cast %get3A_1119 : i32 to index
      %get3A_1122 = arith.index_cast %get3A_1120 : i32 to index
      %get3A_1123 = arith.index_cast %add3A_1088 : i32 to index
      %get3A_1124 = arith.constant 16 : index
      %get3A_1125 = tpu.vector_load %arg10[%get3A_1121, %get3A_1122, %get3A_1123, %get3A_1124] {strides = array<i32>} : memref<2x2x64x32xf32, #tpu.memory_space<vmem>>, vector<16xf32>,
      %swap3A_1126 = arith.index_cast %add3A_1076 : i32 to index
      %swap3A_1127 = arith.constant 48 : index
      %swap3A_1128 = tpu.vector_load %arg11[%swap3A_1126, %swap3A_1127] {strides = array<i32>} : memref<512x64xf32, #tpu.memory_space<vmem>>, vector<16xf32>,
      tpu.vector_store %arg11[%swap3A_1126, %swap3A_1127], %get3A_1125 {strides = array<i32>} : memref<512x64xf32, #tpu.memory_space<vmem>>, vector<16xf32>,
      %mul3A_1129 = arith.constant 8 : i32
      %mul3A_1130 = arith.muli %mul3A_906, %mul3A_1129 : i32
      %add3A_1131 = arith.constant 4 : i32
      %add3A_1132 = arith.addi %mul3A_1130, %add3A_1131 : i32
      %slice3A_1133 = vector.extract_strided_slice %get3A_440 {offsets = [4], sizes = [1], strides = [1]} : vector<16xi32> to vector<1xi32>
      %squeeze3A_1134 = vector.extract %slice3A_1133[0] : i32 from vector<1xi32>
      %and3A_1135 = arith.constant 7 : i32
      %and3A_1136 = arith.andi %squeeze3A_1134, %and3A_1135 : i32
      %add3A_1137 = arith.constant 32 : i32
      %add3A_1138 = arith.addi %add3A_1137, %and3A_1136 : i32
      %slice3A_1139 = vector.extract_strided_slice %get3A_444 {offsets = [4], sizes = [1], strides = [1]} : vector<16xi32> to vector<1xi32>
      %squeeze3A_1140 = vector.extract %slice3A_1139[0] : i32 from vector<1xi32>
      %and3A_1141 = arith.constant 7 : i32
      %and3A_1142 = arith.andi %squeeze3A_1140, %and3A_1141 : i32
      %add3A_1143 = arith.constant 32 : i32
      %add3A_1144 = arith.addi %add3A_1143, %and3A_1142 : i32
      %get3A_1145 = arith.constant 0 : i32
      %get3A_1146 = arith.constant 0 : i32
      %get3A_1147 = arith.index_cast %get3A_1145 : i32 to index
      %get3A_1148 = arith.index_cast %get3A_1146 : i32 to index
      %get3A_1149 = arith.index_cast %add3A_1138 : i32 to index
      %get3A_1150 = arith.constant 0 : index
      %get3A_1151 = tpu.vector_load %arg10[%get3A_1147, %get3A_1148, %get3A_1149, %get3A_1150] {strides = array<i32>} : memref<2x2x64x32xf32, #tpu.memory_space<vmem>>, vector<16xf32>,
      %swap3A_1152 = arith.index_cast %add3A_1132 : i32 to index
      %swap3A_1153 = arith.constant 0 : index
      %swap3A_1154 = tpu.vector_load %arg11[%swap3A_1152, %swap3A_1153] {strides = array<i32>} : memref<512x64xf32, #tpu.memory_space<vmem>>, vector<16xf32>,
      tpu.vector_store %arg11[%swap3A_1152, %swap3A_1153], %get3A_1151 {strides = array<i32>} : memref<512x64xf32, #tpu.memory_space<vmem>>, vector<16xf32>,
      %get3A_1155 = arith.constant 0 : i32
      %get3A_1156 = arith.constant 1 : i32
      %get3A_1157 = arith.index_cast %get3A_1155 : i32 to index
      %get3A_1158 = arith.index_cast %get3A_1156 : i32 to index
      %get3A_1159 = arith.index_cast %add3A_1144 : i32 to index
      %get3A_1160 = arith.constant 0 : index
      %get3A_1161 = tpu.vector_load %arg10[%get3A_1157, %get3A_1158, %get3A_1159, %get3A_1160] {strides = array<i32>} : memref<2x2x64x32xf32, #tpu.memory_space<vmem>>, vector<16xf32>,
      %swap3A_1162 = arith.index_cast %add3A_1132 : i32 to index
      %swap3A_1163 = arith.constant 32 : index
      %swap3A_1164 = tpu.vector_load %arg11[%swap3A_1162, %swap3A_1163] {strides = array<i32>} : memref<512x64xf32, #tpu.memory_space<vmem>>, vector<16xf32>,
      tpu.vector_store %arg11[%swap3A_1162, %swap3A_1163], %get3A_1161 {strides = array<i32>} : memref<512x64xf32, #tpu.memory_space<vmem>>, vector<16xf32>,
      %get3A_1165 = arith.constant 0 : i32
      %get3A_1166 = arith.constant 0 : i32
      %get3A_1167 = arith.index_cast %get3A_1165 : i32 to index
      %get3A_1168 = arith.index_cast %get3A_1166 : i32 to index
      %get3A_1169 = arith.index_cast %add3A_1138 : i32 to index
      %get3A_1170 = arith.constant 16 : index
      %get3A_1171 = tpu.vector_load %arg10[%get3A_1167, %get3A_1168, %get3A_1169, %get3A_1170] {strides = array<i32>} : memref<2x2x64x32xf32, #tpu.memory_space<vmem>>, vector<16xf32>,
      %swap3A_1172 = arith.index_cast %add3A_1132 : i32 to index
      %swap3A_1173 = arith.constant 16 : index
      %swap3A_1174 = tpu.vector_load %arg11[%swap3A_1172, %swap3A_1173] {strides = array<i32>} : memref<512x64xf32, #tpu.memory_space<vmem>>, vector<16xf32>,
      tpu.vector_store %arg11[%swap3A_1172, %swap3A_1173], %get3A_1171 {strides = array<i32>} : memref<512x64xf32, #tpu.memory_space<vmem>>, vector<16xf32>,
      %get3A_1175 = arith.constant 0 : i32
      %get3A_1176 = arith.constant 1 : i32
      %get3A_1177 = arith.index_cast %get3A_1175 : i32 to index
      %get3A_1178 = arith.index_cast %get3A_1176 : i32 to index
      %get3A_1179 = arith.index_cast %add3A_1144 : i32 to index
      %get3A_1180 = arith.constant 16 : index
      %get3A_1181 = tpu.vector_load %arg10[%get3A_1177, %get3A_1178, %get3A_1179, %get3A_1180] {strides = array<i32>} : memref<2x2x64x32xf32, #tpu.memory_space<vmem>>, vector<16xf32>,
      %swap3A_1182 = arith.index_cast %add3A_1132 : i32 to index
      %swap3A_1183 = arith.constant 48 : index
      %swap3A_1184 = tpu.vector_load %arg11[%swap3A_1182, %swap3A_1183] {strides = array<i32>} : memref<512x64xf32, #tpu.memory_space<vmem>>, vector<16xf32>,
      tpu.vector_store %arg11[%swap3A_1182, %swap3A_1183], %get3A_1181 {strides = array<i32>} : memref<512x64xf32, #tpu.memory_space<vmem>>, vector<16xf32>,
      %mul3A_1185 = arith.constant 8 : i32
      %mul3A_1186 = arith.muli %mul3A_906, %mul3A_1185 : i32
      %add3A_1187 = arith.constant 5 : i32
      %add3A_1188 = arith.addi %mul3A_1186, %add3A_1187 : i32
      %slice3A_1189 = vector.extract_strided_slice %get3A_440 {offsets = [5], sizes = [1], strides = [1]} : vector<16xi32> to vector<1xi32>
      %squeeze3A_1190 = vector.extract %slice3A_1189[0] : i32 from vector<1xi32>
      %and3A_1191 = arith.constant 7 : i32
      %and3A_1192 = arith.andi %squeeze3A_1190, %and3A_1191 : i32
      %add3A_1193 = arith.constant 40 : i32
      %add3A_1194 = arith.addi %add3A_1193, %and3A_1192 : i32
      %slice3A_1195 = vector.extract_strided_slice %get3A_444 {offsets = [5], sizes = [1], strides = [1]} : vector<16xi32> to vector<1xi32>
      %squeeze3A_1196 = vector.extract %slice3A_1195[0] : i32 from vector<1xi32>
      %and3A_1197 = arith.constant 7 : i32
      %and3A_1198 = arith.andi %squeeze3A_1196, %and3A_1197 : i32
      %add3A_1199 = arith.constant 40 : i32
      %add3A_1200 = arith.addi %add3A_1199, %and3A_1198 : i32
      %get3A_1201 = arith.constant 0 : i32
      %get3A_1202 = arith.constant 0 : i32
      %get3A_1203 = arith.index_cast %get3A_1201 : i32 to index
      %get3A_1204 = arith.index_cast %get3A_1202 : i32 to index
      %get3A_1205 = arith.index_cast %add3A_1194 : i32 to index
      %get3A_1206 = arith.constant 0 : index
      %get3A_1207 = tpu.vector_load %arg10[%get3A_1203, %get3A_1204, %get3A_1205, %get3A_1206] {strides = array<i32>} : memref<2x2x64x32xf32, #tpu.memory_space<vmem>>, vector<16xf32>,
      %swap3A_1208 = arith.index_cast %add3A_1188 : i32 to index
      %swap3A_1209 = arith.constant 0 : index
      %swap3A_1210 = tpu.vector_load %arg11[%swap3A_1208, %swap3A_1209] {strides = array<i32>} : memref<512x64xf32, #tpu.memory_space<vmem>>, vector<16xf32>,
      tpu.vector_store %arg11[%swap3A_1208, %swap3A_1209], %get3A_1207 {strides = array<i32>} : memref<512x64xf32, #tpu.memory_space<vmem>>, vector<16xf32>,
      %get3A_1211 = arith.constant 0 : i32
      %get3A_1212 = arith.constant 1 : i32
      %get3A_1213 = arith.index_cast %get3A_1211 : i32 to index
      %get3A_1214 = arith.index_cast %get3A_1212 : i32 to index
      %get3A_1215 = arith.index_cast %add3A_1200 : i32 to index
      %get3A_1216 = arith.constant 0 : index
      %get3A_1217 = tpu.vector_load %arg10[%get3A_1213, %get3A_1214, %get3A_1215, %get3A_1216] {strides = array<i32>} : memref<2x2x64x32xf32, #tpu.memory_space<vmem>>, vector<16xf32>,
      %swap3A_1218 = arith.index_cast %add3A_1188 : i32 to index
      %swap3A_1219 = arith.constant 32 : index
      %swap3A_1220 = tpu.vector_load %arg11[%swap3A_1218, %swap3A_1219] {strides = array<i32>} : memref<512x64xf32, #tpu.memory_space<vmem>>, vector<16xf32>,
      tpu.vector_store %arg11[%swap3A_1218, %swap3A_1219], %get3A_1217 {strides = array<i32>} : memref<512x64xf32, #tpu.memory_space<vmem>>, vector<16xf32>,
      %get3A_1221 = arith.constant 0 : i32
      %get3A_1222 = arith.constant 0 : i32
      %get3A_1223 = arith.index_cast %get3A_1221 : i32 to index
      %get3A_1224 = arith.index_cast %get3A_1222 : i32 to index
      %get3A_1225 = arith.index_cast %add3A_1194 : i32 to index
      %get3A_1226 = arith.constant 16 : index
      %get3A_1227 = tpu.vector_load %arg10[%get3A_1223, %get3A_1224, %get3A_1225, %get3A_1226] {strides = array<i32>} : memref<2x2x64x32xf32, #tpu.memory_space<vmem>>, vector<16xf32>,
      %swap3A_1228 = arith.index_cast %add3A_1188 : i32 to index
      %swap3A_1229 = arith.constant 16 : index
      %swap3A_1230 = tpu.vector_load %arg11[%swap3A_1228, %swap3A_1229] {strides = array<i32>} : memref<512x64xf32, #tpu.memory_space<vmem>>, vector<16xf32>,
      tpu.vector_store %arg11[%swap3A_1228, %swap3A_1229], %get3A_1227 {strides = array<i32>} : memref<512x64xf32, #tpu.memory_space<vmem>>, vector<16xf32>,
      %get3A_1231 = arith.constant 0 : i32
      %get3A_1232 = arith.constant 1 : i32
      %get3A_1233 = arith.index_cast %get3A_1231 : i32 to index
      %get3A_1234 = arith.index_cast %get3A_1232 : i32 to index
      %get3A_1235 = arith.index_cast %add3A_1200 : i32 to index
      %get3A_1236 = arith.constant 16 : index
      %get3A_1237 = tpu.vector_load %arg10[%get3A_1233, %get3A_1234, %get3A_1235, %get3A_1236] {strides = array<i32>} : memref<2x2x64x32xf32, #tpu.memory_space<vmem>>, vector<16xf32>,
      %swap3A_1238 = arith.index_cast %add3A_1188 : i32 to index
      %swap3A_1239 = arith.constant 48 : index
      %swap3A_1240 = tpu.vector_load %arg11[%swap3A_1238, %swap3A_1239] {strides = array<i32>} : memref<512x64xf32, #tpu.memory_space<vmem>>, vector<16xf32>,
      tpu.vector_store %arg11[%swap3A_1238, %swap3A_1239], %get3A_1237 {strides = array<i32>} : memref<512x64xf32, #tpu.memory_space<vmem>>, vector<16xf32>,
      %mul3A_1241 = arith.constant 8 : i32
      %mul3A_1242 = arith.muli %mul3A_906, %mul3A_1241 : i32
      %add3A_1243 = arith.constant 6 : i32
      %add3A_1244 = arith.addi %mul3A_1242, %add3A_1243 : i32
      %slice3A_1245 = vector.extract_strided_slice %get3A_440 {offsets = [6], sizes = [1], strides = [1]} : vector<16xi32> to vector<1xi32>
      %squeeze3A_1246 = vector.extract %slice3A_1245[0] : i32 from vector<1xi32>
      %and3A_1247 = arith.constant 7 : i32
      %and3A_1248 = arith.andi %squeeze3A_1246, %and3A_1247 : i32
      %add3A_1249 = arith.constant 48 : i32
      %add3A_1250 = arith.addi %add3A_1249, %and3A_1248 : i32
      %slice3A_1251 = vector.extract_strided_slice %get3A_444 {offsets = [6], sizes = [1], strides = [1]} : vector<16xi32> to vector<1xi32>
      %squeeze3A_1252 = vector.extract %slice3A_1251[0] : i32 from vector<1xi32>
      %and3A_1253 = arith.constant 7 : i32
      %and3A_1254 = arith.andi %squeeze3A_1252, %and3A_1253 : i32
      %add3A_1255 = arith.constant 48 : i32
      %add3A_1256 = arith.addi %add3A_1255, %and3A_1254 : i32
      %get3A_1257 = arith.constant 0 : i32
      %get3A_1258 = arith.constant 0 : i32
      %get3A_1259 = arith.index_cast %get3A_1257 : i32 to index
      %get3A_1260 = arith.index_cast %get3A_1258 : i32 to index
      %get3A_1261 = arith.index_cast %add3A_1250 : i32 to index
      %get3A_1262 = arith.constant 0 : index
      %get3A_1263 = tpu.vector_load %arg10[%get3A_1259, %get3A_1260, %get3A_1261, %get3A_1262] {strides = array<i32>} : memref<2x2x64x32xf32, #tpu.memory_space<vmem>>, vector<16xf32>,
      %swap3A_1264 = arith.index_cast %add3A_1244 : i32 to index
      %swap3A_1265 = arith.constant 0 : index
      %swap3A_1266 = tpu.vector_load %arg11[%swap3A_1264, %swap3A_1265] {strides = array<i32>} : memref<512x64xf32, #tpu.memory_space<vmem>>, vector<16xf32>,
      tpu.vector_store %arg11[%swap3A_1264, %swap3A_1265], %get3A_1263 {strides = array<i32>} : memref<512x64xf32, #tpu.memory_space<vmem>>, vector<16xf32>,
      %get3A_1267 = arith.constant 0 : i32
      %get3A_1268 = arith.constant 1 : i32
      %get3A_1269 = arith.index_cast %get3A_1267 : i32 to index
      %get3A_1270 = arith.index_cast %get3A_1268 : i32 to index
      %get3A_1271 = arith.index_cast %add3A_1256 : i32 to index
      %get3A_1272 = arith.constant 0 : index
      %get3A_1273 = tpu.vector_load %arg10[%get3A_1269, %get3A_1270, %get3A_1271, %get3A_1272] {strides = array<i32>} : memref<2x2x64x32xf32, #tpu.memory_space<vmem>>, vector<16xf32>,
      %swap3A_1274 = arith.index_cast %add3A_1244 : i32 to index
      %swap3A_1275 = arith.constant 32 : index
      %swap3A_1276 = tpu.vector_load %arg11[%swap3A_1274, %swap3A_1275] {strides = array<i32>} : memref<512x64xf32, #tpu.memory_space<vmem>>, vector<16xf32>,
      tpu.vector_store %arg11[%swap3A_1274, %swap3A_1275], %get3A_1273 {strides = array<i32>} : memref<512x64xf32, #tpu.memory_space<vmem>>, vector<16xf32>,
      %get3A_1277 = arith.constant 0 : i32
      %get3A_1278 = arith.constant 0 : i32
      %get3A_1279 = arith.index_cast %get3A_1277 : i32 to index
      %get3A_1280 = arith.index_cast %get3A_1278 : i32 to index
      %get3A_1281 = arith.index_cast %add3A_1250 : i32 to index
      %get3A_1282 = arith.constant 16 : index
      %get3A_1283 = tpu.vector_load %arg10[%get3A_1279, %get3A_1280, %get3A_1281, %get3A_1282] {strides = array<i32>} : memref<2x2x64x32xf32, #tpu.memory_space<vmem>>, vector<16xf32>,
      %swap3A_1284 = arith.index_cast %add3A_1244 : i32 to index
      %swap3A_1285 = arith.constant 16 : index
      %swap3A_1286 = tpu.vector_load %arg11[%swap3A_1284, %swap3A_1285] {strides = array<i32>} : memref<512x64xf32, #tpu.memory_space<vmem>>, vector<16xf32>,
      tpu.vector_store %arg11[%swap3A_1284, %swap3A_1285], %get3A_1283 {strides = array<i32>} : memref<512x64xf32, #tpu.memory_space<vmem>>, vector<16xf32>,
      %get3A_1287 = arith.constant 0 : i32
      %get3A_1288 = arith.constant 1 : i32
      %get3A_1289 = arith.index_cast %get3A_1287 : i32 to index
      %get3A_1290 = arith.index_cast %get3A_1288 : i32 to index
      %get3A_1291 = arith.index_cast %add3A_1256 : i32 to index
      %get3A_1292 = arith.constant 16 : index
      %get3A_1293 = tpu.vector_load %arg10[%get3A_1289, %get3A_1290, %get3A_1291, %get3A_1292] {strides = array<i32>} : memref<2x2x64x32xf32, #tpu.memory_space<vmem>>, vector<16xf32>,
      %swap3A_1294 = arith.index_cast %add3A_1244 : i32 to index
      %swap3A_1295 = arith.constant 48 : index
      %swap3A_1296 = tpu.vector_load %arg11[%swap3A_1294, %swap3A_1295] {strides = array<i32>} : memref<512x64xf32, #tpu.memory_space<vmem>>, vector<16xf32>,
      tpu.vector_store %arg11[%swap3A_1294, %swap3A_1295], %get3A_1293 {strides = array<i32>} : memref<512x64xf32, #tpu.memory_space<vmem>>, vector<16xf32>,
      %mul3A_1297 = arith.constant 8 : i32
      %mul3A_1298 = arith.muli %mul3A_906, %mul3A_1297 : i32
      %add3A_1299 = arith.constant 7 : i32
      %add3A_1300 = arith.addi %mul3A_1298, %add3A_1299 : i32
      %slice3A_1301 = vector.extract_strided_slice %get3A_440 {offsets = [7], sizes = [1], strides = [1]} : vector<16xi32> to vector<1xi32>
      %squeeze3A_1302 = vector.extract %slice3A_1301[0] : i32 from vector<1xi32>
      %and3A_1303 = arith.constant 7 : i32
      %and3A_1304 = arith.andi %squeeze3A_1302, %and3A_1303 : i32
      %add3A_1305 = arith.constant 56 : i32
      %add3A_1306 = arith.addi %add3A_1305, %and3A_1304 : i32
      %slice3A_1307 = vector.extract_strided_slice %get3A_444 {offsets = [7], sizes = [1], strides = [1]} : vector<16xi32> to vector<1xi32>
      %squeeze3A_1308 = vector.extract %slice3A_1307[0] : i32 from vector<1xi32>
      %and3A_1309 = arith.constant 7 : i32
      %and3A_1310 = arith.andi %squeeze3A_1308, %and3A_1309 : i32
      %add3A_1311 = arith.constant 56 : i32
      %add3A_1312 = arith.addi %add3A_1311, %and3A_1310 : i32
      %get3A_1313 = arith.constant 0 : i32
      %get3A_1314 = arith.constant 0 : i32
      %get3A_1315 = arith.index_cast %get3A_1313 : i32 to index
      %get3A_1316 = arith.index_cast %get3A_1314 : i32 to index
      %get3A_1317 = arith.index_cast %add3A_1306 : i32 to index
      %get3A_1318 = arith.constant 0 : index
      %get3A_1319 = tpu.vector_load %arg10[%get3A_1315, %get3A_1316, %get3A_1317, %get3A_1318] {strides = array<i32>} : memref<2x2x64x32xf32, #tpu.memory_space<vmem>>, vector<16xf32>,
      %swap3A_1320 = arith.index_cast %add3A_1300 : i32 to index
      %swap3A_1321 = arith.constant 0 : index
      %swap3A_1322 = tpu.vector_load %arg11[%swap3A_1320, %swap3A_1321] {strides = array<i32>} : memref<512x64xf32, #tpu.memory_space<vmem>>, vector<16xf32>,
      tpu.vector_store %arg11[%swap3A_1320, %swap3A_1321], %get3A_1319 {strides = array<i32>} : memref<512x64xf32, #tpu.memory_space<vmem>>, vector<16xf32>,
      %get3A_1323 = arith.constant 0 : i32
      %get3A_1324 = arith.constant 1 : i32
      %get3A_1325 = arith.index_cast %get3A_1323 : i32 to index
      %get3A_1326 = arith.index_cast %get3A_1324 : i32 to index
      %get3A_1327 = arith.index_cast %add3A_1312 : i32 to index
      %get3A_1328 = arith.constant 0 : index
      %get3A_1329 = tpu.vector_load %arg10[%get3A_1325, %get3A_1326, %get3A_1327, %get3A_1328] {strides = array<i32>} : memref<2x2x64x32xf32, #tpu.memory_space<vmem>>, vector<16xf32>,
      %swap3A_1330 = arith.index_cast %add3A_1300 : i32 to index
      %swap3A_1331 = arith.constant 32 : index
      %swap3A_1332 = tpu.vector_load %arg11[%swap3A_1330, %swap3A_1331] {strides = array<i32>} : memref<512x64xf32, #tpu.memory_space<vmem>>, vector<16xf32>,
      tpu.vector_store %arg11[%swap3A_1330, %swap3A_1331], %get3A_1329 {strides = array<i32>} : memref<512x64xf32, #tpu.memory_space<vmem>>, vector<16xf32>,
      %get3A_1333 = arith.constant 0 : i32
      %get3A_1334 = arith.constant 0 : i32
      %get3A_1335 = arith.index_cast %get3A_1333 : i32 to index
      %get3A_1336 = arith.index_cast %get3A_1334 : i32 to index
      %get3A_1337 = arith.index_cast %add3A_1306 : i32 to index
      %get3A_1338 = arith.constant 16 : index
      %get3A_1339 = tpu.vector_load %arg10[%get3A_1335, %get3A_1336, %get3A_1337, %get3A_1338] {strides = array<i32>} : memref<2x2x64x32xf32, #tpu.memory_space<vmem>>, vector<16xf32>,
      %swap3A_1340 = arith.index_cast %add3A_1300 : i32 to index
      %swap3A_1341 = arith.constant 16 : index
      %swap3A_1342 = tpu.vector_load %arg11[%swap3A_1340, %swap3A_1341] {strides = array<i32>} : memref<512x64xf32, #tpu.memory_space<vmem>>, vector<16xf32>,
      tpu.vector_store %arg11[%swap3A_1340, %swap3A_1341], %get3A_1339 {strides = array<i32>} : memref<512x64xf32, #tpu.memory_space<vmem>>, vector<16xf32>,
      %get3A_1343 = arith.constant 0 : i32
      %get3A_1344 = arith.constant 1 : i32
      %get3A_1345 = arith.index_cast %get3A_1343 : i32 to index
      %get3A_1346 = arith.index_cast %get3A_1344 : i32 to index
      %get3A_1347 = arith.index_cast %add3A_1312 : i32 to index
      %get3A_1348 = arith.constant 16 : index
      %get3A_1349 = tpu.vector_load %arg10[%get3A_1345, %get3A_1346, %get3A_1347, %get3A_1348] {strides = array<i32>} : memref<2x2x64x32xf32, #tpu.memory_space<vmem>>, vector<16xf32>,
      %swap3A_1350 = arith.index_cast %add3A_1300 : i32 to index
      %swap3A_1351 = arith.constant 48 : index
      %swap3A_1352 = tpu.vector_load %arg11[%swap3A_1350, %swap3A_1351] {strides = array<i32>} : memref<512x64xf32, #tpu.memory_space<vmem>>, vector<16xf32>,
      tpu.vector_store %arg11[%swap3A_1350, %swap3A_1351], %get3A_1349 {strides = array<i32>} : memref<512x64xf32, #tpu.memory_space<vmem>>, vector<16xf32>,
      %mul3A_1353 = arith.constant 2 : i32
      %mul3A_1354 = arith.muli %mul3A_1353, %scan3A_436 : i32
      %add3A_1355 = arith.constant 2 : i32
      %add3A_1356 = arith.addi %mul3A_1354, %add3A_1355 : i32
      %lt3A = arith.constant 64 : i32
      %lt3A_1357 = arith.cmpi slt, %add3A_1356, %lt3A : i32
      %convert_element_type3A = arith.extui %lt3A_1357 : i1 to i32
      %cond3A = arith.constant 0 : i32
      %cond3A_1358 = arith.cmpi ne, %convert_element_type3A, %cond3A : i32
      scf.if %cond3A_1358 {
        %add3A_1855 = arith.constant 1 : i32
        %add3A_1856 = arith.addi %scan3A_436, %add3A_1855 : i32
        %mul3A_1857 = arith.constant 16 : i32
        %mul3A_1858 = arith.muli %add3A_1856, %mul3A_1857 : i32
        %get3A_1859 = arith.index_cast %mul3A_1858 : i32 to index
        %get3A_1860 = tpu.vector_load %arg8[%get3A_1859] {strides = array<i32>} : memref<512xi32, #tpu.memory_space<vmem>>, vector<16xi32>,
        %add3A_1861 = arith.constant 1 : i32
        %add3A_1862 = arith.addi %scan3A_436, %add3A_1861 : i32
        %mul3A_1863 = arith.constant 16 : i32
        %mul3A_1864 = arith.muli %add3A_1862, %mul3A_1863 : i32
        %get3A_1865 = arith.index_cast %mul3A_1864 : i32 to index
        %get3A_1866 = tpu.vector_load %arg9[%get3A_1865] {strides = array<i32>} : memref<512xi32, #tpu.memory_space<vmem>>, vector<16xi32>,
        %slice3A_1867 = vector.extract_strided_slice %get3A_1860 {offsets = [0], sizes = [1], strides = [1]} : vector<16xi32> to vector<1xi32>
        %squeeze3A_1868 = vector.extract %slice3A_1867[0] : i32 from vector<1xi32>
        %shift_right_arithmetic3A_1869 = arith.constant 3 : i32
        %shift_right_arithmetic3A_1870 = arith.shrsi %squeeze3A_1868, %shift_right_arithmetic3A_1869 : i32
        %slice3A_1871 = vector.extract_strided_slice %get3A_1866 {offsets = [0], sizes = [1], strides = [1]} : vector<16xi32> to vector<1xi32>
        %squeeze3A_1872 = vector.extract %slice3A_1871[0] : i32 from vector<1xi32>
        %shift_right_arithmetic3A_1873 = arith.constant 3 : i32
        %shift_right_arithmetic3A_1874 = arith.shrsi %squeeze3A_1872, %shift_right_arithmetic3A_1873 : i32
        %dma_start3A_1875 = arith.constant 0 : i32
        %dma_start3A_1876 = arith.constant 0 : i32
        %dma_start3A_1877 = arith.constant 0 : i32
        %dma_start3A_1878 = arith.constant 0 : i32
        %dma_start3A_1879 = arith.constant 0 : i32
        %dma_start3A_1880 = arith.constant 0 : i32
        %dma_start3A_1881 = tpu.memref_slice %arg10[%dma_start3A_1875, %dma_start3A_1876, %dma_start3A_1879, %dma_start3A_1880] : memref<2x2x64x32xf32, #tpu.memory_space<vmem>> -> memref<1x1x8x32xf32, #tpu.memory_space<vmem>>
        %dma_start3A_1882 = tpu.memref_squeeze %dma_start3A_1881 : memref<1x1x8x32xf32, #tpu.memory_space<vmem>> -> memref<8x32xf32, #tpu.memory_space<vmem>>
        %dma_start3A_1883 = arith.constant 0 : i32
        %dma_start3A_1884 = arith.constant 0 : i32
        %dma_start3A_1885 = tpu.memref_slice %arg4[%shift_right_arithmetic3A_1870, %dma_start3A_1883, %dma_start3A_1884] : memref<125000x8x32xf32, #tpu.memory_space<hbm>> -> memref<1x8x32xf32, #tpu.memory_space<hbm>>
        %dma_start3A_1886 = tpu.memref_squeeze %dma_start3A_1885 : memref<1x8x32xf32, #tpu.memory_space<hbm>> -> memref<8x32xf32, #tpu.memory_space<hbm>>
        %dma_start3A_1887 = tpu.memref_slice %arg13[%dma_start3A_1877, %dma_start3A_1878] : memref<2x2x!tpu.dma_semaphore, #tpu.memory_space<semaphore_mem>> -> memref<1x1x!tpu.dma_semaphore, #tpu.memory_space<semaphore_mem>>
        %dma_start3A_1888 = tpu.memref_squeeze %dma_start3A_1887 : memref<1x1x!tpu.dma_semaphore, #tpu.memory_space<semaphore_mem>> -> memref<!tpu.dma_semaphore, #tpu.memory_space<semaphore_mem>>
        %dma_start3A_1889 = arith.constant 0 : i32
        %dma_start3A_1890 = arith.constant 0 : i32
        %dma_start3A_1891 = tpu.memref_slice %arg10[%dma_start3A_1875, %dma_start3A_1876, %dma_start3A_1889, %dma_start3A_1890] : memref<2x2x64x32xf32, #tpu.memory_space<vmem>> -> memref<1x1x8x32xf32, #tpu.memory_space<vmem>>
        %dma_start3A_1892 = tpu.memref_squeeze %dma_start3A_1891 : memref<1x1x8x32xf32, #tpu.memory_space<vmem>> -> memref<8x32xf32, #tpu.memory_space<vmem>>
        %dma_start3A_1893 = arith.constant 0 : i32
        %dma_start3A_1894 = arith.constant 0 : i32
        %dma_start3A_1895 = tpu.memref_slice %arg4[%shift_right_arithmetic3A_1870, %dma_start3A_1893, %dma_start3A_1894] : memref<125000x8x32xf32, #tpu.memory_space<hbm>> -> memref<1x8x32xf32, #tpu.memory_space<hbm>>
        %dma_start3A_1896 = tpu.memref_squeeze %dma_start3A_1895 : memref<1x8x32xf32, #tpu.memory_space<hbm>> -> memref<8x32xf32, #tpu.memory_space<hbm>>
        tpu.enqueue_dma source(%dma_start3A_1896 : memref<8x32xf32, #tpu.memory_space<hbm>>) target(%dma_start3A_1892 : memref<8x32xf32, #tpu.memory_space<vmem>>) target_semaphore(%dma_start3A_1888 : memref<!tpu.dma_semaphore, #tpu.memory_space<semaphore_mem>>)
        %dma_start3A_1897 = arith.constant 0 : i32
        %dma_start3A_1898 = arith.constant 1 : i32
        %dma_start3A_1899 = arith.constant 0 : i32
        %dma_start3A_1900 = arith.constant 1 : i32
        %dma_start3A_1901 = arith.constant 0 : i32
        %dma_start3A_1902 = arith.constant 0 : i32
        %dma_start3A_1903 = tpu.memref_slice %arg10[%dma_start3A_1897, %dma_start3A_1898, %dma_start3A_1901, %dma_start3A_1902] : memref<2x2x64x32xf32, #tpu.memory_space<vmem>> -> memref<1x1x8x32xf32, #tpu.memory_space<vmem>>
        %dma_start3A_1904 = tpu.memref_squeeze %dma_start3A_1903 : memref<1x1x8x32xf32, #tpu.memory_space<vmem>> -> memref<8x32xf32, #tpu.memory_space<vmem>>
        %dma_start3A_1905 = arith.constant 0 : i32
        %dma_start3A_1906 = arith.constant 0 : i32
        %dma_start3A_1907 = tpu.memref_slice %arg5[%shift_right_arithmetic3A_1874, %dma_start3A_1905, %dma_start3A_1906] : memref<125000x8x32xf32, #tpu.memory_space<hbm>> -> memref<1x8x32xf32, #tpu.memory_space<hbm>>
        %dma_start3A_1908 = tpu.memref_squeeze %dma_start3A_1907 : memref<1x8x32xf32, #tpu.memory_space<hbm>> -> memref<8x32xf32, #tpu.memory_space<hbm>>
        %dma_start3A_1909 = tpu.memref_slice %arg13[%dma_start3A_1899, %dma_start3A_1900] : memref<2x2x!tpu.dma_semaphore, #tpu.memory_space<semaphore_mem>> -> memref<1x1x!tpu.dma_semaphore, #tpu.memory_space<semaphore_mem>>
        %dma_start3A_1910 = tpu.memref_squeeze %dma_start3A_1909 : memref<1x1x!tpu.dma_semaphore, #tpu.memory_space<semaphore_mem>> -> memref<!tpu.dma_semaphore, #tpu.memory_space<semaphore_mem>>
        %dma_start3A_1911 = arith.constant 0 : i32
        %dma_start3A_1912 = arith.constant 0 : i32
        %dma_start3A_1913 = tpu.memref_slice %arg10[%dma_start3A_1897, %dma_start3A_1898, %dma_start3A_1911, %dma_start3A_1912] : memref<2x2x64x32xf32, #tpu.memory_space<vmem>> -> memref<1x1x8x32xf32, #tpu.memory_space<vmem>>
        %dma_start3A_1914 = tpu.memref_squeeze %dma_start3A_1913 : memref<1x1x8x32xf32, #tpu.memory_space<vmem>> -> memref<8x32xf32, #tpu.memory_space<vmem>>
        %dma_start3A_1915 = arith.constant 0 : i32
        %dma_start3A_1916 = arith.constant 0 : i32
        %dma_start3A_1917 = tpu.memref_slice %arg5[%shift_right_arithmetic3A_1874, %dma_start3A_1915, %dma_start3A_1916] : memref<125000x8x32xf32, #tpu.memory_space<hbm>> -> memref<1x8x32xf32, #tpu.memory_space<hbm>>
        %dma_start3A_1918 = tpu.memref_squeeze %dma_start3A_1917 : memref<1x8x32xf32, #tpu.memory_space<hbm>> -> memref<8x32xf32, #tpu.memory_space<hbm>>
        tpu.enqueue_dma source(%dma_start3A_1918 : memref<8x32xf32, #tpu.memory_space<hbm>>) target(%dma_start3A_1914 : memref<8x32xf32, #tpu.memory_space<vmem>>) target_semaphore(%dma_start3A_1910 : memref<!tpu.dma_semaphore, #tpu.memory_space<semaphore_mem>>)
        %slice3A_1919 = vector.extract_strided_slice %get3A_1860 {offsets = [1], sizes = [1], strides = [1]} : vector<16xi32> to vector<1xi32>
        %squeeze3A_1920 = vector.extract %slice3A_1919[0] : i32 from vector<1xi32>
        %shift_right_arithmetic3A_1921 = arith.constant 3 : i32
        %shift_right_arithmetic3A_1922 = arith.shrsi %squeeze3A_1920, %shift_right_arithmetic3A_1921 : i32
        %slice3A_1923 = vector.extract_strided_slice %get3A_1866 {offsets = [1], sizes = [1], strides = [1]} : vector<16xi32> to vector<1xi32>
        %squeeze3A_1924 = vector.extract %slice3A_1923[0] : i32 from vector<1xi32>
        %shift_right_arithmetic3A_1925 = arith.constant 3 : i32
        %shift_right_arithmetic3A_1926 = arith.shrsi %squeeze3A_1924, %shift_right_arithmetic3A_1925 : i32
        %dma_start3A_1927 = arith.constant 0 : i32
        %dma_start3A_1928 = arith.constant 0 : i32
        %dma_start3A_1929 = arith.constant 0 : i32
        %dma_start3A_1930 = arith.constant 0 : i32
        %dma_start3A_1931 = arith.constant 8 : i32
        %dma_start3A_1932 = arith.constant 0 : i32
        %dma_start3A_1933 = tpu.memref_slice %arg10[%dma_start3A_1927, %dma_start3A_1928, %dma_start3A_1931, %dma_start3A_1932] : memref<2x2x64x32xf32, #tpu.memory_space<vmem>> -> memref<1x1x8x32xf32, #tpu.memory_space<vmem>>
        %dma_start3A_1934 = tpu.memref_squeeze %dma_start3A_1933 : memref<1x1x8x32xf32, #tpu.memory_space<vmem>> -> memref<8x32xf32, #tpu.memory_space<vmem>>
        %dma_start3A_1935 = arith.constant 0 : i32
        %dma_start3A_1936 = arith.constant 0 : i32
        %dma_start3A_1937 = tpu.memref_slice %arg4[%shift_right_arithmetic3A_1922, %dma_start3A_1935, %dma_start3A_1936] : memref<125000x8x32xf32, #tpu.memory_space<hbm>> -> memref<1x8x32xf32, #tpu.memory_space<hbm>>
        %dma_start3A_1938 = tpu.memref_squeeze %dma_start3A_1937 : memref<1x8x32xf32, #tpu.memory_space<hbm>> -> memref<8x32xf32, #tpu.memory_space<hbm>>
        %dma_start3A_1939 = tpu.memref_slice %arg13[%dma_start3A_1929, %dma_start3A_1930] : memref<2x2x!tpu.dma_semaphore, #tpu.memory_space<semaphore_mem>> -> memref<1x1x!tpu.dma_semaphore, #tpu.memory_space<semaphore_mem>>
        %dma_start3A_1940 = tpu.memref_squeeze %dma_start3A_1939 : memref<1x1x!tpu.dma_semaphore, #tpu.memory_space<semaphore_mem>> -> memref<!tpu.dma_semaphore, #tpu.memory_space<semaphore_mem>>
        %dma_start3A_1941 = arith.constant 8 : i32
        %dma_start3A_1942 = arith.constant 0 : i32
        %dma_start3A_1943 = tpu.memref_slice %arg10[%dma_start3A_1927, %dma_start3A_1928, %dma_start3A_1941, %dma_start3A_1942] : memref<2x2x64x32xf32, #tpu.memory_space<vmem>> -> memref<1x1x8x32xf32, #tpu.memory_space<vmem>>
        %dma_start3A_1944 = tpu.memref_squeeze %dma_start3A_1943 : memref<1x1x8x32xf32, #tpu.memory_space<vmem>> -> memref<8x32xf32, #tpu.memory_space<vmem>>
        %dma_start3A_1945 = arith.constant 0 : i32
        %dma_start3A_1946 = arith.constant 0 : i32
        %dma_start3A_1947 = tpu.memref_slice %arg4[%shift_right_arithmetic3A_1922, %dma_start3A_1945, %dma_start3A_1946] : memref<125000x8x32xf32, #tpu.memory_space<hbm>> -> memref<1x8x32xf32, #tpu.memory_space<hbm>>
        %dma_start3A_1948 = tpu.memref_squeeze %dma_start3A_1947 : memref<1x8x32xf32, #tpu.memory_space<hbm>> -> memref<8x32xf32, #tpu.memory_space<hbm>>
        tpu.enqueue_dma source(%dma_start3A_1948 : memref<8x32xf32, #tpu.memory_space<hbm>>) target(%dma_start3A_1944 : memref<8x32xf32, #tpu.memory_space<vmem>>) target_semaphore(%dma_start3A_1940 : memref<!tpu.dma_semaphore, #tpu.memory_space<semaphore_mem>>)
        %dma_start3A_1949 = arith.constant 0 : i32
        %dma_start3A_1950 = arith.constant 1 : i32
        %dma_start3A_1951 = arith.constant 0 : i32
        %dma_start3A_1952 = arith.constant 1 : i32
        %dma_start3A_1953 = arith.constant 8 : i32
        %dma_start3A_1954 = arith.constant 0 : i32
        %dma_start3A_1955 = tpu.memref_slice %arg10[%dma_start3A_1949, %dma_start3A_1950, %dma_start3A_1953, %dma_start3A_1954] : memref<2x2x64x32xf32, #tpu.memory_space<vmem>> -> memref<1x1x8x32xf32, #tpu.memory_space<vmem>>
        %dma_start3A_1956 = tpu.memref_squeeze %dma_start3A_1955 : memref<1x1x8x32xf32, #tpu.memory_space<vmem>> -> memref<8x32xf32, #tpu.memory_space<vmem>>
        %dma_start3A_1957 = arith.constant 0 : i32
        %dma_start3A_1958 = arith.constant 0 : i32
        %dma_start3A_1959 = tpu.memref_slice %arg5[%shift_right_arithmetic3A_1926, %dma_start3A_1957, %dma_start3A_1958] : memref<125000x8x32xf32, #tpu.memory_space<hbm>> -> memref<1x8x32xf32, #tpu.memory_space<hbm>>
        %dma_start3A_1960 = tpu.memref_squeeze %dma_start3A_1959 : memref<1x8x32xf32, #tpu.memory_space<hbm>> -> memref<8x32xf32, #tpu.memory_space<hbm>>
        %dma_start3A_1961 = tpu.memref_slice %arg13[%dma_start3A_1951, %dma_start3A_1952] : memref<2x2x!tpu.dma_semaphore, #tpu.memory_space<semaphore_mem>> -> memref<1x1x!tpu.dma_semaphore, #tpu.memory_space<semaphore_mem>>
        %dma_start3A_1962 = tpu.memref_squeeze %dma_start3A_1961 : memref<1x1x!tpu.dma_semaphore, #tpu.memory_space<semaphore_mem>> -> memref<!tpu.dma_semaphore, #tpu.memory_space<semaphore_mem>>
        %dma_start3A_1963 = arith.constant 8 : i32
        %dma_start3A_1964 = arith.constant 0 : i32
        %dma_start3A_1965 = tpu.memref_slice %arg10[%dma_start3A_1949, %dma_start3A_1950, %dma_start3A_1963, %dma_start3A_1964] : memref<2x2x64x32xf32, #tpu.memory_space<vmem>> -> memref<1x1x8x32xf32, #tpu.memory_space<vmem>>
        %dma_start3A_1966 = tpu.memref_squeeze %dma_start3A_1965 : memref<1x1x8x32xf32, #tpu.memory_space<vmem>> -> memref<8x32xf32, #tpu.memory_space<vmem>>
        %dma_start3A_1967 = arith.constant 0 : i32
        %dma_start3A_1968 = arith.constant 0 : i32
        %dma_start3A_1969 = tpu.memref_slice %arg5[%shift_right_arithmetic3A_1926, %dma_start3A_1967, %dma_start3A_1968] : memref<125000x8x32xf32, #tpu.memory_space<hbm>> -> memref<1x8x32xf32, #tpu.memory_space<hbm>>
        %dma_start3A_1970 = tpu.memref_squeeze %dma_start3A_1969 : memref<1x8x32xf32, #tpu.memory_space<hbm>> -> memref<8x32xf32, #tpu.memory_space<hbm>>
        tpu.enqueue_dma source(%dma_start3A_1970 : memref<8x32xf32, #tpu.memory_space<hbm>>) target(%dma_start3A_1966 : memref<8x32xf32, #tpu.memory_space<vmem>>) target_semaphore(%dma_start3A_1962 : memref<!tpu.dma_semaphore, #tpu.memory_space<semaphore_mem>>)
        %slice3A_1971 = vector.extract_strided_slice %get3A_1860 {offsets = [2], sizes = [1], strides = [1]} : vector<16xi32> to vector<1xi32>
        %squeeze3A_1972 = vector.extract %slice3A_1971[0] : i32 from vector<1xi32>
        %shift_right_arithmetic3A_1973 = arith.constant 3 : i32
        %shift_right_arithmetic3A_1974 = arith.shrsi %squeeze3A_1972, %shift_right_arithmetic3A_1973 : i32
        %slice3A_1975 = vector.extract_strided_slice %get3A_1866 {offsets = [2], sizes = [1], strides = [1]} : vector<16xi32> to vector<1xi32>
        %squeeze3A_1976 = vector.extract %slice3A_1975[0] : i32 from vector<1xi32>
        %shift_right_arithmetic3A_1977 = arith.constant 3 : i32
        %shift_right_arithmetic3A_1978 = arith.shrsi %squeeze3A_1976, %shift_right_arithmetic3A_1977 : i32
        %dma_start3A_1979 = arith.constant 0 : i32
        %dma_start3A_1980 = arith.constant 0 : i32
        %dma_start3A_1981 = arith.constant 0 : i32
        %dma_start3A_1982 = arith.constant 0 : i32
        %dma_start3A_1983 = arith.constant 16 : i32
        %dma_start3A_1984 = arith.constant 0 : i32
        %dma_start3A_1985 = tpu.memref_slice %arg10[%dma_start3A_1979, %dma_start3A_1980, %dma_start3A_1983, %dma_start3A_1984] : memref<2x2x64x32xf32, #tpu.memory_space<vmem>> -> memref<1x1x8x32xf32, #tpu.memory_space<vmem>>
        %dma_start3A_1986 = tpu.memref_squeeze %dma_start3A_1985 : memref<1x1x8x32xf32, #tpu.memory_space<vmem>> -> memref<8x32xf32, #tpu.memory_space<vmem>>
        %dma_start3A_1987 = arith.constant 0 : i32
        %dma_start3A_1988 = arith.constant 0 : i32
        %dma_start3A_1989 = tpu.memref_slice %arg4[%shift_right_arithmetic3A_1974, %dma_start3A_1987, %dma_start3A_1988] : memref<125000x8x32xf32, #tpu.memory_space<hbm>> -> memref<1x8x32xf32, #tpu.memory_space<hbm>>
        %dma_start3A_1990 = tpu.memref_squeeze %dma_start3A_1989 : memref<1x8x32xf32, #tpu.memory_space<hbm>> -> memref<8x32xf32, #tpu.memory_space<hbm>>
        %dma_start3A_1991 = tpu.memref_slice %arg13[%dma_start3A_1981, %dma_start3A_1982] : memref<2x2x!tpu.dma_semaphore, #tpu.memory_space<semaphore_mem>> -> memref<1x1x!tpu.dma_semaphore, #tpu.memory_space<semaphore_mem>>
        %dma_start3A_1992 = tpu.memref_squeeze %dma_start3A_1991 : memref<1x1x!tpu.dma_semaphore, #tpu.memory_space<semaphore_mem>> -> memref<!tpu.dma_semaphore, #tpu.memory_space<semaphore_mem>>
        %dma_start3A_1993 = arith.constant 16 : i32
        %dma_start3A_1994 = arith.constant 0 : i32
        %dma_start3A_1995 = tpu.memref_slice %arg10[%dma_start3A_1979, %dma_start3A_1980, %dma_start3A_1993, %dma_start3A_1994] : memref<2x2x64x32xf32, #tpu.memory_space<vmem>> -> memref<1x1x8x32xf32, #tpu.memory_space<vmem>>
        %dma_start3A_1996 = tpu.memref_squeeze %dma_start3A_1995 : memref<1x1x8x32xf32, #tpu.memory_space<vmem>> -> memref<8x32xf32, #tpu.memory_space<vmem>>
        %dma_start3A_1997 = arith.constant 0 : i32
        %dma_start3A_1998 = arith.constant 0 : i32
        %dma_start3A_1999 = tpu.memref_slice %arg4[%shift_right_arithmetic3A_1974, %dma_start3A_1997, %dma_start3A_1998] : memref<125000x8x32xf32, #tpu.memory_space<hbm>> -> memref<1x8x32xf32, #tpu.memory_space<hbm>>
        %dma_start3A_2000 = tpu.memref_squeeze %dma_start3A_1999 : memref<1x8x32xf32, #tpu.memory_space<hbm>> -> memref<8x32xf32, #tpu.memory_space<hbm>>
        tpu.enqueue_dma source(%dma_start3A_2000 : memref<8x32xf32, #tpu.memory_space<hbm>>) target(%dma_start3A_1996 : memref<8x32xf32, #tpu.memory_space<vmem>>) target_semaphore(%dma_start3A_1992 : memref<!tpu.dma_semaphore, #tpu.memory_space<semaphore_mem>>)
        %dma_start3A_2001 = arith.constant 0 : i32
        %dma_start3A_2002 = arith.constant 1 : i32
        %dma_start3A_2003 = arith.constant 0 : i32
        %dma_start3A_2004 = arith.constant 1 : i32
        %dma_start3A_2005 = arith.constant 16 : i32
        %dma_start3A_2006 = arith.constant 0 : i32
        %dma_start3A_2007 = tpu.memref_slice %arg10[%dma_start3A_2001, %dma_start3A_2002, %dma_start3A_2005, %dma_start3A_2006] : memref<2x2x64x32xf32, #tpu.memory_space<vmem>> -> memref<1x1x8x32xf32, #tpu.memory_space<vmem>>
        %dma_start3A_2008 = tpu.memref_squeeze %dma_start3A_2007 : memref<1x1x8x32xf32, #tpu.memory_space<vmem>> -> memref<8x32xf32, #tpu.memory_space<vmem>>
        %dma_start3A_2009 = arith.constant 0 : i32
        %dma_start3A_2010 = arith.constant 0 : i32
        %dma_start3A_2011 = tpu.memref_slice %arg5[%shift_right_arithmetic3A_1978, %dma_start3A_2009, %dma_start3A_2010] : memref<125000x8x32xf32, #tpu.memory_space<hbm>> -> memref<1x8x32xf32, #tpu.memory_space<hbm>>
        %dma_start3A_2012 = tpu.memref_squeeze %dma_start3A_2011 : memref<1x8x32xf32, #tpu.memory_space<hbm>> -> memref<8x32xf32, #tpu.memory_space<hbm>>
        %dma_start3A_2013 = tpu.memref_slice %arg13[%dma_start3A_2003, %dma_start3A_2004] : memref<2x2x!tpu.dma_semaphore, #tpu.memory_space<semaphore_mem>> -> memref<1x1x!tpu.dma_semaphore, #tpu.memory_space<semaphore_mem>>
        %dma_start3A_2014 = tpu.memref_squeeze %dma_start3A_2013 : memref<1x1x!tpu.dma_semaphore, #tpu.memory_space<semaphore_mem>> -> memref<!tpu.dma_semaphore, #tpu.memory_space<semaphore_mem>>
        %dma_start3A_2015 = arith.constant 16 : i32
        %dma_start3A_2016 = arith.constant 0 : i32
        %dma_start3A_2017 = tpu.memref_slice %arg10[%dma_start3A_2001, %dma_start3A_2002, %dma_start3A_2015, %dma_start3A_2016] : memref<2x2x64x32xf32, #tpu.memory_space<vmem>> -> memref<1x1x8x32xf32, #tpu.memory_space<vmem>>
        %dma_start3A_2018 = tpu.memref_squeeze %dma_start3A_2017 : memref<1x1x8x32xf32, #tpu.memory_space<vmem>> -> memref<8x32xf32, #tpu.memory_space<vmem>>
        %dma_start3A_2019 = arith.constant 0 : i32
        %dma_start3A_2020 = arith.constant 0 : i32
        %dma_start3A_2021 = tpu.memref_slice %arg5[%shift_right_arithmetic3A_1978, %dma_start3A_2019, %dma_start3A_2020] : memref<125000x8x32xf32, #tpu.memory_space<hbm>> -> memref<1x8x32xf32, #tpu.memory_space<hbm>>
        %dma_start3A_2022 = tpu.memref_squeeze %dma_start3A_2021 : memref<1x8x32xf32, #tpu.memory_space<hbm>> -> memref<8x32xf32, #tpu.memory_space<hbm>>
        tpu.enqueue_dma source(%dma_start3A_2022 : memref<8x32xf32, #tpu.memory_space<hbm>>) target(%dma_start3A_2018 : memref<8x32xf32, #tpu.memory_space<vmem>>) target_semaphore(%dma_start3A_2014 : memref<!tpu.dma_semaphore, #tpu.memory_space<semaphore_mem>>)
        %slice3A_2023 = vector.extract_strided_slice %get3A_1860 {offsets = [3], sizes = [1], strides = [1]} : vector<16xi32> to vector<1xi32>
        %squeeze3A_2024 = vector.extract %slice3A_2023[0] : i32 from vector<1xi32>
        %shift_right_arithmetic3A_2025 = arith.constant 3 : i32
        %shift_right_arithmetic3A_2026 = arith.shrsi %squeeze3A_2024, %shift_right_arithmetic3A_2025 : i32
        %slice3A_2027 = vector.extract_strided_slice %get3A_1866 {offsets = [3], sizes = [1], strides = [1]} : vector<16xi32> to vector<1xi32>
        %squeeze3A_2028 = vector.extract %slice3A_2027[0] : i32 from vector<1xi32>
        %shift_right_arithmetic3A_2029 = arith.constant 3 : i32
        %shift_right_arithmetic3A_2030 = arith.shrsi %squeeze3A_2028, %shift_right_arithmetic3A_2029 : i32
        %dma_start3A_2031 = arith.constant 0 : i32
        %dma_start3A_2032 = arith.constant 0 : i32
        %dma_start3A_2033 = arith.constant 0 : i32
        %dma_start3A_2034 = arith.constant 0 : i32
        %dma_start3A_2035 = arith.constant 24 : i32
        %dma_start3A_2036 = arith.constant 0 : i32
        %dma_start3A_2037 = tpu.memref_slice %arg10[%dma_start3A_2031, %dma_start3A_2032, %dma_start3A_2035, %dma_start3A_2036] : memref<2x2x64x32xf32, #tpu.memory_space<vmem>> -> memref<1x1x8x32xf32, #tpu.memory_space<vmem>>
        %dma_start3A_2038 = tpu.memref_squeeze %dma_start3A_2037 : memref<1x1x8x32xf32, #tpu.memory_space<vmem>> -> memref<8x32xf32, #tpu.memory_space<vmem>>
        %dma_start3A_2039 = arith.constant 0 : i32
        %dma_start3A_2040 = arith.constant 0 : i32
        %dma_start3A_2041 = tpu.memref_slice %arg4[%shift_right_arithmetic3A_2026, %dma_start3A_2039, %dma_start3A_2040] : memref<125000x8x32xf32, #tpu.memory_space<hbm>> -> memref<1x8x32xf32, #tpu.memory_space<hbm>>
        %dma_start3A_2042 = tpu.memref_squeeze %dma_start3A_2041 : memref<1x8x32xf32, #tpu.memory_space<hbm>> -> memref<8x32xf32, #tpu.memory_space<hbm>>
        %dma_start3A_2043 = tpu.memref_slice %arg13[%dma_start3A_2033, %dma_start3A_2034] : memref<2x2x!tpu.dma_semaphore, #tpu.memory_space<semaphore_mem>> -> memref<1x1x!tpu.dma_semaphore, #tpu.memory_space<semaphore_mem>>
        %dma_start3A_2044 = tpu.memref_squeeze %dma_start3A_2043 : memref<1x1x!tpu.dma_semaphore, #tpu.memory_space<semaphore_mem>> -> memref<!tpu.dma_semaphore, #tpu.memory_space<semaphore_mem>>
        %dma_start3A_2045 = arith.constant 24 : i32
        %dma_start3A_2046 = arith.constant 0 : i32
        %dma_start3A_2047 = tpu.memref_slice %arg10[%dma_start3A_2031, %dma_start3A_2032, %dma_start3A_2045, %dma_start3A_2046] : memref<2x2x64x32xf32, #tpu.memory_space<vmem>> -> memref<1x1x8x32xf32, #tpu.memory_space<vmem>>
        %dma_start3A_2048 = tpu.memref_squeeze %dma_start3A_2047 : memref<1x1x8x32xf32, #tpu.memory_space<vmem>> -> memref<8x32xf32, #tpu.memory_space<vmem>>
        %dma_start3A_2049 = arith.constant 0 : i32
        %dma_start3A_2050 = arith.constant 0 : i32
        %dma_start3A_2051 = tpu.memref_slice %arg4[%shift_right_arithmetic3A_2026, %dma_start3A_2049, %dma_start3A_2050] : memref<125000x8x32xf32, #tpu.memory_space<hbm>> -> memref<1x8x32xf32, #tpu.memory_space<hbm>>
        %dma_start3A_2052 = tpu.memref_squeeze %dma_start3A_2051 : memref<1x8x32xf32, #tpu.memory_space<hbm>> -> memref<8x32xf32, #tpu.memory_space<hbm>>
        tpu.enqueue_dma source(%dma_start3A_2052 : memref<8x32xf32, #tpu.memory_space<hbm>>) target(%dma_start3A_2048 : memref<8x32xf32, #tpu.memory_space<vmem>>) target_semaphore(%dma_start3A_2044 : memref<!tpu.dma_semaphore, #tpu.memory_space<semaphore_mem>>)
        %dma_start3A_2053 = arith.constant 0 : i32
        %dma_start3A_2054 = arith.constant 1 : i32
        %dma_start3A_2055 = arith.constant 0 : i32
        %dma_start3A_2056 = arith.constant 1 : i32
        %dma_start3A_2057 = arith.constant 24 : i32
        %dma_start3A_2058 = arith.constant 0 : i32
        %dma_start3A_2059 = tpu.memref_slice %arg10[%dma_start3A_2053, %dma_start3A_2054, %dma_start3A_2057, %dma_start3A_2058] : memref<2x2x64x32xf32, #tpu.memory_space<vmem>> -> memref<1x1x8x32xf32, #tpu.memory_space<vmem>>
        %dma_start3A_2060 = tpu.memref_squeeze %dma_start3A_2059 : memref<1x1x8x32xf32, #tpu.memory_space<vmem>> -> memref<8x32xf32, #tpu.memory_space<vmem>>
        %dma_start3A_2061 = arith.constant 0 : i32
        %dma_start3A_2062 = arith.constant 0 : i32
        %dma_start3A_2063 = tpu.memref_slice %arg5[%shift_right_arithmetic3A_2030, %dma_start3A_2061, %dma_start3A_2062] : memref<125000x8x32xf32, #tpu.memory_space<hbm>> -> memref<1x8x32xf32, #tpu.memory_space<hbm>>
        %dma_start3A_2064 = tpu.memref_squeeze %dma_start3A_2063 : memref<1x8x32xf32, #tpu.memory_space<hbm>> -> memref<8x32xf32, #tpu.memory_space<hbm>>
        %dma_start3A_2065 = tpu.memref_slice %arg13[%dma_start3A_2055, %dma_start3A_2056] : memref<2x2x!tpu.dma_semaphore, #tpu.memory_space<semaphore_mem>> -> memref<1x1x!tpu.dma_semaphore, #tpu.memory_space<semaphore_mem>>
        %dma_start3A_2066 = tpu.memref_squeeze %dma_start3A_2065 : memref<1x1x!tpu.dma_semaphore, #tpu.memory_space<semaphore_mem>> -> memref<!tpu.dma_semaphore, #tpu.memory_space<semaphore_mem>>
        %dma_start3A_2067 = arith.constant 24 : i32
        %dma_start3A_2068 = arith.constant 0 : i32
        %dma_start3A_2069 = tpu.memref_slice %arg10[%dma_start3A_2053, %dma_start3A_2054, %dma_start3A_2067, %dma_start3A_2068] : memref<2x2x64x32xf32, #tpu.memory_space<vmem>> -> memref<1x1x8x32xf32, #tpu.memory_space<vmem>>
        %dma_start3A_2070 = tpu.memref_squeeze %dma_start3A_2069 : memref<1x1x8x32xf32, #tpu.memory_space<vmem>> -> memref<8x32xf32, #tpu.memory_space<vmem>>
        %dma_start3A_2071 = arith.constant 0 : i32
        %dma_start3A_2072 = arith.constant 0 : i32
        %dma_start3A_2073 = tpu.memref_slice %arg5[%shift_right_arithmetic3A_2030, %dma_start3A_2071, %dma_start3A_2072] : memref<125000x8x32xf32, #tpu.memory_space<hbm>> -> memref<1x8x32xf32, #tpu.memory_space<hbm>>
        %dma_start3A_2074 = tpu.memref_squeeze %dma_start3A_2073 : memref<1x8x32xf32, #tpu.memory_space<hbm>> -> memref<8x32xf32, #tpu.memory_space<hbm>>
        tpu.enqueue_dma source(%dma_start3A_2074 : memref<8x32xf32, #tpu.memory_space<hbm>>) target(%dma_start3A_2070 : memref<8x32xf32, #tpu.memory_space<vmem>>) target_semaphore(%dma_start3A_2066 : memref<!tpu.dma_semaphore, #tpu.memory_space<semaphore_mem>>)
        %slice3A_2075 = vector.extract_strided_slice %get3A_1860 {offsets = [4], sizes = [1], strides = [1]} : vector<16xi32> to vector<1xi32>
        %squeeze3A_2076 = vector.extract %slice3A_2075[0] : i32 from vector<1xi32>
        %shift_right_arithmetic3A_2077 = arith.constant 3 : i32
        %shift_right_arithmetic3A_2078 = arith.shrsi %squeeze3A_2076, %shift_right_arithmetic3A_2077 : i32
        %slice3A_2079 = vector.extract_strided_slice %get3A_1866 {offsets = [4], sizes = [1], strides = [1]} : vector<16xi32> to vector<1xi32>
        %squeeze3A_2080 = vector.extract %slice3A_2079[0] : i32 from vector<1xi32>
        %shift_right_arithmetic3A_2081 = arith.constant 3 : i32
        %shift_right_arithmetic3A_2082 = arith.shrsi %squeeze3A_2080, %shift_right_arithmetic3A_2081 : i32
        %dma_start3A_2083 = arith.constant 0 : i32
        %dma_start3A_2084 = arith.constant 0 : i32
        %dma_start3A_2085 = arith.constant 0 : i32
        %dma_start3A_2086 = arith.constant 0 : i32
        %dma_start3A_2087 = arith.constant 32 : i32
        %dma_start3A_2088 = arith.constant 0 : i32
        %dma_start3A_2089 = tpu.memref_slice %arg10[%dma_start3A_2083, %dma_start3A_2084, %dma_start3A_2087, %dma_start3A_2088] : memref<2x2x64x32xf32, #tpu.memory_space<vmem>> -> memref<1x1x8x32xf32, #tpu.memory_space<vmem>>
        %dma_start3A_2090 = tpu.memref_squeeze %dma_start3A_2089 : memref<1x1x8x32xf32, #tpu.memory_space<vmem>> -> memref<8x32xf32, #tpu.memory_space<vmem>>
        %dma_start3A_2091 = arith.constant 0 : i32
        %dma_start3A_2092 = arith.constant 0 : i32
        %dma_start3A_2093 = tpu.memref_slice %arg4[%shift_right_arithmetic3A_2078, %dma_start3A_2091, %dma_start3A_2092] : memref<125000x8x32xf32, #tpu.memory_space<hbm>> -> memref<1x8x32xf32, #tpu.memory_space<hbm>>
        %dma_start3A_2094 = tpu.memref_squeeze %dma_start3A_2093 : memref<1x8x32xf32, #tpu.memory_space<hbm>> -> memref<8x32xf32, #tpu.memory_space<hbm>>
        %dma_start3A_2095 = tpu.memref_slice %arg13[%dma_start3A_2085, %dma_start3A_2086] : memref<2x2x!tpu.dma_semaphore, #tpu.memory_space<semaphore_mem>> -> memref<1x1x!tpu.dma_semaphore, #tpu.memory_space<semaphore_mem>>
        %dma_start3A_2096 = tpu.memref_squeeze %dma_start3A_2095 : memref<1x1x!tpu.dma_semaphore, #tpu.memory_space<semaphore_mem>> -> memref<!tpu.dma_semaphore, #tpu.memory_space<semaphore_mem>>
        %dma_start3A_2097 = arith.constant 32 : i32
        %dma_start3A_2098 = arith.constant 0 : i32
        %dma_start3A_2099 = tpu.memref_slice %arg10[%dma_start3A_2083, %dma_start3A_2084, %dma_start3A_2097, %dma_start3A_2098] : memref<2x2x64x32xf32, #tpu.memory_space<vmem>> -> memref<1x1x8x32xf32, #tpu.memory_space<vmem>>
        %dma_start3A_2100 = tpu.memref_squeeze %dma_start3A_2099 : memref<1x1x8x32xf32, #tpu.memory_space<vmem>> -> memref<8x32xf32, #tpu.memory_space<vmem>>
        %dma_start3A_2101 = arith.constant 0 : i32
        %dma_start3A_2102 = arith.constant 0 : i32
        %dma_start3A_2103 = tpu.memref_slice %arg4[%shift_right_arithmetic3A_2078, %dma_start3A_2101, %dma_start3A_2102] : memref<125000x8x32xf32, #tpu.memory_space<hbm>> -> memref<1x8x32xf32, #tpu.memory_space<hbm>>
        %dma_start3A_2104 = tpu.memref_squeeze %dma_start3A_2103 : memref<1x8x32xf32, #tpu.memory_space<hbm>> -> memref<8x32xf32, #tpu.memory_space<hbm>>
        tpu.enqueue_dma source(%dma_start3A_2104 : memref<8x32xf32, #tpu.memory_space<hbm>>) target(%dma_start3A_2100 : memref<8x32xf32, #tpu.memory_space<vmem>>) target_semaphore(%dma_start3A_2096 : memref<!tpu.dma_semaphore, #tpu.memory_space<semaphore_mem>>)
        %dma_start3A_2105 = arith.constant 0 : i32
        %dma_start3A_2106 = arith.constant 1 : i32
        %dma_start3A_2107 = arith.constant 0 : i32
        %dma_start3A_2108 = arith.constant 1 : i32
        %dma_start3A_2109 = arith.constant 32 : i32
        %dma_start3A_2110 = arith.constant 0 : i32
        %dma_start3A_2111 = tpu.memref_slice %arg10[%dma_start3A_2105, %dma_start3A_2106, %dma_start3A_2109, %dma_start3A_2110] : memref<2x2x64x32xf32, #tpu.memory_space<vmem>> -> memref<1x1x8x32xf32, #tpu.memory_space<vmem>>
        %dma_start3A_2112 = tpu.memref_squeeze %dma_start3A_2111 : memref<1x1x8x32xf32, #tpu.memory_space<vmem>> -> memref<8x32xf32, #tpu.memory_space<vmem>>
        %dma_start3A_2113 = arith.constant 0 : i32
        %dma_start3A_2114 = arith.constant 0 : i32
        %dma_start3A_2115 = tpu.memref_slice %arg5[%shift_right_arithmetic3A_2082, %dma_start3A_2113, %dma_start3A_2114] : memref<125000x8x32xf32, #tpu.memory_space<hbm>> -> memref<1x8x32xf32, #tpu.memory_space<hbm>>
        %dma_start3A_2116 = tpu.memref_squeeze %dma_start3A_2115 : memref<1x8x32xf32, #tpu.memory_space<hbm>> -> memref<8x32xf32, #tpu.memory_space<hbm>>
        %dma_start3A_2117 = tpu.memref_slice %arg13[%dma_start3A_2107, %dma_start3A_2108] : memref<2x2x!tpu.dma_semaphore, #tpu.memory_space<semaphore_mem>> -> memref<1x1x!tpu.dma_semaphore, #tpu.memory_space<semaphore_mem>>
        %dma_start3A_2118 = tpu.memref_squeeze %dma_start3A_2117 : memref<1x1x!tpu.dma_semaphore, #tpu.memory_space<semaphore_mem>> -> memref<!tpu.dma_semaphore, #tpu.memory_space<semaphore_mem>>
        %dma_start3A_2119 = arith.constant 32 : i32
        %dma_start3A_2120 = arith.constant 0 : i32
        %dma_start3A_2121 = tpu.memref_slice %arg10[%dma_start3A_2105, %dma_start3A_2106, %dma_start3A_2119, %dma_start3A_2120] : memref<2x2x64x32xf32, #tpu.memory_space<vmem>> -> memref<1x1x8x32xf32, #tpu.memory_space<vmem>>
        %dma_start3A_2122 = tpu.memref_squeeze %dma_start3A_2121 : memref<1x1x8x32xf32, #tpu.memory_space<vmem>> -> memref<8x32xf32, #tpu.memory_space<vmem>>
        %dma_start3A_2123 = arith.constant 0 : i32
        %dma_start3A_2124 = arith.constant 0 : i32
        %dma_start3A_2125 = tpu.memref_slice %arg5[%shift_right_arithmetic3A_2082, %dma_start3A_2123, %dma_start3A_2124] : memref<125000x8x32xf32, #tpu.memory_space<hbm>> -> memref<1x8x32xf32, #tpu.memory_space<hbm>>
        %dma_start3A_2126 = tpu.memref_squeeze %dma_start3A_2125 : memref<1x8x32xf32, #tpu.memory_space<hbm>> -> memref<8x32xf32, #tpu.memory_space<hbm>>
        tpu.enqueue_dma source(%dma_start3A_2126 : memref<8x32xf32, #tpu.memory_space<hbm>>) target(%dma_start3A_2122 : memref<8x32xf32, #tpu.memory_space<vmem>>) target_semaphore(%dma_start3A_2118 : memref<!tpu.dma_semaphore, #tpu.memory_space<semaphore_mem>>)
        %slice3A_2127 = vector.extract_strided_slice %get3A_1860 {offsets = [5], sizes = [1], strides = [1]} : vector<16xi32> to vector<1xi32>
        %squeeze3A_2128 = vector.extract %slice3A_2127[0] : i32 from vector<1xi32>
        %shift_right_arithmetic3A_2129 = arith.constant 3 : i32
        %shift_right_arithmetic3A_2130 = arith.shrsi %squeeze3A_2128, %shift_right_arithmetic3A_2129 : i32
        %slice3A_2131 = vector.extract_strided_slice %get3A_1866 {offsets = [5], sizes = [1], strides = [1]} : vector<16xi32> to vector<1xi32>
        %squeeze3A_2132 = vector.extract %slice3A_2131[0] : i32 from vector<1xi32>
        %shift_right_arithmetic3A_2133 = arith.constant 3 : i32
        %shift_right_arithmetic3A_2134 = arith.shrsi %squeeze3A_2132, %shift_right_arithmetic3A_2133 : i32
        %dma_start3A_2135 = arith.constant 0 : i32
        %dma_start3A_2136 = arith.constant 0 : i32
        %dma_start3A_2137 = arith.constant 0 : i32
        %dma_start3A_2138 = arith.constant 0 : i32
        %dma_start3A_2139 = arith.constant 40 : i32
        %dma_start3A_2140 = arith.constant 0 : i32
        %dma_start3A_2141 = tpu.memref_slice %arg10[%dma_start3A_2135, %dma_start3A_2136, %dma_start3A_2139, %dma_start3A_2140] : memref<2x2x64x32xf32, #tpu.memory_space<vmem>> -> memref<1x1x8x32xf32, #tpu.memory_space<vmem>>
        %dma_start3A_2142 = tpu.memref_squeeze %dma_start3A_2141 : memref<1x1x8x32xf32, #tpu.memory_space<vmem>> -> memref<8x32xf32, #tpu.memory_space<vmem>>
        %dma_start3A_2143 = arith.constant 0 : i32
        %dma_start3A_2144 = arith.constant 0 : i32
        %dma_start3A_2145 = tpu.memref_slice %arg4[%shift_right_arithmetic3A_2130, %dma_start3A_2143, %dma_start3A_2144] : memref<125000x8x32xf32, #tpu.memory_space<hbm>> -> memref<1x8x32xf32, #tpu.memory_space<hbm>>
        %dma_start3A_2146 = tpu.memref_squeeze %dma_start3A_2145 : memref<1x8x32xf32, #tpu.memory_space<hbm>> -> memref<8x32xf32, #tpu.memory_space<hbm>>
        %dma_start3A_2147 = tpu.memref_slice %arg13[%dma_start3A_2137, %dma_start3A_2138] : memref<2x2x!tpu.dma_semaphore, #tpu.memory_space<semaphore_mem>> -> memref<1x1x!tpu.dma_semaphore, #tpu.memory_space<semaphore_mem>>
        %dma_start3A_2148 = tpu.memref_squeeze %dma_start3A_2147 : memref<1x1x!tpu.dma_semaphore, #tpu.memory_space<semaphore_mem>> -> memref<!tpu.dma_semaphore, #tpu.memory_space<semaphore_mem>>
        %dma_start3A_2149 = arith.constant 40 : i32
        %dma_start3A_2150 = arith.constant 0 : i32
        %dma_start3A_2151 = tpu.memref_slice %arg10[%dma_start3A_2135, %dma_start3A_2136, %dma_start3A_2149, %dma_start3A_2150] : memref<2x2x64x32xf32, #tpu.memory_space<vmem>> -> memref<1x1x8x32xf32, #tpu.memory_space<vmem>>
        %dma_start3A_2152 = tpu.memref_squeeze %dma_start3A_2151 : memref<1x1x8x32xf32, #tpu.memory_space<vmem>> -> memref<8x32xf32, #tpu.memory_space<vmem>>
        %dma_start3A_2153 = arith.constant 0 : i32
        %dma_start3A_2154 = arith.constant 0 : i32
        %dma_start3A_2155 = tpu.memref_slice %arg4[%shift_right_arithmetic3A_2130, %dma_start3A_2153, %dma_start3A_2154] : memref<125000x8x32xf32, #tpu.memory_space<hbm>> -> memref<1x8x32xf32, #tpu.memory_space<hbm>>
        %dma_start3A_2156 = tpu.memref_squeeze %dma_start3A_2155 : memref<1x8x32xf32, #tpu.memory_space<hbm>> -> memref<8x32xf32, #tpu.memory_space<hbm>>
        tpu.enqueue_dma source(%dma_start3A_2156 : memref<8x32xf32, #tpu.memory_space<hbm>>) target(%dma_start3A_2152 : memref<8x32xf32, #tpu.memory_space<vmem>>) target_semaphore(%dma_start3A_2148 : memref<!tpu.dma_semaphore, #tpu.memory_space<semaphore_mem>>)
        %dma_start3A_2157 = arith.constant 0 : i32
        %dma_start3A_2158 = arith.constant 1 : i32
        %dma_start3A_2159 = arith.constant 0 : i32
        %dma_start3A_2160 = arith.constant 1 : i32
        %dma_start3A_2161 = arith.constant 40 : i32
        %dma_start3A_2162 = arith.constant 0 : i32
        %dma_start3A_2163 = tpu.memref_slice %arg10[%dma_start3A_2157, %dma_start3A_2158, %dma_start3A_2161, %dma_start3A_2162] : memref<2x2x64x32xf32, #tpu.memory_space<vmem>> -> memref<1x1x8x32xf32, #tpu.memory_space<vmem>>
        %dma_start3A_2164 = tpu.memref_squeeze %dma_start3A_2163 : memref<1x1x8x32xf32, #tpu.memory_space<vmem>> -> memref<8x32xf32, #tpu.memory_space<vmem>>
        %dma_start3A_2165 = arith.constant 0 : i32
        %dma_start3A_2166 = arith.constant 0 : i32
        %dma_start3A_2167 = tpu.memref_slice %arg5[%shift_right_arithmetic3A_2134, %dma_start3A_2165, %dma_start3A_2166] : memref<125000x8x32xf32, #tpu.memory_space<hbm>> -> memref<1x8x32xf32, #tpu.memory_space<hbm>>
        %dma_start3A_2168 = tpu.memref_squeeze %dma_start3A_2167 : memref<1x8x32xf32, #tpu.memory_space<hbm>> -> memref<8x32xf32, #tpu.memory_space<hbm>>
        %dma_start3A_2169 = tpu.memref_slice %arg13[%dma_start3A_2159, %dma_start3A_2160] : memref<2x2x!tpu.dma_semaphore, #tpu.memory_space<semaphore_mem>> -> memref<1x1x!tpu.dma_semaphore, #tpu.memory_space<semaphore_mem>>
        %dma_start3A_2170 = tpu.memref_squeeze %dma_start3A_2169 : memref<1x1x!tpu.dma_semaphore, #tpu.memory_space<semaphore_mem>> -> memref<!tpu.dma_semaphore, #tpu.memory_space<semaphore_mem>>
        %dma_start3A_2171 = arith.constant 40 : i32
        %dma_start3A_2172 = arith.constant 0 : i32
        %dma_start3A_2173 = tpu.memref_slice %arg10[%dma_start3A_2157, %dma_start3A_2158, %dma_start3A_2171, %dma_start3A_2172] : memref<2x2x64x32xf32, #tpu.memory_space<vmem>> -> memref<1x1x8x32xf32, #tpu.memory_space<vmem>>
        %dma_start3A_2174 = tpu.memref_squeeze %dma_start3A_2173 : memref<1x1x8x32xf32, #tpu.memory_space<vmem>> -> memref<8x32xf32, #tpu.memory_space<vmem>>
        %dma_start3A_2175 = arith.constant 0 : i32
        %dma_start3A_2176 = arith.constant 0 : i32
        %dma_start3A_2177 = tpu.memref_slice %arg5[%shift_right_arithmetic3A_2134, %dma_start3A_2175, %dma_start3A_2176] : memref<125000x8x32xf32, #tpu.memory_space<hbm>> -> memref<1x8x32xf32, #tpu.memory_space<hbm>>
        %dma_start3A_2178 = tpu.memref_squeeze %dma_start3A_2177 : memref<1x8x32xf32, #tpu.memory_space<hbm>> -> memref<8x32xf32, #tpu.memory_space<hbm>>
        tpu.enqueue_dma source(%dma_start3A_2178 : memref<8x32xf32, #tpu.memory_space<hbm>>) target(%dma_start3A_2174 : memref<8x32xf32, #tpu.memory_space<vmem>>) target_semaphore(%dma_start3A_2170 : memref<!tpu.dma_semaphore, #tpu.memory_space<semaphore_mem>>)
        %slice3A_2179 = vector.extract_strided_slice %get3A_1860 {offsets = [6], sizes = [1], strides = [1]} : vector<16xi32> to vector<1xi32>
        %squeeze3A_2180 = vector.extract %slice3A_2179[0] : i32 from vector<1xi32>
        %shift_right_arithmetic3A_2181 = arith.constant 3 : i32
        %shift_right_arithmetic3A_2182 = arith.shrsi %squeeze3A_2180, %shift_right_arithmetic3A_2181 : i32
        %slice3A_2183 = vector.extract_strided_slice %get3A_1866 {offsets = [6], sizes = [1], strides = [1]} : vector<16xi32> to vector<1xi32>
        %squeeze3A_2184 = vector.extract %slice3A_2183[0] : i32 from vector<1xi32>
        %shift_right_arithmetic3A_2185 = arith.constant 3 : i32
        %shift_right_arithmetic3A_2186 = arith.shrsi %squeeze3A_2184, %shift_right_arithmetic3A_2185 : i32
        %dma_start3A_2187 = arith.constant 0 : i32
        %dma_start3A_2188 = arith.constant 0 : i32
        %dma_start3A_2189 = arith.constant 0 : i32
        %dma_start3A_2190 = arith.constant 0 : i32
        %dma_start3A_2191 = arith.constant 48 : i32
        %dma_start3A_2192 = arith.constant 0 : i32
        %dma_start3A_2193 = tpu.memref_slice %arg10[%dma_start3A_2187, %dma_start3A_2188, %dma_start3A_2191, %dma_start3A_2192] : memref<2x2x64x32xf32, #tpu.memory_space<vmem>> -> memref<1x1x8x32xf32, #tpu.memory_space<vmem>>
        %dma_start3A_2194 = tpu.memref_squeeze %dma_start3A_2193 : memref<1x1x8x32xf32, #tpu.memory_space<vmem>> -> memref<8x32xf32, #tpu.memory_space<vmem>>
        %dma_start3A_2195 = arith.constant 0 : i32
        %dma_start3A_2196 = arith.constant 0 : i32
        %dma_start3A_2197 = tpu.memref_slice %arg4[%shift_right_arithmetic3A_2182, %dma_start3A_2195, %dma_start3A_2196] : memref<125000x8x32xf32, #tpu.memory_space<hbm>> -> memref<1x8x32xf32, #tpu.memory_space<hbm>>
        %dma_start3A_2198 = tpu.memref_squeeze %dma_start3A_2197 : memref<1x8x32xf32, #tpu.memory_space<hbm>> -> memref<8x32xf32, #tpu.memory_space<hbm>>
        %dma_start3A_2199 = tpu.memref_slice %arg13[%dma_start3A_2189, %dma_start3A_2190] : memref<2x2x!tpu.dma_semaphore, #tpu.memory_space<semaphore_mem>> -> memref<1x1x!tpu.dma_semaphore, #tpu.memory_space<semaphore_mem>>
        %dma_start3A_2200 = tpu.memref_squeeze %dma_start3A_2199 : memref<1x1x!tpu.dma_semaphore, #tpu.memory_space<semaphore_mem>> -> memref<!tpu.dma_semaphore, #tpu.memory_space<semaphore_mem>>
        %dma_start3A_2201 = arith.constant 48 : i32
        %dma_start3A_2202 = arith.constant 0 : i32
        %dma_start3A_2203 = tpu.memref_slice %arg10[%dma_start3A_2187, %dma_start3A_2188, %dma_start3A_2201, %dma_start3A_2202] : memref<2x2x64x32xf32, #tpu.memory_space<vmem>> -> memref<1x1x8x32xf32, #tpu.memory_space<vmem>>
        %dma_start3A_2204 = tpu.memref_squeeze %dma_start3A_2203 : memref<1x1x8x32xf32, #tpu.memory_space<vmem>> -> memref<8x32xf32, #tpu.memory_space<vmem>>
        %dma_start3A_2205 = arith.constant 0 : i32
        %dma_start3A_2206 = arith.constant 0 : i32
        %dma_start3A_2207 = tpu.memref_slice %arg4[%shift_right_arithmetic3A_2182, %dma_start3A_2205, %dma_start3A_2206] : memref<125000x8x32xf32, #tpu.memory_space<hbm>> -> memref<1x8x32xf32, #tpu.memory_space<hbm>>
        %dma_start3A_2208 = tpu.memref_squeeze %dma_start3A_2207 : memref<1x8x32xf32, #tpu.memory_space<hbm>> -> memref<8x32xf32, #tpu.memory_space<hbm>>
        tpu.enqueue_dma source(%dma_start3A_2208 : memref<8x32xf32, #tpu.memory_space<hbm>>) target(%dma_start3A_2204 : memref<8x32xf32, #tpu.memory_space<vmem>>) target_semaphore(%dma_start3A_2200 : memref<!tpu.dma_semaphore, #tpu.memory_space<semaphore_mem>>)
        %dma_start3A_2209 = arith.constant 0 : i32
        %dma_start3A_2210 = arith.constant 1 : i32
        %dma_start3A_2211 = arith.constant 0 : i32
        %dma_start3A_2212 = arith.constant 1 : i32
        %dma_start3A_2213 = arith.constant 48 : i32
        %dma_start3A_2214 = arith.constant 0 : i32
        %dma_start3A_2215 = tpu.memref_slice %arg10[%dma_start3A_2209, %dma_start3A_2210, %dma_start3A_2213, %dma_start3A_2214] : memref<2x2x64x32xf32, #tpu.memory_space<vmem>> -> memref<1x1x8x32xf32, #tpu.memory_space<vmem>>
        %dma_start3A_2216 = tpu.memref_squeeze %dma_start3A_2215 : memref<1x1x8x32xf32, #tpu.memory_space<vmem>> -> memref<8x32xf32, #tpu.memory_space<vmem>>
        %dma_start3A_2217 = arith.constant 0 : i32
        %dma_start3A_2218 = arith.constant 0 : i32
        %dma_start3A_2219 = tpu.memref_slice %arg5[%shift_right_arithmetic3A_2186, %dma_start3A_2217, %dma_start3A_2218] : memref<125000x8x32xf32, #tpu.memory_space<hbm>> -> memref<1x8x32xf32, #tpu.memory_space<hbm>>
        %dma_start3A_2220 = tpu.memref_squeeze %dma_start3A_2219 : memref<1x8x32xf32, #tpu.memory_space<hbm>> -> memref<8x32xf32, #tpu.memory_space<hbm>>
        %dma_start3A_2221 = tpu.memref_slice %arg13[%dma_start3A_2211, %dma_start3A_2212] : memref<2x2x!tpu.dma_semaphore, #tpu.memory_space<semaphore_mem>> -> memref<1x1x!tpu.dma_semaphore, #tpu.memory_space<semaphore_mem>>
        %dma_start3A_2222 = tpu.memref_squeeze %dma_start3A_2221 : memref<1x1x!tpu.dma_semaphore, #tpu.memory_space<semaphore_mem>> -> memref<!tpu.dma_semaphore, #tpu.memory_space<semaphore_mem>>
        %dma_start3A_2223 = arith.constant 48 : i32
        %dma_start3A_2224 = arith.constant 0 : i32
        %dma_start3A_2225 = tpu.memref_slice %arg10[%dma_start3A_2209, %dma_start3A_2210, %dma_start3A_2223, %dma_start3A_2224] : memref<2x2x64x32xf32, #tpu.memory_space<vmem>> -> memref<1x1x8x32xf32, #tpu.memory_space<vmem>>
        %dma_start3A_2226 = tpu.memref_squeeze %dma_start3A_2225 : memref<1x1x8x32xf32, #tpu.memory_space<vmem>> -> memref<8x32xf32, #tpu.memory_space<vmem>>
        %dma_start3A_2227 = arith.constant 0 : i32
        %dma_start3A_2228 = arith.constant 0 : i32
        %dma_start3A_2229 = tpu.memref_slice %arg5[%shift_right_arithmetic3A_2186, %dma_start3A_2227, %dma_start3A_2228] : memref<125000x8x32xf32, #tpu.memory_space<hbm>> -> memref<1x8x32xf32, #tpu.memory_space<hbm>>
        %dma_start3A_2230 = tpu.memref_squeeze %dma_start3A_2229 : memref<1x8x32xf32, #tpu.memory_space<hbm>> -> memref<8x32xf32, #tpu.memory_space<hbm>>
        tpu.enqueue_dma source(%dma_start3A_2230 : memref<8x32xf32, #tpu.memory_space<hbm>>) target(%dma_start3A_2226 : memref<8x32xf32, #tpu.memory_space<vmem>>) target_semaphore(%dma_start3A_2222 : memref<!tpu.dma_semaphore, #tpu.memory_space<semaphore_mem>>)
        %slice3A_2231 = vector.extract_strided_slice %get3A_1860 {offsets = [7], sizes = [1], strides = [1]} : vector<16xi32> to vector<1xi32>
        %squeeze3A_2232 = vector.extract %slice3A_2231[0] : i32 from vector<1xi32>
        %shift_right_arithmetic3A_2233 = arith.constant 3 : i32
        %shift_right_arithmetic3A_2234 = arith.shrsi %squeeze3A_2232, %shift_right_arithmetic3A_2233 : i32
        %slice3A_2235 = vector.extract_strided_slice %get3A_1866 {offsets = [7], sizes = [1], strides = [1]} : vector<16xi32> to vector<1xi32>
        %squeeze3A_2236 = vector.extract %slice3A_2235[0] : i32 from vector<1xi32>
        %shift_right_arithmetic3A_2237 = arith.constant 3 : i32
        %shift_right_arithmetic3A_2238 = arith.shrsi %squeeze3A_2236, %shift_right_arithmetic3A_2237 : i32
        %dma_start3A_2239 = arith.constant 0 : i32
        %dma_start3A_2240 = arith.constant 0 : i32
        %dma_start3A_2241 = arith.constant 0 : i32
        %dma_start3A_2242 = arith.constant 0 : i32
        %dma_start3A_2243 = arith.constant 56 : i32
        %dma_start3A_2244 = arith.constant 0 : i32
        %dma_start3A_2245 = tpu.memref_slice %arg10[%dma_start3A_2239, %dma_start3A_2240, %dma_start3A_2243, %dma_start3A_2244] : memref<2x2x64x32xf32, #tpu.memory_space<vmem>> -> memref<1x1x8x32xf32, #tpu.memory_space<vmem>>
        %dma_start3A_2246 = tpu.memref_squeeze %dma_start3A_2245 : memref<1x1x8x32xf32, #tpu.memory_space<vmem>> -> memref<8x32xf32, #tpu.memory_space<vmem>>
        %dma_start3A_2247 = arith.constant 0 : i32
        %dma_start3A_2248 = arith.constant 0 : i32
        %dma_start3A_2249 = tpu.memref_slice %arg4[%shift_right_arithmetic3A_2234, %dma_start3A_2247, %dma_start3A_2248] : memref<125000x8x32xf32, #tpu.memory_space<hbm>> -> memref<1x8x32xf32, #tpu.memory_space<hbm>>
        %dma_start3A_2250 = tpu.memref_squeeze %dma_start3A_2249 : memref<1x8x32xf32, #tpu.memory_space<hbm>> -> memref<8x32xf32, #tpu.memory_space<hbm>>
        %dma_start3A_2251 = tpu.memref_slice %arg13[%dma_start3A_2241, %dma_start3A_2242] : memref<2x2x!tpu.dma_semaphore, #tpu.memory_space<semaphore_mem>> -> memref<1x1x!tpu.dma_semaphore, #tpu.memory_space<semaphore_mem>>
        %dma_start3A_2252 = tpu.memref_squeeze %dma_start3A_2251 : memref<1x1x!tpu.dma_semaphore, #tpu.memory_space<semaphore_mem>> -> memref<!tpu.dma_semaphore, #tpu.memory_space<semaphore_mem>>
        %dma_start3A_2253 = arith.constant 56 : i32
        %dma_start3A_2254 = arith.constant 0 : i32
        %dma_start3A_2255 = tpu.memref_slice %arg10[%dma_start3A_2239, %dma_start3A_2240, %dma_start3A_2253, %dma_start3A_2254] : memref<2x2x64x32xf32, #tpu.memory_space<vmem>> -> memref<1x1x8x32xf32, #tpu.memory_space<vmem>>
        %dma_start3A_2256 = tpu.memref_squeeze %dma_start3A_2255 : memref<1x1x8x32xf32, #tpu.memory_space<vmem>> -> memref<8x32xf32, #tpu.memory_space<vmem>>
        %dma_start3A_2257 = arith.constant 0 : i32
        %dma_start3A_2258 = arith.constant 0 : i32
        %dma_start3A_2259 = tpu.memref_slice %arg4[%shift_right_arithmetic3A_2234, %dma_start3A_2257, %dma_start3A_2258] : memref<125000x8x32xf32, #tpu.memory_space<hbm>> -> memref<1x8x32xf32, #tpu.memory_space<hbm>>
        %dma_start3A_2260 = tpu.memref_squeeze %dma_start3A_2259 : memref<1x8x32xf32, #tpu.memory_space<hbm>> -> memref<8x32xf32, #tpu.memory_space<hbm>>
        tpu.enqueue_dma source(%dma_start3A_2260 : memref<8x32xf32, #tpu.memory_space<hbm>>) target(%dma_start3A_2256 : memref<8x32xf32, #tpu.memory_space<vmem>>) target_semaphore(%dma_start3A_2252 : memref<!tpu.dma_semaphore, #tpu.memory_space<semaphore_mem>>)
        %dma_start3A_2261 = arith.constant 0 : i32
        %dma_start3A_2262 = arith.constant 1 : i32
        %dma_start3A_2263 = arith.constant 0 : i32
        %dma_start3A_2264 = arith.constant 1 : i32
        %dma_start3A_2265 = arith.constant 56 : i32
        %dma_start3A_2266 = arith.constant 0 : i32
        %dma_start3A_2267 = tpu.memref_slice %arg10[%dma_start3A_2261, %dma_start3A_2262, %dma_start3A_2265, %dma_start3A_2266] : memref<2x2x64x32xf32, #tpu.memory_space<vmem>> -> memref<1x1x8x32xf32, #tpu.memory_space<vmem>>
        %dma_start3A_2268 = tpu.memref_squeeze %dma_start3A_2267 : memref<1x1x8x32xf32, #tpu.memory_space<vmem>> -> memref<8x32xf32, #tpu.memory_space<vmem>>
        %dma_start3A_2269 = arith.constant 0 : i32
        %dma_start3A_2270 = arith.constant 0 : i32
        %dma_start3A_2271 = tpu.memref_slice %arg5[%shift_right_arithmetic3A_2238, %dma_start3A_2269, %dma_start3A_2270] : memref<125000x8x32xf32, #tpu.memory_space<hbm>> -> memref<1x8x32xf32, #tpu.memory_space<hbm>>
        %dma_start3A_2272 = tpu.memref_squeeze %dma_start3A_2271 : memref<1x8x32xf32, #tpu.memory_space<hbm>> -> memref<8x32xf32, #tpu.memory_space<hbm>>
        %dma_start3A_2273 = tpu.memref_slice %arg13[%dma_start3A_2263, %dma_start3A_2264] : memref<2x2x!tpu.dma_semaphore, #tpu.memory_space<semaphore_mem>> -> memref<1x1x!tpu.dma_semaphore, #tpu.memory_space<semaphore_mem>>
        %dma_start3A_2274 = tpu.memref_squeeze %dma_start3A_2273 : memref<1x1x!tpu.dma_semaphore, #tpu.memory_space<semaphore_mem>> -> memref<!tpu.dma_semaphore, #tpu.memory_space<semaphore_mem>>
        %dma_start3A_2275 = arith.constant 56 : i32
        %dma_start3A_2276 = arith.constant 0 : i32
        %dma_start3A_2277 = tpu.memref_slice %arg10[%dma_start3A_2261, %dma_start3A_2262, %dma_start3A_2275, %dma_start3A_2276] : memref<2x2x64x32xf32, #tpu.memory_space<vmem>> -> memref<1x1x8x32xf32, #tpu.memory_space<vmem>>
        %dma_start3A_2278 = tpu.memref_squeeze %dma_start3A_2277 : memref<1x1x8x32xf32, #tpu.memory_space<vmem>> -> memref<8x32xf32, #tpu.memory_space<vmem>>
        %dma_start3A_2279 = arith.constant 0 : i32
        %dma_start3A_2280 = arith.constant 0 : i32
        %dma_start3A_2281 = tpu.memref_slice %arg5[%shift_right_arithmetic3A_2238, %dma_start3A_2279, %dma_start3A_2280] : memref<125000x8x32xf32, #tpu.memory_space<hbm>> -> memref<1x8x32xf32, #tpu.memory_space<hbm>>
        %dma_start3A_2282 = tpu.memref_squeeze %dma_start3A_2281 : memref<1x8x32xf32, #tpu.memory_space<hbm>> -> memref<8x32xf32, #tpu.memory_space<hbm>>
        tpu.enqueue_dma source(%dma_start3A_2282 : memref<8x32xf32, #tpu.memory_space<hbm>>) target(%dma_start3A_2278 : memref<8x32xf32, #tpu.memory_space<vmem>>) target_semaphore(%dma_start3A_2274 : memref<!tpu.dma_semaphore, #tpu.memory_space<semaphore_mem>>)
      } else {
      }
      %dma_wait3A_1359 = arith.constant 1 : i32
      %dma_wait3A_1360 = arith.constant 0 : i32
      %dma_wait3A_1361 = arith.constant 1 : i32
      %dma_wait3A_1362 = arith.constant 0 : i32
      %dma_wait3A_1363 = arith.constant 0 : i32
      %dma_wait3A_1364 = arith.constant 0 : i32
      %dma_wait3A_1365 = tpu.memref_slice %arg10[%dma_wait3A_1359, %dma_wait3A_1360, %dma_wait3A_1363, %dma_wait3A_1364] : memref<2x2x64x32xf32, #tpu.memory_space<vmem>> -> memref<1x1x64x32xf32, #tpu.memory_space<vmem>>
      %dma_wait3A_1366 = tpu.memref_squeeze %dma_wait3A_1365 : memref<1x1x64x32xf32, #tpu.memory_space<vmem>> -> memref<64x32xf32, #tpu.memory_space<vmem>>
      %dma_wait3A_1367 = arith.constant 0 : i32
      %dma_wait3A_1368 = arith.constant 0 : i32
      %dma_wait3A_1369 = arith.constant 0 : i32
      %dma_wait3A_1370 = tpu.memref_slice %arg4[%dma_wait3A_1367, %dma_wait3A_1368, %dma_wait3A_1369] : memref<125000x8x32xf32, #tpu.memory_space<hbm>> -> memref<8x8x32xf32, #tpu.memory_space<hbm>>
      %dma_wait3A_1371 = tpu.memref_slice %arg13[%dma_wait3A_1361, %dma_wait3A_1362] : memref<2x2x!tpu.dma_semaphore, #tpu.memory_space<semaphore_mem>> -> memref<1x1x!tpu.dma_semaphore, #tpu.memory_space<semaphore_mem>>
      %dma_wait3A_1372 = tpu.memref_squeeze %dma_wait3A_1371 : memref<1x1x!tpu.dma_semaphore, #tpu.memory_space<semaphore_mem>> -> memref<!tpu.dma_semaphore, #tpu.memory_space<semaphore_mem>>
      %dma_wait3A_1373 = arith.constant 0 : i32
      %dma_wait3A_1374 = arith.constant 0 : i32
      %dma_wait3A_1375 = tpu.memref_slice %arg10[%dma_wait3A_1359, %dma_wait3A_1360, %dma_wait3A_1373, %dma_wait3A_1374] : memref<2x2x64x32xf32, #tpu.memory_space<vmem>> -> memref<1x1x64x32xf32, #tpu.memory_space<vmem>>
      %dma_wait3A_1376 = tpu.memref_squeeze %dma_wait3A_1375 : memref<1x1x64x32xf32, #tpu.memory_space<vmem>> -> memref<64x32xf32, #tpu.memory_space<vmem>>
      %dma_wait3A_1377 = arith.constant 0 : i32
      %dma_wait3A_1378 = arith.constant 0 : i32
      %dma_wait3A_1379 = arith.constant 0 : i32
      %dma_wait3A_1380 = tpu.memref_slice %arg4[%dma_wait3A_1377, %dma_wait3A_1378, %dma_wait3A_1379] : memref<125000x8x32xf32, #tpu.memory_space<hbm>> -> memref<8x8x32xf32, #tpu.memory_space<hbm>>
      tpu.wait_dma2 semaphore(%dma_wait3A_1372 : memref<!tpu.dma_semaphore, #tpu.memory_space<semaphore_mem>>) src(%dma_wait3A_1380 : memref<8x8x32xf32, #tpu.memory_space<hbm>>) dst(%dma_wait3A_1376 : memref<64x32xf32, #tpu.memory_space<vmem>>)
      %dma_wait3A_1381 = arith.constant 1 : i32
      %dma_wait3A_1382 = arith.constant 1 : i32
      %dma_wait3A_1383 = arith.constant 1 : i32
      %dma_wait3A_1384 = arith.constant 1 : i32
      %dma_wait3A_1385 = arith.constant 0 : i32
      %dma_wait3A_1386 = arith.constant 0 : i32
      %dma_wait3A_1387 = tpu.memref_slice %arg10[%dma_wait3A_1381, %dma_wait3A_1382, %dma_wait3A_1385, %dma_wait3A_1386] : memref<2x2x64x32xf32, #tpu.memory_space<vmem>> -> memref<1x1x64x32xf32, #tpu.memory_space<vmem>>
      %dma_wait3A_1388 = tpu.memref_squeeze %dma_wait3A_1387 : memref<1x1x64x32xf32, #tpu.memory_space<vmem>> -> memref<64x32xf32, #tpu.memory_space<vmem>>
      %dma_wait3A_1389 = arith.constant 0 : i32
      %dma_wait3A_1390 = arith.constant 0 : i32
      %dma_wait3A_1391 = arith.constant 0 : i32
      %dma_wait3A_1392 = tpu.memref_slice %arg5[%dma_wait3A_1389, %dma_wait3A_1390, %dma_wait3A_1391] : memref<125000x8x32xf32, #tpu.memory_space<hbm>> -> memref<8x8x32xf32, #tpu.memory_space<hbm>>
      %dma_wait3A_1393 = tpu.memref_slice %arg13[%dma_wait3A_1383, %dma_wait3A_1384] : memref<2x2x!tpu.dma_semaphore, #tpu.memory_space<semaphore_mem>> -> memref<1x1x!tpu.dma_semaphore, #tpu.memory_space<semaphore_mem>>
      %dma_wait3A_1394 = tpu.memref_squeeze %dma_wait3A_1393 : memref<1x1x!tpu.dma_semaphore, #tpu.memory_space<semaphore_mem>> -> memref<!tpu.dma_semaphore, #tpu.memory_space<semaphore_mem>>
      %dma_wait3A_1395 = arith.constant 0 : i32
      %dma_wait3A_1396 = arith.constant 0 : i32
      %dma_wait3A_1397 = tpu.memref_slice %arg10[%dma_wait3A_1381, %dma_wait3A_1382, %dma_wait3A_1395, %dma_wait3A_1396] : memref<2x2x64x32xf32, #tpu.memory_space<vmem>> -> memref<1x1x64x32xf32, #tpu.memory_space<vmem>>
      %dma_wait3A_1398 = tpu.memref_squeeze %dma_wait3A_1397 : memref<1x1x64x32xf32, #tpu.memory_space<vmem>> -> memref<64x32xf32, #tpu.memory_space<vmem>>
      %dma_wait3A_1399 = arith.constant 0 : i32
      %dma_wait3A_1400 = arith.constant 0 : i32
      %dma_wait3A_1401 = arith.constant 0 : i32
      %dma_wait3A_1402 = tpu.memref_slice %arg5[%dma_wait3A_1399, %dma_wait3A_1400, %dma_wait3A_1401] : memref<125000x8x32xf32, #tpu.memory_space<hbm>> -> memref<8x8x32xf32, #tpu.memory_space<hbm>>
      tpu.wait_dma2 semaphore(%dma_wait3A_1394 : memref<!tpu.dma_semaphore, #tpu.memory_space<semaphore_mem>>) src(%dma_wait3A_1402 : memref<8x8x32xf32, #tpu.memory_space<hbm>>) dst(%dma_wait3A_1398 : memref<64x32xf32, #tpu.memory_space<vmem>>)
      %mul3A_1403 = arith.constant 2 : i32
      %mul3A_1404 = arith.muli %mul3A_1403, %scan3A_436 : i32
      %add3A_1405 = arith.constant 1 : i32
      %add3A_1406 = arith.addi %mul3A_1404, %add3A_1405 : i32
      %mul3A_1407 = arith.constant 8 : i32
      %mul3A_1408 = arith.muli %add3A_1406, %mul3A_1407 : i32
      %add3A_1409 = arith.constant 0 : i32
      %add3A_1410 = arith.addi %mul3A_1408, %add3A_1409 : i32
      %slice3A_1411 = vector.extract_strided_slice %get3A_440 {offsets = [8], sizes = [1], strides = [1]} : vector<16xi32> to vector<1xi32>
      %squeeze3A_1412 = vector.extract %slice3A_1411[0] : i32 from vector<1xi32>
      %and3A_1413 = arith.constant 7 : i32
      %and3A_1414 = arith.andi %squeeze3A_1412, %and3A_1413 : i32
      %add3A_1415 = arith.constant 0 : i32
      %add3A_1416 = arith.addi %add3A_1415, %and3A_1414 : i32
      %slice3A_1417 = vector.extract_strided_slice %get3A_444 {offsets = [8], sizes = [1], strides = [1]} : vector<16xi32> to vector<1xi32>
      %squeeze3A_1418 = vector.extract %slice3A_1417[0] : i32 from vector<1xi32>
      %and3A_1419 = arith.constant 7 : i32
      %and3A_1420 = arith.andi %squeeze3A_1418, %and3A_1419 : i32
      %add3A_1421 = arith.constant 0 : i32
      %add3A_1422 = arith.addi %add3A_1421, %and3A_1420 : i32
      %get3A_1423 = arith.constant 1 : i32
      %get3A_1424 = arith.constant 0 : i32
      %get3A_1425 = arith.index_cast %get3A_1423 : i32 to index
      %get3A_1426 = arith.index_cast %get3A_1424 : i32 to index
      %get3A_1427 = arith.index_cast %add3A_1416 : i32 to index
      %get3A_1428 = arith.constant 0 : index
      %get3A_1429 = tpu.vector_load %arg10[%get3A_1425, %get3A_1426, %get3A_1427, %get3A_1428] {strides = array<i32>} : memref<2x2x64x32xf32, #tpu.memory_space<vmem>>, vector<16xf32>,
      %swap3A_1430 = arith.index_cast %add3A_1410 : i32 to index
      %swap3A_1431 = arith.constant 0 : index
      %swap3A_1432 = tpu.vector_load %arg11[%swap3A_1430, %swap3A_1431] {strides = array<i32>} : memref<512x64xf32, #tpu.memory_space<vmem>>, vector<16xf32>,
      tpu.vector_store %arg11[%swap3A_1430, %swap3A_1431], %get3A_1429 {strides = array<i32>} : memref<512x64xf32, #tpu.memory_space<vmem>>, vector<16xf32>,
      %get3A_1433 = arith.constant 1 : i32
      %get3A_1434 = arith.constant 1 : i32
      %get3A_1435 = arith.index_cast %get3A_1433 : i32 to index
      %get3A_1436 = arith.index_cast %get3A_1434 : i32 to index
      %get3A_1437 = arith.index_cast %add3A_1422 : i32 to index
      %get3A_1438 = arith.constant 0 : index
      %get3A_1439 = tpu.vector_load %arg10[%get3A_1435, %get3A_1436, %get3A_1437, %get3A_1438] {strides = array<i32>} : memref<2x2x64x32xf32, #tpu.memory_space<vmem>>, vector<16xf32>,
      %swap3A_1440 = arith.index_cast %add3A_1410 : i32 to index
      %swap3A_1441 = arith.constant 32 : index
      %swap3A_1442 = tpu.vector_load %arg11[%swap3A_1440, %swap3A_1441] {strides = array<i32>} : memref<512x64xf32, #tpu.memory_space<vmem>>, vector<16xf32>,
      tpu.vector_store %arg11[%swap3A_1440, %swap3A_1441], %get3A_1439 {strides = array<i32>} : memref<512x64xf32, #tpu.memory_space<vmem>>, vector<16xf32>,
      %get3A_1443 = arith.constant 1 : i32
      %get3A_1444 = arith.constant 0 : i32
      %get3A_1445 = arith.index_cast %get3A_1443 : i32 to index
      %get3A_1446 = arith.index_cast %get3A_1444 : i32 to index
      %get3A_1447 = arith.index_cast %add3A_1416 : i32 to index
      %get3A_1448 = arith.constant 16 : index
      %get3A_1449 = tpu.vector_load %arg10[%get3A_1445, %get3A_1446, %get3A_1447, %get3A_1448] {strides = array<i32>} : memref<2x2x64x32xf32, #tpu.memory_space<vmem>>, vector<16xf32>,
      %swap3A_1450 = arith.index_cast %add3A_1410 : i32 to index
      %swap3A_1451 = arith.constant 16 : index
      %swap3A_1452 = tpu.vector_load %arg11[%swap3A_1450, %swap3A_1451] {strides = array<i32>} : memref<512x64xf32, #tpu.memory_space<vmem>>, vector<16xf32>,
      tpu.vector_store %arg11[%swap3A_1450, %swap3A_1451], %get3A_1449 {strides = array<i32>} : memref<512x64xf32, #tpu.memory_space<vmem>>, vector<16xf32>,
      %get3A_1453 = arith.constant 1 : i32
      %get3A_1454 = arith.constant 1 : i32
      %get3A_1455 = arith.index_cast %get3A_1453 : i32 to index
      %get3A_1456 = arith.index_cast %get3A_1454 : i32 to index
      %get3A_1457 = arith.index_cast %add3A_1422 : i32 to index
      %get3A_1458 = arith.constant 16 : index
      %get3A_1459 = tpu.vector_load %arg10[%get3A_1455, %get3A_1456, %get3A_1457, %get3A_1458] {strides = array<i32>} : memref<2x2x64x32xf32, #tpu.memory_space<vmem>>, vector<16xf32>,
      %swap3A_1460 = arith.index_cast %add3A_1410 : i32 to index
      %swap3A_1461 = arith.constant 48 : index
      %swap3A_1462 = tpu.vector_load %arg11[%swap3A_1460, %swap3A_1461] {strides = array<i32>} : memref<512x64xf32, #tpu.memory_space<vmem>>, vector<16xf32>,
      tpu.vector_store %arg11[%swap3A_1460, %swap3A_1461], %get3A_1459 {strides = array<i32>} : memref<512x64xf32, #tpu.memory_space<vmem>>, vector<16xf32>,
      %mul3A_1463 = arith.constant 8 : i32
      %mul3A_1464 = arith.muli %add3A_1406, %mul3A_1463 : i32
      %add3A_1465 = arith.constant 1 : i32
      %add3A_1466 = arith.addi %mul3A_1464, %add3A_1465 : i32
      %slice3A_1467 = vector.extract_strided_slice %get3A_440 {offsets = [9], sizes = [1], strides = [1]} : vector<16xi32> to vector<1xi32>
      %squeeze3A_1468 = vector.extract %slice3A_1467[0] : i32 from vector<1xi32>
      %and3A_1469 = arith.constant 7 : i32
      %and3A_1470 = arith.andi %squeeze3A_1468, %and3A_1469 : i32
      %add3A_1471 = arith.constant 8 : i32
      %add3A_1472 = arith.addi %add3A_1471, %and3A_1470 : i32
      %slice3A_1473 = vector.extract_strided_slice %get3A_444 {offsets = [9], sizes = [1], strides = [1]} : vector<16xi32> to vector<1xi32>
      %squeeze3A_1474 = vector.extract %slice3A_1473[0] : i32 from vector<1xi32>
      %and3A_1475 = arith.constant 7 : i32
      %and3A_1476 = arith.andi %squeeze3A_1474, %and3A_1475 : i32
      %add3A_1477 = arith.constant 8 : i32
      %add3A_1478 = arith.addi %add3A_1477, %and3A_1476 : i32
      %get3A_1479 = arith.constant 1 : i32
      %get3A_1480 = arith.constant 0 : i32
      %get3A_1481 = arith.index_cast %get3A_1479 : i32 to index
      %get3A_1482 = arith.index_cast %get3A_1480 : i32 to index
      %get3A_1483 = arith.index_cast %add3A_1472 : i32 to index
      %get3A_1484 = arith.constant 0 : index
      %get3A_1485 = tpu.vector_load %arg10[%get3A_1481, %get3A_1482, %get3A_1483, %get3A_1484] {strides = array<i32>} : memref<2x2x64x32xf32, #tpu.memory_space<vmem>>, vector<16xf32>,
      %swap3A_1486 = arith.index_cast %add3A_1466 : i32 to index
      %swap3A_1487 = arith.constant 0 : index
      %swap3A_1488 = tpu.vector_load %arg11[%swap3A_1486, %swap3A_1487] {strides = array<i32>} : memref<512x64xf32, #tpu.memory_space<vmem>>, vector<16xf32>,
      tpu.vector_store %arg11[%swap3A_1486, %swap3A_1487], %get3A_1485 {strides = array<i32>} : memref<512x64xf32, #tpu.memory_space<vmem>>, vector<16xf32>,
      %get3A_1489 = arith.constant 1 : i32
      %get3A_1490 = arith.constant 1 : i32
      %get3A_1491 = arith.index_cast %get3A_1489 : i32 to index
      %get3A_1492 = arith.index_cast %get3A_1490 : i32 to index
      %get3A_1493 = arith.index_cast %add3A_1478 : i32 to index
      %get3A_1494 = arith.constant 0 : index
      %get3A_1495 = tpu.vector_load %arg10[%get3A_1491, %get3A_1492, %get3A_1493, %get3A_1494] {strides = array<i32>} : memref<2x2x64x32xf32, #tpu.memory_space<vmem>>, vector<16xf32>,
      %swap3A_1496 = arith.index_cast %add3A_1466 : i32 to index
      %swap3A_1497 = arith.constant 32 : index
      %swap3A_1498 = tpu.vector_load %arg11[%swap3A_1496, %swap3A_1497] {strides = array<i32>} : memref<512x64xf32, #tpu.memory_space<vmem>>, vector<16xf32>,
      tpu.vector_store %arg11[%swap3A_1496, %swap3A_1497], %get3A_1495 {strides = array<i32>} : memref<512x64xf32, #tpu.memory_space<vmem>>, vector<16xf32>,
      %get3A_1499 = arith.constant 1 : i32
      %get3A_1500 = arith.constant 0 : i32
      %get3A_1501 = arith.index_cast %get3A_1499 : i32 to index
      %get3A_1502 = arith.index_cast %get3A_1500 : i32 to index
      %get3A_1503 = arith.index_cast %add3A_1472 : i32 to index
      %get3A_1504 = arith.constant 16 : index
      %get3A_1505 = tpu.vector_load %arg10[%get3A_1501, %get3A_1502, %get3A_1503, %get3A_1504] {strides = array<i32>} : memref<2x2x64x32xf32, #tpu.memory_space<vmem>>, vector<16xf32>,
      %swap3A_1506 = arith.index_cast %add3A_1466 : i32 to index
      %swap3A_1507 = arith.constant 16 : index
      %swap3A_1508 = tpu.vector_load %arg11[%swap3A_1506, %swap3A_1507] {strides = array<i32>} : memref<512x64xf32, #tpu.memory_space<vmem>>, vector<16xf32>,
      tpu.vector_store %arg11[%swap3A_1506, %swap3A_1507], %get3A_1505 {strides = array<i32>} : memref<512x64xf32, #tpu.memory_space<vmem>>, vector<16xf32>,
      %get3A_1509 = arith.constant 1 : i32
      %get3A_1510 = arith.constant 1 : i32
      %get3A_1511 = arith.index_cast %get3A_1509 : i32 to index
      %get3A_1512 = arith.index_cast %get3A_1510 : i32 to index
      %get3A_1513 = arith.index_cast %add3A_1478 : i32 to index
      %get3A_1514 = arith.constant 16 : index
      %get3A_1515 = tpu.vector_load %arg10[%get3A_1511, %get3A_1512, %get3A_1513, %get3A_1514] {strides = array<i32>} : memref<2x2x64x32xf32, #tpu.memory_space<vmem>>, vector<16xf32>,
      %swap3A_1516 = arith.index_cast %add3A_1466 : i32 to index
      %swap3A_1517 = arith.constant 48 : index
      %swap3A_1518 = tpu.vector_load %arg11[%swap3A_1516, %swap3A_1517] {strides = array<i32>} : memref<512x64xf32, #tpu.memory_space<vmem>>, vector<16xf32>,
      tpu.vector_store %arg11[%swap3A_1516, %swap3A_1517], %get3A_1515 {strides = array<i32>} : memref<512x64xf32, #tpu.memory_space<vmem>>, vector<16xf32>,
      %mul3A_1519 = arith.constant 8 : i32
      %mul3A_1520 = arith.muli %add3A_1406, %mul3A_1519 : i32
      %add3A_1521 = arith.constant 2 : i32
      %add3A_1522 = arith.addi %mul3A_1520, %add3A_1521 : i32
      %slice3A_1523 = vector.extract_strided_slice %get3A_440 {offsets = [10], sizes = [1], strides = [1]} : vector<16xi32> to vector<1xi32>
      %squeeze3A_1524 = vector.extract %slice3A_1523[0] : i32 from vector<1xi32>
      %and3A_1525 = arith.constant 7 : i32
      %and3A_1526 = arith.andi %squeeze3A_1524, %and3A_1525 : i32
      %add3A_1527 = arith.constant 16 : i32
      %add3A_1528 = arith.addi %add3A_1527, %and3A_1526 : i32
      %slice3A_1529 = vector.extract_strided_slice %get3A_444 {offsets = [10], sizes = [1], strides = [1]} : vector<16xi32> to vector<1xi32>
      %squeeze3A_1530 = vector.extract %slice3A_1529[0] : i32 from vector<1xi32>
      %and3A_1531 = arith.constant 7 : i32
      %and3A_1532 = arith.andi %squeeze3A_1530, %and3A_1531 : i32
      %add3A_1533 = arith.constant 16 : i32
      %add3A_1534 = arith.addi %add3A_1533, %and3A_1532 : i32
      %get3A_1535 = arith.constant 1 : i32
      %get3A_1536 = arith.constant 0 : i32
      %get3A_1537 = arith.index_cast %get3A_1535 : i32 to index
      %get3A_1538 = arith.index_cast %get3A_1536 : i32 to index
      %get3A_1539 = arith.index_cast %add3A_1528 : i32 to index
      %get3A_1540 = arith.constant 0 : index
      %get3A_1541 = tpu.vector_load %arg10[%get3A_1537, %get3A_1538, %get3A_1539, %get3A_1540] {strides = array<i32>} : memref<2x2x64x32xf32, #tpu.memory_space<vmem>>, vector<16xf32>,
      %swap3A_1542 = arith.index_cast %add3A_1522 : i32 to index
      %swap3A_1543 = arith.constant 0 : index
      %swap3A_1544 = tpu.vector_load %arg11[%swap3A_1542, %swap3A_1543] {strides = array<i32>} : memref<512x64xf32, #tpu.memory_space<vmem>>, vector<16xf32>,
      tpu.vector_store %arg11[%swap3A_1542, %swap3A_1543], %get3A_1541 {strides = array<i32>} : memref<512x64xf32, #tpu.memory_space<vmem>>, vector<16xf32>,
      %get3A_1545 = arith.constant 1 : i32
      %get3A_1546 = arith.constant 1 : i32
      %get3A_1547 = arith.index_cast %get3A_1545 : i32 to index
      %get3A_1548 = arith.index_cast %get3A_1546 : i32 to index
      %get3A_1549 = arith.index_cast %add3A_1534 : i32 to index
      %get3A_1550 = arith.constant 0 : index
      %get3A_1551 = tpu.vector_load %arg10[%get3A_1547, %get3A_1548, %get3A_1549, %get3A_1550] {strides = array<i32>} : memref<2x2x64x32xf32, #tpu.memory_space<vmem>>, vector<16xf32>,
      %swap3A_1552 = arith.index_cast %add3A_1522 : i32 to index
      %swap3A_1553 = arith.constant 32 : index
      %swap3A_1554 = tpu.vector_load %arg11[%swap3A_1552, %swap3A_1553] {strides = array<i32>} : memref<512x64xf32, #tpu.memory_space<vmem>>, vector<16xf32>,
      tpu.vector_store %arg11[%swap3A_1552, %swap3A_1553], %get3A_1551 {strides = array<i32>} : memref<512x64xf32, #tpu.memory_space<vmem>>, vector<16xf32>,
      %get3A_1555 = arith.constant 1 : i32
      %get3A_1556 = arith.constant 0 : i32
      %get3A_1557 = arith.index_cast %get3A_1555 : i32 to index
      %get3A_1558 = arith.index_cast %get3A_1556 : i32 to index
      %get3A_1559 = arith.index_cast %add3A_1528 : i32 to index
      %get3A_1560 = arith.constant 16 : index
      %get3A_1561 = tpu.vector_load %arg10[%get3A_1557, %get3A_1558, %get3A_1559, %get3A_1560] {strides = array<i32>} : memref<2x2x64x32xf32, #tpu.memory_space<vmem>>, vector<16xf32>,
      %swap3A_1562 = arith.index_cast %add3A_1522 : i32 to index
      %swap3A_1563 = arith.constant 16 : index
      %swap3A_1564 = tpu.vector_load %arg11[%swap3A_1562, %swap3A_1563] {strides = array<i32>} : memref<512x64xf32, #tpu.memory_space<vmem>>, vector<16xf32>,
      tpu.vector_store %arg11[%swap3A_1562, %swap3A_1563], %get3A_1561 {strides = array<i32>} : memref<512x64xf32, #tpu.memory_space<vmem>>, vector<16xf32>,
      %get3A_1565 = arith.constant 1 : i32
      %get3A_1566 = arith.constant 1 : i32
      %get3A_1567 = arith.index_cast %get3A_1565 : i32 to index
      %get3A_1568 = arith.index_cast %get3A_1566 : i32 to index
      %get3A_1569 = arith.index_cast %add3A_1534 : i32 to index
      %get3A_1570 = arith.constant 16 : index
      %get3A_1571 = tpu.vector_load %arg10[%get3A_1567, %get3A_1568, %get3A_1569, %get3A_1570] {strides = array<i32>} : memref<2x2x64x32xf32, #tpu.memory_space<vmem>>, vector<16xf32>,
      %swap3A_1572 = arith.index_cast %add3A_1522 : i32 to index
      %swap3A_1573 = arith.constant 48 : index
      %swap3A_1574 = tpu.vector_load %arg11[%swap3A_1572, %swap3A_1573] {strides = array<i32>} : memref<512x64xf32, #tpu.memory_space<vmem>>, vector<16xf32>,
      tpu.vector_store %arg11[%swap3A_1572, %swap3A_1573], %get3A_1571 {strides = array<i32>} : memref<512x64xf32, #tpu.memory_space<vmem>>, vector<16xf32>,
      %mul3A_1575 = arith.constant 8 : i32
      %mul3A_1576 = arith.muli %add3A_1406, %mul3A_1575 : i32
      %add3A_1577 = arith.constant 3 : i32
      %add3A_1578 = arith.addi %mul3A_1576, %add3A_1577 : i32
      %slice3A_1579 = vector.extract_strided_slice %get3A_440 {offsets = [11], sizes = [1], strides = [1]} : vector<16xi32> to vector<1xi32>
      %squeeze3A_1580 = vector.extract %slice3A_1579[0] : i32 from vector<1xi32>
      %and3A_1581 = arith.constant 7 : i32
      %and3A_1582 = arith.andi %squeeze3A_1580, %and3A_1581 : i32
      %add3A_1583 = arith.constant 24 : i32
      %add3A_1584 = arith.addi %add3A_1583, %and3A_1582 : i32
      %slice3A_1585 = vector.extract_strided_slice %get3A_444 {offsets = [11], sizes = [1], strides = [1]} : vector<16xi32> to vector<1xi32>
      %squeeze3A_1586 = vector.extract %slice3A_1585[0] : i32 from vector<1xi32>
      %and3A_1587 = arith.constant 7 : i32
      %and3A_1588 = arith.andi %squeeze3A_1586, %and3A_1587 : i32
      %add3A_1589 = arith.constant 24 : i32
      %add3A_1590 = arith.addi %add3A_1589, %and3A_1588 : i32
      %get3A_1591 = arith.constant 1 : i32
      %get3A_1592 = arith.constant 0 : i32
      %get3A_1593 = arith.index_cast %get3A_1591 : i32 to index
      %get3A_1594 = arith.index_cast %get3A_1592 : i32 to index
      %get3A_1595 = arith.index_cast %add3A_1584 : i32 to index
      %get3A_1596 = arith.constant 0 : index
      %get3A_1597 = tpu.vector_load %arg10[%get3A_1593, %get3A_1594, %get3A_1595, %get3A_1596] {strides = array<i32>} : memref<2x2x64x32xf32, #tpu.memory_space<vmem>>, vector<16xf32>,
      %swap3A_1598 = arith.index_cast %add3A_1578 : i32 to index
      %swap3A_1599 = arith.constant 0 : index
      %swap3A_1600 = tpu.vector_load %arg11[%swap3A_1598, %swap3A_1599] {strides = array<i32>} : memref<512x64xf32, #tpu.memory_space<vmem>>, vector<16xf32>,
      tpu.vector_store %arg11[%swap3A_1598, %swap3A_1599], %get3A_1597 {strides = array<i32>} : memref<512x64xf32, #tpu.memory_space<vmem>>, vector<16xf32>,
      %get3A_1601 = arith.constant 1 : i32
      %get3A_1602 = arith.constant 1 : i32
      %get3A_1603 = arith.index_cast %get3A_1601 : i32 to index
      %get3A_1604 = arith.index_cast %get3A_1602 : i32 to index
      %get3A_1605 = arith.index_cast %add3A_1590 : i32 to index
      %get3A_1606 = arith.constant 0 : index
      %get3A_1607 = tpu.vector_load %arg10[%get3A_1603, %get3A_1604, %get3A_1605, %get3A_1606] {strides = array<i32>} : memref<2x2x64x32xf32, #tpu.memory_space<vmem>>, vector<16xf32>,
      %swap3A_1608 = arith.index_cast %add3A_1578 : i32 to index
      %swap3A_1609 = arith.constant 32 : index
      %swap3A_1610 = tpu.vector_load %arg11[%swap3A_1608, %swap3A_1609] {strides = array<i32>} : memref<512x64xf32, #tpu.memory_space<vmem>>, vector<16xf32>,
      tpu.vector_store %arg11[%swap3A_1608, %swap3A_1609], %get3A_1607 {strides = array<i32>} : memref<512x64xf32, #tpu.memory_space<vmem>>, vector<16xf32>,
      %get3A_1611 = arith.constant 1 : i32
      %get3A_1612 = arith.constant 0 : i32
      %get3A_1613 = arith.index_cast %get3A_1611 : i32 to index
      %get3A_1614 = arith.index_cast %get3A_1612 : i32 to index
      %get3A_1615 = arith.index_cast %add3A_1584 : i32 to index
      %get3A_1616 = arith.constant 16 : index
      %get3A_1617 = tpu.vector_load %arg10[%get3A_1613, %get3A_1614, %get3A_1615, %get3A_1616] {strides = array<i32>} : memref<2x2x64x32xf32, #tpu.memory_space<vmem>>, vector<16xf32>,
      %swap3A_1618 = arith.index_cast %add3A_1578 : i32 to index
      %swap3A_1619 = arith.constant 16 : index
      %swap3A_1620 = tpu.vector_load %arg11[%swap3A_1618, %swap3A_1619] {strides = array<i32>} : memref<512x64xf32, #tpu.memory_space<vmem>>, vector<16xf32>,
      tpu.vector_store %arg11[%swap3A_1618, %swap3A_1619], %get3A_1617 {strides = array<i32>} : memref<512x64xf32, #tpu.memory_space<vmem>>, vector<16xf32>,
      %get3A_1621 = arith.constant 1 : i32
      %get3A_1622 = arith.constant 1 : i32
      %get3A_1623 = arith.index_cast %get3A_1621 : i32 to index
      %get3A_1624 = arith.index_cast %get3A_1622 : i32 to index
      %get3A_1625 = arith.index_cast %add3A_1590 : i32 to index
      %get3A_1626 = arith.constant 16 : index
      %get3A_1627 = tpu.vector_load %arg10[%get3A_1623, %get3A_1624, %get3A_1625, %get3A_1626] {strides = array<i32>} : memref<2x2x64x32xf32, #tpu.memory_space<vmem>>, vector<16xf32>,
      %swap3A_1628 = arith.index_cast %add3A_1578 : i32 to index
      %swap3A_1629 = arith.constant 48 : index
      %swap3A_1630 = tpu.vector_load %arg11[%swap3A_1628, %swap3A_1629] {strides = array<i32>} : memref<512x64xf32, #tpu.memory_space<vmem>>, vector<16xf32>,
      tpu.vector_store %arg11[%swap3A_1628, %swap3A_1629], %get3A_1627 {strides = array<i32>} : memref<512x64xf32, #tpu.memory_space<vmem>>, vector<16xf32>,
      %mul3A_1631 = arith.constant 8 : i32
      %mul3A_1632 = arith.muli %add3A_1406, %mul3A_1631 : i32
      %add3A_1633 = arith.constant 4 : i32
      %add3A_1634 = arith.addi %mul3A_1632, %add3A_1633 : i32
      %slice3A_1635 = vector.extract_strided_slice %get3A_440 {offsets = [12], sizes = [1], strides = [1]} : vector<16xi32> to vector<1xi32>
      %squeeze3A_1636 = vector.extract %slice3A_1635[0] : i32 from vector<1xi32>
      %and3A_1637 = arith.constant 7 : i32
      %and3A_1638 = arith.andi %squeeze3A_1636, %and3A_1637 : i32
      %add3A_1639 = arith.constant 32 : i32
      %add3A_1640 = arith.addi %add3A_1639, %and3A_1638 : i32
      %slice3A_1641 = vector.extract_strided_slice %get3A_444 {offsets = [12], sizes = [1], strides = [1]} : vector<16xi32> to vector<1xi32>
      %squeeze3A_1642 = vector.extract %slice3A_1641[0] : i32 from vector<1xi32>
      %and3A_1643 = arith.constant 7 : i32
      %and3A_1644 = arith.andi %squeeze3A_1642, %and3A_1643 : i32
      %add3A_1645 = arith.constant 32 : i32
      %add3A_1646 = arith.addi %add3A_1645, %and3A_1644 : i32
      %get3A_1647 = arith.constant 1 : i32
      %get3A_1648 = arith.constant 0 : i32
      %get3A_1649 = arith.index_cast %get3A_1647 : i32 to index
      %get3A_1650 = arith.index_cast %get3A_1648 : i32 to index
      %get3A_1651 = arith.index_cast %add3A_1640 : i32 to index
      %get3A_1652 = arith.constant 0 : index
      %get3A_1653 = tpu.vector_load %arg10[%get3A_1649, %get3A_1650, %get3A_1651, %get3A_1652] {strides = array<i32>} : memref<2x2x64x32xf32, #tpu.memory_space<vmem>>, vector<16xf32>,
      %swap3A_1654 = arith.index_cast %add3A_1634 : i32 to index
      %swap3A_1655 = arith.constant 0 : index
      %swap3A_1656 = tpu.vector_load %arg11[%swap3A_1654, %swap3A_1655] {strides = array<i32>} : memref<512x64xf32, #tpu.memory_space<vmem>>, vector<16xf32>,
      tpu.vector_store %arg11[%swap3A_1654, %swap3A_1655], %get3A_1653 {strides = array<i32>} : memref<512x64xf32, #tpu.memory_space<vmem>>, vector<16xf32>,
      %get3A_1657 = arith.constant 1 : i32
      %get3A_1658 = arith.constant 1 : i32
      %get3A_1659 = arith.index_cast %get3A_1657 : i32 to index
      %get3A_1660 = arith.index_cast %get3A_1658 : i32 to index
      %get3A_1661 = arith.index_cast %add3A_1646 : i32 to index
      %get3A_1662 = arith.constant 0 : index
      %get3A_1663 = tpu.vector_load %arg10[%get3A_1659, %get3A_1660, %get3A_1661, %get3A_1662] {strides = array<i32>} : memref<2x2x64x32xf32, #tpu.memory_space<vmem>>, vector<16xf32>,
      %swap3A_1664 = arith.index_cast %add3A_1634 : i32 to index
      %swap3A_1665 = arith.constant 32 : index
      %swap3A_1666 = tpu.vector_load %arg11[%swap3A_1664, %swap3A_1665] {strides = array<i32>} : memref<512x64xf32, #tpu.memory_space<vmem>>, vector<16xf32>,
      tpu.vector_store %arg11[%swap3A_1664, %swap3A_1665], %get3A_1663 {strides = array<i32>} : memref<512x64xf32, #tpu.memory_space<vmem>>, vector<16xf32>,
      %get3A_1667 = arith.constant 1 : i32
      %get3A_1668 = arith.constant 0 : i32
      %get3A_1669 = arith.index_cast %get3A_1667 : i32 to index
      %get3A_1670 = arith.index_cast %get3A_1668 : i32 to index
      %get3A_1671 = arith.index_cast %add3A_1640 : i32 to index
      %get3A_1672 = arith.constant 16 : index
      %get3A_1673 = tpu.vector_load %arg10[%get3A_1669, %get3A_1670, %get3A_1671, %get3A_1672] {strides = array<i32>} : memref<2x2x64x32xf32, #tpu.memory_space<vmem>>, vector<16xf32>,
      %swap3A_1674 = arith.index_cast %add3A_1634 : i32 to index
      %swap3A_1675 = arith.constant 16 : index
      %swap3A_1676 = tpu.vector_load %arg11[%swap3A_1674, %swap3A_1675] {strides = array<i32>} : memref<512x64xf32, #tpu.memory_space<vmem>>, vector<16xf32>,
      tpu.vector_store %arg11[%swap3A_1674, %swap3A_1675], %get3A_1673 {strides = array<i32>} : memref<512x64xf32, #tpu.memory_space<vmem>>, vector<16xf32>,
      %get3A_1677 = arith.constant 1 : i32
      %get3A_1678 = arith.constant 1 : i32
      %get3A_1679 = arith.index_cast %get3A_1677 : i32 to index
      %get3A_1680 = arith.index_cast %get3A_1678 : i32 to index
      %get3A_1681 = arith.index_cast %add3A_1646 : i32 to index
      %get3A_1682 = arith.constant 16 : index
      %get3A_1683 = tpu.vector_load %arg10[%get3A_1679, %get3A_1680, %get3A_1681, %get3A_1682] {strides = array<i32>} : memref<2x2x64x32xf32, #tpu.memory_space<vmem>>, vector<16xf32>,
      %swap3A_1684 = arith.index_cast %add3A_1634 : i32 to index
      %swap3A_1685 = arith.constant 48 : index
      %swap3A_1686 = tpu.vector_load %arg11[%swap3A_1684, %swap3A_1685] {strides = array<i32>} : memref<512x64xf32, #tpu.memory_space<vmem>>, vector<16xf32>,
      tpu.vector_store %arg11[%swap3A_1684, %swap3A_1685], %get3A_1683 {strides = array<i32>} : memref<512x64xf32, #tpu.memory_space<vmem>>, vector<16xf32>,
      %mul3A_1687 = arith.constant 8 : i32
      %mul3A_1688 = arith.muli %add3A_1406, %mul3A_1687 : i32
      %add3A_1689 = arith.constant 5 : i32
      %add3A_1690 = arith.addi %mul3A_1688, %add3A_1689 : i32
      %slice3A_1691 = vector.extract_strided_slice %get3A_440 {offsets = [13], sizes = [1], strides = [1]} : vector<16xi32> to vector<1xi32>
      %squeeze3A_1692 = vector.extract %slice3A_1691[0] : i32 from vector<1xi32>
      %and3A_1693 = arith.constant 7 : i32
      %and3A_1694 = arith.andi %squeeze3A_1692, %and3A_1693 : i32
      %add3A_1695 = arith.constant 40 : i32
      %add3A_1696 = arith.addi %add3A_1695, %and3A_1694 : i32
      %slice3A_1697 = vector.extract_strided_slice %get3A_444 {offsets = [13], sizes = [1], strides = [1]} : vector<16xi32> to vector<1xi32>
      %squeeze3A_1698 = vector.extract %slice3A_1697[0] : i32 from vector<1xi32>
      %and3A_1699 = arith.constant 7 : i32
      %and3A_1700 = arith.andi %squeeze3A_1698, %and3A_1699 : i32
      %add3A_1701 = arith.constant 40 : i32
      %add3A_1702 = arith.addi %add3A_1701, %and3A_1700 : i32
      %get3A_1703 = arith.constant 1 : i32
      %get3A_1704 = arith.constant 0 : i32
      %get3A_1705 = arith.index_cast %get3A_1703 : i32 to index
      %get3A_1706 = arith.index_cast %get3A_1704 : i32 to index
      %get3A_1707 = arith.index_cast %add3A_1696 : i32 to index
      %get3A_1708 = arith.constant 0 : index
      %get3A_1709 = tpu.vector_load %arg10[%get3A_1705, %get3A_1706, %get3A_1707, %get3A_1708] {strides = array<i32>} : memref<2x2x64x32xf32, #tpu.memory_space<vmem>>, vector<16xf32>,
      %swap3A_1710 = arith.index_cast %add3A_1690 : i32 to index
      %swap3A_1711 = arith.constant 0 : index
      %swap3A_1712 = tpu.vector_load %arg11[%swap3A_1710, %swap3A_1711] {strides = array<i32>} : memref<512x64xf32, #tpu.memory_space<vmem>>, vector<16xf32>,
      tpu.vector_store %arg11[%swap3A_1710, %swap3A_1711], %get3A_1709 {strides = array<i32>} : memref<512x64xf32, #tpu.memory_space<vmem>>, vector<16xf32>,
      %get3A_1713 = arith.constant 1 : i32
      %get3A_1714 = arith.constant 1 : i32
      %get3A_1715 = arith.index_cast %get3A_1713 : i32 to index
      %get3A_1716 = arith.index_cast %get3A_1714 : i32 to index
      %get3A_1717 = arith.index_cast %add3A_1702 : i32 to index
      %get3A_1718 = arith.constant 0 : index
      %get3A_1719 = tpu.vector_load %arg10[%get3A_1715, %get3A_1716, %get3A_1717, %get3A_1718] {strides = array<i32>} : memref<2x2x64x32xf32, #tpu.memory_space<vmem>>, vector<16xf32>,
      %swap3A_1720 = arith.index_cast %add3A_1690 : i32 to index
      %swap3A_1721 = arith.constant 32 : index
      %swap3A_1722 = tpu.vector_load %arg11[%swap3A_1720, %swap3A_1721] {strides = array<i32>} : memref<512x64xf32, #tpu.memory_space<vmem>>, vector<16xf32>,
      tpu.vector_store %arg11[%swap3A_1720, %swap3A_1721], %get3A_1719 {strides = array<i32>} : memref<512x64xf32, #tpu.memory_space<vmem>>, vector<16xf32>,
      %get3A_1723 = arith.constant 1 : i32
      %get3A_1724 = arith.constant 0 : i32
      %get3A_1725 = arith.index_cast %get3A_1723 : i32 to index
      %get3A_1726 = arith.index_cast %get3A_1724 : i32 to index
      %get3A_1727 = arith.index_cast %add3A_1696 : i32 to index
      %get3A_1728 = arith.constant 16 : index
      %get3A_1729 = tpu.vector_load %arg10[%get3A_1725, %get3A_1726, %get3A_1727, %get3A_1728] {strides = array<i32>} : memref<2x2x64x32xf32, #tpu.memory_space<vmem>>, vector<16xf32>,
      %swap3A_1730 = arith.index_cast %add3A_1690 : i32 to index
      %swap3A_1731 = arith.constant 16 : index
      %swap3A_1732 = tpu.vector_load %arg11[%swap3A_1730, %swap3A_1731] {strides = array<i32>} : memref<512x64xf32, #tpu.memory_space<vmem>>, vector<16xf32>,
      tpu.vector_store %arg11[%swap3A_1730, %swap3A_1731], %get3A_1729 {strides = array<i32>} : memref<512x64xf32, #tpu.memory_space<vmem>>, vector<16xf32>,
      %get3A_1733 = arith.constant 1 : i32
      %get3A_1734 = arith.constant 1 : i32
      %get3A_1735 = arith.index_cast %get3A_1733 : i32 to index
      %get3A_1736 = arith.index_cast %get3A_1734 : i32 to index
      %get3A_1737 = arith.index_cast %add3A_1702 : i32 to index
      %get3A_1738 = arith.constant 16 : index
      %get3A_1739 = tpu.vector_load %arg10[%get3A_1735, %get3A_1736, %get3A_1737, %get3A_1738] {strides = array<i32>} : memref<2x2x64x32xf32, #tpu.memory_space<vmem>>, vector<16xf32>,
      %swap3A_1740 = arith.index_cast %add3A_1690 : i32 to index
      %swap3A_1741 = arith.constant 48 : index
      %swap3A_1742 = tpu.vector_load %arg11[%swap3A_1740, %swap3A_1741] {strides = array<i32>} : memref<512x64xf32, #tpu.memory_space<vmem>>, vector<16xf32>,
      tpu.vector_store %arg11[%swap3A_1740, %swap3A_1741], %get3A_1739 {strides = array<i32>} : memref<512x64xf32, #tpu.memory_space<vmem>>, vector<16xf32>,
      %mul3A_1743 = arith.constant 8 : i32
      %mul3A_1744 = arith.muli %add3A_1406, %mul3A_1743 : i32
      %add3A_1745 = arith.constant 6 : i32
      %add3A_1746 = arith.addi %mul3A_1744, %add3A_1745 : i32
      %slice3A_1747 = vector.extract_strided_slice %get3A_440 {offsets = [14], sizes = [1], strides = [1]} : vector<16xi32> to vector<1xi32>
      %squeeze3A_1748 = vector.extract %slice3A_1747[0] : i32 from vector<1xi32>
      %and3A_1749 = arith.constant 7 : i32
      %and3A_1750 = arith.andi %squeeze3A_1748, %and3A_1749 : i32
      %add3A_1751 = arith.constant 48 : i32
      %add3A_1752 = arith.addi %add3A_1751, %and3A_1750 : i32
      %slice3A_1753 = vector.extract_strided_slice %get3A_444 {offsets = [14], sizes = [1], strides = [1]} : vector<16xi32> to vector<1xi32>
      %squeeze3A_1754 = vector.extract %slice3A_1753[0] : i32 from vector<1xi32>
      %and3A_1755 = arith.constant 7 : i32
      %and3A_1756 = arith.andi %squeeze3A_1754, %and3A_1755 : i32
      %add3A_1757 = arith.constant 48 : i32
      %add3A_1758 = arith.addi %add3A_1757, %and3A_1756 : i32
      %get3A_1759 = arith.constant 1 : i32
      %get3A_1760 = arith.constant 0 : i32
      %get3A_1761 = arith.index_cast %get3A_1759 : i32 to index
      %get3A_1762 = arith.index_cast %get3A_1760 : i32 to index
      %get3A_1763 = arith.index_cast %add3A_1752 : i32 to index
      %get3A_1764 = arith.constant 0 : index
      %get3A_1765 = tpu.vector_load %arg10[%get3A_1761, %get3A_1762, %get3A_1763, %get3A_1764] {strides = array<i32>} : memref<2x2x64x32xf32, #tpu.memory_space<vmem>>, vector<16xf32>,
      %swap3A_1766 = arith.index_cast %add3A_1746 : i32 to index
      %swap3A_1767 = arith.constant 0 : index
      %swap3A_1768 = tpu.vector_load %arg11[%swap3A_1766, %swap3A_1767] {strides = array<i32>} : memref<512x64xf32, #tpu.memory_space<vmem>>, vector<16xf32>,
      tpu.vector_store %arg11[%swap3A_1766, %swap3A_1767], %get3A_1765 {strides = array<i32>} : memref<512x64xf32, #tpu.memory_space<vmem>>, vector<16xf32>,
      %get3A_1769 = arith.constant 1 : i32
      %get3A_1770 = arith.constant 1 : i32
      %get3A_1771 = arith.index_cast %get3A_1769 : i32 to index
      %get3A_1772 = arith.index_cast %get3A_1770 : i32 to index
      %get3A_1773 = arith.index_cast %add3A_1758 : i32 to index
      %get3A_1774 = arith.constant 0 : index
      %get3A_1775 = tpu.vector_load %arg10[%get3A_1771, %get3A_1772, %get3A_1773, %get3A_1774] {strides = array<i32>} : memref<2x2x64x32xf32, #tpu.memory_space<vmem>>, vector<16xf32>,
      %swap3A_1776 = arith.index_cast %add3A_1746 : i32 to index
      %swap3A_1777 = arith.constant 32 : index
      %swap3A_1778 = tpu.vector_load %arg11[%swap3A_1776, %swap3A_1777] {strides = array<i32>} : memref<512x64xf32, #tpu.memory_space<vmem>>, vector<16xf32>,
      tpu.vector_store %arg11[%swap3A_1776, %swap3A_1777], %get3A_1775 {strides = array<i32>} : memref<512x64xf32, #tpu.memory_space<vmem>>, vector<16xf32>,
      %get3A_1779 = arith.constant 1 : i32
      %get3A_1780 = arith.constant 0 : i32
      %get3A_1781 = arith.index_cast %get3A_1779 : i32 to index
      %get3A_1782 = arith.index_cast %get3A_1780 : i32 to index
      %get3A_1783 = arith.index_cast %add3A_1752 : i32 to index
      %get3A_1784 = arith.constant 16 : index
      %get3A_1785 = tpu.vector_load %arg10[%get3A_1781, %get3A_1782, %get3A_1783, %get3A_1784] {strides = array<i32>} : memref<2x2x64x32xf32, #tpu.memory_space<vmem>>, vector<16xf32>,
      %swap3A_1786 = arith.index_cast %add3A_1746 : i32 to index
      %swap3A_1787 = arith.constant 16 : index
      %swap3A_1788 = tpu.vector_load %arg11[%swap3A_1786, %swap3A_1787] {strides = array<i32>} : memref<512x64xf32, #tpu.memory_space<vmem>>, vector<16xf32>,
      tpu.vector_store %arg11[%swap3A_1786, %swap3A_1787], %get3A_1785 {strides = array<i32>} : memref<512x64xf32, #tpu.memory_space<vmem>>, vector<16xf32>,
      %get3A_1789 = arith.constant 1 : i32
      %get3A_1790 = arith.constant 1 : i32
      %get3A_1791 = arith.index_cast %get3A_1789 : i32 to index
      %get3A_1792 = arith.index_cast %get3A_1790 : i32 to index
      %get3A_1793 = arith.index_cast %add3A_1758 : i32 to index
      %get3A_1794 = arith.constant 16 : index
      %get3A_1795 = tpu.vector_load %arg10[%get3A_1791, %get3A_1792, %get3A_1793, %get3A_1794] {strides = array<i32>} : memref<2x2x64x32xf32, #tpu.memory_space<vmem>>, vector<16xf32>,
      %swap3A_1796 = arith.index_cast %add3A_1746 : i32 to index
      %swap3A_1797 = arith.constant 48 : index
      %swap3A_1798 = tpu.vector_load %arg11[%swap3A_1796, %swap3A_1797] {strides = array<i32>} : memref<512x64xf32, #tpu.memory_space<vmem>>, vector<16xf32>,
      tpu.vector_store %arg11[%swap3A_1796, %swap3A_1797], %get3A_1795 {strides = array<i32>} : memref<512x64xf32, #tpu.memory_space<vmem>>, vector<16xf32>,
      %mul3A_1799 = arith.constant 8 : i32
      %mul3A_1800 = arith.muli %add3A_1406, %mul3A_1799 : i32
      %add3A_1801 = arith.constant 7 : i32
      %add3A_1802 = arith.addi %mul3A_1800, %add3A_1801 : i32
      %slice3A_1803 = vector.extract_strided_slice %get3A_440 {offsets = [15], sizes = [1], strides = [1]} : vector<16xi32> to vector<1xi32>
      %squeeze3A_1804 = vector.extract %slice3A_1803[0] : i32 from vector<1xi32>
      %and3A_1805 = arith.constant 7 : i32
      %and3A_1806 = arith.andi %squeeze3A_1804, %and3A_1805 : i32
      %add3A_1807 = arith.constant 56 : i32
      %add3A_1808 = arith.addi %add3A_1807, %and3A_1806 : i32
      %slice3A_1809 = vector.extract_strided_slice %get3A_444 {offsets = [15], sizes = [1], strides = [1]} : vector<16xi32> to vector<1xi32>
      %squeeze3A_1810 = vector.extract %slice3A_1809[0] : i32 from vector<1xi32>
      %and3A_1811 = arith.constant 7 : i32
      %and3A_1812 = arith.andi %squeeze3A_1810, %and3A_1811 : i32
      %add3A_1813 = arith.constant 56 : i32
      %add3A_1814 = arith.addi %add3A_1813, %and3A_1812 : i32
      %get3A_1815 = arith.constant 1 : i32
      %get3A_1816 = arith.constant 0 : i32
      %get3A_1817 = arith.index_cast %get3A_1815 : i32 to index
      %get3A_1818 = arith.index_cast %get3A_1816 : i32 to index
      %get3A_1819 = arith.index_cast %add3A_1808 : i32 to index
      %get3A_1820 = arith.constant 0 : index
      %get3A_1821 = tpu.vector_load %arg10[%get3A_1817, %get3A_1818, %get3A_1819, %get3A_1820] {strides = array<i32>} : memref<2x2x64x32xf32, #tpu.memory_space<vmem>>, vector<16xf32>,
      %swap3A_1822 = arith.index_cast %add3A_1802 : i32 to index
      %swap3A_1823 = arith.constant 0 : index
      %swap3A_1824 = tpu.vector_load %arg11[%swap3A_1822, %swap3A_1823] {strides = array<i32>} : memref<512x64xf32, #tpu.memory_space<vmem>>, vector<16xf32>,
      tpu.vector_store %arg11[%swap3A_1822, %swap3A_1823], %get3A_1821 {strides = array<i32>} : memref<512x64xf32, #tpu.memory_space<vmem>>, vector<16xf32>,
      %get3A_1825 = arith.constant 1 : i32
      %get3A_1826 = arith.constant 1 : i32
      %get3A_1827 = arith.index_cast %get3A_1825 : i32 to index
      %get3A_1828 = arith.index_cast %get3A_1826 : i32 to index
      %get3A_1829 = arith.index_cast %add3A_1814 : i32 to index
      %get3A_1830 = arith.constant 0 : index
      %get3A_1831 = tpu.vector_load %arg10[%get3A_1827, %get3A_1828, %get3A_1829, %get3A_1830] {strides = array<i32>} : memref<2x2x64x32xf32, #tpu.memory_space<vmem>>, vector<16xf32>,
      %swap3A_1832 = arith.index_cast %add3A_1802 : i32 to index
      %swap3A_1833 = arith.constant 32 : index
      %swap3A_1834 = tpu.vector_load %arg11[%swap3A_1832, %swap3A_1833] {strides = array<i32>} : memref<512x64xf32, #tpu.memory_space<vmem>>, vector<16xf32>,
      tpu.vector_store %arg11[%swap3A_1832, %swap3A_1833], %get3A_1831 {strides = array<i32>} : memref<512x64xf32, #tpu.memory_space<vmem>>, vector<16xf32>,
      %get3A_1835 = arith.constant 1 : i32
      %get3A_1836 = arith.constant 0 : i32
      %get3A_1837 = arith.index_cast %get3A_1835 : i32 to index
      %get3A_1838 = arith.index_cast %get3A_1836 : i32 to index
      %get3A_1839 = arith.index_cast %add3A_1808 : i32 to index
      %get3A_1840 = arith.constant 16 : index
      %get3A_1841 = tpu.vector_load %arg10[%get3A_1837, %get3A_1838, %get3A_1839, %get3A_1840] {strides = array<i32>} : memref<2x2x64x32xf32, #tpu.memory_space<vmem>>, vector<16xf32>,
      %swap3A_1842 = arith.index_cast %add3A_1802 : i32 to index
      %swap3A_1843 = arith.constant 16 : index
      %swap3A_1844 = tpu.vector_load %arg11[%swap3A_1842, %swap3A_1843] {strides = array<i32>} : memref<512x64xf32, #tpu.memory_space<vmem>>, vector<16xf32>,
      tpu.vector_store %arg11[%swap3A_1842, %swap3A_1843], %get3A_1841 {strides = array<i32>} : memref<512x64xf32, #tpu.memory_space<vmem>>, vector<16xf32>,
      %get3A_1845 = arith.constant 1 : i32
      %get3A_1846 = arith.constant 1 : i32
      %get3A_1847 = arith.index_cast %get3A_1845 : i32 to index
      %get3A_1848 = arith.index_cast %get3A_1846 : i32 to index
      %get3A_1849 = arith.index_cast %add3A_1814 : i32 to index
      %get3A_1850 = arith.constant 16 : index
      %get3A_1851 = tpu.vector_load %arg10[%get3A_1847, %get3A_1848, %get3A_1849, %get3A_1850] {strides = array<i32>} : memref<2x2x64x32xf32, #tpu.memory_space<vmem>>, vector<16xf32>,
      %swap3A_1852 = arith.index_cast %add3A_1802 : i32 to index
      %swap3A_1853 = arith.constant 48 : index
      %swap3A_1854 = tpu.vector_load %arg11[%swap3A_1852, %swap3A_1853] {strides = array<i32>} : memref<512x64xf32, #tpu.memory_space<vmem>>, vector<16xf32>,
      tpu.vector_store %arg11[%swap3A_1852, %swap3A_1853], %get3A_1851 {strides = array<i32>} : memref<512x64xf32, #tpu.memory_space<vmem>>, vector<16xf32>,
    }
    %scan3A_422 = arith.constant 32 : i32
    %iota3A = tpu.iota {dimensions = array<i32: 0>} : vector<16xi32>
    %scan3A_423 = arith.constant 0 : i32
    %scan3A_424 = arith.constant 0 : i32
    %scan3A_425 = arith.constant 32 : i32
    %scan3A_426 = arith.addi %scan3A_424, %scan3A_425 : i32
    %scan3A_427 = arith.constant 1 : i32
    scf.for %scan3A_436 = %scan3A_424 to %scan3A_426 step %scan3A_427  : i32 {
      %mul3A_437 = arith.constant 16 : i32
      %mul3A_438 = arith.muli %scan3A_436, %mul3A_437 : i32
      %add3A_439 = vector.broadcast %mul3A_438 : i32 to vector<16xi32>
      %add3A_440 = arith.addi %add3A_439, %iota3A : vector<16xi32>
      %broadcast_in_dim3A = arith.constant 0.000000e+00 : f32
      %broadcast_in_dim3A_441 = vector.broadcast %broadcast_in_dim3A : f32 to vector<16xf32>
      %broadcast_in_dim3A_442 = arith.constant 0 : i32
      %broadcast_in_dim3A_443 = vector.broadcast %broadcast_in_dim3A_442 : i32 to vector<16xi32>
      %broadcast_in_dim3A_444 = arith.constant 32 : i32
      %broadcast_in_dim3A_445 = vector.broadcast %broadcast_in_dim3A_444 : i32 to vector<16xi32>
      %gather3A = tpu.vector_load_idx %arg11[%add3A_440, %broadcast_in_dim3A_443] : memref<512x64xf32, #tpu.memory_space<vmem>>[vector<16xi32>, vector<16xi32>], vector<16xf32>,
      %gather3A_446 = tpu.vector_load_idx %arg11[%add3A_440, %broadcast_in_dim3A_445] : memref<512x64xf32, #tpu.memory_space<vmem>>[vector<16xi32>, vector<16xi32>], vector<16xf32>,
      %mul3A_447 = arith.mulf %gather3A, %gather3A_446 : vector<16xf32>
      %add3A_448 = arith.addf %broadcast_in_dim3A_441, %mul3A_447 : vector<16xf32>
      %broadcast_in_dim3A_449 = arith.constant 1 : i32
      %broadcast_in_dim3A_450 = vector.broadcast %broadcast_in_dim3A_449 : i32 to vector<16xi32>
      %broadcast_in_dim3A_451 = arith.constant 33 : i32
      %broadcast_in_dim3A_452 = vector.broadcast %broadcast_in_dim3A_451 : i32 to vector<16xi32>
      %gather3A_453 = tpu.vector_load_idx %arg11[%add3A_440, %broadcast_in_dim3A_450] : memref<512x64xf32, #tpu.memory_space<vmem>>[vector<16xi32>, vector<16xi32>], vector<16xf32>,
      %gather3A_454 = tpu.vector_load_idx %arg11[%add3A_440, %broadcast_in_dim3A_452] : memref<512x64xf32, #tpu.memory_space<vmem>>[vector<16xi32>, vector<16xi32>], vector<16xf32>,
      %mul3A_455 = arith.mulf %gather3A_453, %gather3A_454 : vector<16xf32>
      %add3A_456 = arith.addf %add3A_448, %mul3A_455 : vector<16xf32>
      %broadcast_in_dim3A_457 = arith.constant 2 : i32
      %broadcast_in_dim3A_458 = vector.broadcast %broadcast_in_dim3A_457 : i32 to vector<16xi32>
      %broadcast_in_dim3A_459 = arith.constant 34 : i32
      %broadcast_in_dim3A_460 = vector.broadcast %broadcast_in_dim3A_459 : i32 to vector<16xi32>
      %gather3A_461 = tpu.vector_load_idx %arg11[%add3A_440, %broadcast_in_dim3A_458] : memref<512x64xf32, #tpu.memory_space<vmem>>[vector<16xi32>, vector<16xi32>], vector<16xf32>,
      %gather3A_462 = tpu.vector_load_idx %arg11[%add3A_440, %broadcast_in_dim3A_460] : memref<512x64xf32, #tpu.memory_space<vmem>>[vector<16xi32>, vector<16xi32>], vector<16xf32>,
      %mul3A_463 = arith.mulf %gather3A_461, %gather3A_462 : vector<16xf32>
      %add3A_464 = arith.addf %add3A_456, %mul3A_463 : vector<16xf32>
      %broadcast_in_dim3A_465 = arith.constant 3 : i32
      %broadcast_in_dim3A_466 = vector.broadcast %broadcast_in_dim3A_465 : i32 to vector<16xi32>
      %broadcast_in_dim3A_467 = arith.constant 35 : i32
      %broadcast_in_dim3A_468 = vector.broadcast %broadcast_in_dim3A_467 : i32 to vector<16xi32>
      %gather3A_469 = tpu.vector_load_idx %arg11[%add3A_440, %broadcast_in_dim3A_466] : memref<512x64xf32, #tpu.memory_space<vmem>>[vector<16xi32>, vector<16xi32>], vector<16xf32>,
      %gather3A_470 = tpu.vector_load_idx %arg11[%add3A_440, %broadcast_in_dim3A_468] : memref<512x64xf32, #tpu.memory_space<vmem>>[vector<16xi32>, vector<16xi32>], vector<16xf32>,
      %mul3A_471 = arith.mulf %gather3A_469, %gather3A_470 : vector<16xf32>
      %add3A_472 = arith.addf %add3A_464, %mul3A_471 : vector<16xf32>
      %broadcast_in_dim3A_473 = arith.constant 4 : i32
      %broadcast_in_dim3A_474 = vector.broadcast %broadcast_in_dim3A_473 : i32 to vector<16xi32>
      %broadcast_in_dim3A_475 = arith.constant 36 : i32
      %broadcast_in_dim3A_476 = vector.broadcast %broadcast_in_dim3A_475 : i32 to vector<16xi32>
      %gather3A_477 = tpu.vector_load_idx %arg11[%add3A_440, %broadcast_in_dim3A_474] : memref<512x64xf32, #tpu.memory_space<vmem>>[vector<16xi32>, vector<16xi32>], vector<16xf32>,
      %gather3A_478 = tpu.vector_load_idx %arg11[%add3A_440, %broadcast_in_dim3A_476] : memref<512x64xf32, #tpu.memory_space<vmem>>[vector<16xi32>, vector<16xi32>], vector<16xf32>,
      %mul3A_479 = arith.mulf %gather3A_477, %gather3A_478 : vector<16xf32>
      %add3A_480 = arith.addf %add3A_472, %mul3A_479 : vector<16xf32>
      %broadcast_in_dim3A_481 = arith.constant 5 : i32
      %broadcast_in_dim3A_482 = vector.broadcast %broadcast_in_dim3A_481 : i32 to vector<16xi32>
      %broadcast_in_dim3A_483 = arith.constant 37 : i32
      %broadcast_in_dim3A_484 = vector.broadcast %broadcast_in_dim3A_483 : i32 to vector<16xi32>
      %gather3A_485 = tpu.vector_load_idx %arg11[%add3A_440, %broadcast_in_dim3A_482] : memref<512x64xf32, #tpu.memory_space<vmem>>[vector<16xi32>, vector<16xi32>], vector<16xf32>,
      %gather3A_486 = tpu.vector_load_idx %arg11[%add3A_440, %broadcast_in_dim3A_484] : memref<512x64xf32, #tpu.memory_space<vmem>>[vector<16xi32>, vector<16xi32>], vector<16xf32>,
      %mul3A_487 = arith.mulf %gather3A_485, %gather3A_486 : vector<16xf32>
      %add3A_488 = arith.addf %add3A_480, %mul3A_487 : vector<16xf32>
      %broadcast_in_dim3A_489 = arith.constant 6 : i32
      %broadcast_in_dim3A_490 = vector.broadcast %broadcast_in_dim3A_489 : i32 to vector<16xi32>
      %broadcast_in_dim3A_491 = arith.constant 38 : i32
      %broadcast_in_dim3A_492 = vector.broadcast %broadcast_in_dim3A_491 : i32 to vector<16xi32>
      %gather3A_493 = tpu.vector_load_idx %arg11[%add3A_440, %broadcast_in_dim3A_490] : memref<512x64xf32, #tpu.memory_space<vmem>>[vector<16xi32>, vector<16xi32>], vector<16xf32>,
      %gather3A_494 = tpu.vector_load_idx %arg11[%add3A_440, %broadcast_in_dim3A_492] : memref<512x64xf32, #tpu.memory_space<vmem>>[vector<16xi32>, vector<16xi32>], vector<16xf32>,
      %mul3A_495 = arith.mulf %gather3A_493, %gather3A_494 : vector<16xf32>
      %add3A_496 = arith.addf %add3A_488, %mul3A_495 : vector<16xf32>
      %broadcast_in_dim3A_497 = arith.constant 7 : i32
      %broadcast_in_dim3A_498 = vector.broadcast %broadcast_in_dim3A_497 : i32 to vector<16xi32>
      %broadcast_in_dim3A_499 = arith.constant 39 : i32
      %broadcast_in_dim3A_500 = vector.broadcast %broadcast_in_dim3A_499 : i32 to vector<16xi32>
      %gather3A_501 = tpu.vector_load_idx %arg11[%add3A_440, %broadcast_in_dim3A_498] : memref<512x64xf32, #tpu.memory_space<vmem>>[vector<16xi32>, vector<16xi32>], vector<16xf32>,
      %gather3A_502 = tpu.vector_load_idx %arg11[%add3A_440, %broadcast_in_dim3A_500] : memref<512x64xf32, #tpu.memory_space<vmem>>[vector<16xi32>, vector<16xi32>], vector<16xf32>,
      %mul3A_503 = arith.mulf %gather3A_501, %gather3A_502 : vector<16xf32>
      %add3A_504 = arith.addf %add3A_496, %mul3A_503 : vector<16xf32>
      %broadcast_in_dim3A_505 = arith.constant 8 : i32
      %broadcast_in_dim3A_506 = vector.broadcast %broadcast_in_dim3A_505 : i32 to vector<16xi32>
      %broadcast_in_dim3A_507 = arith.constant 40 : i32
      %broadcast_in_dim3A_508 = vector.broadcast %broadcast_in_dim3A_507 : i32 to vector<16xi32>
      %gather3A_509 = tpu.vector_load_idx %arg11[%add3A_440, %broadcast_in_dim3A_506] : memref<512x64xf32, #tpu.memory_space<vmem>>[vector<16xi32>, vector<16xi32>], vector<16xf32>,
      %gather3A_510 = tpu.vector_load_idx %arg11[%add3A_440, %broadcast_in_dim3A_508] : memref<512x64xf32, #tpu.memory_space<vmem>>[vector<16xi32>, vector<16xi32>], vector<16xf32>,
      %mul3A_511 = arith.mulf %gather3A_509, %gather3A_510 : vector<16xf32>
      %add3A_512 = arith.addf %add3A_504, %mul3A_511 : vector<16xf32>
      %broadcast_in_dim3A_513 = arith.constant 9 : i32
      %broadcast_in_dim3A_514 = vector.broadcast %broadcast_in_dim3A_513 : i32 to vector<16xi32>
      %broadcast_in_dim3A_515 = arith.constant 41 : i32
      %broadcast_in_dim3A_516 = vector.broadcast %broadcast_in_dim3A_515 : i32 to vector<16xi32>
      %gather3A_517 = tpu.vector_load_idx %arg11[%add3A_440, %broadcast_in_dim3A_514] : memref<512x64xf32, #tpu.memory_space<vmem>>[vector<16xi32>, vector<16xi32>], vector<16xf32>,
      %gather3A_518 = tpu.vector_load_idx %arg11[%add3A_440, %broadcast_in_dim3A_516] : memref<512x64xf32, #tpu.memory_space<vmem>>[vector<16xi32>, vector<16xi32>], vector<16xf32>,
      %mul3A_519 = arith.mulf %gather3A_517, %gather3A_518 : vector<16xf32>
      %add3A_520 = arith.addf %add3A_512, %mul3A_519 : vector<16xf32>
      %broadcast_in_dim3A_521 = arith.constant 10 : i32
      %broadcast_in_dim3A_522 = vector.broadcast %broadcast_in_dim3A_521 : i32 to vector<16xi32>
      %broadcast_in_dim3A_523 = arith.constant 42 : i32
      %broadcast_in_dim3A_524 = vector.broadcast %broadcast_in_dim3A_523 : i32 to vector<16xi32>
      %gather3A_525 = tpu.vector_load_idx %arg11[%add3A_440, %broadcast_in_dim3A_522] : memref<512x64xf32, #tpu.memory_space<vmem>>[vector<16xi32>, vector<16xi32>], vector<16xf32>,
      %gather3A_526 = tpu.vector_load_idx %arg11[%add3A_440, %broadcast_in_dim3A_524] : memref<512x64xf32, #tpu.memory_space<vmem>>[vector<16xi32>, vector<16xi32>], vector<16xf32>,
      %mul3A_527 = arith.mulf %gather3A_525, %gather3A_526 : vector<16xf32>
      %add3A_528 = arith.addf %add3A_520, %mul3A_527 : vector<16xf32>
      %broadcast_in_dim3A_529 = arith.constant 11 : i32
      %broadcast_in_dim3A_530 = vector.broadcast %broadcast_in_dim3A_529 : i32 to vector<16xi32>
      %broadcast_in_dim3A_531 = arith.constant 43 : i32
      %broadcast_in_dim3A_532 = vector.broadcast %broadcast_in_dim3A_531 : i32 to vector<16xi32>
      %gather3A_533 = tpu.vector_load_idx %arg11[%add3A_440, %broadcast_in_dim3A_530] : memref<512x64xf32, #tpu.memory_space<vmem>>[vector<16xi32>, vector<16xi32>], vector<16xf32>,
      %gather3A_534 = tpu.vector_load_idx %arg11[%add3A_440, %broadcast_in_dim3A_532] : memref<512x64xf32, #tpu.memory_space<vmem>>[vector<16xi32>, vector<16xi32>], vector<16xf32>,
      %mul3A_535 = arith.mulf %gather3A_533, %gather3A_534 : vector<16xf32>
      %add3A_536 = arith.addf %add3A_528, %mul3A_535 : vector<16xf32>
      %broadcast_in_dim3A_537 = arith.constant 12 : i32
      %broadcast_in_dim3A_538 = vector.broadcast %broadcast_in_dim3A_537 : i32 to vector<16xi32>
      %broadcast_in_dim3A_539 = arith.constant 44 : i32
      %broadcast_in_dim3A_540 = vector.broadcast %broadcast_in_dim3A_539 : i32 to vector<16xi32>
      %gather3A_541 = tpu.vector_load_idx %arg11[%add3A_440, %broadcast_in_dim3A_538] : memref<512x64xf32, #tpu.memory_space<vmem>>[vector<16xi32>, vector<16xi32>], vector<16xf32>,
      %gather3A_542 = tpu.vector_load_idx %arg11[%add3A_440, %broadcast_in_dim3A_540] : memref<512x64xf32, #tpu.memory_space<vmem>>[vector<16xi32>, vector<16xi32>], vector<16xf32>,
      %mul3A_543 = arith.mulf %gather3A_541, %gather3A_542 : vector<16xf32>
      %add3A_544 = arith.addf %add3A_536, %mul3A_543 : vector<16xf32>
      %broadcast_in_dim3A_545 = arith.constant 13 : i32
      %broadcast_in_dim3A_546 = vector.broadcast %broadcast_in_dim3A_545 : i32 to vector<16xi32>
      %broadcast_in_dim3A_547 = arith.constant 45 : i32
      %broadcast_in_dim3A_548 = vector.broadcast %broadcast_in_dim3A_547 : i32 to vector<16xi32>
      %gather3A_549 = tpu.vector_load_idx %arg11[%add3A_440, %broadcast_in_dim3A_546] : memref<512x64xf32, #tpu.memory_space<vmem>>[vector<16xi32>, vector<16xi32>], vector<16xf32>,
      %gather3A_550 = tpu.vector_load_idx %arg11[%add3A_440, %broadcast_in_dim3A_548] : memref<512x64xf32, #tpu.memory_space<vmem>>[vector<16xi32>, vector<16xi32>], vector<16xf32>,
      %mul3A_551 = arith.mulf %gather3A_549, %gather3A_550 : vector<16xf32>
      %add3A_552 = arith.addf %add3A_544, %mul3A_551 : vector<16xf32>
      %broadcast_in_dim3A_553 = arith.constant 14 : i32
      %broadcast_in_dim3A_554 = vector.broadcast %broadcast_in_dim3A_553 : i32 to vector<16xi32>
      %broadcast_in_dim3A_555 = arith.constant 46 : i32
      %broadcast_in_dim3A_556 = vector.broadcast %broadcast_in_dim3A_555 : i32 to vector<16xi32>
      %gather3A_557 = tpu.vector_load_idx %arg11[%add3A_440, %broadcast_in_dim3A_554] : memref<512x64xf32, #tpu.memory_space<vmem>>[vector<16xi32>, vector<16xi32>], vector<16xf32>,
      %gather3A_558 = tpu.vector_load_idx %arg11[%add3A_440, %broadcast_in_dim3A_556] : memref<512x64xf32, #tpu.memory_space<vmem>>[vector<16xi32>, vector<16xi32>], vector<16xf32>,
      %mul3A_559 = arith.mulf %gather3A_557, %gather3A_558 : vector<16xf32>
      %add3A_560 = arith.addf %add3A_552, %mul3A_559 : vector<16xf32>
      %broadcast_in_dim3A_561 = arith.constant 15 : i32
      %broadcast_in_dim3A_562 = vector.broadcast %broadcast_in_dim3A_561 : i32 to vector<16xi32>
      %broadcast_in_dim3A_563 = arith.constant 47 : i32
      %broadcast_in_dim3A_564 = vector.broadcast %broadcast_in_dim3A_563 : i32 to vector<16xi32>
      %gather3A_565 = tpu.vector_load_idx %arg11[%add3A_440, %broadcast_in_dim3A_562] : memref<512x64xf32, #tpu.memory_space<vmem>>[vector<16xi32>, vector<16xi32>], vector<16xf32>,
      %gather3A_566 = tpu.vector_load_idx %arg11[%add3A_440, %broadcast_in_dim3A_564] : memref<512x64xf32, #tpu.memory_space<vmem>>[vector<16xi32>, vector<16xi32>], vector<16xf32>,
      %mul3A_567 = arith.mulf %gather3A_565, %gather3A_566 : vector<16xf32>
      %add3A_568 = arith.addf %add3A_560, %mul3A_567 : vector<16xf32>
      %broadcast_in_dim3A_569 = arith.constant 16 : i32
      %broadcast_in_dim3A_570 = vector.broadcast %broadcast_in_dim3A_569 : i32 to vector<16xi32>
      %broadcast_in_dim3A_571 = arith.constant 48 : i32
      %broadcast_in_dim3A_572 = vector.broadcast %broadcast_in_dim3A_571 : i32 to vector<16xi32>
      %gather3A_573 = tpu.vector_load_idx %arg11[%add3A_440, %broadcast_in_dim3A_570] : memref<512x64xf32, #tpu.memory_space<vmem>>[vector<16xi32>, vector<16xi32>], vector<16xf32>,
      %gather3A_574 = tpu.vector_load_idx %arg11[%add3A_440, %broadcast_in_dim3A_572] : memref<512x64xf32, #tpu.memory_space<vmem>>[vector<16xi32>, vector<16xi32>], vector<16xf32>,
      %mul3A_575 = arith.mulf %gather3A_573, %gather3A_574 : vector<16xf32>
      %add3A_576 = arith.addf %add3A_568, %mul3A_575 : vector<16xf32>
      %broadcast_in_dim3A_577 = arith.constant 17 : i32
      %broadcast_in_dim3A_578 = vector.broadcast %broadcast_in_dim3A_577 : i32 to vector<16xi32>
      %broadcast_in_dim3A_579 = arith.constant 49 : i32
      %broadcast_in_dim3A_580 = vector.broadcast %broadcast_in_dim3A_579 : i32 to vector<16xi32>
      %gather3A_581 = tpu.vector_load_idx %arg11[%add3A_440, %broadcast_in_dim3A_578] : memref<512x64xf32, #tpu.memory_space<vmem>>[vector<16xi32>, vector<16xi32>], vector<16xf32>,
      %gather3A_582 = tpu.vector_load_idx %arg11[%add3A_440, %broadcast_in_dim3A_580] : memref<512x64xf32, #tpu.memory_space<vmem>>[vector<16xi32>, vector<16xi32>], vector<16xf32>,
      %mul3A_583 = arith.mulf %gather3A_581, %gather3A_582 : vector<16xf32>
      %add3A_584 = arith.addf %add3A_576, %mul3A_583 : vector<16xf32>
      %broadcast_in_dim3A_585 = arith.constant 18 : i32
      %broadcast_in_dim3A_586 = vector.broadcast %broadcast_in_dim3A_585 : i32 to vector<16xi32>
      %broadcast_in_dim3A_587 = arith.constant 50 : i32
      %broadcast_in_dim3A_588 = vector.broadcast %broadcast_in_dim3A_587 : i32 to vector<16xi32>
      %gather3A_589 = tpu.vector_load_idx %arg11[%add3A_440, %broadcast_in_dim3A_586] : memref<512x64xf32, #tpu.memory_space<vmem>>[vector<16xi32>, vector<16xi32>], vector<16xf32>,
      %gather3A_590 = tpu.vector_load_idx %arg11[%add3A_440, %broadcast_in_dim3A_588] : memref<512x64xf32, #tpu.memory_space<vmem>>[vector<16xi32>, vector<16xi32>], vector<16xf32>,
      %mul3A_591 = arith.mulf %gather3A_589, %gather3A_590 : vector<16xf32>
      %add3A_592 = arith.addf %add3A_584, %mul3A_591 : vector<16xf32>
      %broadcast_in_dim3A_593 = arith.constant 19 : i32
      %broadcast_in_dim3A_594 = vector.broadcast %broadcast_in_dim3A_593 : i32 to vector<16xi32>
      %broadcast_in_dim3A_595 = arith.constant 51 : i32
      %broadcast_in_dim3A_596 = vector.broadcast %broadcast_in_dim3A_595 : i32 to vector<16xi32>
      %gather3A_597 = tpu.vector_load_idx %arg11[%add3A_440, %broadcast_in_dim3A_594] : memref<512x64xf32, #tpu.memory_space<vmem>>[vector<16xi32>, vector<16xi32>], vector<16xf32>,
      %gather3A_598 = tpu.vector_load_idx %arg11[%add3A_440, %broadcast_in_dim3A_596] : memref<512x64xf32, #tpu.memory_space<vmem>>[vector<16xi32>, vector<16xi32>], vector<16xf32>,
      %mul3A_599 = arith.mulf %gather3A_597, %gather3A_598 : vector<16xf32>
      %add3A_600 = arith.addf %add3A_592, %mul3A_599 : vector<16xf32>
      %broadcast_in_dim3A_601 = arith.constant 20 : i32
      %broadcast_in_dim3A_602 = vector.broadcast %broadcast_in_dim3A_601 : i32 to vector<16xi32>
      %broadcast_in_dim3A_603 = arith.constant 52 : i32
      %broadcast_in_dim3A_604 = vector.broadcast %broadcast_in_dim3A_603 : i32 to vector<16xi32>
      %gather3A_605 = tpu.vector_load_idx %arg11[%add3A_440, %broadcast_in_dim3A_602] : memref<512x64xf32, #tpu.memory_space<vmem>>[vector<16xi32>, vector<16xi32>], vector<16xf32>,
      %gather3A_606 = tpu.vector_load_idx %arg11[%add3A_440, %broadcast_in_dim3A_604] : memref<512x64xf32, #tpu.memory_space<vmem>>[vector<16xi32>, vector<16xi32>], vector<16xf32>,
      %mul3A_607 = arith.mulf %gather3A_605, %gather3A_606 : vector<16xf32>
      %add3A_608 = arith.addf %add3A_600, %mul3A_607 : vector<16xf32>
      %broadcast_in_dim3A_609 = arith.constant 21 : i32
      %broadcast_in_dim3A_610 = vector.broadcast %broadcast_in_dim3A_609 : i32 to vector<16xi32>
      %broadcast_in_dim3A_611 = arith.constant 53 : i32
      %broadcast_in_dim3A_612 = vector.broadcast %broadcast_in_dim3A_611 : i32 to vector<16xi32>
      %gather3A_613 = tpu.vector_load_idx %arg11[%add3A_440, %broadcast_in_dim3A_610] : memref<512x64xf32, #tpu.memory_space<vmem>>[vector<16xi32>, vector<16xi32>], vector<16xf32>,
      %gather3A_614 = tpu.vector_load_idx %arg11[%add3A_440, %broadcast_in_dim3A_612] : memref<512x64xf32, #tpu.memory_space<vmem>>[vector<16xi32>, vector<16xi32>], vector<16xf32>,
      %mul3A_615 = arith.mulf %gather3A_613, %gather3A_614 : vector<16xf32>
      %add3A_616 = arith.addf %add3A_608, %mul3A_615 : vector<16xf32>
      %broadcast_in_dim3A_617 = arith.constant 22 : i32
      %broadcast_in_dim3A_618 = vector.broadcast %broadcast_in_dim3A_617 : i32 to vector<16xi32>
      %broadcast_in_dim3A_619 = arith.constant 54 : i32
      %broadcast_in_dim3A_620 = vector.broadcast %broadcast_in_dim3A_619 : i32 to vector<16xi32>
      %gather3A_621 = tpu.vector_load_idx %arg11[%add3A_440, %broadcast_in_dim3A_618] : memref<512x64xf32, #tpu.memory_space<vmem>>[vector<16xi32>, vector<16xi32>], vector<16xf32>,
      %gather3A_622 = tpu.vector_load_idx %arg11[%add3A_440, %broadcast_in_dim3A_620] : memref<512x64xf32, #tpu.memory_space<vmem>>[vector<16xi32>, vector<16xi32>], vector<16xf32>,
      %mul3A_623 = arith.mulf %gather3A_621, %gather3A_622 : vector<16xf32>
      %add3A_624 = arith.addf %add3A_616, %mul3A_623 : vector<16xf32>
      %broadcast_in_dim3A_625 = arith.constant 23 : i32
      %broadcast_in_dim3A_626 = vector.broadcast %broadcast_in_dim3A_625 : i32 to vector<16xi32>
      %broadcast_in_dim3A_627 = arith.constant 55 : i32
      %broadcast_in_dim3A_628 = vector.broadcast %broadcast_in_dim3A_627 : i32 to vector<16xi32>
      %gather3A_629 = tpu.vector_load_idx %arg11[%add3A_440, %broadcast_in_dim3A_626] : memref<512x64xf32, #tpu.memory_space<vmem>>[vector<16xi32>, vector<16xi32>], vector<16xf32>,
      %gather3A_630 = tpu.vector_load_idx %arg11[%add3A_440, %broadcast_in_dim3A_628] : memref<512x64xf32, #tpu.memory_space<vmem>>[vector<16xi32>, vector<16xi32>], vector<16xf32>,
      %mul3A_631 = arith.mulf %gather3A_629, %gather3A_630 : vector<16xf32>
      %add3A_632 = arith.addf %add3A_624, %mul3A_631 : vector<16xf32>
      %broadcast_in_dim3A_633 = arith.constant 24 : i32
      %broadcast_in_dim3A_634 = vector.broadcast %broadcast_in_dim3A_633 : i32 to vector<16xi32>
      %broadcast_in_dim3A_635 = arith.constant 56 : i32
      %broadcast_in_dim3A_636 = vector.broadcast %broadcast_in_dim3A_635 : i32 to vector<16xi32>
      %gather3A_637 = tpu.vector_load_idx %arg11[%add3A_440, %broadcast_in_dim3A_634] : memref<512x64xf32, #tpu.memory_space<vmem>>[vector<16xi32>, vector<16xi32>], vector<16xf32>,
      %gather3A_638 = tpu.vector_load_idx %arg11[%add3A_440, %broadcast_in_dim3A_636] : memref<512x64xf32, #tpu.memory_space<vmem>>[vector<16xi32>, vector<16xi32>], vector<16xf32>,
      %mul3A_639 = arith.mulf %gather3A_637, %gather3A_638 : vector<16xf32>
      %add3A_640 = arith.addf %add3A_632, %mul3A_639 : vector<16xf32>
      %broadcast_in_dim3A_641 = arith.constant 25 : i32
      %broadcast_in_dim3A_642 = vector.broadcast %broadcast_in_dim3A_641 : i32 to vector<16xi32>
      %broadcast_in_dim3A_643 = arith.constant 57 : i32
      %broadcast_in_dim3A_644 = vector.broadcast %broadcast_in_dim3A_643 : i32 to vector<16xi32>
      %gather3A_645 = tpu.vector_load_idx %arg11[%add3A_440, %broadcast_in_dim3A_642] : memref<512x64xf32, #tpu.memory_space<vmem>>[vector<16xi32>, vector<16xi32>], vector<16xf32>,
      %gather3A_646 = tpu.vector_load_idx %arg11[%add3A_440, %broadcast_in_dim3A_644] : memref<512x64xf32, #tpu.memory_space<vmem>>[vector<16xi32>, vector<16xi32>], vector<16xf32>,
      %mul3A_647 = arith.mulf %gather3A_645, %gather3A_646 : vector<16xf32>
      %add3A_648 = arith.addf %add3A_640, %mul3A_647 : vector<16xf32>
      %broadcast_in_dim3A_649 = arith.constant 26 : i32
      %broadcast_in_dim3A_650 = vector.broadcast %broadcast_in_dim3A_649 : i32 to vector<16xi32>
      %broadcast_in_dim3A_651 = arith.constant 58 : i32
      %broadcast_in_dim3A_652 = vector.broadcast %broadcast_in_dim3A_651 : i32 to vector<16xi32>
      %gather3A_653 = tpu.vector_load_idx %arg11[%add3A_440, %broadcast_in_dim3A_650] : memref<512x64xf32, #tpu.memory_space<vmem>>[vector<16xi32>, vector<16xi32>], vector<16xf32>,
      %gather3A_654 = tpu.vector_load_idx %arg11[%add3A_440, %broadcast_in_dim3A_652] : memref<512x64xf32, #tpu.memory_space<vmem>>[vector<16xi32>, vector<16xi32>], vector<16xf32>,
      %mul3A_655 = arith.mulf %gather3A_653, %gather3A_654 : vector<16xf32>
      %add3A_656 = arith.addf %add3A_648, %mul3A_655 : vector<16xf32>
      %broadcast_in_dim3A_657 = arith.constant 27 : i32
      %broadcast_in_dim3A_658 = vector.broadcast %broadcast_in_dim3A_657 : i32 to vector<16xi32>
      %broadcast_in_dim3A_659 = arith.constant 59 : i32
      %broadcast_in_dim3A_660 = vector.broadcast %broadcast_in_dim3A_659 : i32 to vector<16xi32>
      %gather3A_661 = tpu.vector_load_idx %arg11[%add3A_440, %broadcast_in_dim3A_658] : memref<512x64xf32, #tpu.memory_space<vmem>>[vector<16xi32>, vector<16xi32>], vector<16xf32>,
      %gather3A_662 = tpu.vector_load_idx %arg11[%add3A_440, %broadcast_in_dim3A_660] : memref<512x64xf32, #tpu.memory_space<vmem>>[vector<16xi32>, vector<16xi32>], vector<16xf32>,
      %mul3A_663 = arith.mulf %gather3A_661, %gather3A_662 : vector<16xf32>
      %add3A_664 = arith.addf %add3A_656, %mul3A_663 : vector<16xf32>
      %broadcast_in_dim3A_665 = arith.constant 28 : i32
      %broadcast_in_dim3A_666 = vector.broadcast %broadcast_in_dim3A_665 : i32 to vector<16xi32>
      %broadcast_in_dim3A_667 = arith.constant 60 : i32
      %broadcast_in_dim3A_668 = vector.broadcast %broadcast_in_dim3A_667 : i32 to vector<16xi32>
      %gather3A_669 = tpu.vector_load_idx %arg11[%add3A_440, %broadcast_in_dim3A_666] : memref<512x64xf32, #tpu.memory_space<vmem>>[vector<16xi32>, vector<16xi32>], vector<16xf32>,
      %gather3A_670 = tpu.vector_load_idx %arg11[%add3A_440, %broadcast_in_dim3A_668] : memref<512x64xf32, #tpu.memory_space<vmem>>[vector<16xi32>, vector<16xi32>], vector<16xf32>,
      %mul3A_671 = arith.mulf %gather3A_669, %gather3A_670 : vector<16xf32>
      %add3A_672 = arith.addf %add3A_664, %mul3A_671 : vector<16xf32>
      %broadcast_in_dim3A_673 = arith.constant 29 : i32
      %broadcast_in_dim3A_674 = vector.broadcast %broadcast_in_dim3A_673 : i32 to vector<16xi32>
      %broadcast_in_dim3A_675 = arith.constant 61 : i32
      %broadcast_in_dim3A_676 = vector.broadcast %broadcast_in_dim3A_675 : i32 to vector<16xi32>
      %gather3A_677 = tpu.vector_load_idx %arg11[%add3A_440, %broadcast_in_dim3A_674] : memref<512x64xf32, #tpu.memory_space<vmem>>[vector<16xi32>, vector<16xi32>], vector<16xf32>,
      %gather3A_678 = tpu.vector_load_idx %arg11[%add3A_440, %broadcast_in_dim3A_676] : memref<512x64xf32, #tpu.memory_space<vmem>>[vector<16xi32>, vector<16xi32>], vector<16xf32>,
      %mul3A_679 = arith.mulf %gather3A_677, %gather3A_678 : vector<16xf32>
      %add3A_680 = arith.addf %add3A_672, %mul3A_679 : vector<16xf32>
      %broadcast_in_dim3A_681 = arith.constant 30 : i32
      %broadcast_in_dim3A_682 = vector.broadcast %broadcast_in_dim3A_681 : i32 to vector<16xi32>
      %broadcast_in_dim3A_683 = arith.constant 62 : i32
      %broadcast_in_dim3A_684 = vector.broadcast %broadcast_in_dim3A_683 : i32 to vector<16xi32>
      %gather3A_685 = tpu.vector_load_idx %arg11[%add3A_440, %broadcast_in_dim3A_682] : memref<512x64xf32, #tpu.memory_space<vmem>>[vector<16xi32>, vector<16xi32>], vector<16xf32>,
      %gather3A_686 = tpu.vector_load_idx %arg11[%add3A_440, %broadcast_in_dim3A_684] : memref<512x64xf32, #tpu.memory_space<vmem>>[vector<16xi32>, vector<16xi32>], vector<16xf32>,
      %mul3A_687 = arith.mulf %gather3A_685, %gather3A_686 : vector<16xf32>
      %add3A_688 = arith.addf %add3A_680, %mul3A_687 : vector<16xf32>
      %broadcast_in_dim3A_689 = arith.constant 31 : i32
      %broadcast_in_dim3A_690 = vector.broadcast %broadcast_in_dim3A_689 : i32 to vector<16xi32>
      %broadcast_in_dim3A_691 = arith.constant 63 : i32
      %broadcast_in_dim3A_692 = vector.broadcast %broadcast_in_dim3A_691 : i32 to vector<16xi32>
      %gather3A_693 = tpu.vector_load_idx %arg11[%add3A_440, %broadcast_in_dim3A_690] : memref<512x64xf32, #tpu.memory_space<vmem>>[vector<16xi32>, vector<16xi32>], vector<16xf32>,
      %gather3A_694 = tpu.vector_load_idx %arg11[%add3A_440, %broadcast_in_dim3A_692] : memref<512x64xf32, #tpu.memory_space<vmem>>[vector<16xi32>, vector<16xi32>], vector<16xf32>,
      %mul3A_695 = arith.mulf %gather3A_693, %gather3A_694 : vector<16xf32>
      %add3A_696 = arith.addf %add3A_688, %mul3A_695 : vector<16xf32>
      %mul3A_697 = arith.constant 16 : i32
      %mul3A_698 = arith.muli %scan3A_436, %mul3A_697 : i32
      %swap3A = arith.index_cast %mul3A_698 : i32 to index
      %swap3A_699 = tpu.vector_load %arg12[%swap3A] {strides = array<i32>} : memref<512xf32, #tpu.memory_space<vmem>>, vector<16xf32>,
      tpu.vector_store %arg12[%swap3A], %add3A_696 {strides = array<i32>} : memref<512xf32, #tpu.memory_space<vmem>>, vector<16xf32>,
    }
    %scan3A_428 = arith.constant 32 : i32
    %dma_start3A_429 = arith.constant 0 : i32
    %dma_start3A_430 = tpu.memref_slice %arg7[%mul3A_2, %dma_start3A_429] : memref<16384x64xf32, #tpu.memory_space<hbm>> -> memref<512x64xf32, #tpu.memory_space<hbm>>
    %dma_start3A_431 = arith.constant 0 : i32
    %dma_start3A_432 = tpu.memref_slice %arg7[%mul3A_2, %dma_start3A_431] : memref<16384x64xf32, #tpu.memory_space<hbm>> -> memref<512x64xf32, #tpu.memory_space<hbm>>
    tpu.enqueue_dma source(%arg11 : memref<512x64xf32, #tpu.memory_space<vmem>>) target(%dma_start3A_432 : memref<512x64xf32, #tpu.memory_space<hbm>>) target_semaphore(%arg14 : memref<!tpu.dma_semaphore, #tpu.memory_space<semaphore_mem>>)
    %dma_wait3A = arith.constant 0 : i32
    %dma_wait3A_433 = tpu.memref_slice %arg7[%mul3A_2, %dma_wait3A] : memref<16384x64xf32, #tpu.memory_space<hbm>> -> memref<512x64xf32, #tpu.memory_space<hbm>>
    %dma_wait3A_434 = arith.constant 0 : i32
    %dma_wait3A_435 = tpu.memref_slice %arg7[%mul3A_2, %dma_wait3A_434] : memref<16384x64xf32, #tpu.memory_space<hbm>> -> memref<512x64xf32, #tpu.memory_space<hbm>>
    tpu.wait_dma2 semaphore(%arg14 : memref<!tpu.dma_semaphore, #tpu.memory_space<semaphore_mem>>) src(%arg11 : memref<512x64xf32, #tpu.memory_space<vmem>>) dst(%dma_wait3A_435 : memref<512x64xf32, #tpu.memory_space<hbm>>)
    "tpu.region"() ({
      %run_scoped3A = tpu.sem_alloc : memref<!tpu.dma_semaphore, #tpu.memory_space<semaphore_mem>>
      %dma_start3A_436 = tpu.memref_slice %arg6[%mul3A_2] : memref<16384xf32, #tpu.memory_space<hbm>> -> memref<512xf32, #tpu.memory_space<hbm>>
      %dma_start3A_437 = tpu.memref_slice %arg6[%mul3A_2] : memref<16384xf32, #tpu.memory_space<hbm>> -> memref<512xf32, #tpu.memory_space<hbm>>
      tpu.enqueue_dma source(%arg12 : memref<512xf32, #tpu.memory_space<vmem>>) target(%dma_start3A_437 : memref<512xf32, #tpu.memory_space<hbm>>) target_semaphore(%run_scoped3A : memref<!tpu.dma_semaphore, #tpu.memory_space<semaphore_mem>>)
      %dma_wait3A_438 = tpu.memref_slice %arg6[%mul3A_2] : memref<16384xf32, #tpu.memory_space<hbm>> -> memref<512xf32, #tpu.memory_space<hbm>>
      %dma_wait3A_439 = tpu.memref_slice %arg6[%mul3A_2] : memref<16384xf32, #tpu.memory_space<hbm>> -> memref<512xf32, #tpu.memory_space<hbm>>
      tpu.wait_dma2 semaphore(%run_scoped3A : memref<!tpu.dma_semaphore, #tpu.memory_space<semaphore_mem>>) src(%arg12 : memref<512xf32, #tpu.memory_space<vmem>>) dst(%dma_wait3A_439 : memref<512xf32, #tpu.memory_space<hbm>>)
      tpu.yield
    }) : () -> ()
    return
  }
}

</mosaic_0001>

<sc_bundles>
// kernel: mf_dr_sc.3.cloned.1.call-start
scs
__scs_entry_jumppad:
0x0: {  	(pc) =	sbr.rel $0x88, $3  }
0x1: {  	(tag) =	ssettag $0x0;
	lr =	simm.s32 $0x1  }
0x2: {  	[smem:$0x3F9D] =	sst lr;
	_ =	strace $0xD0000000  }
0x3: {  	_ = 	snop  }
0x4: {  	_ = 	snop  }
0x5: {  	_ = 	snop  }
0x6: {  	_ = 	snop  }
0x7: {  	_ = 	snop  }
__scs_overlays_trampoline_lowered:
0x8: {  	[smem:$0x3FAC] =	sst s0  }
0x9: {  	[smem:$0x3FAD] =	sst s1  }
0xa: {  	[smem:$0x3FAE] =	sst s2  }
0xb: {  	[smem:$0x3FAF] =	sst s3  }
0xc: {  	[smem:$0x3FB0] =	sst s4  }
0xd: {  	[smem:$0x3FB1] =	sst s5  }
0xe: {  	[smem:$0x3FB2] =	sst s6  }
0xf: {  	[smem:$0x3FB3] =	sst s7  }
0x10: {  	[smem:$0x3FB4] =	sst s8  }
0x11: {  	[smem:$0x3FB5] =	sst s9;
	s0 =	simm.s32 @!p0 $0x0  }
0x12: {  	s1 =	sld [smem:$0x3F9B];
	s0 =	simm.s32 @p0 $0x1  }
0x13: {  	[smem:$0x3FB6] =	sst s0;
	s0 =	simm.s32 @!p1 $0x0  }
0x14: {  	s2 =	sld [smem:$0x3F9A];
	s0 =	simm.s32 @p1 $0x1  }
0x15: {  	[smem:$0x3FB7] =	sst s0;
	s0 =	simm.s32 @!p2 $0x0  }
0x16: {  	s3 =	sld [smem:$0x3FDB];
	s0 =	simm.s32 @p2 $0x1  }
0x17: {  	s4 =	simm.s32 $0x1BF5;
	[smem:$0x3FB9] =	sst s0  }
0x18: {  	s0 =	sld [smem:$0x3F9C];
	_ =	swait.ge [sflag:s4], $0x0  }
0x19: {  	s7 =	sld [smem:$0x3F9D]  }
0x1a: {  	s8 =	sadd.s32 $0xFFFFE003, lr  }
0x1b: {  	s9 =	sadd.s32 $0xFFFFFEF7, lr;
	s5 =	simm.s32 $0xFFFFFFFF;
	p2 =	slt.u32 s8, $0xFFFFF086  }
0x1c: {  	p1 =	slt.u32 s9, $0xF7A;
	s5 =	simm.s32 @!p2 $0x0  }
0x1d: {  	s5 =	simm.s32 @p1 $0x1;
	p0 =	seq.s32 s7, s2  }
0x1e: {  	s7 =	smul.u32 @!p0 $0xF7A, s2;
	p2 =	seq.s32 @!p0 s5, $0x0  }
0x1f: {  	s9 =	smul.u32 $0xF7A, s1;
	s8 =	simm.s32 @!p0 $0x1BF5;
	p2 =	por !p2, p0  }
0x20: {  	[sflag:s8] =	ssyncset.s32 @!p0 $0xFFFFF086;
	s6 =	sadd.s32 @!p0 s3, s7;
	s7 =	simm.s32 @!p0 $0x108  }
0x21: {  	s3 =	sadd.s32 s3, s9;
	s6 =	sadd.s32 @!p0 $0x88, s6;
	s7 =	simm.s32 @p2 $0x1082  }
0x22: {  	[simem:s7], [sflag:s8] =	dma.local @!p0 [hbm:s6], $0xF7A  }
0x23: {  	s9 =	sor.u32 $0xD0000000, s2;
	s6 =	simm.s32 $0x108;
	_ =	swait.ge @!p0 [sflag:s8], $0x0  }
0x24: {  	s3 =	sadd.s32 $0x88, s3;
	s6 =	simm.s32 @!p1 $0x1082;
	[sflag:s4] =	ssyncset.s32 $0xFFFFF086  }
0x25: {  	[simem:s6], [sflag:s4] =	dma.local [hbm:s3], $0xF7A  }
0x26: {  	[smem:$0x3F9D] =	sst s1;
	(tag) =	ssettag s2;
	_ =	strace s9  }
0x27: {  	s1 =	sld [smem:$0x3FAD]  }
0x28: {  	s2 =	sld [smem:$0x3FAE]  }
0x29: {  	s4 =	sld [smem:$0x3FB0]  }
0x2a: {  	p0 =	seq.s32 s5, $0x0;
	s5 =	sld [smem:$0x3FB1]  }
0x2b: {  	s6 =	sld [smem:$0x3FB2]  }
0x2c: {  	s7 =	sld [smem:$0x3FB3]  }
0x2d: {  	s3 =	simm.s32 $0x108;
	s8 =	sld [smem:$0x3FB4]  }
0x2e: {  	s3 =	simm.s32 @!p0 $0x1082;
	s9 =	sld [smem:$0x3FB5]  }
0x2f: {  	lr =	sadd.s32 s0, s3;
	s0 =	sld [smem:$0x3FAC]  }
0x30: {  	s3 =	sld [smem:$0x3FAF]  }
0x31: {  	[smem:$0x3FB8] =	sst s10  }
0x32: {  	s10 =	sld [smem:$0x3FB6];
	_ =	sdelay $0x3  }
0x33: {  	p0 =	seq.s32 s10, $0x1;
	s10 =	sld [smem:$0x3FB8];
	_ =	sdelay $0x3  }
0x34: {  	[smem:$0x3FB8] =	sst s10  }
0x35: {  	s10 =	sld [smem:$0x3FB7];
	_ =	sdelay $0x3  }
0x36: {  	p1 =	seq.s32 s10, $0x1;
	s10 =	sld [smem:$0x3FB8];
	_ =	sdelay $0x3  }
0x37: {  	[smem:$0x3FB8] =	sst s10  }
0x38: {  	s10 =	sld [smem:$0x3FB9]  }
0x39: {  	_ = 	snop;
	(pc) =	sbr.ind lr, $3  }
0x3a: {  	_ = 	snop  }
0x3b: {  	_ = 	snop  }
0x3c: {  	p2 =	seq.s32 s10, $0x1;
	s10 =	sld [smem:$0x3FB8]  }
0x3d: {  	_ =	shalt  }
0x3e: {  	_ =	shalt  }
0x3f: {  	_ =	shalt  }
0x40: {  	_ =	shalt  }
0x41: {  	_ =	shalt  }
0x42: {  	_ =	shalt  }
0x43: {  	_ =	shalt  }
0x44: {  	_ =	shalt  }
0x45: {  	_ =	shalt  }
0x46: {  	_ =	shalt  }
0x47: {  	_ =	shalt  }
0x48: {  	_ =	shalt  }
0x49: {  	_ =	shalt  }
0x4a: {  	_ =	shalt  }
0x4b: {  	_ =	shalt  }
0x4c: {  	_ =	shalt  }
0x4d: {  	_ =	shalt  }
0x4e: {  	_ =	shalt  }
0x4f: {  	_ =	shalt  }
0x50: {  	_ =	shalt  }
0x51: {  	_ =	shalt  }
0x52: {  	_ =	shalt  }
0x53: {  	_ =	shalt  }
0x54: {  	_ =	shalt  }
0x55: {  	_ =	shalt  }
0x56: {  	_ =	shalt  }
0x57: {  	_ =	shalt  }
0x58: {  	_ =	shalt  }
0x59: {  	_ =	shalt  }
0x5a: {  	_ =	shalt  }
0x5b: {  	_ =	shalt  }
0x5c: {  	_ =	shalt  }
0x5d: {  	_ =	shalt  }
0x5e: {  	_ =	shalt  }
0x5f: {  	_ =	shalt  }
0x60: {  	_ =	shalt  }
0x61: {  	_ =	shalt  }
0x62: {  	_ =	shalt  }
0x63: {  	_ =	shalt  }
0x64: {  	_ =	shalt  }
0x65: {  	_ =	shalt  }
0x66: {  	_ =	shalt  }
0x67: {  	_ =	shalt  }
0x68: {  	_ =	shalt  }
0x69: {  	_ =	shalt  }
0x6a: {  	_ =	shalt  }
0x6b: {  	_ =	shalt  }
0x6c: {  	_ =	shalt  }
0x6d: {  	_ =	shalt  }
0x6e: {  	_ =	shalt  }
0x6f: {  	_ =	shalt  }
0x70: {  	_ =	shalt  }
0x71: {  	_ =	shalt  }
0x72: {  	_ =	shalt  }
0x73: {  	_ =	shalt  }
0x74: {  	_ =	shalt  }
0x75: {  	_ =	shalt  }
0x76: {  	_ =	shalt  }
0x77: {  	_ =	shalt  }
0x78: {  	_ =	shalt  }
0x79: {  	_ =	shalt  }
0x7a: {  	_ =	shalt  }
0x7b: {  	_ =	shalt  }
0x7c: {  	_ =	shalt  }
0x7d: {  	_ =	shalt  }
0x7e: {  	_ =	shalt  }
0x7f: {  	_ =	shalt  }
0x80: {  	_ =	shalt  }
0x81: {  	_ =	shalt  }
0x82: {  	_ =	shalt  }
0x83: {  	_ =	shalt  }
0x84: {  	_ =	shalt  }
0x85: {  	_ =	shalt  }
0x86: {  	_ =	shalt  }
0x87: {  	_ =	shalt  }
.Lfunc_end0:
.L_simem_size_0:
called_computation_lowered:
.L_overlay_start_0:
0x88: {  	s2 =	sld [smem:$0x3FD9]  }
0x89: {  	s3 =	sld [smem:$0x3FFE];
	_ =	sdelay $0x1  }
0x8a: {  	s1 =	srdreg.scid  }
0x8b: {  	s0 =	sand.u32 $0x1, s1  }
0x8c: {  	s14 =	sshll.u32 s0, $0xA;
	s2 =	sadd.s32 s3, s2  }
0x8d: {  	s2 =	sadd.s32 s2, s14  }
0x8e: {  	[smem:$0x3FC4] =	sst s2  }
0x8f: {  	_ = 	snop  }
0x90: {  	s2 =	sld [smem:$0x3FD0];
	_ =	sdelay $0x1  }
0x91: {  	s15 =	sld [smem:$0x3FC9]  }
0x92: {  	s5 =	simm.s32 $0xA;
	s6 =	simm.s32 $0x10;
	s4 =	sld [smem:$0x3FC8]  }
0x93: {  	[smem:s6], [sflag:s5] =	dma.local [hbm:s2], $0x1  }
0x94: {  	_ =	swait.eq [sflag:s5], $0x1  }
0x95: {  	[sflag:s5] =	ssyncset.done $0x0  }
0x96: {  	[sflag:s5] =	ssyncadd.s32 $0xFFFFFFFF  }
0x97: {  	s16 =	sld [smem:$0x10];
	(tm) =	ssettm $0x1  }
0x98: {  	s17 =	sld [smem:$0x3FFB];
	_ =	sdelay $0x3  }
0x99: {  	_ =	strace s17  }
0x9a: {  	s5 =	sld [smem:$0x3FFC];
	_ =	sdelay $0x3  }
0x9b: {  	_ =	strace s5  }
0x9c: {  	s5 =	sld [smem:$0x3FFD];
	_ =	sdelay $0x3  }
0x9d: {  	_ =	strace s5  }
0x9e: {  	_ =	strace $0x8FFFFFFF  }
0x9f: {  	s18 =	sld [smem:$0x3FDB];
	_ =	sdelay $0x1  }
0xa0: {  	s19 =	simm.s32 $_scs_section_size  }
0xa1: {  	s7 =	simm.s32 $_size__tile_overlayer_lowered;
	s8 =	simm.s32 $_tile_overlayer_lowered  }
0xa2: {  	s22 =	simm.s32 $0x1BFF;
	s21 =	sshll.u32 s8, $0x1;
	s5 =	sadd.s32 s19, s18  }
0xa3: {  	s9 =	simm.s32 $0x0;
	s20 =	sshll.u32 s7, $0x1;
	s7 =	sadd.s32 s21, s5  }
0xa4: {  	[timem:s9], [sflag:s22] =	dma.local [hbm:s7], s20  }
0xa5: {  	_ =	swait.ge [sflag:s22], s20  }
0xa6: {  	s6 =	ssub.s32 $0x0, s20;
	[sflag:s22] =	ssyncset.done $0x0  }
0xa7: {  	[sflag:s22] =	ssyncadd.s32 s6;
	_ =	sdelay $0x1  }
0xa8: {  	s23 =	simm.s32 $0x1B8B  }
0xa9: {  	_ =	swait.ge [sflag:s23], $0x1  }
0xaa: {  	[sflag:s23] =	ssyncset.done $0x0  }
0xab: {  	s25 =	simm.s32 $0x1B8E;
	s24 =	sld [smem:$0x3FFE];
	[sflag:s23] =	ssyncadd.s32 $0xFFFFFFFF  }
0xac: {  	s26 =	simm.s32 $execute0_lowered;
	[smem:$0x3FD2] =	sst s25  }
0xad: {  	s7 =	sshll.u32 s26, $0x1;
	_ =	strace $0x80000046;
	[dreg:$0x1] =	wrdreg $0xFFFFFFFF  }
0xae: {  	s28 =	simm.s32 $_size_execute0_lowered;
	s5 =	sadd.s32 s5, s7;
	[dreg:$0x0] =	wrdreg $0x0  }
0xaf: {  	s7 =	sshll.u32 s28, $0x1;
	[dreg:$0x2] =	wrdreg s5  }
0xb0: {  	[dreg:$0x3] =	wrdreg s7  }
0xb1: {  	[dreg:$0x4] =	wrdreg $0xC0  }
0xb2: {  	_ =	task [dreg:s9], $0x5FFFF  }
0xb3: {  	[dreg:$0x1] =	wrdreg $0xFFFFFFFF  }
0xb4: {  	[dreg:$0x0] =	wrdreg $0x60  }
0xb5: {  	[dreg:$0x2] =	wrdreg s15  }
0xb6: {  	[dreg:$0x3] =	wrdreg s4  }
0xb7: {  	[dreg:$0x4] =	wrdreg s24  }
0xb8: {  	[dreg:$0x5] =	wrdreg s16  }
0xb9: {  	[dreg:$0x6] =	wrdreg $0x9  }
0xba: {  	_ =	task.clear_ibuf [dreg:s9], $0x7FFFF;
	_ =	strace $0x90000046  }
0xbb: {  	s29 =	simm.s32 $0x9;
	_ =	strace $0x80000048  }
0xbc: {  	_ =	swait.ge [sflag:s29], $0x1  }
0xbd: {  	[sflag:s29] =	ssyncadd.s32 $0xFFFFFFFF  }
0xbe: {  	_ =	strace $0x90000048  }
0xbf: {  	_ =	sfence  }
0xc0: {  	s30 =	sld [smem:$0x0];
	_ =	sdelay $0x2  }
0xc1: {  	s31 =	sshll.u32 s1, $0xD;
	s1 =	sshrl.u32 s1, $0x2  }
0xc2: {  	s3 =	sand.u32 $0x4000, s31;
	s1 =	sadd.s32 s1, s30  }
0xc3: {  	s0 =	sor.u32 s3, s0;
	s1 =	sshll.u32 s1, $0x11  }
0xc4: {  	s0 =	sor.u32 s1, s0  }
0xc5: {  	s0 =	sadd.s32 $0x8F2B, s0  }
0xc6: {  	[sflag:s0] =	ssyncadd.remote.s32 $0x1  }
0xc7: {  	_ =	sfence.sel $0xFFFF  }
0xc8: {  	[dreg:$0x0] =	wrdreg $0xFFFFFFFF;
	(pc) =	sbr.abs _section_cstart, $3  }
0xc9: {  	[dreg:$0x1] =	wrdreg $0xFFFFFFFF  }
0xca: {  	_ =	task.clear_ibuf [dreg:s9], $0x2FFFF;
	_ =	strace $0x9FFFFFFF  }
0xcb: {  	(tm) =	ssettm $0x7FFFFFFF  }
tec
execute0_lowered:
.L_overlay_start_1:
0x0: {  	(tag) =	ssettag $0x1  }
0x1: {  	s0 =	rddreg [dreg:$0x0]  }
0x2: {  	s1 =	rddreg [dreg:$0x1]  }
0x3: {  	s5 =	rddreg [dreg:$0x2]  }
0x4: {  	s6 =	rddreg [dreg:$0x3]  }
0x5: {  	s3 =	srdreg.scid;
	s2 =	simm.s32 $0x0;
	s4 =	stileid.u32  }
0x6: {  	s14 =	simm.s32 $0x6000;
	s15 =	simm.s32 $0x8000;
	s16 =	simm.s32 $0x1  }
0x7: {  	s17 =	simm.s32 $0x2;
	s18 =	simm.s32 $0x3;
	s7 =	sand.u32 $0x1, s3  }
0x8: {  	s19 =	simm.s32 $0x4;
	s4 =	sshll.u32 s4, $0xA;
	s8 =	sshll.u32 s7, $0x9  }
0x9: {  	[smem:$0x7FF] =	sst s2;
	s3 =	sadd.s32 $0x800, s5;
	s8 =	sor.u32 s8, s4  }
0xa: {  	_ =	strace $0x80000047;
	s9 =	sshll.u32 s8, $0x4;
	s8 =	sshrl.u32 s8, $0x3  }
0xb: {  	s7 =	ssub.s32 $0x2, s7;
	s4 =	sadd.s32 $0xF42C00, s5;
	s0 =	sadd.s32 s0, s8  }
0xc: {  	s26 =	sshrl.u32 s7, $0x1;
	s28 =	sadd.s32 s1, s8;
	[dreg:$0x5] =	wrdreg s0  }
0xd: {  	s7 =	ssub.s32 s7, s26;
	s30 =	sadd.s32 s6, s8;
	[dreg:$0x6] =	wrdreg s28  }
0xe: {  	v0 =	vlaneseq.u32;
	s5 =	sadd.s32 s9, s5;
	s31 =	smax.u32 s7, $0x1;
	[dreg:$0x8] =	wrdreg s30  }
0xf: {  	s20 =	simm.s32 $0x8400;
	v0 =	vmul.u32 $0x80, v0;
	s29 =	sadd.s32 $0x1E85000, s5;
	[dreg:$0x9] =	wrdreg s31  }
0x10: {  	s1 =	simm.s32 $0x6;
	s5 =	simm.s32 $0x0;
	[dreg:$0x7] =	wrdreg s29  }
.LBB2_1:
0x11: {  	[dreg:$0xa] =	wrdreg s5  }
0x12: {  	s0 =	rddreg [dreg:$0x5]  }
0x13: {  	[tilespmem:s2], [sflag:$0x6] =	stream.linear.gather [hbm4b:s0+s2], $0x200, $0x38;
	[tilespmem:$0x18600] =	vst v63  }
0x14: {  	_ =	swait.ge [sflag:s1], $0x200  }
0x15: {  	[sflag:s1] =	ssyncset.done $0x0  }
0x16: {  	s7 =	simm.s32 $0x200;
	s6 =	rddreg [dreg:$0x6];
	[sflag:s1] =	ssyncadd.s32 $0xFFFFFE00  }
0x17: {  	[tilespmem:s7], [sflag:$0x6] =	stream.linear.gather [hbm4b:s6+s2], $0x200, $0x38;
	[tilespmem:$0x18600] =	vst v63  }
0x18: {  	_ =	swait.ge [sflag:s1], $0x200  }
0x19: {  	[sflag:s1] =	ssyncset.done $0x0  }
0x1a: {  	[sflag:s1] =	ssyncadd.s32 $0xFFFFFE00  }
0x1b: {  	v1 =	vld [tilespmem:$0x0]  }
0x1c: {  	v2 =	vld [tilespmem:$0x200];
	_ =	sdelay $0x3  }
0x1d: {  	v1 =	vshll.u32 v1, $0x4  }
0x1e: {  	v2 =	vshll.u32 v2, $0x4;
	(v2sf) =	vpush v1, $0x0  }
0x1f: {  	(v2sf) =	vpush v2, $0x0;
	_ =	sdelay $0x5  }
0x20: {  	(v2sf) =	vpush v1, $0x1;
	_ =	sdelay $0x1  }
0x21: {  	(v2sf) =	vpush v2, $0x1;
	_ =	sdelay $0x5  }
0x22: {  	s8 =	spop (v2sf);
	(v2sf) =	vpush v1, $0x2  }
0x23: {  	s10 =	spop (v2sf);
	(v2sf) =	vpush v2, $0x2;
	_ =	sdelay $0x4  }
0x24: {  	s0 =	sand.u32 $0x1FFFFF80, s8  }
0x25: {  	s9 =	simm.s32 $0x400;
	s0 =	sadd.s32 s3, s0;
	s12 =	spop (v2sf);
	(v2sf) =	vpush v1, $0x3  }
0x26: {  	[tilespmem:s9], [sflag:$0x1] =	stream.linear.gather [hbm4b:s0+s2], $0x400, $0x38;
	[tilespmem:$0x18600] =	vst v63  }
0x27: {  	s0 =	sand.u32 $0x1FFFFF80, s10;
	s21 =	spop (v2sf);
	(v2sf) =	vpush v2, $0x3  }
0x28: {  	s11 =	simm.s32 $0x2400;
	s0 =	sadd.s32 s4, s0  }
0x29: {  	[tilespmem:s11], [sflag:$0x2] =	stream.linear.gather [hbm4b:s0+s2], $0x400, $0x38;
	[tilespmem:$0x18600] =	vst v63  }
0x2a: {  	s0 =	sand.u32 $0x1FFFFF80, s12  }
0x2b: {  	s13 =	simm.s32 $0x800;
	s0 =	sadd.s32 s3, s0  }
0x2c: {  	[tilespmem:s13], [sflag:$0x1] =	stream.linear.gather [hbm4b:s0+s2], $0x400, $0x38;
	[tilespmem:$0x18600] =	vst v63  }
0x2d: {  	s0 =	sand.u32 $0x1FFFFF80, s21;
	s23 =	spop (v2sf);
	(v2sf) =	vpush v1, $0x4  }
0x2e: {  	s22 =	simm.s32 $0x2800;
	s0 =	sadd.s32 s4, s0;
	s25 =	spop (v2sf);
	(v2sf) =	vpush v2, $0x4  }
0x2f: {  	[tilespmem:s22], [sflag:$0x2] =	stream.linear.gather [hbm4b:s0+s2], $0x400, $0x38;
	[tilespmem:$0x18600] =	vst v63  }
0x30: {  	s0 =	sand.u32 $0x1FFFFF80, s23;
	(v2sf) =	vpush v1, $0x5  }
0x31: {  	s24 =	simm.s32 $0xC00;
	s0 =	sadd.s32 s3, s0  }
0x32: {  	[tilespmem:s24], [sflag:$0x1] =	stream.linear.gather [hbm4b:s0+s2], $0x400, $0x38;
	[tilespmem:$0x18600] =	vst v63  }
0x33: {  	s0 =	sand.u32 $0x1FFFFF80, s25  }
0x34: {  	s26 =	simm.s32 $0x2C00;
	s28 =	spop (v2sf);
	s0 =	sadd.s32 s4, s0  }
0x35: {  	(v2sf) =	vpush v2, $0x5;
	[tilespmem:s26], [sflag:$0x2] =	stream.linear.gather [hbm4b:s0+s2], $0x400, $0x38;
	[tilespmem:$0x18600] =	vst v63  }
0x36: {  	s30 =	spop (v2sf);
	(v2sf) =	vpush v1, $0x6;
	s0 =	sand.u32 $0x1FFFFF80, s28  }
0x37: {  	s29 =	simm.s32 $0x1000;
	s0 =	sadd.s32 s3, s0  }
0x38: {  	[tilespmem:s29], [sflag:$0x1] =	stream.linear.gather [hbm4b:s0+s2], $0x400, $0x38;
	[tilespmem:$0x18600] =	vst v63  }
0x39: {  	s0 =	sand.u32 $0x1FFFFF80, s30  }
0x3a: {  	s31 =	simm.s32 $0x3000;
	s0 =	sadd.s32 s4, s0  }
0x3b: {  	[tilespmem:s31], [sflag:$0x2] =	stream.linear.gather [hbm4b:s0+s2], $0x400, $0x38;
	[tilespmem:$0x18600] =	vst v63  }
0x3c: {  	s1 =	spop (v2sf);
	(v2sf) =	vpush v2, $0x6  }
0x3d: {  	s6 =	spop (v2sf);
	(v2sf) =	vpush v1, $0x7  }
0x3e: {  	s0 =	sand.u32 $0x1FFFFF80, s1  }
0x3f: {  	s5 =	simm.s32 $0x1400;
	s0 =	sadd.s32 s3, s0;
	s8 =	spop (v2sf)  }
0x40: {  	(v2sf) =	vpush v2, $0x7;
	[tilespmem:s5], [sflag:$0x1] =	stream.linear.gather [hbm4b:s0+s2], $0x400, $0x38;
	[tilespmem:$0x18600] =	vst v63  }
0x41: {  	s0 =	sand.u32 $0x1FFFFF80, s6  }
0x42: {  	s7 =	simm.s32 $0x3400;
	s0 =	sadd.s32 s4, s0  }
0x43: {  	[tilespmem:s7], [sflag:$0x2] =	stream.linear.gather [hbm4b:s0+s2], $0x400, $0x38;
	[tilespmem:$0x18600] =	vst v63  }
0x44: {  	s10 =	simm.s32 $0x1800;
	s9 =	spop (v2sf);
	s0 =	sand.u32 $0x1FFFFF80, s8  }
0x45: {  	s11 =	sand.u32 $0x1FFFFF80, s9;
	s12 =	spop (v2sf);
	s0 =	sadd.s32 s3, s0  }
0x46: {  	[tilespmem:s10], [sflag:$0x1] =	stream.linear.gather [hbm4b:s0+s2], $0x400, $0x38;
	[tilespmem:$0x18600] =	vst v63  }
0x47: {  	s13 =	simm.s32 $0x3800;
	s21 =	sand.u32 $0x1FFFFF80, s12;
	s0 =	sadd.s32 s4, s11  }
0x48: {  	[tilespmem:s13], [sflag:$0x2] =	stream.linear.gather [hbm4b:s0+s2], $0x400, $0x38;
	[tilespmem:$0x18600] =	vst v63  }
0x49: {  	s23 =	simm.s32 $0x1C00;
	s0 =	sadd.s32 s3, s21  }
0x4a: {  	[tilespmem:s23], [sflag:$0x1] =	stream.linear.gather [hbm4b:s0+s2], $0x400, $0x38;
	[tilespmem:$0x18600] =	vst v63  }
0x4b: {  	s22 =	spop (v2sf)  }
0x4c: {  	s26 =	simm.s32 $0x3C00;
	s24 =	sand.u32 $0x1FFFFF80, s22;
	s25 =	spop (v2sf)  }
0x4d: {  	s29 =	simm.s32 $0x2000;
	s0 =	sadd.s32 s4, s24;
	s28 =	sand.u32 $0x1FFFFF80, s25  }
0x4e: {  	[tilespmem:s26], [sflag:$0x2] =	stream.linear.gather [hbm4b:s0+s2], $0x400, $0x38;
	[tilespmem:$0x18600] =	vst v63  }
.Ltmp0:
0x4f: {  	s30 =	spop (v2sf);
	s0 =	sadd.s32 s3, s28;
	(pc) =	sbr.rel .LBB2_2-.Ltmp0, $4  }
0x50: {  	[tilespmem:s29], [sflag:$0x1] =	stream.linear.gather [hbm4b:s0+s2], $0x400, $0x38;
	[tilespmem:$0x18600] =	vst v63  }
0x51: {  	s31 =	simm.s32 $0x4000;
	s0 =	sand.u32 $0x1FFFFF80, s30  }
0x52: {  	s21 =	simm.s32 $0x8800;
	s22 =	simm.s32 $0x0;
	s0 =	sadd.s32 s4, s0  }
0x53: {  	[tilespmem:s31], [sflag:$0x2] =	stream.linear.gather [hbm4b:s0+s2], $0x400, $0x38;
	[tilespmem:$0x18600] =	vst v63  }
.LBB2_4:
0x54: {  	_ =	swait.ge [sflag:s18], $0x2000  }
0x55: {  	[sflag:s18] =	ssyncset.done $0x0  }
0x56: {  	[sflag:s18] =	ssyncadd.s32 $0xFFFFE000  }
0x57: {  	_ =	swait.ge [sflag:s19], $0x2000  }
0x58: {  	s0 =	sshll.u32 s0, $0x7;
	[sflag:s19] =	ssyncset.done $0x0  }
0x59: {  	s0 =	sand.u32 $0x380, s0;
	[sflag:s19] =	ssyncadd.s32 $0xFFFFE000  }
0x5a: {  	v1 =	vld [tilespmem:s0+$0x4400];
	_ =	sdelay $0x3  }
0x5b: {  	s10 =	sshll.u32 s26, $0x7  }
0x5c: {  	s10 =	sand.u32 $0x380, s10;
	[tilespmem:s21+$0x0] =	vst v1  }
0x5d: {  	v1 =	vld [tilespmem:s10+$0x6400];
	_ =	sdelay $0x4  }
0x5e: {  	[tilespmem:s21+$0x20] =	vst v1  }
0x5f: {  	v1 =	vld [tilespmem:s0+$0x4410];
	_ =	sdelay $0x4  }
0x60: {  	[tilespmem:s21+$0x10] =	vst v1  }
0x61: {  	v1 =	vld [tilespmem:s10+$0x6410];
	_ =	sdelay $0x3  }
0x62: {  	s13 =	sshll.u32 s1, $0x7  }
0x63: {  	s0 =	sand.u32 $0x380, s13;
	[tilespmem:s21+$0x30] =	vst v1  }
0x64: {  	v1 =	vld [tilespmem:s0+$0x4800];
	_ =	sdelay $0x3  }
0x65: {  	s26 =	sshll.u32 s28, $0x7  }
0x66: {  	s1 =	sand.u32 $0x380, s26;
	[tilespmem:s21+$0x80] =	vst v1  }
0x67: {  	v1 =	vld [tilespmem:s1+$0x6800];
	_ =	sdelay $0x4  }
0x68: {  	[tilespmem:s21+$0xA0] =	vst v1  }
0x69: {  	v1 =	vld [tilespmem:s0+$0x4810];
	_ =	sdelay $0x4  }
0x6a: {  	[tilespmem:s21+$0x90] =	vst v1  }
0x6b: {  	v1 =	vld [tilespmem:s1+$0x6810];
	_ =	sdelay $0x3  }
0x6c: {  	s28 =	sshll.u32 s11, $0x7  }
0x6d: {  	s0 =	sand.u32 $0x380, s28;
	[tilespmem:s21+$0xB0] =	vst v1  }
0x6e: {  	v1 =	vld [tilespmem:s0+$0x4C00];
	_ =	sdelay $0x3  }
0x6f: {  	s29 =	sshll.u32 s29, $0x7  }
0x70: {  	s1 =	sand.u32 $0x380, s29;
	[tilespmem:s21+$0x100] =	vst v1  }
0x71: {  	v1 =	vld [tilespmem:s1+$0x6C00];
	_ =	sdelay $0x4  }
0x72: {  	[tilespmem:s21+$0x120] =	vst v1  }
0x73: {  	v1 =	vld [tilespmem:s0+$0x4C10];
	_ =	sdelay $0x4  }
0x74: {  	[tilespmem:s21+$0x110] =	vst v1  }
0x75: {  	v1 =	vld [tilespmem:s1+$0x6C10];
	_ =	sdelay $0x3  }
0x76: {  	s5 =	sshll.u32 s5, $0x7  }
0x77: {  	s0 =	sand.u32 $0x380, s5;
	[tilespmem:s21+$0x130] =	vst v1  }
0x78: {  	v1 =	vld [tilespmem:s0+$0x5000];
	_ =	sdelay $0x3  }
0x79: {  	s10 =	sshll.u32 s30, $0x7  }
0x7a: {  	s1 =	sand.u32 $0x380, s10;
	[tilespmem:s21+$0x180] =	vst v1  }
0x7b: {  	v1 =	vld [tilespmem:s1+$0x7000];
	_ =	sdelay $0x4  }
0x7c: {  	[tilespmem:s21+$0x1A0] =	vst v1  }
0x7d: {  	v1 =	vld [tilespmem:s0+$0x5010];
	_ =	sdelay $0x4  }
0x7e: {  	[tilespmem:s21+$0x190] =	vst v1  }
0x7f: {  	v1 =	vld [tilespmem:s1+$0x7010];
	_ =	sdelay $0x3  }
0x80: {  	s11 =	sshll.u32 s6, $0x7  }
0x81: {  	s0 =	sand.u32 $0x380, s11;
	[tilespmem:s21+$0x1B0] =	vst v1  }
0x82: {  	v1 =	vld [tilespmem:s0+$0x5400];
	_ =	sdelay $0x3  }
0x83: {  	s12 =	sshll.u32 s7, $0x7  }
0x84: {  	s1 =	sand.u32 $0x380, s12;
	[tilespmem:s21+$0x200] =	vst v1  }
0x85: {  	v1 =	vld [tilespmem:s1+$0x7400];
	_ =	sdelay $0x4  }
0x86: {  	[tilespmem:s21+$0x220] =	vst v1  }
0x87: {  	v1 =	vld [tilespmem:s0+$0x5410];
	_ =	sdelay $0x4  }
0x88: {  	[tilespmem:s21+$0x210] =	vst v1  }
0x89: {  	v1 =	vld [tilespmem:s1+$0x7410];
	_ =	sdelay $0x3  }
0x8a: {  	s13 =	sshll.u32 s8, $0x7  }
0x8b: {  	s0 =	sand.u32 $0x380, s13;
	[tilespmem:s21+$0x230] =	vst v1  }
0x8c: {  	v1 =	vld [tilespmem:s0+$0x5800];
	_ =	sdelay $0x3  }
0x8d: {  	s26 =	sshll.u32 s9, $0x7  }
0x8e: {  	s1 =	sand.u32 $0x380, s26;
	[tilespmem:s21+$0x280] =	vst v1  }
0x8f: {  	v1 =	vld [tilespmem:s1+$0x7800];
	_ =	sdelay $0x4  }
0x90: {  	[tilespmem:s21+$0x2A0] =	vst v1  }
0x91: {  	v1 =	vld [tilespmem:s0+$0x5810];
	_ =	sdelay $0x4  }
0x92: {  	[tilespmem:s21+$0x290] =	vst v1  }
0x93: {  	v1 =	vld [tilespmem:s1+$0x7810];
	_ =	sdelay $0x3  }
0x94: {  	s28 =	sshll.u32 s24, $0x7  }
0x95: {  	s0 =	sand.u32 $0x380, s28;
	[tilespmem:s21+$0x2B0] =	vst v1  }
0x96: {  	v1 =	vld [tilespmem:s0+$0x5C00];
	_ =	sdelay $0x3  }
0x97: {  	s29 =	sshll.u32 s31, $0x7  }
0x98: {  	s1 =	sand.u32 $0x380, s29;
	[tilespmem:s21+$0x300] =	vst v1  }
0x99: {  	v1 =	vld [tilespmem:s1+$0x7C00];
	_ =	sdelay $0x4  }
0x9a: {  	[tilespmem:s21+$0x320] =	vst v1  }
0x9b: {  	v1 =	vld [tilespmem:s0+$0x5C10];
	_ =	sdelay $0x4  }
0x9c: {  	[tilespmem:s21+$0x310] =	vst v1  }
0x9d: {  	v1 =	vld [tilespmem:s1+$0x7C10];
	_ =	sdelay $0x3  }
0x9e: {  	s30 =	sshll.u32 s25, $0x7  }
0x9f: {  	s0 =	sand.u32 $0x380, s30;
	[tilespmem:s21+$0x330] =	vst v1  }
0xa0: {  	v1 =	vld [tilespmem:s0+$0x6000];
	_ =	sdelay $0x3  }
0xa1: {  	s31 =	sshll.u32 s23, $0x7  }
0xa2: {  	s1 =	sand.u32 $0x380, s31;
	[tilespmem:s21+$0x380] =	vst v1  }
0xa3: {  	v1 =	vld [tilespmem:s1+$0x8000];
	_ =	sdelay $0x4  }
0xa4: {  	[tilespmem:s21+$0x3A0] =	vst v1  }
0xa5: {  	v1 =	vld [tilespmem:s0+$0x6010];
	_ =	sdelay $0x4  }
0xa6: {  	s22 =	sadd.s32 $0x40, s22;
	[tilespmem:s21+$0x390] =	vst v1  }
0xa7: {  	p0 =	sne.s32 s22, $0x800;
	v1 =	vld [tilespmem:s1+$0x8010]  }
.Ltmp1:
0xa8: {  	_ = 	snop;
	(pc) =	sbr.rel @!p0 .LBB2_5-.Ltmp1, $2  }
0xa9: {  	_ =	sdelay $0x2  }
0xaa: {  	[tilespmem:s21+$0x3B0] =	vst v1;
	s21 =	sadd.s32 $0x800, s21  }
.LBB2_2:
0xab: {  	s10 =	sshra.s32 s22, $0x2  }
0xac: {  	v1 =	vld [tilespmem:s10+$0x0];
	_ =	sdelay $0x1  }
0xad: {  	v2 =	vld [tilespmem:s10+$0x200];
	_ =	sdelay $0x2  }
0xae: {  	(v2sf) =	vpush v1, $0x8;
	_ =	sdelay $0x1  }
0xaf: {  	(v2sf) =	vpush v2, $0x8;
	_ =	sdelay $0x5  }
0xb0: {  	(v2sf) =	vpush v1, $0x9;
	_ =	sdelay $0x1  }
0xb1: {  	(v2sf) =	vpush v2, $0x9;
	_ =	sdelay $0x4  }
0xb2: {  	s0 =	spop (v2sf)  }
0xb3: {  	(v2sf) =	vpush v1, $0xA;
	s1 =	sshll.u32 s0, $0x4  }
0xb4: {  	s26 =	spop (v2sf);
	s1 =	sand.u32 $0x1FFFFF80, s1  }
0xb5: {  	s5 =	simm.s32 $0x4400;
	(v2sf) =	vpush v2, $0xA;
	s6 =	sshll.u32 s26, $0x4;
	s1 =	sadd.s32 s3, s1  }
0xb6: {  	[tilespmem:s5], [sflag:$0x3] =	stream.linear.gather [hbm4b:s1+s2], $0x400, $0x38;
	[tilespmem:$0x18600] =	vst v63  }
0xb7: {  	s1 =	sand.u32 $0x1FFFFF80, s6  }
0xb8: {  	s7 =	simm.s32 $0x6400;
	s1 =	sadd.s32 s4, s1  }
0xb9: {  	[tilespmem:s7], [sflag:$0x4] =	stream.linear.gather [hbm4b:s1+s2], $0x400, $0x38;
	[tilespmem:$0x18600] =	vst v63  }
0xba: {  	s1 =	spop (v2sf)  }
0xbb: {  	(v2sf) =	vpush v1, $0xB;
	s8 =	sshll.u32 s1, $0x4  }
0xbc: {  	s28 =	spop (v2sf);
	s5 =	sand.u32 $0x1FFFFF80, s8  }
0xbd: {  	s6 =	simm.s32 $0x4800;
	s9 =	sshll.u32 s28, $0x4;
	s5 =	sadd.s32 s3, s5  }
0xbe: {  	(v2sf) =	vpush v2, $0xB;
	[tilespmem:s6], [sflag:$0x3] =	stream.linear.gather [hbm4b:s5+s2], $0x400, $0x38;
	[tilespmem:$0x18600] =	vst v63  }
0xbf: {  	s5 =	sand.u32 $0x1FFFFF80, s9  }
0xc0: {  	s11 =	simm.s32 $0x6800;
	s5 =	sadd.s32 s4, s5  }
0xc1: {  	[tilespmem:s11], [sflag:$0x4] =	stream.linear.gather [hbm4b:s5+s2], $0x400, $0x38;
	[tilespmem:$0x18600] =	vst v63  }
0xc2: {  	s11 =	spop (v2sf)  }
0xc3: {  	s12 =	sshll.u32 s11, $0x4  }
0xc4: {  	(v2sf) =	vpush v1, $0xC;
	s29 =	spop (v2sf);
	s5 =	sand.u32 $0x1FFFFF80, s12  }
0xc5: {  	s13 =	simm.s32 $0x4C00;
	s23 =	sshll.u32 s29, $0x4;
	s5 =	sadd.s32 s3, s5  }
0xc6: {  	(v2sf) =	vpush v2, $0xC;
	[tilespmem:s13], [sflag:$0x3] =	stream.linear.gather [hbm4b:s5+s2], $0x400, $0x38;
	[tilespmem:$0x18600] =	vst v63  }
0xc7: {  	s5 =	sand.u32 $0x1FFFFF80, s23  }
0xc8: {  	s24 =	simm.s32 $0x6C00;
	s5 =	sadd.s32 s4, s5  }
0xc9: {  	[tilespmem:s24], [sflag:$0x4] =	stream.linear.gather [hbm4b:s5+s2], $0x400, $0x38;
	[tilespmem:$0x18600] =	vst v63  }
0xca: {  	s5 =	spop (v2sf)  }
0xcb: {  	s25 =	sshll.u32 s5, $0x4  }
0xcc: {  	(v2sf) =	vpush v1, $0xD;
	s6 =	sand.u32 $0x1FFFFF80, s25  }
0xcd: {  	s7 =	simm.s32 $0x5000;
	s30 =	spop (v2sf);
	s6 =	sadd.s32 s3, s6  }
0xce: {  	(v2sf) =	vpush v2, $0xD;
	[tilespmem:s7], [sflag:$0x3] =	stream.linear.gather [hbm4b:s6+s2], $0x400, $0x38;
	[tilespmem:$0x18600] =	vst v63  }
0xcf: {  	s7 =	sshll.u32 s30, $0x4  }
0xd0: {  	s6 =	sand.u32 $0x1FFFFF80, s7  }
0xd1: {  	s8 =	simm.s32 $0x7000;
	s6 =	sadd.s32 s4, s6  }
0xd2: {  	[tilespmem:s8], [sflag:$0x4] =	stream.linear.gather [hbm4b:s6+s2], $0x400, $0x38;
	[tilespmem:$0x18600] =	vst v63  }
0xd3: {  	s6 =	spop (v2sf)  }
0xd4: {  	(v2sf) =	vpush v1, $0xE;
	s9 =	sshll.u32 s6, $0x4  }
0xd5: {  	s7 =	spop (v2sf);
	s8 =	sand.u32 $0x1FFFFF80, s9  }
0xd6: {  	(v2sf) =	vpush v2, $0xE;
	s9 =	simm.s32 $0x5400;
	s12 =	sshll.u32 s7, $0x4;
	s8 =	sadd.s32 s3, s8  }
0xd7: {  	[tilespmem:s9], [sflag:$0x3] =	stream.linear.gather [hbm4b:s8+s2], $0x400, $0x38;
	[tilespmem:$0x18600] =	vst v63  }
0xd8: {  	s8 =	sand.u32 $0x1FFFFF80, s12  }
0xd9: {  	s13 =	simm.s32 $0x7400;
	s8 =	sadd.s32 s4, s8  }
0xda: {  	[tilespmem:s13], [sflag:$0x4] =	stream.linear.gather [hbm4b:s8+s2], $0x400, $0x38;
	[tilespmem:$0x18600] =	vst v63  }
0xdb: {  	s8 =	spop (v2sf)  }
0xdc: {  	(v2sf) =	vpush v1, $0xF;
	s23 =	sshll.u32 s8, $0x4  }
0xdd: {  	s9 =	spop (v2sf);
	s23 =	sand.u32 $0x1FFFFF80, s23  }
0xde: {  	s12 =	simm.s32 $0x5800;
	(v2sf) =	vpush v2, $0xF;
	s24 =	sshll.u32 s9, $0x4;
	s23 =	sadd.s32 s3, s23  }
0xdf: {  	[tilespmem:s12], [sflag:$0x3] =	stream.linear.gather [hbm4b:s23+s2], $0x400, $0x38;
	[tilespmem:$0x18600] =	vst v63  }
0xe0: {  	s23 =	sand.u32 $0x1FFFFF80, s24  }
0xe1: {  	s25 =	simm.s32 $0x7800;
	s23 =	sadd.s32 s4, s23  }
0xe2: {  	[tilespmem:s25], [sflag:$0x4] =	stream.linear.gather [hbm4b:s23+s2], $0x400, $0x38;
	[tilespmem:$0x18600] =	vst v63  }
0xe3: {  	s24 =	spop (v2sf)  }
0xe4: {  	s13 =	sshll.u32 s24, $0x4  }
0xe5: {  	s31 =	spop (v2sf);
	s23 =	sand.u32 $0x1FFFFF80, s13  }
0xe6: {  	s25 =	simm.s32 $0x5C00;
	s13 =	sshll.u32 s31, $0x4;
	s23 =	sadd.s32 s3, s23  }
0xe7: {  	[tilespmem:s25], [sflag:$0x3] =	stream.linear.gather [hbm4b:s23+s2], $0x400, $0x38;
	[tilespmem:$0x18600] =	vst v63  }
0xe8: {  	s23 =	sand.u32 $0x1FFFFF80, s13  }
0xe9: {  	s25 =	simm.s32 $0x7C00;
	s23 =	sadd.s32 s4, s23  }
0xea: {  	[tilespmem:s25], [sflag:$0x4] =	stream.linear.gather [hbm4b:s23+s2], $0x400, $0x38;
	[tilespmem:$0x18600] =	vst v63  }
0xeb: {  	s25 =	spop (v2sf)  }
0xec: {  	s12 =	sshll.u32 s25, $0x4  }
0xed: {  	s23 =	spop (v2sf);
	s13 =	sand.u32 $0x1FFFFF80, s12  }
0xee: {  	s12 =	sadd.s32 s3, s13;
	s13 =	sshll.u32 s23, $0x4  }
0xef: {  	[tilespmem:s14], [sflag:$0x3] =	stream.linear.gather [hbm4b:s12+s2], $0x400, $0x38;
	[tilespmem:$0x18600] =	vst v63  }
0xf0: {  	s12 =	sand.u32 $0x1FFFFF80, s13  }
0xf1: {  	s12 =	sadd.s32 s4, s12  }
0xf2: {  	[tilespmem:s15], [sflag:$0x4] =	stream.linear.gather [hbm4b:s12+s2], $0x400, $0x38;
	[tilespmem:$0x18600] =	vst v63  }
0xf3: {  	_ =	swait.ge [sflag:s16], $0x2000  }
0xf4: {  	[sflag:s16] =	ssyncset.done $0x0  }
0xf5: {  	[sflag:s16] =	ssyncadd.s32 $0xFFFFE000  }
0xf6: {  	v1 =	vshll.u32 v1, $0x7;
	_ =	swait.ge [sflag:s17], $0x2000  }
0xf7: {  	(v2sf) =	vpush v1, $0x0;
	_ =	sdelay $0x4  }
0xf8: {  	v2 =	vshll.u32 v2, $0x7  }
0xf9: {  	(v2sf) =	vpush v2, $0x0;
	_ =	sdelay $0x8  }
0xfa: {  	[sflag:s17] =	ssyncset.done $0x0;
	s13 =	spop (v2sf)  }
0xfb: {  	[sflag:s17] =	ssyncadd.s32 $0xFFFFE000;
	s12 =	sand.u32 $0x380, s13  }
0xfc: {  	v3 =	vld [tilespmem:s12+$0x400];
	_ =	sdelay $0x3  }
0xfd: {  	s13 =	spop (v2sf)  }
0xfe: {  	s13 =	sand.u32 $0x380, s13;
	[tilespmem:s21+$0xFFFFFC00] =	vst v3  }
0xff: {  	v3 =	vld [tilespmem:s13+$0x2400]  }
0x100: {  	(v2sf) =	vpush v1, $0x1;
	_ =	sdelay $0x3  }
0x101: {  	[tilespmem:s21+$0xFFFFFC20] =	vst v3  }
0x102: {  	v3 =	vld [tilespmem:s12+$0x410]  }
0x103: {  	(v2sf) =	vpush v2, $0x1;
	_ =	sdelay $0x3  }
0x104: {  	[tilespmem:s21+$0xFFFFFC10] =	vst v3  }
0x105: {  	v3 =	vld [tilespmem:s13+$0x2410];
	_ =	sdelay $0x3  }
0x106: {  	s13 =	spop (v2sf)  }
0x107: {  	s12 =	sand.u32 $0x380, s13;
	[tilespmem:s21+$0xFFFFFC30] =	vst v3  }
0x108: {  	v3 =	vld [tilespmem:s12+$0x800];
	_ =	sdelay $0x3  }
0x109: {  	s13 =	spop (v2sf)  }
0x10a: {  	s13 =	sand.u32 $0x380, s13;
	[tilespmem:s21+$0xFFFFFC80] =	vst v3  }
0x10b: {  	v3 =	vld [tilespmem:s13+$0x2800]  }
0x10c: {  	(v2sf) =	vpush v1, $0x2;
	_ =	sdelay $0x3  }
0x10d: {  	[tilespmem:s21+$0xFFFFFCA0] =	vst v3  }
0x10e: {  	v3 =	vld [tilespmem:s12+$0x810]  }
0x10f: {  	(v2sf) =	vpush v2, $0x2;
	_ =	sdelay $0x3  }
0x110: {  	[tilespmem:s21+$0xFFFFFC90] =	vst v3  }
0x111: {  	v3 =	vld [tilespmem:s13+$0x2810];
	_ =	sdelay $0x3  }
0x112: {  	s13 =	spop (v2sf)  }
0x113: {  	s12 =	sand.u32 $0x380, s13;
	[tilespmem:s21+$0xFFFFFCB0] =	vst v3  }
0x114: {  	v3 =	vld [tilespmem:s12+$0xC00];
	_ =	sdelay $0x3  }
0x115: {  	s13 =	spop (v2sf)  }
0x116: {  	s13 =	sand.u32 $0x380, s13;
	[tilespmem:s21+$0xFFFFFD00] =	vst v3  }
0x117: {  	v3 =	vld [tilespmem:s13+$0x2C00]  }
0x118: {  	(v2sf) =	vpush v1, $0x3;
	_ =	sdelay $0x3  }
0x119: {  	[tilespmem:s21+$0xFFFFFD20] =	vst v3  }
0x11a: {  	v3 =	vld [tilespmem:s12+$0xC10]  }
0x11b: {  	(v2sf) =	vpush v2, $0x3;
	_ =	sdelay $0x3  }
0x11c: {  	[tilespmem:s21+$0xFFFFFD10] =	vst v3  }
0x11d: {  	v3 =	vld [tilespmem:s13+$0x2C10];
	_ =	sdelay $0x3  }
0x11e: {  	s13 =	spop (v2sf)  }
0x11f: {  	s12 =	sand.u32 $0x380, s13;
	[tilespmem:s21+$0xFFFFFD30] =	vst v3  }
0x120: {  	v3 =	vld [tilespmem:s12+$0x1000];
	_ =	sdelay $0x3  }
0x121: {  	s13 =	spop (v2sf)  }
0x122: {  	s13 =	sand.u32 $0x380, s13;
	[tilespmem:s21+$0xFFFFFD80] =	vst v3  }
0x123: {  	v3 =	vld [tilespmem:s13+$0x3000]  }
0x124: {  	(v2sf) =	vpush v1, $0x4;
	_ =	sdelay $0x3  }
0x125: {  	[tilespmem:s21+$0xFFFFFDA0] =	vst v3  }
0x126: {  	v3 =	vld [tilespmem:s12+$0x1010]  }
0x127: {  	(v2sf) =	vpush v2, $0x4;
	_ =	sdelay $0x3  }
0x128: {  	[tilespmem:s21+$0xFFFFFD90] =	vst v3  }
0x129: {  	v3 =	vld [tilespmem:s13+$0x3010];
	_ =	sdelay $0x3  }
0x12a: {  	s13 =	spop (v2sf)  }
0x12b: {  	s12 =	sand.u32 $0x380, s13;
	[tilespmem:s21+$0xFFFFFDB0] =	vst v3  }
0x12c: {  	v3 =	vld [tilespmem:s12+$0x1400];
	_ =	sdelay $0x3  }
0x12d: {  	s13 =	spop (v2sf)  }
0x12e: {  	s13 =	sand.u32 $0x380, s13;
	[tilespmem:s21+$0xFFFFFE00] =	vst v3  }
0x12f: {  	v3 =	vld [tilespmem:s13+$0x3400]  }
0x130: {  	(v2sf) =	vpush v1, $0x5;
	_ =	sdelay $0x3  }
0x131: {  	[tilespmem:s21+$0xFFFFFE20] =	vst v3  }
0x132: {  	v3 =	vld [tilespmem:s12+$0x1410]  }
0x133: {  	(v2sf) =	vpush v2, $0x5;
	_ =	sdelay $0x3  }
0x134: {  	[tilespmem:s21+$0xFFFFFE10] =	vst v3  }
0x135: {  	v3 =	vld [tilespmem:s13+$0x3410];
	_ =	sdelay $0x3  }
0x136: {  	s13 =	spop (v2sf)  }
0x137: {  	s12 =	sand.u32 $0x380, s13;
	[tilespmem:s21+$0xFFFFFE30] =	vst v3  }
0x138: {  	v3 =	vld [tilespmem:s12+$0x1800];
	_ =	sdelay $0x3  }
0x139: {  	s13 =	spop (v2sf)  }
0x13a: {  	s13 =	sand.u32 $0x380, s13;
	[tilespmem:s21+$0xFFFFFE80] =	vst v3  }
0x13b: {  	v3 =	vld [tilespmem:s13+$0x3800]  }
0x13c: {  	(v2sf) =	vpush v1, $0x6;
	_ =	sdelay $0x3  }
0x13d: {  	[tilespmem:s21+$0xFFFFFEA0] =	vst v3  }
0x13e: {  	v3 =	vld [tilespmem:s12+$0x1810]  }
0x13f: {  	(v2sf) =	vpush v2, $0x6;
	_ =	sdelay $0x3  }
0x140: {  	[tilespmem:s21+$0xFFFFFE90] =	vst v3  }
0x141: {  	v3 =	vld [tilespmem:s13+$0x3810];
	_ =	sdelay $0x3  }
0x142: {  	s13 =	spop (v2sf)  }
0x143: {  	s12 =	sand.u32 $0x380, s13;
	[tilespmem:s21+$0xFFFFFEB0] =	vst v3  }
0x144: {  	v3 =	vld [tilespmem:s12+$0x1C00];
	_ =	sdelay $0x3  }
0x145: {  	s13 =	spop (v2sf)  }
0x146: {  	s13 =	sand.u32 $0x380, s13;
	[tilespmem:s21+$0xFFFFFF00] =	vst v3  }
0x147: {  	v3 =	vld [tilespmem:s13+$0x3C00]  }
0x148: {  	(v2sf) =	vpush v1, $0x7;
	_ =	sdelay $0x3  }
0x149: {  	[tilespmem:s21+$0xFFFFFF20] =	vst v3  }
0x14a: {  	v1 =	vld [tilespmem:s12+$0x1C10]  }
0x14b: {  	(v2sf) =	vpush v2, $0x7;
	_ =	sdelay $0x3  }
0x14c: {  	[tilespmem:s21+$0xFFFFFF10] =	vst v1  }
0x14d: {  	v1 =	vld [tilespmem:s13+$0x3C10];
	_ =	sdelay $0x3  }
0x14e: {  	s13 =	spop (v2sf)  }
0x14f: {  	s12 =	sand.u32 $0x380, s13;
	[tilespmem:s21+$0xFFFFFF30] =	vst v1  }
0x150: {  	v1 =	vld [tilespmem:s12+$0x2000];
	_ =	sdelay $0x3  }
0x151: {  	s13 =	spop (v2sf)  }
0x152: {  	s13 =	sand.u32 $0x380, s13;
	[tilespmem:s21+$0xFFFFFF80] =	vst v1  }
0x153: {  	v1 =	vld [tilespmem:s13+$0x4000];
	_ =	sdelay $0x4  }
0x154: {  	[tilespmem:s21+$0xFFFFFFA0] =	vst v1  }
0x155: {  	v1 =	vld [tilespmem:s12+$0x2010];
	_ =	sdelay $0x4  }
0x156: {  	[tilespmem:s21+$0xFFFFFF90] =	vst v1  }
0x157: {  	p0 =	seq.s32 s22, $0x7C0;
	v1 =	vld [tilespmem:s13+$0x4010]  }
.Ltmp2:
0x158: {  	_ = 	snop;
	(pc) =	sbr.rel @p0 .LBB2_4-.Ltmp2, $2  }
0x159: {  	_ =	sdelay $0x2  }
0x15a: {  	[tilespmem:s21+$0xFFFFFFB0] =	vst v1  }
0x15b: {  	v1 =	vld [tilespmem:s10+$0x10];
	_ =	sdelay $0x3  }
0x15c: {  	v2 =	vld [tilespmem:s10+$0x210]  }
0x15d: {  	v1 =	vshll.u32 v1, $0x4  }
0x15e: {  	(v2sf) =	vpush v1, $0x0;
	_ =	sdelay $0x2  }
0x15f: {  	v2 =	vshll.u32 v2, $0x4  }
0x160: {  	(v2sf) =	vpush v2, $0x0;
	_ =	sdelay $0x1  }
0x161: {  	(v2sf) =	vpush v1, $0x1;
	_ =	sdelay $0x2  }
0x162: {  	(v2sf) =	vpush v2, $0x1;
	_ =	sdelay $0x5  }
0x163: {  	s13 =	spop (v2sf);
	(v2sf) =	vpush v1, $0x2  }
0x164: {  	s10 =	sand.u32 $0x1FFFFF80, s13  }
0x165: {  	s12 =	simm.s32 $0x400;
	s10 =	sadd.s32 s3, s10  }
0x166: {  	[tilespmem:s12], [sflag:$0x1] =	stream.linear.gather [hbm4b:s10+s2], $0x400, $0x38;
	[tilespmem:$0x18600] =	vst v63  }
0x167: {  	s12 =	spop (v2sf);
	(v2sf) =	vpush v2, $0x2;
	_ =	sdelay $0x1  }
0x168: {  	s10 =	sand.u32 $0x1FFFFF80, s12;
	s12 =	spop (v2sf);
	(v2sf) =	vpush v1, $0x3  }
0x169: {  	s13 =	simm.s32 $0x2400;
	s10 =	sadd.s32 s4, s10  }
0x16a: {  	[tilespmem:s13], [sflag:$0x2] =	stream.linear.gather [hbm4b:s10+s2], $0x400, $0x38;
	[tilespmem:$0x18600] =	vst v63  }
0x16b: {  	s10 =	sand.u32 $0x1FFFFF80, s12;
	s12 =	spop (v2sf);
	(v2sf) =	vpush v2, $0x3;
	_ =	sdelay $0x3  }
0x16c: {  	s13 =	simm.s32 $0x800;
	s10 =	sadd.s32 s3, s10  }
0x16d: {  	[tilespmem:s13], [sflag:$0x1] =	stream.linear.gather [hbm4b:s10+s2], $0x400, $0x38;
	[tilespmem:$0x18600] =	vst v63  }
0x16e: {  	s10 =	sand.u32 $0x1FFFFF80, s12;
	s12 =	spop (v2sf);
	(v2sf) =	vpush v1, $0x4  }
0x16f: {  	s13 =	simm.s32 $0x2800;
	s10 =	sadd.s32 s4, s10  }
0x170: {  	[tilespmem:s13], [sflag:$0x2] =	stream.linear.gather [hbm4b:s10+s2], $0x400, $0x38;
	[tilespmem:$0x18600] =	vst v63  }
0x171: {  	s10 =	sand.u32 $0x1FFFFF80, s12  }
0x172: {  	s13 =	simm.s32 $0xC00;
	s10 =	sadd.s32 s3, s10;
	s12 =	spop (v2sf);
	(v2sf) =	vpush v2, $0x4  }
0x173: {  	[tilespmem:s13], [sflag:$0x1] =	stream.linear.gather [hbm4b:s10+s2], $0x400, $0x38;
	[tilespmem:$0x18600] =	vst v63  }
0x174: {  	s10 =	sand.u32 $0x1FFFFF80, s12;
	s12 =	spop (v2sf);
	(v2sf) =	vpush v1, $0x5  }
0x175: {  	s13 =	simm.s32 $0x2C00;
	s10 =	sadd.s32 s4, s10  }
0x176: {  	[tilespmem:s13], [sflag:$0x2] =	stream.linear.gather [hbm4b:s10+s2], $0x400, $0x38;
	[tilespmem:$0x18600] =	vst v63  }
0x177: {  	s10 =	sand.u32 $0x1FFFFF80, s12;
	s12 =	spop (v2sf);
	(v2sf) =	vpush v2, $0x5;
	_ =	sdelay $0x3  }
0x178: {  	s13 =	simm.s32 $0x1000;
	s10 =	sadd.s32 s3, s10  }
0x179: {  	[tilespmem:s13], [sflag:$0x1] =	stream.linear.gather [hbm4b:s10+s2], $0x400, $0x38;
	[tilespmem:$0x18600] =	vst v63  }
0x17a: {  	s10 =	sand.u32 $0x1FFFFF80, s12;
	s12 =	spop (v2sf);
	(v2sf) =	vpush v1, $0x6  }
0x17b: {  	s13 =	simm.s32 $0x3000;
	s10 =	sadd.s32 s4, s10  }
0x17c: {  	[tilespmem:s13], [sflag:$0x2] =	stream.linear.gather [hbm4b:s10+s2], $0x400, $0x38;
	[tilespmem:$0x18600] =	vst v63  }
0x17d: {  	s10 =	sand.u32 $0x1FFFFF80, s12  }
0x17e: {  	s13 =	simm.s32 $0x1400;
	s10 =	sadd.s32 s3, s10;
	s12 =	spop (v2sf);
	(v2sf) =	vpush v2, $0x6  }
0x17f: {  	[tilespmem:s13], [sflag:$0x1] =	stream.linear.gather [hbm4b:s10+s2], $0x400, $0x38;
	[tilespmem:$0x18600] =	vst v63  }
0x180: {  	s10 =	sand.u32 $0x1FFFFF80, s12;
	s12 =	spop (v2sf);
	(v2sf) =	vpush v1, $0x7  }
0x181: {  	s13 =	simm.s32 $0x3400;
	s10 =	sadd.s32 s4, s10  }
0x182: {  	[tilespmem:s13], [sflag:$0x2] =	stream.linear.gather [hbm4b:s10+s2], $0x400, $0x38;
	[tilespmem:$0x18600] =	vst v63  }
0x183: {  	s10 =	sand.u32 $0x1FFFFF80, s12;
	s12 =	spop (v2sf);
	(v2sf) =	vpush v2, $0x7  }
0x184: {  	s13 =	simm.s32 $0x1800;
	s10 =	sadd.s32 s3, s10  }
0x185: {  	[tilespmem:s13], [sflag:$0x1] =	stream.linear.gather [hbm4b:s10+s2], $0x400, $0x38;
	[tilespmem:$0x18600] =	vst v63  }
0x186: {  	s10 =	sand.u32 $0x1FFFFF80, s12  }
0x187: {  	s13 =	simm.s32 $0x3800;
	s10 =	sadd.s32 s4, s10  }
0x188: {  	[tilespmem:s13], [sflag:$0x2] =	stream.linear.gather [hbm4b:s10+s2], $0x400, $0x38;
	[tilespmem:$0x18600] =	vst v63  }
0x189: {  	s12 =	spop (v2sf)  }
0x18a: {  	s10 =	sand.u32 $0x1FFFFF80, s12  }
0x18b: {  	s13 =	simm.s32 $0x1C00;
	s10 =	sadd.s32 s3, s10  }
0x18c: {  	[tilespmem:s13], [sflag:$0x1] =	stream.linear.gather [hbm4b:s10+s2], $0x400, $0x38;
	[tilespmem:$0x18600] =	vst v63  }
0x18d: {  	s12 =	spop (v2sf)  }
0x18e: {  	s10 =	sand.u32 $0x1FFFFF80, s12  }
0x18f: {  	s13 =	simm.s32 $0x3C00;
	s12 =	spop (v2sf);
	s10 =	sadd.s32 s4, s10  }
0x190: {  	[tilespmem:s13], [sflag:$0x2] =	stream.linear.gather [hbm4b:s10+s2], $0x400, $0x38;
	[tilespmem:$0x18600] =	vst v63  }
0x191: {  	s10 =	sand.u32 $0x1FFFFF80, s12;
	s13 =	simm.s32 $0x2000  }
.Ltmp3:
0x192: {  	s12 =	spop (v2sf);
	s10 =	sadd.s32 s3, s10;
	(pc) =	sbr.rel .LBB2_4-.Ltmp3, $4  }
0x193: {  	[tilespmem:s13], [sflag:$0x1] =	stream.linear.gather [hbm4b:s10+s2], $0x400, $0x38;
	[tilespmem:$0x18600] =	vst v63  }
0x194: {  	s10 =	sand.u32 $0x1FFFFF80, s12  }
0x195: {  	s13 =	simm.s32 $0x4000;
	s10 =	sadd.s32 s4, s10  }
0x196: {  	[tilespmem:s13], [sflag:$0x2] =	stream.linear.gather [hbm4b:s10+s2], $0x400, $0x38;
	[tilespmem:$0x18600] =	vst v63  }
.LBB2_5:
0x197: {  	s0 =	simm.s32 $0x0  }
0x198: {  	v1 =	vmov s0  }
0x199: {  	v1 =	vshll.u32 v1, $0x7  }
0x19a: {  	v1 =	vor.u32 v0, v1  }
0x19b: {  	v2 =	vor.u32 $0x20, v1  }
0x19c: {  	v3 =	vor.u32 $0x1, v1  }
0x19d: {  	v4 =	vor.u32 $0x21, v1  }
0x19e: {  	v5 =	vor.u32 $0x2, v1  }
0x19f: {  	v6 =	vor.u32 $0x22, v1;
	v7 =	vld.idx.msk [tilespmem:v1+s20+$0x0], $0xffff  }
0x1a0: {  	v8 =	vor.u32 $0x3, v1;
	v2 =	vld.idx.msk [tilespmem:v2+s20+$0x0], $0xffff  }
0x1a1: {  	v9 =	vor.u32 $0x23, v1;
	v3 =	vld.idx.msk [tilespmem:v3+s20+$0x0], $0xffff  }
0x1a2: {  	v10 =	vor.u32 $0x4, v1;
	v4 =	vld.idx.msk [tilespmem:v4+s20+$0x0], $0xffff  }
0x1a3: {  	v11 =	vor.u32 $0x24, v1;
	v5 =	vld.idx.msk [tilespmem:v5+s20+$0x0], $0xffff  }
0x1a4: {  	v12 =	vor.u32 $0x5, v1;
	v6 =	vld.idx.msk [tilespmem:v6+s20+$0x0], $0xffff  }
0x1a5: {  	v13 =	vor.u32 $0x25, v1;
	v8 =	vld.idx.msk [tilespmem:v8+s20+$0x0], $0xffff;
	v2 =	vmul.f32 v2, v7  }
0x1a6: {  	v57 =	vor.u32 $0x6, v1;
	v7 =	vld.idx.msk [tilespmem:v9+s20+$0x0], $0xffff  }
0x1a7: {  	v14 =	vor.u32 $0x26, v1;
	v10 =	vld.idx.msk [tilespmem:v10+s20+$0x0], $0xffff;
	v3 =	vmul.f32 v4, v3;
	v2 =	vadd.f32 $0.0e+00, v2  }
0x1a8: {  	v58 =	vor.u32 $0x7, v1;
	v4 =	vld.idx.msk [tilespmem:v11+s20+$0x0], $0xffff  }
0x1a9: {  	v15 =	vor.u32 $0x27, v1;
	v12 =	vld.idx.msk [tilespmem:v12+s20+$0x0], $0xffff;
	v2 =	vadd.f32 v3, v2;
	v3 =	vmul.f32 v6, v5  }
0x1aa: {  	v5 =	vld.idx.msk [tilespmem:v13+s20+$0x0], $0xffff;
	v6 =	vor.u32 $0x8, v1  }
0x1ab: {  	v59 =	vor.u32 $0x28, v1;
	v9 =	vld.idx.msk [tilespmem:v57+s20+$0x0], $0xffff;
	v2 =	vadd.f32 v3, v2;
	v3 =	vmul.f32 v7, v8  }
0x1ac: {  	v60 =	vor.u32 $0x9, v1;
	v7 =	vld.idx.msk [tilespmem:v14+s20+$0x0], $0xffff  }
0x1ad: {  	v61 =	vor.u32 $0x29, v1;
	v11 =	vld.idx.msk [tilespmem:v58+s20+$0x0], $0xffff;
	v2 =	vadd.f32 v3, v2;
	v3 =	vmul.f32 v4, v10  }
0x1ae: {  	v62 =	vor.u32 $0xA, v1;
	v4 =	vld.idx.msk [tilespmem:v15+s20+$0x0], $0xffff  }
0x1af: {  	v63 =	vor.u32 $0x2A, v1;
	v6 =	vld.idx.msk [tilespmem:v6+s20+$0x0], $0xffff;
	v2 =	vadd.f32 v3, v2;
	v3 =	vmul.f32 v5, v12  }
0x1b0: {  	v18 =	vor.u32 $0xB, v1;
	v5 =	vld.idx.msk [tilespmem:v59+s20+$0x0], $0xffff  }
0x1b1: {  	v19 =	vor.u32 $0x2B, v1;
	v8 =	vld.idx.msk [tilespmem:v60+s20+$0x0], $0xffff;
	v2 =	vadd.f32 v3, v2;
	v3 =	vmul.f32 v7, v9  }
0x1b2: {  	v20 =	vor.u32 $0xC, v1;
	v7 =	vld.idx.msk [tilespmem:v61+s20+$0x0], $0xffff  }
0x1b3: {  	v21 =	vor.u32 $0x2C, v1;
	v10 =	vld.idx.msk [tilespmem:v62+s20+$0x0], $0xffff;
	v2 =	vadd.f32 v3, v2;
	v3 =	vmul.f32 v4, v11  }
0x1b4: {  	v22 =	vor.u32 $0xD, v1;
	v4 =	vld.idx.msk [tilespmem:v63+s20+$0x0], $0xffff  }
0x1b5: {  	v23 =	vor.u32 $0x2D, v1;
	v12 =	vld.idx.msk [tilespmem:v18+s20+$0x0], $0xffff;
	v2 =	vadd.f32 v3, v2;
	v3 =	vmul.f32 v5, v6  }
0x1b6: {  	v5 =	vld.idx.msk [tilespmem:v19+s20+$0x0], $0xffff;
	v6 =	vor.u32 $0xE, v1  }
0x1b7: {  	v24 =	vor.u32 $0x2E, v1;
	v9 =	vld.idx.msk [tilespmem:v20+s20+$0x0], $0xffff;
	v2 =	vadd.f32 v3, v2;
	v3 =	vmul.f32 v7, v8  }
0x1b8: {  	v25 =	vor.u32 $0xF, v1;
	v7 =	vld.idx.msk [tilespmem:v21+s20+$0x0], $0xffff  }
0x1b9: {  	v26 =	vor.u32 $0x2F, v1;
	v11 =	vld.idx.msk [tilespmem:v22+s20+$0x0], $0xffff;
	v2 =	vadd.f32 v3, v2;
	v3 =	vmul.f32 v4, v10  }
0x1ba: {  	v27 =	vor.u32 $0x10, v1;
	v4 =	vld.idx.msk [tilespmem:v23+s20+$0x0], $0xffff  }
0x1bb: {  	v28 =	vor.u32 $0x30, v1;
	v6 =	vld.idx.msk [tilespmem:v6+s20+$0x0], $0xffff;
	v2 =	vadd.f32 v3, v2;
	v3 =	vmul.f32 v5, v12  }
0x1bc: {  	v29 =	vor.u32 $0x11, v1;
	v5 =	vld.idx.msk [tilespmem:v24+s20+$0x0], $0xffff  }
0x1bd: {  	v30 =	vor.u32 $0x31, v1;
	v8 =	vld.idx.msk [tilespmem:v25+s20+$0x0], $0xffff;
	v2 =	vadd.f32 v3, v2;
	v3 =	vmul.f32 v7, v9  }
0x1be: {  	v31 =	vor.u32 $0x12, v1;
	v7 =	vld.idx.msk [tilespmem:v26+s20+$0x0], $0xffff  }
0x1bf: {  	v32 =	vor.u32 $0x32, v1;
	v10 =	vld.idx.msk [tilespmem:v27+s20+$0x0], $0xffff;
	v2 =	vadd.f32 v3, v2;
	v3 =	vmul.f32 v4, v11  }
0x1c0: {  	v33 =	vor.u32 $0x13, v1;
	v4 =	vld.idx.msk [tilespmem:v28+s20+$0x0], $0xffff  }
0x1c1: {  	v34 =	vor.u32 $0x33, v1;
	v12 =	vld.idx.msk [tilespmem:v29+s20+$0x0], $0xffff;
	v2 =	vadd.f32 v3, v2;
	v3 =	vmul.f32 v5, v6  }
0x1c2: {  	v5 =	vld.idx.msk [tilespmem:v30+s20+$0x0], $0xffff;
	v6 =	vor.u32 $0x14, v1  }
0x1c3: {  	v35 =	vor.u32 $0x34, v1;
	v9 =	vld.idx.msk [tilespmem:v31+s20+$0x0], $0xffff;
	v2 =	vadd.f32 v3, v2;
	v3 =	vmul.f32 v7, v8  }
0x1c4: {  	v36 =	vor.u32 $0x15, v1;
	v7 =	vld.idx.msk [tilespmem:v32+s20+$0x0], $0xffff  }
0x1c5: {  	v37 =	vor.u32 $0x35, v1;
	v11 =	vld.idx.msk [tilespmem:v33+s20+$0x0], $0xffff;
	v2 =	vadd.f32 v3, v2;
	v3 =	vmul.f32 v4, v10  }
0x1c6: {  	v38 =	vor.u32 $0x16, v1;
	v4 =	vld.idx.msk [tilespmem:v34+s20+$0x0], $0xffff  }
0x1c7: {  	v39 =	vor.u32 $0x36, v1;
	v6 =	vld.idx.msk [tilespmem:v6+s20+$0x0], $0xffff;
	v2 =	vadd.f32 v3, v2;
	v3 =	vmul.f32 v5, v12  }
0x1c8: {  	v40 =	vor.u32 $0x17, v1;
	v5 =	vld.idx.msk [tilespmem:v35+s20+$0x0], $0xffff  }
0x1c9: {  	v41 =	vor.u32 $0x37, v1;
	v8 =	vld.idx.msk [tilespmem:v36+s20+$0x0], $0xffff;
	v2 =	vadd.f32 v3, v2;
	v3 =	vmul.f32 v7, v9  }
0x1ca: {  	v42 =	vor.u32 $0x18, v1;
	v7 =	vld.idx.msk [tilespmem:v37+s20+$0x0], $0xffff  }
0x1cb: {  	v43 =	vor.u32 $0x38, v1;
	v10 =	vld.idx.msk [tilespmem:v38+s20+$0x0], $0xffff;
	v2 =	vadd.f32 v3, v2;
	v3 =	vmul.f32 v4, v11  }
0x1cc: {  	v44 =	vor.u32 $0x19, v1;
	v4 =	vld.idx.msk [tilespmem:v39+s20+$0x0], $0xffff  }
0x1cd: {  	v45 =	vor.u32 $0x39, v1;
	v12 =	vld.idx.msk [tilespmem:v40+s20+$0x0], $0xffff;
	v2 =	vadd.f32 v3, v2;
	v3 =	vmul.f32 v5, v6  }
0x1ce: {  	v5 =	vld.idx.msk [tilespmem:v41+s20+$0x0], $0xffff;
	v6 =	vor.u32 $0x1A, v1  }
0x1cf: {  	v46 =	vor.u32 $0x3A, v1;
	v9 =	vld.idx.msk [tilespmem:v42+s20+$0x0], $0xffff;
	v2 =	vadd.f32 v3, v2;
	v3 =	vmul.f32 v7, v8  }
0x1d0: {  	v47 =	vor.u32 $0x1B, v1;
	v7 =	vld.idx.msk [tilespmem:v43+s20+$0x0], $0xffff  }
0x1d1: {  	v48 =	vor.u32 $0x3B, v1;
	v11 =	vld.idx.msk [tilespmem:v44+s20+$0x0], $0xffff;
	v2 =	vadd.f32 v3, v2;
	v3 =	vmul.f32 v4, v10  }
0x1d2: {  	v49 =	vor.u32 $0x1C, v1;
	v4 =	vld.idx.msk [tilespmem:v45+s20+$0x0], $0xffff  }
0x1d3: {  	v50 =	vor.u32 $0x3C, v1;
	v6 =	vld.idx.msk [tilespmem:v6+s20+$0x0], $0xffff;
	v2 =	vadd.f32 v3, v2;
	v3 =	vmul.f32 v5, v12  }
0x1d4: {  	v51 =	vor.u32 $0x1D, v1;
	v5 =	vld.idx.msk [tilespmem:v46+s20+$0x0], $0xffff  }
0x1d5: {  	v52 =	vor.u32 $0x3D, v1;
	v8 =	vld.idx.msk [tilespmem:v47+s20+$0x0], $0xffff;
	v2 =	vadd.f32 v3, v2;
	v3 =	vmul.f32 v7, v9  }
0x1d6: {  	v53 =	vor.u32 $0x1E, v1;
	v7 =	vld.idx.msk [tilespmem:v48+s20+$0x0], $0xffff  }
0x1d7: {  	v54 =	vor.u32 $0x3E, v1;
	v10 =	vld.idx.msk [tilespmem:v49+s20+$0x0], $0xffff;
	v2 =	vadd.f32 v3, v2;
	v3 =	vmul.f32 v4, v11  }
0x1d8: {  	v55 =	vor.u32 $0x1F, v1;
	v4 =	vld.idx.msk [tilespmem:v50+s20+$0x0], $0xffff  }
0x1d9: {  	v1 =	vor.u32 $0x3F, v1;
	v12 =	vld.idx.msk [tilespmem:v51+s20+$0x0], $0xffff;
	v2 =	vadd.f32 v3, v2;
	v3 =	vmul.f32 v5, v6  }
0x1da: {  	v5 =	vld.idx.msk [tilespmem:v52+s20+$0x0], $0xffff  }
0x1db: {  	v6 =	vld.idx.msk [tilespmem:v53+s20+$0x0], $0xffff;
	v2 =	vadd.f32 v3, v2;
	v3 =	vmul.f32 v7, v8  }
0x1dc: {  	v7 =	vld.idx.msk [tilespmem:v54+s20+$0x0], $0xffff  }
0x1dd: {  	v56 =	vld.idx.msk [tilespmem:v55+s20+$0x0], $0xffff;
	v2 =	vadd.f32 v3, v2;
	v3 =	vmul.f32 v4, v10  }
0x1de: {  	v4 =	vld.idx.msk [tilespmem:v1+s20+$0x0], $0xffff  }
0x1df: {  	s30 =	simm.s32 $0x10;
	v1 =	vadd.f32 v3, v2;
	v2 =	vmul.f32 v5, v12  }
0x1e0: {  	v3 =	vmov s30  }
0x1e1: {  	v3 =	vshll.u32 v3, $0x7;
	v5 =	vmul.f32 v7, v6;
	v2 =	vadd.f32 v2, v1  }
0x1e2: {  	v1 =	vor.u32 v0, v3  }
0x1e3: {  	v3 =	vor.u32 $0x20, v1;
	v4 =	vmul.f32 v4, v56;
	v2 =	vadd.f32 v5, v2;
	_ =	sdelay $0x1  }
0x1e4: {  	v5 =	vor.u32 $0x1, v1;
	v2 =	vadd.f32 v4, v2  }
0x1e5: {  	s21 =	simm.s32 $0x18400;
	v4 =	vor.u32 $0x21, v1  }
0x1e6: {  	v6 =	vor.u32 $0x2, v1;
	[tilespmem:s21+$0x0] =	vst v2  }
0x1e7: {  	v2 =	vld.idx.msk [tilespmem:v3+s20+$0x0], $0xffff;
	v3 =	vor.u32 $0x22, v1  }
0x1e8: {  	v57 =	vor.u32 $0x3, v1;
	v7 =	vld.idx.msk [tilespmem:v1+s20+$0x0], $0xffff  }
0x1e9: {  	v58 =	vor.u32 $0x23, v1;
	v5 =	vld.idx.msk [tilespmem:v5+s20+$0x0], $0xffff  }
0x1ea: {  	v59 =	vor.u32 $0x4, v1;
	v4 =	vld.idx.msk [tilespmem:v4+s20+$0x0], $0xffff  }
0x1eb: {  	v60 =	vor.u32 $0x24, v1;
	v6 =	vld.idx.msk [tilespmem:v6+s20+$0x0], $0xffff  }
0x1ec: {  	v61 =	vor.u32 $0x5, v1;
	v3 =	vld.idx.msk [tilespmem:v3+s20+$0x0], $0xffff  }
0x1ed: {  	v62 =	vor.u32 $0x25, v1;
	v8 =	vld.idx.msk [tilespmem:v57+s20+$0x0], $0xffff;
	v2 =	vmul.f32 v2, v7  }
0x1ee: {  	v63 =	vor.u32 $0x6, v1;
	v7 =	vld.idx.msk [tilespmem:v58+s20+$0x0], $0xffff  }
0x1ef: {  	v18 =	vor.u32 $0x26, v1;
	v10 =	vld.idx.msk [tilespmem:v59+s20+$0x0], $0xffff;
	v2 =	vadd.f32 $0.0e+00, v2;
	v4 =	vmul.f32 v4, v5  }
0x1f0: {  	v19 =	vor.u32 $0x7, v1;
	v5 =	vld.idx.msk [tilespmem:v60+s20+$0x0], $0xffff  }
0x1f1: {  	v20 =	vor.u32 $0x27, v1;
	v12 =	vld.idx.msk [tilespmem:v61+s20+$0x0], $0xffff;
	v2 =	vadd.f32 v4, v2;
	v3 =	vmul.f32 v3, v6  }
0x1f2: {  	v4 =	vld.idx.msk [tilespmem:v62+s20+$0x0], $0xffff;
	v6 =	vor.u32 $0x8, v1  }
0x1f3: {  	v21 =	vor.u32 $0x28, v1;
	v9 =	vld.idx.msk [tilespmem:v63+s20+$0x0], $0xffff;
	v2 =	vadd.f32 v3, v2;
	v3 =	vmul.f32 v7, v8  }
0x1f4: {  	v22 =	vor.u32 $0x9, v1;
	v7 =	vld.idx.msk [tilespmem:v18+s20+$0x0], $0xffff  }
0x1f5: {  	v23 =	vor.u32 $0x29, v1;
	v11 =	vld.idx.msk [tilespmem:v19+s20+$0x0], $0xffff;
	v2 =	vadd.f32 v3, v2;
	v3 =	vmul.f32 v5, v10  }
0x1f6: {  	v24 =	vor.u32 $0xA, v1;
	v5 =	vld.idx.msk [tilespmem:v20+s20+$0x0], $0xffff  }
0x1f7: {  	v25 =	vor.u32 $0x2A, v1;
	v6 =	vld.idx.msk [tilespmem:v6+s20+$0x0], $0xffff;
	v2 =	vadd.f32 v3, v2;
	v3 =	vmul.f32 v4, v12  }
0x1f8: {  	v26 =	vor.u32 $0xB, v1;
	v4 =	vld.idx.msk [tilespmem:v21+s20+$0x0], $0xffff  }
0x1f9: {  	v27 =	vor.u32 $0x2B, v1;
	v8 =	vld.idx.msk [tilespmem:v22+s20+$0x0], $0xffff;
	v2 =	vadd.f32 v3, v2;
	v3 =	vmul.f32 v7, v9  }
0x1fa: {  	v28 =	vor.u32 $0xC, v1;
	v7 =	vld.idx.msk [tilespmem:v23+s20+$0x0], $0xffff  }
0x1fb: {  	v29 =	vor.u32 $0x2C, v1;
	v10 =	vld.idx.msk [tilespmem:v24+s20+$0x0], $0xffff;
	v2 =	vadd.f32 v3, v2;
	v3 =	vmul.f32 v5, v11  }
0x1fc: {  	v30 =	vor.u32 $0xD, v1;
	v5 =	vld.idx.msk [tilespmem:v25+s20+$0x0], $0xffff  }
0x1fd: {  	v31 =	vor.u32 $0x2D, v1;
	v12 =	vld.idx.msk [tilespmem:v26+s20+$0x0], $0xffff;
	v2 =	vadd.f32 v3, v2;
	v3 =	vmul.f32 v4, v6  }
0x1fe: {  	v4 =	vld.idx.msk [tilespmem:v27+s20+$0x0], $0xffff;
	v6 =	vor.u32 $0xE, v1  }
0x1ff: {  	v32 =	vor.u32 $0x2E, v1;
	v9 =	vld.idx.msk [tilespmem:v28+s20+$0x0], $0xffff;
	v2 =	vadd.f32 v3, v2;
	v3 =	vmul.f32 v7, v8  }
0x200: {  	v33 =	vor.u32 $0xF, v1;
	v7 =	vld.idx.msk [tilespmem:v29+s20+$0x0], $0xffff  }
0x201: {  	v34 =	vor.u32 $0x2F, v1;
	v11 =	vld.idx.msk [tilespmem:v30+s20+$0x0], $0xffff;
	v2 =	vadd.f32 v3, v2;
	v3 =	vmul.f32 v5, v10  }
0x202: {  	v35 =	vor.u32 $0x10, v1;
	v5 =	vld.idx.msk [tilespmem:v31+s20+$0x0], $0xffff  }
0x203: {  	v36 =	vor.u32 $0x30, v1;
	v6 =	vld.idx.msk [tilespmem:v6+s20+$0x0], $0xffff;
	v2 =	vadd.f32 v3, v2;
	v3 =	vmul.f32 v4, v12  }
0x204: {  	v37 =	vor.u32 $0x11, v1;
	v4 =	vld.idx.msk [tilespmem:v32+s20+$0x0], $0xffff  }
0x205: {  	v38 =	vor.u32 $0x31, v1;
	v8 =	vld.idx.msk [tilespmem:v33+s20+$0x0], $0xffff;
	v2 =	vadd.f32 v3, v2;
	v3 =	vmul.f32 v7, v9  }
0x206: {  	v39 =	vor.u32 $0x12, v1;
	v7 =	vld.idx.msk [tilespmem:v34+s20+$0x0], $0xffff  }
0x207: {  	v40 =	vor.u32 $0x32, v1;
	v10 =	vld.idx.msk [tilespmem:v35+s20+$0x0], $0xffff;
	v2 =	vadd.f32 v3, v2;
	v3 =	vmul.f32 v5, v11  }
0x208: {  	v41 =	vor.u32 $0x13, v1;
	v5 =	vld.idx.msk [tilespmem:v36+s20+$0x0], $0xffff  }
0x209: {  	v42 =	vor.u32 $0x33, v1;
	v12 =	vld.idx.msk [tilespmem:v37+s20+$0x0], $0xffff;
	v2 =	vadd.f32 v3, v2;
	v3 =	vmul.f32 v4, v6  }
0x20a: {  	v4 =	vld.idx.msk [tilespmem:v38+s20+$0x0], $0xffff;
	v6 =	vor.u32 $0x14, v1  }
0x20b: {  	v43 =	vor.u32 $0x34, v1;
	v9 =	vld.idx.msk [tilespmem:v39+s20+$0x0], $0xffff;
	v2 =	vadd.f32 v3, v2;
	v3 =	vmul.f32 v7, v8  }
0x20c: {  	v44 =	vor.u32 $0x15, v1;
	v7 =	vld.idx.msk [tilespmem:v40+s20+$0x0], $0xffff  }
0x20d: {  	v45 =	vor.u32 $0x35, v1;
	v11 =	vld.idx.msk [tilespmem:v41+s20+$0x0], $0xffff;
	v2 =	vadd.f32 v3, v2;
	v3 =	vmul.f32 v5, v10  }
0x20e: {  	v46 =	vor.u32 $0x16, v1;
	v5 =	vld.idx.msk [tilespmem:v42+s20+$0x0], $0xffff  }
0x20f: {  	v47 =	vor.u32 $0x36, v1;
	v6 =	vld.idx.msk [tilespmem:v6+s20+$0x0], $0xffff;
	v2 =	vadd.f32 v3, v2;
	v3 =	vmul.f32 v4, v12  }
0x210: {  	v48 =	vor.u32 $0x17, v1;
	v4 =	vld.idx.msk [tilespmem:v43+s20+$0x0], $0xffff  }
0x211: {  	v49 =	vor.u32 $0x37, v1;
	v8 =	vld.idx.msk [tilespmem:v44+s20+$0x0], $0xffff;
	v2 =	vadd.f32 v3, v2;
	v3 =	vmul.f32 v7, v9  }
0x212: {  	v50 =	vor.u32 $0x18, v1;
	v7 =	vld.idx.msk [tilespmem:v45+s20+$0x0], $0xffff  }
0x213: {  	v51 =	vor.u32 $0x38, v1;
	v10 =	vld.idx.msk [tilespmem:v46+s20+$0x0], $0xffff;
	v2 =	vadd.f32 v3, v2;
	v3 =	vmul.f32 v5, v11  }
0x214: {  	v52 =	vor.u32 $0x19, v1;
	v5 =	vld.idx.msk [tilespmem:v47+s20+$0x0], $0xffff  }
0x215: {  	v53 =	vor.u32 $0x39, v1;
	v12 =	vld.idx.msk [tilespmem:v48+s20+$0x0], $0xffff;
	v2 =	vadd.f32 v3, v2;
	v3 =	vmul.f32 v4, v6  }
0x216: {  	v4 =	vld.idx.msk [tilespmem:v49+s20+$0x0], $0xffff;
	v6 =	vor.u32 $0x1A, v1  }
0x217: {  	v54 =	vor.u32 $0x3A, v1;
	v9 =	vld.idx.msk [tilespmem:v50+s20+$0x0], $0xffff;
	v2 =	vadd.f32 v3, v2;
	v3 =	vmul.f32 v7, v8  }
0x218: {  	v55 =	vor.u32 $0x1B, v1;
	v7 =	vld.idx.msk [tilespmem:v51+s20+$0x0], $0xffff  }
0x219: {  	v56 =	vor.u32 $0x3B, v1;
	v11 =	vld.idx.msk [tilespmem:v52+s20+$0x0], $0xffff;
	v2 =	vadd.f32 v3, v2;
	v3 =	vmul.f32 v5, v10  }
0x21a: {  	v57 =	vor.u32 $0x1C, v1;
	v5 =	vld.idx.msk [tilespmem:v53+s20+$0x0], $0xffff  }
0x21b: {  	v58 =	vor.u32 $0x3C, v1;
	v6 =	vld.idx.msk [tilespmem:v6+s20+$0x0], $0xffff;
	v2 =	vadd.f32 v3, v2;
	v3 =	vmul.f32 v4, v12  }
0x21c: {  	v4 =	vld.idx.msk [tilespmem:v54+s20+$0x0], $0xffff  }
0x21d: {  	v8 =	vld.idx.msk [tilespmem:v55+s20+$0x0], $0xffff;
	v2 =	vadd.f32 v3, v2;
	v3 =	vmul.f32 v7, v9  }
0x21e: {  	v59 =	vor.u32 $0x1D, v1;
	v7 =	vld.idx.msk [tilespmem:v56+s20+$0x0], $0xffff  }
0x21f: {  	v60 =	vor.u32 $0x3D, v1;
	v10 =	vld.idx.msk [tilespmem:v57+s20+$0x0], $0xffff;
	v2 =	vadd.f32 v3, v2;
	v3 =	vmul.f32 v5, v11  }
0x220: {  	v61 =	vor.u32 $0x1E, v1;
	v5 =	vld.idx.msk [tilespmem:v58+s20+$0x0], $0xffff  }
0x221: {  	v62 =	vor.u32 $0x3E, v1;
	v2 =	vadd.f32 v3, v2;
	v3 =	vmul.f32 v4, v6  }
0x222: {  	v6 =	vor.u32 $0x1F, v1  }
0x223: {  	v63 =	vld.idx.msk [tilespmem:v59+s20+$0x0], $0xffff;
	v1 =	vor.u32 $0x3F, v1;
	v2 =	vadd.f32 v3, v2;
	v3 =	vmul.f32 v7, v8  }
0x224: {  	v4 =	vld.idx.msk [tilespmem:v60+s20+$0x0], $0xffff  }
0x225: {  	v9 =	vld.idx.msk [tilespmem:v61+s20+$0x0], $0xffff;
	v2 =	vadd.f32 v3, v2;
	v3 =	vmul.f32 v5, v10  }
0x226: {  	v7 =	vld.idx.msk [tilespmem:v62+s20+$0x0], $0xffff  }
0x227: {  	v5 =	vadd.f32 v3, v2;
	v2 =	vld.idx.msk [tilespmem:v6+s20+$0x0], $0xffff  }
0x228: {  	v3 =	vld.idx.msk [tilespmem:v1+s20+$0x0], $0xffff  }
0x229: {  	s31 =	simm.s32 $0x20;
	v4 =	vmul.f32 v4, v63  }
0x22a: {  	v6 =	vmov s31  }
0x22b: {  	s5 =	rddreg [dreg:$0xa];
	s0 =	simm.s32 $0x30;
	v1 =	vshll.u32 v6, $0x7;
	v4 =	vadd.f32 v4, v5;
	v5 =	vmul.f32 v7, v9  }
.LBB2_6:
0x22c: {  	p0 =	sne.s32 s0, $0x1F0;
	v1 =	vor.u32 v0, v1  }
0x22d: {  	v2 =	vmul.f32 v3, v2;
	v6 =	vor.u32 $0x20, v1;
	v4 =	vadd.f32 v5, v4;
	_ =	sdelay $0x1  }
0x22e: {  	v3 =	vor.u32 $0x1, v1;
	v2 =	vadd.f32 v2, v4  }
0x22f: {  	s21 =	sadd.s32 $0x10, s21;
	v4 =	vor.u32 $0x21, v1  }
0x230: {  	v5 =	vor.u32 $0x2, v1;
	[tilespmem:s21+$0x0] =	vst v2  }
0x231: {  	v2 =	vld.idx.msk [tilespmem:v6+s20+$0x0], $0xffff;
	v6 =	vor.u32 $0x22, v1  }
0x232: {  	v8 =	vor.u32 $0x3, v1;
	v7 =	vld.idx.msk [tilespmem:v1+s20+$0x0], $0xffff  }
0x233: {  	v9 =	vor.u32 $0x23, v1;
	v3 =	vld.idx.msk [tilespmem:v3+s20+$0x0], $0xffff  }
0x234: {  	v10 =	vor.u32 $0x4, v1;
	v4 =	vld.idx.msk [tilespmem:v4+s20+$0x0], $0xffff  }
0x235: {  	v11 =	vor.u32 $0x24, v1;
	v5 =	vld.idx.msk [tilespmem:v5+s20+$0x0], $0xffff  }
0x236: {  	v12 =	vor.u32 $0x5, v1;
	v6 =	vld.idx.msk [tilespmem:v6+s20+$0x0], $0xffff  }
0x237: {  	v13 =	vor.u32 $0x25, v1;
	v8 =	vld.idx.msk [tilespmem:v8+s20+$0x0], $0xffff  }
0x238: {  	v2 =	vmul.f32 v2, v7;
	v7 =	vld.idx.msk [tilespmem:v9+s20+$0x0], $0xffff;
	v9 =	vor.u32 $0x6, v1  }
0x239: {  	v14 =	vor.u32 $0x26, v1;
	v10 =	vld.idx.msk [tilespmem:v10+s20+$0x0], $0xffff  }
0x23a: {  	v2 =	vadd.f32 $0.0e+00, v2;
	v3 =	vmul.f32 v4, v3;
	v4 =	vld.idx.msk [tilespmem:v11+s20+$0x0], $0xffff;
	v11 =	vor.u32 $0x7, v1  }
0x23b: {  	v15 =	vor.u32 $0x27, v1;
	v12 =	vld.idx.msk [tilespmem:v12+s20+$0x0], $0xffff  }
0x23c: {  	v2 =	vadd.f32 v3, v2;
	v3 =	vmul.f32 v6, v5;
	v6 =	vor.u32 $0x8, v1;
	v5 =	vld.idx.msk [tilespmem:v13+s20+$0x0], $0xffff  }
0x23d: {  	v13 =	vor.u32 $0x28, v1;
	v9 =	vld.idx.msk [tilespmem:v9+s20+$0x0], $0xffff  }
0x23e: {  	v2 =	vadd.f32 v3, v2;
	v3 =	vmul.f32 v7, v8;
	v8 =	vor.u32 $0x9, v1;
	v7 =	vld.idx.msk [tilespmem:v14+s20+$0x0], $0xffff  }
0x23f: {  	v14 =	vor.u32 $0x29, v1;
	v11 =	vld.idx.msk [tilespmem:v11+s20+$0x0], $0xffff  }
0x240: {  	v2 =	vadd.f32 v3, v2;
	v3 =	vmul.f32 v4, v10;
	v10 =	vor.u32 $0xA, v1;
	v4 =	vld.idx.msk [tilespmem:v15+s20+$0x0], $0xffff  }
0x241: {  	v15 =	vor.u32 $0x2A, v1;
	v6 =	vld.idx.msk [tilespmem:v6+s20+$0x0], $0xffff  }
0x242: {  	v2 =	vadd.f32 v3, v2;
	v3 =	vmul.f32 v5, v12;
	v12 =	vor.u32 $0xB, v1;
	v5 =	vld.idx.msk [tilespmem:v13+s20+$0x0], $0xffff  }
0x243: {  	v13 =	vor.u32 $0x2B, v1;
	v8 =	vld.idx.msk [tilespmem:v8+s20+$0x0], $0xffff  }
0x244: {  	v2 =	vadd.f32 v3, v2;
	v3 =	vmul.f32 v7, v9;
	v9 =	vor.u32 $0xC, v1;
	v7 =	vld.idx.msk [tilespmem:v14+s20+$0x0], $0xffff  }
0x245: {  	v14 =	vor.u32 $0x2C, v1;
	v10 =	vld.idx.msk [tilespmem:v10+s20+$0x0], $0xffff  }
0x246: {  	v2 =	vadd.f32 v3, v2;
	v3 =	vmul.f32 v4, v11;
	v11 =	vor.u32 $0xD, v1;
	v4 =	vld.idx.msk [tilespmem:v15+s20+$0x0], $0xffff  }
0x247: {  	v15 =	vor.u32 $0x2D, v1;
	v12 =	vld.idx.msk [tilespmem:v12+s20+$0x0], $0xffff  }
0x248: {  	v2 =	vadd.f32 v3, v2;
	v3 =	vmul.f32 v5, v6;
	v6 =	vor.u32 $0xE, v1;
	v5 =	vld.idx.msk [tilespmem:v13+s20+$0x0], $0xffff  }
0x249: {  	v13 =	vor.u32 $0x2E, v1;
	v9 =	vld.idx.msk [tilespmem:v9+s20+$0x0], $0xffff  }
0x24a: {  	v2 =	vadd.f32 v3, v2;
	v3 =	vmul.f32 v7, v8;
	v8 =	vor.u32 $0xF, v1;
	v7 =	vld.idx.msk [tilespmem:v14+s20+$0x0], $0xffff  }
0x24b: {  	v14 =	vor.u32 $0x2F, v1;
	v11 =	vld.idx.msk [tilespmem:v11+s20+$0x0], $0xffff  }
0x24c: {  	v2 =	vadd.f32 v3, v2;
	v3 =	vmul.f32 v4, v10;
	v10 =	vor.u32 $0x10, v1;
	v4 =	vld.idx.msk [tilespmem:v15+s20+$0x0], $0xffff  }
0x24d: {  	v15 =	vor.u32 $0x30, v1;
	v6 =	vld.idx.msk [tilespmem:v6+s20+$0x0], $0xffff  }
0x24e: {  	v2 =	vadd.f32 v3, v2;
	v3 =	vmul.f32 v5, v12;
	v12 =	vor.u32 $0x11, v1;
	v5 =	vld.idx.msk [tilespmem:v13+s20+$0x0], $0xffff  }
0x24f: {  	v13 =	vor.u32 $0x31, v1;
	v8 =	vld.idx.msk [tilespmem:v8+s20+$0x0], $0xffff  }
0x250: {  	v2 =	vadd.f32 v3, v2;
	v3 =	vmul.f32 v7, v9;
	v9 =	vor.u32 $0x12, v1;
	v7 =	vld.idx.msk [tilespmem:v14+s20+$0x0], $0xffff  }
0x251: {  	v14 =	vor.u32 $0x32, v1;
	v10 =	vld.idx.msk [tilespmem:v10+s20+$0x0], $0xffff  }
0x252: {  	v2 =	vadd.f32 v3, v2;
	v3 =	vmul.f32 v4, v11;
	v11 =	vor.u32 $0x13, v1;
	v4 =	vld.idx.msk [tilespmem:v15+s20+$0x0], $0xffff  }
0x253: {  	v15 =	vor.u32 $0x33, v1;
	v12 =	vld.idx.msk [tilespmem:v12+s20+$0x0], $0xffff  }
0x254: {  	v2 =	vadd.f32 v3, v2;
	v3 =	vmul.f32 v5, v6;
	v6 =	vor.u32 $0x14, v1;
	v5 =	vld.idx.msk [tilespmem:v13+s20+$0x0], $0xffff  }
0x255: {  	v13 =	vor.u32 $0x34, v1;
	v9 =	vld.idx.msk [tilespmem:v9+s20+$0x0], $0xffff  }
0x256: {  	v2 =	vadd.f32 v3, v2;
	v3 =	vmul.f32 v7, v8;
	v8 =	vor.u32 $0x15, v1;
	v7 =	vld.idx.msk [tilespmem:v14+s20+$0x0], $0xffff  }
0x257: {  	v14 =	vor.u32 $0x35, v1;
	v11 =	vld.idx.msk [tilespmem:v11+s20+$0x0], $0xffff  }
0x258: {  	v2 =	vadd.f32 v3, v2;
	v3 =	vmul.f32 v4, v10;
	v10 =	vor.u32 $0x16, v1;
	v4 =	vld.idx.msk [tilespmem:v15+s20+$0x0], $0xffff  }
0x259: {  	v15 =	vor.u32 $0x36, v1;
	v6 =	vld.idx.msk [tilespmem:v6+s20+$0x0], $0xffff  }
0x25a: {  	v2 =	vadd.f32 v3, v2;
	v3 =	vmul.f32 v5, v12;
	v12 =	vor.u32 $0x17, v1;
	v5 =	vld.idx.msk [tilespmem:v13+s20+$0x0], $0xffff  }
0x25b: {  	v13 =	vor.u32 $0x37, v1;
	v8 =	vld.idx.msk [tilespmem:v8+s20+$0x0], $0xffff  }
0x25c: {  	v2 =	vadd.f32 v3, v2;
	v3 =	vmul.f32 v7, v9;
	v9 =	vor.u32 $0x18, v1;
	v7 =	vld.idx.msk [tilespmem:v14+s20+$0x0], $0xffff  }
0x25d: {  	v14 =	vor.u32 $0x38, v1;
	v10 =	vld.idx.msk [tilespmem:v10+s20+$0x0], $0xffff  }
0x25e: {  	v2 =	vadd.f32 v3, v2;
	v3 =	vmul.f32 v4, v11;
	v11 =	vor.u32 $0x19, v1;
	v4 =	vld.idx.msk [tilespmem:v15+s20+$0x0], $0xffff  }
0x25f: {  	v15 =	vor.u32 $0x39, v1;
	v12 =	vld.idx.msk [tilespmem:v12+s20+$0x0], $0xffff  }
0x260: {  	v2 =	vadd.f32 v3, v2;
	v3 =	vmul.f32 v5, v6;
	v6 =	vor.u32 $0x1A, v1;
	v5 =	vld.idx.msk [tilespmem:v13+s20+$0x0], $0xffff  }
0x261: {  	v13 =	vor.u32 $0x3A, v1;
	v9 =	vld.idx.msk [tilespmem:v9+s20+$0x0], $0xffff  }
0x262: {  	v2 =	vadd.f32 v3, v2;
	v3 =	vmul.f32 v7, v8;
	v8 =	vor.u32 $0x1B, v1;
	v7 =	vld.idx.msk [tilespmem:v14+s20+$0x0], $0xffff  }
0x263: {  	v14 =	vor.u32 $0x3B, v1;
	v11 =	vld.idx.msk [tilespmem:v11+s20+$0x0], $0xffff  }
0x264: {  	v2 =	vadd.f32 v3, v2;
	v3 =	vmul.f32 v4, v10;
	v10 =	vor.u32 $0x1C, v1;
	v4 =	vld.idx.msk [tilespmem:v15+s20+$0x0], $0xffff  }
0x265: {  	v15 =	vor.u32 $0x3C, v1;
	v6 =	vld.idx.msk [tilespmem:v6+s20+$0x0], $0xffff  }
0x266: {  	v2 =	vadd.f32 v3, v2;
	v3 =	vmul.f32 v5, v12;
	v12 =	vor.u32 $0x1D, v1;
	v5 =	vld.idx.msk [tilespmem:v13+s20+$0x0], $0xffff  }
0x267: {  	v13 =	vor.u32 $0x3D, v1;
	v8 =	vld.idx.msk [tilespmem:v8+s20+$0x0], $0xffff  }
0x268: {  	v2 =	vadd.f32 v3, v2;
	v3 =	vmul.f32 v7, v9;
	v9 =	vor.u32 $0x1E, v1;
	v7 =	vld.idx.msk [tilespmem:v14+s20+$0x0], $0xffff  }
0x269: {  	v14 =	vor.u32 $0x3E, v1;
	v10 =	vld.idx.msk [tilespmem:v10+s20+$0x0], $0xffff  }
0x26a: {  	v2 =	vadd.f32 v3, v2;
	v3 =	vmul.f32 v4, v11;
	v11 =	vor.u32 $0x1F, v1;
	v4 =	vld.idx.msk [tilespmem:v15+s20+$0x0], $0xffff  }
0x26b: {  	v1 =	vor.u32 $0x3F, v1;
	v12 =	vld.idx.msk [tilespmem:v12+s20+$0x0], $0xffff  }
0x26c: {  	v2 =	vadd.f32 v3, v2;
	v3 =	vmul.f32 v5, v6;
	v5 =	vld.idx.msk [tilespmem:v13+s20+$0x0], $0xffff  }
0x26d: {  	v6 =	vld.idx.msk [tilespmem:v9+s20+$0x0], $0xffff  }
0x26e: {  	v3 =	vadd.f32 v3, v2;
	v7 =	vmul.f32 v7, v8;
	v8 =	vld.idx.msk [tilespmem:v14+s20+$0x0], $0xffff  }
0x26f: {  	v2 =	vld.idx.msk [tilespmem:v11+s20+$0x0], $0xffff  }
.Ltmp4:
0x270: {  	v7 =	vadd.f32 v7, v3;
	v4 =	vmul.f32 v4, v10;
	v3 =	vld.idx.msk [tilespmem:v1+s20+$0x0], $0xffff;
	(pc) =	sbr.rel @p0 .LBB2_6-.Ltmp4, $4  }
0x271: {  	_ = 	snop  }
0x272: {  	v4 =	vadd.f32 v4, v7;
	v5 =	vmul.f32 v5, v12  }
0x273: {  	v1 =	vmov s0  }
0x274: {  	s0 =	sadd.s32 $0x10, s0;
	v1 =	vshll.u32 v1, $0x7;
	v4 =	vadd.f32 v5, v4;
	v5 =	vmul.f32 v8, v6  }
0x275: {  	v1 =	vor.u32 v0, v1  }
0x276: {  	v2 =	vmul.f32 v3, v2;
	v6 =	vor.u32 $0x20, v1;
	v4 =	vadd.f32 v5, v4;
	_ =	sdelay $0x1  }
0x277: {  	v3 =	vor.u32 $0x1, v1;
	v2 =	vadd.f32 v2, v4  }
0x278: {  	s0 =	sadd.s32 $0x10, s21;
	v29 =	vor.u32 $0x21, v1  }
0x279: {  	v30 =	vor.u32 $0x2, v1;
	[tilespmem:s0+$0x0] =	vst v2  }
0x27a: {  	v31 =	vor.u32 $0x22, v1;
	v2 =	vld.idx.msk [tilespmem:v6+s20+$0x0], $0xffff  }
0x27b: {  	v8 =	vor.u32 $0x3, v1;
	v7 =	vld.idx.msk [tilespmem:v1+s20+$0x0], $0xffff  }
0x27c: {  	v9 =	vor.u32 $0x23, v1;
	v3 =	vld.idx.msk [tilespmem:v3+s20+$0x0], $0xffff  }
0x27d: {  	v10 =	vor.u32 $0x4, v1;
	v4 =	vld.idx.msk [tilespmem:v29+s20+$0x0], $0xffff  }
0x27e: {  	v11 =	vor.u32 $0x24, v1;
	v5 =	vld.idx.msk [tilespmem:v30+s20+$0x0], $0xffff  }
0x27f: {  	v12 =	vor.u32 $0x5, v1;
	v6 =	vld.idx.msk [tilespmem:v31+s20+$0x0], $0xffff  }
0x280: {  	v13 =	vor.u32 $0x25, v1;
	v8 =	vld.idx.msk [tilespmem:v8+s20+$0x0], $0xffff;
	v2 =	vmul.f32 v2, v7  }
0x281: {  	v33 =	vor.u32 $0x6, v1;
	v32 =	vld.idx.msk [tilespmem:v9+s20+$0x0], $0xffff  }
0x282: {  	v14 =	vor.u32 $0x26, v1;
	v10 =	vld.idx.msk [tilespmem:v10+s20+$0x0], $0xffff;
	v3 =	vmul.f32 v4, v3;
	v2 =	vadd.f32 $0.0e+00, v2  }
0x283: {  	v35 =	vor.u32 $0x7, v1;
	v34 =	vld.idx.msk [tilespmem:v11+s20+$0x0], $0xffff  }
0x284: {  	v15 =	vor.u32 $0x27, v1;
	v12 =	vld.idx.msk [tilespmem:v12+s20+$0x0], $0xffff;
	v2 =	vadd.f32 v3, v2;
	v3 =	vmul.f32 v6, v5  }
0x285: {  	v38 =	vor.u32 $0x28, v1;
	v36 =	vld.idx.msk [tilespmem:v13+s20+$0x0], $0xffff  }
0x286: {  	v37 =	vor.u32 $0x8, v1;
	v9 =	vld.idx.msk [tilespmem:v33+s20+$0x0], $0xffff;
	v2 =	vadd.f32 v3, v2;
	v3 =	vmul.f32 v32, v8  }
0x287: {  	v41 =	vor.u32 $0x29, v1;
	v39 =	vld.idx.msk [tilespmem:v14+s20+$0x0], $0xffff  }
0x288: {  	v40 =	vor.u32 $0x9, v1;
	v11 =	vld.idx.msk [tilespmem:v35+s20+$0x0], $0xffff;
	v2 =	vadd.f32 v3, v2;
	v3 =	vmul.f32 v34, v10  }
0x289: {  	v44 =	vor.u32 $0x2A, v1;
	v42 =	vld.idx.msk [tilespmem:v15+s20+$0x0], $0xffff  }
0x28a: {  	v43 =	vor.u32 $0xA, v1;
	v45 =	vld.idx.msk [tilespmem:v38+s20+$0x0], $0xffff;
	v2 =	vadd.f32 v3, v2;
	v3 =	vmul.f32 v36, v12  }
0x28b: {  	v47 =	vor.u32 $0x2B, v1;
	v6 =	vld.idx.msk [tilespmem:v37+s20+$0x0], $0xffff  }
0x28c: {  	v46 =	vor.u32 $0xB, v1;
	v48 =	vld.idx.msk [tilespmem:v41+s20+$0x0], $0xffff;
	v2 =	vadd.f32 v3, v2;
	v3 =	vmul.f32 v39, v9  }
0x28d: {  	v50 =	vor.u32 $0x2C, v1;
	v8 =	vld.idx.msk [tilespmem:v40+s20+$0x0], $0xffff  }
0x28e: {  	v49 =	vor.u32 $0xC, v1;
	v51 =	vld.idx.msk [tilespmem:v44+s20+$0x0], $0xffff;
	v2 =	vadd.f32 v3, v2;
	v3 =	vmul.f32 v42, v11  }
0x28f: {  	v53 =	vor.u32 $0x2D, v1;
	v10 =	vld.idx.msk [tilespmem:v43+s20+$0x0], $0xffff  }
0x290: {  	v52 =	vor.u32 $0xD, v1;
	v54 =	vld.idx.msk [tilespmem:v47+s20+$0x0], $0xffff;
	v2 =	vadd.f32 v3, v2;
	v3 =	vmul.f32 v45, v6  }
0x291: {  	v56 =	vor.u32 $0x2E, v1;
	v12 =	vld.idx.msk [tilespmem:v46+s20+$0x0], $0xffff  }
0x292: {  	v55 =	vor.u32 $0xE, v1;
	v57 =	vld.idx.msk [tilespmem:v50+s20+$0x0], $0xffff;
	v2 =	vadd.f32 v3, v2;
	v3 =	vmul.f32 v48, v8  }
0x293: {  	v59 =	vor.u32 $0x2F, v1;
	v9 =	vld.idx.msk [tilespmem:v49+s20+$0x0], $0xffff  }
0x294: {  	v58 =	vor.u32 $0xF, v1;
	v60 =	vld.idx.msk [tilespmem:v53+s20+$0x0], $0xffff;
	v2 =	vadd.f32 v3, v2;
	v3 =	vmul.f32 v51, v10  }
0x295: {  	v62 =	vor.u32 $0x30, v1;
	v11 =	vld.idx.msk [tilespmem:v52+s20+$0x0], $0xffff  }
0x296: {  	v61 =	vor.u32 $0x10, v1;
	v63 =	vld.idx.msk [tilespmem:v56+s20+$0x0], $0xffff;
	v2 =	vadd.f32 v3, v2;
	v3 =	vmul.f32 v54, v12  }
0x297: {  	v18 =	vor.u32 $0x31, v1;
	v6 =	vld.idx.msk [tilespmem:v55+s20+$0x0], $0xffff  }
0x298: {  	v17 =	vor.u32 $0x11, v1;
	v19 =	vld.idx.msk [tilespmem:v59+s20+$0x0], $0xffff;
	v2 =	vadd.f32 v3, v2;
	v3 =	vmul.f32 v57, v9  }
0x299: {  	v21 =	vor.u32 $0x32, v1;
	v8 =	vld.idx.msk [tilespmem:v58+s20+$0x0], $0xffff  }
0x29a: {  	v20 =	vor.u32 $0x12, v1;
	v22 =	vld.idx.msk [tilespmem:v62+s20+$0x0], $0xffff;
	v2 =	vadd.f32 v3, v2;
	v3 =	vmul.f32 v60, v11  }
0x29b: {  	v24 =	vor.u32 $0x33, v1;
	v10 =	vld.idx.msk [tilespmem:v61+s20+$0x0], $0xffff  }
0x29c: {  	v23 =	vor.u32 $0x13, v1;
	v25 =	vld.idx.msk [tilespmem:v18+s20+$0x0], $0xffff;
	v2 =	vadd.f32 v3, v2;
	v3 =	vmul.f32 v63, v6  }
0x29d: {  	v27 =	vor.u32 $0x34, v1;
	v12 =	vld.idx.msk [tilespmem:v17+s20+$0x0], $0xffff  }
0x29e: {  	v26 =	vor.u32 $0x14, v1;
	v28 =	vld.idx.msk [tilespmem:v21+s20+$0x0], $0xffff;
	v2 =	vadd.f32 v3, v2;
	v3 =	vmul.f32 v19, v8  }
0x29f: {  	v30 =	vor.u32 $0x35, v1;
	v9 =	vld.idx.msk [tilespmem:v20+s20+$0x0], $0xffff  }
0x2a0: {  	v29 =	vor.u32 $0x15, v1;
	v31 =	vld.idx.msk [tilespmem:v24+s20+$0x0], $0xffff;
	v2 =	vadd.f32 v3, v2;
	v3 =	vmul.f32 v22, v10  }
0x2a1: {  	v33 =	vor.u32 $0x36, v1;
	v11 =	vld.idx.msk [tilespmem:v23+s20+$0x0], $0xffff  }
0x2a2: {  	v32 =	vor.u32 $0x16, v1;
	v34 =	vld.idx.msk [tilespmem:v27+s20+$0x0], $0xffff;
	v2 =	vadd.f32 v3, v2;
	v3 =	vmul.f32 v25, v12  }
0x2a3: {  	v36 =	vor.u32 $0x37, v1;
	v6 =	vld.idx.msk [tilespmem:v26+s20+$0x0], $0xffff  }
0x2a4: {  	v35 =	vor.u32 $0x17, v1;
	v37 =	vld.idx.msk [tilespmem:v30+s20+$0x0], $0xffff;
	v2 =	vadd.f32 v3, v2;
	v3 =	vmul.f32 v28, v9  }
0x2a5: {  	v39 =	vor.u32 $0x38, v1;
	v8 =	vld.idx.msk [tilespmem:v29+s20+$0x0], $0xffff  }
0x2a6: {  	v38 =	vor.u32 $0x18, v1;
	v40 =	vld.idx.msk [tilespmem:v33+s20+$0x0], $0xffff;
	v2 =	vadd.f32 v3, v2;
	v3 =	vmul.f32 v31, v11  }
0x2a7: {  	v42 =	vor.u32 $0x39, v1;
	v10 =	vld.idx.msk [tilespmem:v32+s20+$0x0], $0xffff  }
0x2a8: {  	v41 =	vor.u32 $0x19, v1;
	v43 =	vld.idx.msk [tilespmem:v36+s20+$0x0], $0xffff;
	v2 =	vadd.f32 v3, v2;
	v3 =	vmul.f32 v34, v6  }
0x2a9: {  	v45 =	vor.u32 $0x3A, v1;
	v12 =	vld.idx.msk [tilespmem:v35+s20+$0x0], $0xffff  }
0x2aa: {  	v44 =	vor.u32 $0x1A, v1;
	v46 =	vld.idx.msk [tilespmem:v39+s20+$0x0], $0xffff;
	v2 =	vadd.f32 v3, v2;
	v3 =	vmul.f32 v37, v8  }
0x2ab: {  	v48 =	vor.u32 $0x3B, v1;
	v9 =	vld.idx.msk [tilespmem:v38+s20+$0x0], $0xffff  }
0x2ac: {  	v47 =	vor.u32 $0x1B, v1;
	v49 =	vld.idx.msk [tilespmem:v42+s20+$0x0], $0xffff;
	v2 =	vadd.f32 v3, v2;
	v3 =	vmul.f32 v40, v10  }
0x2ad: {  	v51 =	vor.u32 $0x3C, v1;
	v11 =	vld.idx.msk [tilespmem:v41+s20+$0x0], $0xffff  }
0x2ae: {  	v50 =	vor.u32 $0x1C, v1;
	v52 =	vld.idx.msk [tilespmem:v45+s20+$0x0], $0xffff;
	v2 =	vadd.f32 v3, v2;
	v3 =	vmul.f32 v43, v12  }
0x2af: {  	v54 =	vor.u32 $0x3D, v1;
	v6 =	vld.idx.msk [tilespmem:v44+s20+$0x0], $0xffff  }
0x2b0: {  	v53 =	vor.u32 $0x1D, v1;
	v55 =	vld.idx.msk [tilespmem:v48+s20+$0x0], $0xffff;
	v2 =	vadd.f32 v3, v2;
	v3 =	vmul.f32 v46, v9  }
0x2b1: {  	v56 =	vor.u32 $0x1E, v1;
	v8 =	vld.idx.msk [tilespmem:v47+s20+$0x0], $0xffff  }
0x2b2: {  	v57 =	vor.u32 $0x3E, v1;
	v58 =	vld.idx.msk [tilespmem:v51+s20+$0x0], $0xffff;
	v2 =	vadd.f32 v3, v2;
	v3 =	vmul.f32 v49, v11  }
0x2b3: {  	v59 =	vor.u32 $0x1F, v1;
	v10 =	vld.idx.msk [tilespmem:v50+s20+$0x0], $0xffff  }
0x2b4: {  	v1 =	vor.u32 $0x3F, v1;
	v60 =	vld.idx.msk [tilespmem:v54+s20+$0x0], $0xffff;
	v2 =	vadd.f32 v3, v2;
	v3 =	vmul.f32 v52, v6  }
0x2b5: {  	v12 =	vld.idx.msk [tilespmem:v53+s20+$0x0], $0xffff  }
0x2b6: {  	v61 =	vld.idx.msk [tilespmem:v56+s20+$0x0], $0xffff;
	v2 =	vadd.f32 v3, v2;
	v3 =	vmul.f32 v55, v8  }
0x2b7: {  	v62 =	vld.idx.msk [tilespmem:v57+s20+$0x0], $0xffff  }
0x2b8: {  	v63 =	vld.idx.msk [tilespmem:v59+s20+$0x0], $0xffff;
	v2 =	vadd.f32 v3, v2;
	v3 =	vmul.f32 v58, v10  }
0x2b9: {  	v1 =	vld.idx.msk [tilespmem:v1+s20+$0x0], $0xffff  }
0x2ba: {  	v2 =	vadd.f32 v3, v2;
	v3 =	vmul.f32 v60, v12;
	_ =	sdelay $0x1  }
0x2bb: {  	v2 =	vadd.f32 v3, v2;
	v3 =	vmul.f32 v62, v61;
	_ =	sdelay $0x1  }
0x2bc: {  	v1 =	vmul.f32 v1, v63;
	v2 =	vadd.f32 v3, v2;
	_ =	sdelay $0x1  }
0x2bd: {  	v1 =	vadd.f32 v1, v2  }
0x2be: {  	s0 =	sadd.s32 $0x10, s0  }
0x2bf: {  	s28 =	rddreg [dreg:$0x7];
	s29 =	simm.s32 $0x5;
	[tilespmem:s0+$0x0] =	vst v1  }
0x2c0: {  	[hbm4b:s28+s2] =	stream.linear.scatter [tilespmem:s20], [sflag:$0x5], $0x10000, $0x38;
	[tilespmem:$0x18600] =	vst v63  }
0x2c1: {  	_ =	swait.ge [sflag:s29], $0x10000  }
0x2c2: {  	[sflag:s29] =	ssyncset.done $0x0  }
0x2c3: {  	s1 =	simm.s32 $0x18400;
	s30 =	rddreg [dreg:$0x8];
	[sflag:s29] =	ssyncadd.s32 $0xFFFF0000  }
0x2c4: {  	[hbm4b:s30+s2] =	stream.linear.scatter [tilespmem:s1], [sflag:$0x6], $0x200, $0x38;
	[tilespmem:$0x18600] =	vst v63  }
0x2c5: {  	s1 =	simm.s32 $0x6  }
0x2c6: {  	_ =	swait.ge [sflag:s1], $0x200  }
0x2c7: {  	s5 =	sadd.s32 $0x1, s5;
	s31 =	rddreg [dreg:$0x9]  }
0x2c8: {  	p0 =	sne.s32 s5, s31  }
.Ltmp5:
0x2c9: {  	_ = 	snop;
	(pc) =	sbr.rel @p0 .LBB2_1-.Ltmp5, $3  }
0x2ca: {  	_ =	sdelay $0x1  }
0x2cb: {  	[sflag:s1] =	ssyncset.done $0x0  }
0x2cc: {  	[sflag:s1] =	ssyncadd.s32 $0xFFFFFE00  }
0x2cd: {  	_ =	sfence.sel $0x180000  }
0x2ce: {  	[bflag:$0x0] =	sbarrier.arrive $0xFFFF  }
0x2cf: {  	_ =	strace $0x90000047  }
0x2d0: {  	s0 =	stileid.u32;
	[bflag:$0x2] =	sbarrier.arrive $0xFFFF  }
0x2d1: {  	p0 =	sne.s32 s0, $0x0;
	s0 =	rddreg [dreg:$0x4]  }
0x2d2: {  	s0 =	sadd.s32 @!p0 $0x100000, s0  }
0x2d3: {  	[sflag:s0] =	ssyncadd.tile.s32 @!p0 $0x1;
	_ =	shalt  }
.Lfunc_end2:
_tile_overlayer_lowered:
.L_overlay_start_2:
0x2d4: {  	(tag) =	ssettag $0x2  }
0x2d5: {  	s0 =	rddreg [dreg:$0x0];
	s2 =	stileid.u32  }
0x2d6: {  	s1 =	rddreg [dreg:$0x1];
	p0 =	sne.s32 s2, $0x0  }
0x2d7: {  	s3 =	rddreg [dreg:$0x2];
	[bflag:$0x3] =	sbarrier.arrive $0xFFFF;
	s2 =	simm.s32 @!p0 $0x1C06  }
0x2d8: {  	[timem:s3], [sflag:s2] =	dma.local @!p0 [hbm:s0], s1  }
0x2d9: {  	s0 =	simm.s32 @!p0 $0x6  }
0x2da: {  	_ =	swait.ge @!p0 [sflag:s0], s1  }
0x2db: {  	s1 =	ssub.s32 @!p0 $0x0, s1;
	[sflag:s0] =	ssyncset.done @!p0 $0x0  }
0x2dc: {  	[sflag:s0] =	ssyncadd.s32 @!p0 s1  }
0x2dd: {  	[bflag:$0x3] =	sbarrier.arrive $0xFFFF  }
0x2de: {  	_ =	shalt  }

</sc_bundles>
